<compile_context>
chip_gen: v7x
topology: tpu7x:2x2x1
jax: 0.10.2.dev20260603
libtpu: 0.0.44.dev20260713+nightly
codegen_flags: <defaults>
</compile_context>

<pallas_src>
import functools

import jax
import jax.numpy as jnp
from jax import lax
from jax.experimental import pallas as pl
from jax.experimental.pallas import tpu as pltpu
from jax.experimental.pallas import tpu_sc as plsc

N_NODES = 10000
N_EDGES = 320000
D = 128

NC, NS = 2, 16
CHUNK = 64
CPT = 160
E_PAD = NC * NS * CPT * CHUNK
N_CHUNKS = E_PAD // CHUNK
ROWS_PER_TILE = 632
ACC_ROWS = NS * ROWS_PER_TILE
X_TAIL = N_NODES - 15 * ROWS_PER_TILE
ZROWS = 8
NBUF = 4
IDX_STAGE = 32


def _sc_body(s2, r2, x_hbm, out_hbm, acc, sidx, ridx, rows, zbuf, sem, sem_s,
             sem_i):
    c = lax.axis_index("c")
    w = lax.axis_index("s")
    gw = c * NS + w
    r0 = gw * CPT

    def stage_start(h):
        b = lax.rem(h, 2)
        pltpu.async_copy(s2.at[pl.ds(r0 + h * IDX_STAGE, IDX_STAGE)],
                         sidx.at[b], sem_i)
        pltpu.async_copy(r2.at[pl.ds(r0 + h * IDX_STAGE, IDX_STAGE)],
                         ridx.at[b], sem_i)

    def stage_wait(h):
        b = lax.rem(h, 2)
        pltpu.make_async_copy(s2.at[pl.ds(r0 + h * IDX_STAGE, IDX_STAGE)],
                              sidx.at[b], sem_i).wait()
        pltpu.make_async_copy(r2.at[pl.ds(r0 + h * IDX_STAGE, IDX_STAGE)],
                              ridx.at[b], sem_i).wait()

    def start_gather(j, s):
        pltpu.async_copy(
            x_hbm.at[sidx.at[lax.rem(j // IDX_STAGE, 2), lax.rem(j, IDX_STAGE)]],
            rows.at[s], sem)

    def wait_gather(j, s):
        pltpu.make_async_copy(
            x_hbm.at[sidx.at[lax.rem(j // IDX_STAGE, 2), lax.rem(j, IDX_STAGE)]],
            rows.at[s], sem).wait()

    def start_scatter(j, s):
        pltpu.async_copy(
            rows.at[s],
            acc.at[ridx.at[lax.rem(j // IDX_STAGE, 2), lax.rem(j, IDX_STAGE)]],
            sem_s, add=True)

    def wait_scatter(j, s):
        pltpu.make_async_copy(
            rows.at[s],
            acc.at[ridx.at[lax.rem(j // IDX_STAGE, 2), lax.rem(j, IDX_STAGE)]],
            sem_s).wait()

    stage_start(0)

    for i in range(ZROWS):
        for j in range(D // 16):
            zbuf[i, pl.ds(j * 16, 16)] = jnp.zeros((16,), jnp.float32)

    @pl.when((c == 0) & (w < NS - 1))
    def _():
        pltpu.sync_copy(x_hbm.at[pl.ds(w * ROWS_PER_TILE, ROWS_PER_TILE)],
                        acc.at[pl.ds(w * ROWS_PER_TILE, ROWS_PER_TILE)])

    @pl.when((c == 0) & (w == NS - 1))
    def _():
        pltpu.sync_copy(x_hbm.at[pl.ds(w * ROWS_PER_TILE, X_TAIL)],
                        acc.at[pl.ds(w * ROWS_PER_TILE, X_TAIL)])
        for k in range((ROWS_PER_TILE - X_TAIL) // ZROWS):
            pltpu.sync_copy(
                zbuf, acc.at[pl.ds(w * ROWS_PER_TILE + X_TAIL + k * ZROWS, ZROWS)])

    @pl.when(c != 0)
    def _():
        for k in range(ROWS_PER_TILE // ZROWS):
            pltpu.sync_copy(
                zbuf, acc.at[pl.ds(w * ROWS_PER_TILE + k * ZROWS, ZROWS)])

    stage_wait(0)
    for p in range(NBUF - 1):
        start_gather(p, p)

    plsc.subcore_barrier()

    def step(j, carry):
        s = lax.rem(j, NBUF)
        wait_gather(j, s)
        start_scatter(j, s)

        @pl.when(j >= 1)
        def _():
            wait_scatter(j - 1, lax.rem(j - 1, NBUF))

        @pl.when((lax.rem(j, IDX_STAGE) == NBUF) & (j + IDX_STAGE - NBUF < CPT))
        def _():
            stage_start(j // IDX_STAGE + 1)

        jn = j + NBUF - 1

        @pl.when(jn < CPT)
        def _():
            @pl.when(lax.rem(jn, IDX_STAGE) == 0)
            def _():
                stage_wait(jn // IDX_STAGE)

            start_gather(jn, lax.rem(jn, NBUF))
        return carry

    lax.fori_loop(0, CPT, step, 0)
    wait_scatter(CPT - 1, (CPT - 1) % NBUF)

    plsc.subcore_barrier()

    pltpu.sync_copy(acc.at[pl.ds(w * ROWS_PER_TILE, ROWS_PER_TILE)],
                    out_hbm.at[c, pl.ds(w * ROWS_PER_TILE, ROWS_PER_TILE)])


@functools.partial(
    pl.kernel,
    out_type=jax.ShapeDtypeStruct((NC, ACC_ROWS, D), jnp.float32),
    mesh=plsc.VectorSubcoreMesh(core_axis_name="c", subcore_axis_name="s"),
    scratch_types=[
        pltpu.VMEM_SHARED((ACC_ROWS, D), jnp.float32),
        pltpu.VMEM((2, IDX_STAGE, CHUNK), jnp.int32),
        pltpu.VMEM((2, IDX_STAGE, CHUNK), jnp.int32),
        pltpu.VMEM((NBUF, CHUNK, D), jnp.float32),
        pltpu.VMEM((ZROWS, D), jnp.float32),
        pltpu.SemaphoreType.DMA,
        pltpu.SemaphoreType.DMA,
        pltpu.SemaphoreType.DMA,
    ],
)
def _mpnn_sc(s2, r2, x_hbm, out_hbm, acc, sidx, ridx, rows, zbuf, sem, sem_s,
             sem_i):
    _sc_body(s2, r2, x_hbm, out_hbm, acc, sidx, ridx, rows, zbuf, sem, sem_s,
             sem_i)


def _combine_body(p_ref, o_ref):
    o_ref[...] = p_ref[0] + p_ref[1]


_combine = pl.pallas_call(
    _combine_body,
    grid=(10,),
    in_specs=[pl.BlockSpec((NC, N_NODES // 10, D), lambda i: (0, i, 0))],
    out_specs=pl.BlockSpec((N_NODES // 10, D), lambda i: (i, 0)),
    out_shape=jax.ShapeDtypeStruct((N_NODES, D), jnp.float32),
)


def kernel(V, E, X):
    pad = E_PAD - N_EDGES
    pad_send = jnp.arange(pad, dtype=jnp.int32) % N_NODES
    pad_recv = N_NODES + jnp.arange(pad, dtype=jnp.int32) % (ACC_ROWS - N_NODES)
    senders = jnp.concatenate([E[0], pad_send]).reshape(N_CHUNKS, CHUNK)
    receivers = jnp.concatenate([E[1], pad_recv]).reshape(N_CHUNKS, CHUNK)
    partials = _mpnn_sc(senders, receivers, X)
    return _combine(partials)

# --- scband reference (transcript-rebuilt; emitter-appended) ---
"""Pipeline reference for scband-base-mpnnlayer-2-68229850464516 (READ-ONLY COPY).

The authoritative reference and input builder live on the scoring server;
editing this copy changes nothing except your own understanding.
"""

import jax, jax.numpy as jnp
import numpy as np

N_NODES = 10000
N_EDGES = 320000
D_FEAT = 128


def setup_inputs(seed: int = 0) -> dict:
    key = jax.random.key(seed)
    k1, k2 = jax.random.split(key)
    V = jnp.arange(N_NODES, dtype=jnp.int64) if jax.config.jax_enable_x64 else jnp.arange(N_NODES, dtype=jnp.int32)
    E = jax.random.randint(k1, (2, N_EDGES), 0, N_NODES, dtype=jnp.int32)
    X = jax.random.normal(k2, (N_NODES, D_FEAT), dtype=jnp.float32)
    return {"V": V, "E": E, "X": X}


def reference(V, E, X):
    # Faithful concrete instantiation of BaseMPNNLayer_2.transform_forwards with the
    # canonical (non-factored) kernel: pullback gathers sender features along each edge,
    # kernel_transformation is identity on pulled-back features, pushforward groups edge
    # messages into receiver bags (bag_indices = t(E)), aggregator is a sum over each bag,
    # and update adds the aggregated messages to the original node features (residual).
    senders = E[0]      # s: E -> V
    receivers = E[1]    # t: E -> V
    # pullback: f(s(E)) -> pulled-back features per edge (gather)
    pulledback_features = jnp.take(X, senders, axis=0)
    # kernel_transformation: identity kernel -> edge messages
    edge_messages = pulledback_features
    # pushforward + aggregator: sum edge messages into each receiver's bag (scatter-add)
    aggregated = jax.ops.segment_sum(edge_messages, receivers, num_segments=V.shape[0])
    # update: residual update of node features
    return X + aggregated

if __name__ == "__main__":
    import jax
    _d = setup_inputs()
    print(jax.jit(kernel)(*tuple(_d.values())))

</pallas_src>

<mosaic_0001>
#map = affine_map<(d0, d1) -> (0, 0)>
#map1 = affine_map<(d0, d1) -> (0, 0, 0)>
module attributes {stable_mosaic.version = 14 : i64} {
  func.func @_mpnn_sc(%arg0: i32, %arg1: i32, %arg2: memref<5120x64xi32, #tpu.memory_space<hbm>>, %arg3: memref<5120x64xi32, #tpu.memory_space<hbm>>, %arg4: memref<10000x128xf32, #tpu.memory_space<hbm>>, %arg5: memref<2x10112x128xf32, #tpu.memory_space<hbm>>, %arg6: memref<10112x128xf32, #tpu.memory_space<vmem_shared>>, %arg7: memref<2x32x64xi32, #tpu.memory_space<vmem>>, %arg8: memref<2x32x64xi32, #tpu.memory_space<vmem>>, %arg9: memref<4x64x128xf32, #tpu.memory_space<vmem>>, %arg10: memref<8x128xf32, #tpu.memory_space<vmem>>, %arg11: memref<!tpu.dma_semaphore, #tpu.memory_space<semaphore_mem>>, %arg12: memref<!tpu.dma_semaphore, #tpu.memory_space<semaphore_mem>>, %arg13: memref<!tpu.dma_semaphore, #tpu.memory_space<semaphore_mem>>) attributes {dimension_semantics = [#tpu.dimension_semantics<core_parallel>, #tpu.dimension_semantics<subcore_parallel>], iteration_bounds = array<i64: 2, 16>, scalar_prefetch = 0 : i64, scratch_operands = 8 : i64, tpu.core_type = #tpu.core_type<sc_vector_subcore>, window_params = [{transform_indices = #map}, {transform_indices = #map}, {transform_indices = #map}, {transform_indices = #map1}]} {
    %mul3A = arith.constant 16 : i32
    %mul3A_0 = arith.muli %arg0, %mul3A : i32
    %add3A = arith.addi %mul3A_0, %arg1 : i32
    %mul3A_1 = arith.constant 160 : i32
    %mul3A_2 = arith.muli %add3A, %mul3A_1 : i32
    %rem3A = arith.constant 0 : i32
    %rem3A_3 = arith.constant 2 : i32
    %rem3A_4 = arith.remsi %rem3A, %rem3A_3 : i32
    %add3A_5 = arith.constant 0 : i32
    %add3A_6 = arith.addi %mul3A_2, %add3A_5 : i32
    %dma_start3A = arith.constant 0 : i32
    %dma_start3A_7 = arith.constant 0 : i32
    %dma_start3A_8 = tpu.memref_slice %arg7[%rem3A_4, %dma_start3A, %dma_start3A_7] : memref<2x32x64xi32, #tpu.memory_space<vmem>> -> memref<1x32x64xi32, #tpu.memory_space<vmem>>
    %dma_start3A_9 = tpu.memref_squeeze %dma_start3A_8 : memref<1x32x64xi32, #tpu.memory_space<vmem>> -> memref<32x64xi32, #tpu.memory_space<vmem>>
    %dma_start3A_10 = arith.constant 0 : i32
    %dma_start3A_11 = tpu.memref_slice %arg2[%add3A_6, %dma_start3A_10] : memref<5120x64xi32, #tpu.memory_space<hbm>> -> memref<32x64xi32, #tpu.memory_space<hbm>>
    %dma_start3A_12 = arith.constant 0 : i32
    %dma_start3A_13 = arith.constant 0 : i32
    %dma_start3A_14 = tpu.memref_slice %arg7[%rem3A_4, %dma_start3A_12, %dma_start3A_13] : memref<2x32x64xi32, #tpu.memory_space<vmem>> -> memref<1x32x64xi32, #tpu.memory_space<vmem>>
    %dma_start3A_15 = tpu.memref_squeeze %dma_start3A_14 : memref<1x32x64xi32, #tpu.memory_space<vmem>> -> memref<32x64xi32, #tpu.memory_space<vmem>>
    %dma_start3A_16 = arith.constant 0 : i32
    %dma_start3A_17 = tpu.memref_slice %arg2[%add3A_6, %dma_start3A_16] : memref<5120x64xi32, #tpu.memory_space<hbm>> -> memref<32x64xi32, #tpu.memory_space<hbm>>
    tpu.enqueue_dma source(%dma_start3A_17 : memref<32x64xi32, #tpu.memory_space<hbm>>) target(%dma_start3A_15 : memref<32x64xi32, #tpu.memory_space<vmem>>) target_semaphore(%arg13 : memref<!tpu.dma_semaphore, #tpu.memory_space<semaphore_mem>>)
    %add3A_18 = arith.constant 0 : i32
    %add3A_19 = arith.addi %mul3A_2, %add3A_18 : i32
    %dma_start3A_20 = arith.constant 0 : i32
    %dma_start3A_21 = arith.constant 0 : i32
    %dma_start3A_22 = tpu.memref_slice %arg8[%rem3A_4, %dma_start3A_20, %dma_start3A_21] : memref<2x32x64xi32, #tpu.memory_space<vmem>> -> memref<1x32x64xi32, #tpu.memory_space<vmem>>
    %dma_start3A_23 = tpu.memref_squeeze %dma_start3A_22 : memref<1x32x64xi32, #tpu.memory_space<vmem>> -> memref<32x64xi32, #tpu.memory_space<vmem>>
    %dma_start3A_24 = arith.constant 0 : i32
    %dma_start3A_25 = tpu.memref_slice %arg3[%add3A_19, %dma_start3A_24] : memref<5120x64xi32, #tpu.memory_space<hbm>> -> memref<32x64xi32, #tpu.memory_space<hbm>>
    %dma_start3A_26 = arith.constant 0 : i32
    %dma_start3A_27 = arith.constant 0 : i32
    %dma_start3A_28 = tpu.memref_slice %arg8[%rem3A_4, %dma_start3A_26, %dma_start3A_27] : memref<2x32x64xi32, #tpu.memory_space<vmem>> -> memref<1x32x64xi32, #tpu.memory_space<vmem>>
    %dma_start3A_29 = tpu.memref_squeeze %dma_start3A_28 : memref<1x32x64xi32, #tpu.memory_space<vmem>> -> memref<32x64xi32, #tpu.memory_space<vmem>>
    %dma_start3A_30 = arith.constant 0 : i32
    %dma_start3A_31 = tpu.memref_slice %arg3[%add3A_19, %dma_start3A_30] : memref<5120x64xi32, #tpu.memory_space<hbm>> -> memref<32x64xi32, #tpu.memory_space<hbm>>
    tpu.enqueue_dma source(%dma_start3A_31 : memref<32x64xi32, #tpu.memory_space<hbm>>) target(%dma_start3A_29 : memref<32x64xi32, #tpu.memory_space<vmem>>) target_semaphore(%arg13 : memref<!tpu.dma_semaphore, #tpu.memory_space<semaphore_mem>>)
    %broadcast_in_dim3A = arith.constant 0.000000e+00 : f32
    %broadcast_in_dim3A_32 = vector.broadcast %broadcast_in_dim3A : f32 to vector<16xf32>
    %swap3A = arith.constant 0 : i32
    %swap3A_33 = arith.index_cast %swap3A : i32 to index
    %swap3A_34 = arith.constant 0 : index
    %swap3A_35 = tpu.vector_load %arg10[%swap3A_33, %swap3A_34] {strides = array<i32>} : memref<8x128xf32, #tpu.memory_space<vmem>>, vector<1x16xf32>,
    %swap3A_36 = vector.shape_cast %swap3A_35 : vector<1x16xf32> to vector<16xf32>
    %swap3A_37 = vector.shape_cast %broadcast_in_dim3A_32 : vector<16xf32> to vector<1x16xf32>
    tpu.vector_store %arg10[%swap3A_33, %swap3A_34], %swap3A_37 {strides = array<i32>} : memref<8x128xf32, #tpu.memory_space<vmem>>, vector<1x16xf32>,
    %broadcast_in_dim3A_38 = arith.constant 0.000000e+00 : f32
    %broadcast_in_dim3A_39 = vector.broadcast %broadcast_in_dim3A_38 : f32 to vector<16xf32>
    %swap3A_40 = arith.constant 0 : i32
    %swap3A_41 = arith.index_cast %swap3A_40 : i32 to index
    %swap3A_42 = arith.constant 16 : index
    %swap3A_43 = tpu.vector_load %arg10[%swap3A_41, %swap3A_42] {strides = array<i32>} : memref<8x128xf32, #tpu.memory_space<vmem>>, vector<1x16xf32>,
    %swap3A_44 = vector.shape_cast %swap3A_43 : vector<1x16xf32> to vector<16xf32>
    %swap3A_45 = vector.shape_cast %broadcast_in_dim3A_39 : vector<16xf32> to vector<1x16xf32>
    tpu.vector_store %arg10[%swap3A_41, %swap3A_42], %swap3A_45 {strides = array<i32>} : memref<8x128xf32, #tpu.memory_space<vmem>>, vector<1x16xf32>,
    %broadcast_in_dim3A_46 = arith.constant 0.000000e+00 : f32
    %broadcast_in_dim3A_47 = vector.broadcast %broadcast_in_dim3A_46 : f32 to vector<16xf32>
    %swap3A_48 = arith.constant 0 : i32
    %swap3A_49 = arith.index_cast %swap3A_48 : i32 to index
    %swap3A_50 = arith.constant 32 : index
    %swap3A_51 = tpu.vector_load %arg10[%swap3A_49, %swap3A_50] {strides = array<i32>} : memref<8x128xf32, #tpu.memory_space<vmem>>, vector<1x16xf32>,
    %swap3A_52 = vector.shape_cast %swap3A_51 : vector<1x16xf32> to vector<16xf32>
    %swap3A_53 = vector.shape_cast %broadcast_in_dim3A_47 : vector<16xf32> to vector<1x16xf32>
    tpu.vector_store %arg10[%swap3A_49, %swap3A_50], %swap3A_53 {strides = array<i32>} : memref<8x128xf32, #tpu.memory_space<vmem>>, vector<1x16xf32>,
    %broadcast_in_dim3A_54 = arith.constant 0.000000e+00 : f32
    %broadcast_in_dim3A_55 = vector.broadcast %broadcast_in_dim3A_54 : f32 to vector<16xf32>
    %swap3A_56 = arith.constant 0 : i32
    %swap3A_57 = arith.index_cast %swap3A_56 : i32 to index
    %swap3A_58 = arith.constant 48 : index
    %swap3A_59 = tpu.vector_load %arg10[%swap3A_57, %swap3A_58] {strides = array<i32>} : memref<8x128xf32, #tpu.memory_space<vmem>>, vector<1x16xf32>,
    %swap3A_60 = vector.shape_cast %swap3A_59 : vector<1x16xf32> to vector<16xf32>
    %swap3A_61 = vector.shape_cast %broadcast_in_dim3A_55 : vector<16xf32> to vector<1x16xf32>
    tpu.vector_store %arg10[%swap3A_57, %swap3A_58], %swap3A_61 {strides = array<i32>} : memref<8x128xf32, #tpu.memory_space<vmem>>, vector<1x16xf32>,
    %broadcast_in_dim3A_62 = arith.constant 0.000000e+00 : f32
    %broadcast_in_dim3A_63 = vector.broadcast %broadcast_in_dim3A_62 : f32 to vector<16xf32>
    %swap3A_64 = arith.constant 0 : i32
    %swap3A_65 = arith.index_cast %swap3A_64 : i32 to index
    %swap3A_66 = arith.constant 64 : index
    %swap3A_67 = tpu.vector_load %arg10[%swap3A_65, %swap3A_66] {strides = array<i32>} : memref<8x128xf32, #tpu.memory_space<vmem>>, vector<1x16xf32>,
    %swap3A_68 = vector.shape_cast %swap3A_67 : vector<1x16xf32> to vector<16xf32>
    %swap3A_69 = vector.shape_cast %broadcast_in_dim3A_63 : vector<16xf32> to vector<1x16xf32>
    tpu.vector_store %arg10[%swap3A_65, %swap3A_66], %swap3A_69 {strides = array<i32>} : memref<8x128xf32, #tpu.memory_space<vmem>>, vector<1x16xf32>,
    %broadcast_in_dim3A_70 = arith.constant 0.000000e+00 : f32
    %broadcast_in_dim3A_71 = vector.broadcast %broadcast_in_dim3A_70 : f32 to vector<16xf32>
    %swap3A_72 = arith.constant 0 : i32
    %swap3A_73 = arith.index_cast %swap3A_72 : i32 to index
    %swap3A_74 = arith.constant 80 : index
    %swap3A_75 = tpu.vector_load %arg10[%swap3A_73, %swap3A_74] {strides = array<i32>} : memref<8x128xf32, #tpu.memory_space<vmem>>, vector<1x16xf32>,
    %swap3A_76 = vector.shape_cast %swap3A_75 : vector<1x16xf32> to vector<16xf32>
    %swap3A_77 = vector.shape_cast %broadcast_in_dim3A_71 : vector<16xf32> to vector<1x16xf32>
    tpu.vector_store %arg10[%swap3A_73, %swap3A_74], %swap3A_77 {strides = array<i32>} : memref<8x128xf32, #tpu.memory_space<vmem>>, vector<1x16xf32>,
    %broadcast_in_dim3A_78 = arith.constant 0.000000e+00 : f32
    %broadcast_in_dim3A_79 = vector.broadcast %broadcast_in_dim3A_78 : f32 to vector<16xf32>
    %swap3A_80 = arith.constant 0 : i32
    %swap3A_81 = arith.index_cast %swap3A_80 : i32 to index
    %swap3A_82 = arith.constant 96 : index
    %swap3A_83 = tpu.vector_load %arg10[%swap3A_81, %swap3A_82] {strides = array<i32>} : memref<8x128xf32, #tpu.memory_space<vmem>>, vector<1x16xf32>,
    %swap3A_84 = vector.shape_cast %swap3A_83 : vector<1x16xf32> to vector<16xf32>
    %swap3A_85 = vector.shape_cast %broadcast_in_dim3A_79 : vector<16xf32> to vector<1x16xf32>
    tpu.vector_store %arg10[%swap3A_81, %swap3A_82], %swap3A_85 {strides = array<i32>} : memref<8x128xf32, #tpu.memory_space<vmem>>, vector<1x16xf32>,
    %broadcast_in_dim3A_86 = arith.constant 0.000000e+00 : f32
    %broadcast_in_dim3A_87 = vector.broadcast %broadcast_in_dim3A_86 : f32 to vector<16xf32>
    %swap3A_88 = arith.constant 0 : i32
    %swap3A_89 = arith.index_cast %swap3A_88 : i32 to index
    %swap3A_90 = arith.constant 112 : index
    %swap3A_91 = tpu.vector_load %arg10[%swap3A_89, %swap3A_90] {strides = array<i32>} : memref<8x128xf32, #tpu.memory_space<vmem>>, vector<1x16xf32>,
    %swap3A_92 = vector.shape_cast %swap3A_91 : vector<1x16xf32> to vector<16xf32>
    %swap3A_93 = vector.shape_cast %broadcast_in_dim3A_87 : vector<16xf32> to vector<1x16xf32>
    tpu.vector_store %arg10[%swap3A_89, %swap3A_90], %swap3A_93 {strides = array<i32>} : memref<8x128xf32, #tpu.memory_space<vmem>>, vector<1x16xf32>,
    %broadcast_in_dim3A_94 = arith.constant 0.000000e+00 : f32
    %broadcast_in_dim3A_95 = vector.broadcast %broadcast_in_dim3A_94 : f32 to vector<16xf32>
    %swap3A_96 = arith.constant 1 : i32
    %swap3A_97 = arith.index_cast %swap3A_96 : i32 to index
    %swap3A_98 = arith.constant 0 : index
    %swap3A_99 = tpu.vector_load %arg10[%swap3A_97, %swap3A_98] {strides = array<i32>} : memref<8x128xf32, #tpu.memory_space<vmem>>, vector<1x16xf32>,
    %swap3A_100 = vector.shape_cast %swap3A_99 : vector<1x16xf32> to vector<16xf32>
    %swap3A_101 = vector.shape_cast %broadcast_in_dim3A_95 : vector<16xf32> to vector<1x16xf32>
    tpu.vector_store %arg10[%swap3A_97, %swap3A_98], %swap3A_101 {strides = array<i32>} : memref<8x128xf32, #tpu.memory_space<vmem>>, vector<1x16xf32>,
    %broadcast_in_dim3A_102 = arith.constant 0.000000e+00 : f32
    %broadcast_in_dim3A_103 = vector.broadcast %broadcast_in_dim3A_102 : f32 to vector<16xf32>
    %swap3A_104 = arith.constant 1 : i32
    %swap3A_105 = arith.index_cast %swap3A_104 : i32 to index
    %swap3A_106 = arith.constant 16 : index
    %swap3A_107 = tpu.vector_load %arg10[%swap3A_105, %swap3A_106] {strides = array<i32>} : memref<8x128xf32, #tpu.memory_space<vmem>>, vector<1x16xf32>,
    %swap3A_108 = vector.shape_cast %swap3A_107 : vector<1x16xf32> to vector<16xf32>
    %swap3A_109 = vector.shape_cast %broadcast_in_dim3A_103 : vector<16xf32> to vector<1x16xf32>
    tpu.vector_store %arg10[%swap3A_105, %swap3A_106], %swap3A_109 {strides = array<i32>} : memref<8x128xf32, #tpu.memory_space<vmem>>, vector<1x16xf32>,
    %broadcast_in_dim3A_110 = arith.constant 0.000000e+00 : f32
    %broadcast_in_dim3A_111 = vector.broadcast %broadcast_in_dim3A_110 : f32 to vector<16xf32>
    %swap3A_112 = arith.constant 1 : i32
    %swap3A_113 = arith.index_cast %swap3A_112 : i32 to index
    %swap3A_114 = arith.constant 32 : index
    %swap3A_115 = tpu.vector_load %arg10[%swap3A_113, %swap3A_114] {strides = array<i32>} : memref<8x128xf32, #tpu.memory_space<vmem>>, vector<1x16xf32>,
    %swap3A_116 = vector.shape_cast %swap3A_115 : vector<1x16xf32> to vector<16xf32>
    %swap3A_117 = vector.shape_cast %broadcast_in_dim3A_111 : vector<16xf32> to vector<1x16xf32>
    tpu.vector_store %arg10[%swap3A_113, %swap3A_114], %swap3A_117 {strides = array<i32>} : memref<8x128xf32, #tpu.memory_space<vmem>>, vector<1x16xf32>,
    %broadcast_in_dim3A_118 = arith.constant 0.000000e+00 : f32
    %broadcast_in_dim3A_119 = vector.broadcast %broadcast_in_dim3A_118 : f32 to vector<16xf32>
    %swap3A_120 = arith.constant 1 : i32
    %swap3A_121 = arith.index_cast %swap3A_120 : i32 to index
    %swap3A_122 = arith.constant 48 : index
    %swap3A_123 = tpu.vector_load %arg10[%swap3A_121, %swap3A_122] {strides = array<i32>} : memref<8x128xf32, #tpu.memory_space<vmem>>, vector<1x16xf32>,
    %swap3A_124 = vector.shape_cast %swap3A_123 : vector<1x16xf32> to vector<16xf32>
    %swap3A_125 = vector.shape_cast %broadcast_in_dim3A_119 : vector<16xf32> to vector<1x16xf32>
    tpu.vector_store %arg10[%swap3A_121, %swap3A_122], %swap3A_125 {strides = array<i32>} : memref<8x128xf32, #tpu.memory_space<vmem>>, vector<1x16xf32>,
    %broadcast_in_dim3A_126 = arith.constant 0.000000e+00 : f32
    %broadcast_in_dim3A_127 = vector.broadcast %broadcast_in_dim3A_126 : f32 to vector<16xf32>
    %swap3A_128 = arith.constant 1 : i32
    %swap3A_129 = arith.index_cast %swap3A_128 : i32 to index
    %swap3A_130 = arith.constant 64 : index
    %swap3A_131 = tpu.vector_load %arg10[%swap3A_129, %swap3A_130] {strides = array<i32>} : memref<8x128xf32, #tpu.memory_space<vmem>>, vector<1x16xf32>,
    %swap3A_132 = vector.shape_cast %swap3A_131 : vector<1x16xf32> to vector<16xf32>
    %swap3A_133 = vector.shape_cast %broadcast_in_dim3A_127 : vector<16xf32> to vector<1x16xf32>
    tpu.vector_store %arg10[%swap3A_129, %swap3A_130], %swap3A_133 {strides = array<i32>} : memref<8x128xf32, #tpu.memory_space<vmem>>, vector<1x16xf32>,
    %broadcast_in_dim3A_134 = arith.constant 0.000000e+00 : f32
    %broadcast_in_dim3A_135 = vector.broadcast %broadcast_in_dim3A_134 : f32 to vector<16xf32>
    %swap3A_136 = arith.constant 1 : i32
    %swap3A_137 = arith.index_cast %swap3A_136 : i32 to index
    %swap3A_138 = arith.constant 80 : index
    %swap3A_139 = tpu.vector_load %arg10[%swap3A_137, %swap3A_138] {strides = array<i32>} : memref<8x128xf32, #tpu.memory_space<vmem>>, vector<1x16xf32>,
    %swap3A_140 = vector.shape_cast %swap3A_139 : vector<1x16xf32> to vector<16xf32>
    %swap3A_141 = vector.shape_cast %broadcast_in_dim3A_135 : vector<16xf32> to vector<1x16xf32>
    tpu.vector_store %arg10[%swap3A_137, %swap3A_138], %swap3A_141 {strides = array<i32>} : memref<8x128xf32, #tpu.memory_space<vmem>>, vector<1x16xf32>,
    %broadcast_in_dim3A_142 = arith.constant 0.000000e+00 : f32
    %broadcast_in_dim3A_143 = vector.broadcast %broadcast_in_dim3A_142 : f32 to vector<16xf32>
    %swap3A_144 = arith.constant 1 : i32
    %swap3A_145 = arith.index_cast %swap3A_144 : i32 to index
    %swap3A_146 = arith.constant 96 : index
    %swap3A_147 = tpu.vector_load %arg10[%swap3A_145, %swap3A_146] {strides = array<i32>} : memref<8x128xf32, #tpu.memory_space<vmem>>, vector<1x16xf32>,
    %swap3A_148 = vector.shape_cast %swap3A_147 : vector<1x16xf32> to vector<16xf32>
    %swap3A_149 = vector.shape_cast %broadcast_in_dim3A_143 : vector<16xf32> to vector<1x16xf32>
    tpu.vector_store %arg10[%swap3A_145, %swap3A_146], %swap3A_149 {strides = array<i32>} : memref<8x128xf32, #tpu.memory_space<vmem>>, vector<1x16xf32>,
    %broadcast_in_dim3A_150 = arith.constant 0.000000e+00 : f32
    %broadcast_in_dim3A_151 = vector.broadcast %broadcast_in_dim3A_150 : f32 to vector<16xf32>
    %swap3A_152 = arith.constant 1 : i32
    %swap3A_153 = arith.index_cast %swap3A_152 : i32 to index
    %swap3A_154 = arith.constant 112 : index
    %swap3A_155 = tpu.vector_load %arg10[%swap3A_153, %swap3A_154] {strides = array<i32>} : memref<8x128xf32, #tpu.memory_space<vmem>>, vector<1x16xf32>,
    %swap3A_156 = vector.shape_cast %swap3A_155 : vector<1x16xf32> to vector<16xf32>
    %swap3A_157 = vector.shape_cast %broadcast_in_dim3A_151 : vector<16xf32> to vector<1x16xf32>
    tpu.vector_store %arg10[%swap3A_153, %swap3A_154], %swap3A_157 {strides = array<i32>} : memref<8x128xf32, #tpu.memory_space<vmem>>, vector<1x16xf32>,
    %broadcast_in_dim3A_158 = arith.constant 0.000000e+00 : f32
    %broadcast_in_dim3A_159 = vector.broadcast %broadcast_in_dim3A_158 : f32 to vector<16xf32>
    %swap3A_160 = arith.constant 2 : i32
    %swap3A_161 = arith.index_cast %swap3A_160 : i32 to index
    %swap3A_162 = arith.constant 0 : index
    %swap3A_163 = tpu.vector_load %arg10[%swap3A_161, %swap3A_162] {strides = array<i32>} : memref<8x128xf32, #tpu.memory_space<vmem>>, vector<1x16xf32>,
    %swap3A_164 = vector.shape_cast %swap3A_163 : vector<1x16xf32> to vector<16xf32>
    %swap3A_165 = vector.shape_cast %broadcast_in_dim3A_159 : vector<16xf32> to vector<1x16xf32>
    tpu.vector_store %arg10[%swap3A_161, %swap3A_162], %swap3A_165 {strides = array<i32>} : memref<8x128xf32, #tpu.memory_space<vmem>>, vector<1x16xf32>,
    %broadcast_in_dim3A_166 = arith.constant 0.000000e+00 : f32
    %broadcast_in_dim3A_167 = vector.broadcast %broadcast_in_dim3A_166 : f32 to vector<16xf32>
    %swap3A_168 = arith.constant 2 : i32
    %swap3A_169 = arith.index_cast %swap3A_168 : i32 to index
    %swap3A_170 = arith.constant 16 : index
    %swap3A_171 = tpu.vector_load %arg10[%swap3A_169, %swap3A_170] {strides = array<i32>} : memref<8x128xf32, #tpu.memory_space<vmem>>, vector<1x16xf32>,
    %swap3A_172 = vector.shape_cast %swap3A_171 : vector<1x16xf32> to vector<16xf32>
    %swap3A_173 = vector.shape_cast %broadcast_in_dim3A_167 : vector<16xf32> to vector<1x16xf32>
    tpu.vector_store %arg10[%swap3A_169, %swap3A_170], %swap3A_173 {strides = array<i32>} : memref<8x128xf32, #tpu.memory_space<vmem>>, vector<1x16xf32>,
    %broadcast_in_dim3A_174 = arith.constant 0.000000e+00 : f32
    %broadcast_in_dim3A_175 = vector.broadcast %broadcast_in_dim3A_174 : f32 to vector<16xf32>
    %swap3A_176 = arith.constant 2 : i32
    %swap3A_177 = arith.index_cast %swap3A_176 : i32 to index
    %swap3A_178 = arith.constant 32 : index
    %swap3A_179 = tpu.vector_load %arg10[%swap3A_177, %swap3A_178] {strides = array<i32>} : memref<8x128xf32, #tpu.memory_space<vmem>>, vector<1x16xf32>,
    %swap3A_180 = vector.shape_cast %swap3A_179 : vector<1x16xf32> to vector<16xf32>
    %swap3A_181 = vector.shape_cast %broadcast_in_dim3A_175 : vector<16xf32> to vector<1x16xf32>
    tpu.vector_store %arg10[%swap3A_177, %swap3A_178], %swap3A_181 {strides = array<i32>} : memref<8x128xf32, #tpu.memory_space<vmem>>, vector<1x16xf32>,
    %broadcast_in_dim3A_182 = arith.constant 0.000000e+00 : f32
    %broadcast_in_dim3A_183 = vector.broadcast %broadcast_in_dim3A_182 : f32 to vector<16xf32>
    %swap3A_184 = arith.constant 2 : i32
    %swap3A_185 = arith.index_cast %swap3A_184 : i32 to index
    %swap3A_186 = arith.constant 48 : index
    %swap3A_187 = tpu.vector_load %arg10[%swap3A_185, %swap3A_186] {strides = array<i32>} : memref<8x128xf32, #tpu.memory_space<vmem>>, vector<1x16xf32>,
    %swap3A_188 = vector.shape_cast %swap3A_187 : vector<1x16xf32> to vector<16xf32>
    %swap3A_189 = vector.shape_cast %broadcast_in_dim3A_183 : vector<16xf32> to vector<1x16xf32>
    tpu.vector_store %arg10[%swap3A_185, %swap3A_186], %swap3A_189 {strides = array<i32>} : memref<8x128xf32, #tpu.memory_space<vmem>>, vector<1x16xf32>,
    %broadcast_in_dim3A_190 = arith.constant 0.000000e+00 : f32
    %broadcast_in_dim3A_191 = vector.broadcast %broadcast_in_dim3A_190 : f32 to vector<16xf32>
    %swap3A_192 = arith.constant 2 : i32
    %swap3A_193 = arith.index_cast %swap3A_192 : i32 to index
    %swap3A_194 = arith.constant 64 : index
    %swap3A_195 = tpu.vector_load %arg10[%swap3A_193, %swap3A_194] {strides = array<i32>} : memref<8x128xf32, #tpu.memory_space<vmem>>, vector<1x16xf32>,
    %swap3A_196 = vector.shape_cast %swap3A_195 : vector<1x16xf32> to vector<16xf32>
    %swap3A_197 = vector.shape_cast %broadcast_in_dim3A_191 : vector<16xf32> to vector<1x16xf32>
    tpu.vector_store %arg10[%swap3A_193, %swap3A_194], %swap3A_197 {strides = array<i32>} : memref<8x128xf32, #tpu.memory_space<vmem>>, vector<1x16xf32>,
    %broadcast_in_dim3A_198 = arith.constant 0.000000e+00 : f32
    %broadcast_in_dim3A_199 = vector.broadcast %broadcast_in_dim3A_198 : f32 to vector<16xf32>
    %swap3A_200 = arith.constant 2 : i32
    %swap3A_201 = arith.index_cast %swap3A_200 : i32 to index
    %swap3A_202 = arith.constant 80 : index
    %swap3A_203 = tpu.vector_load %arg10[%swap3A_201, %swap3A_202] {strides = array<i32>} : memref<8x128xf32, #tpu.memory_space<vmem>>, vector<1x16xf32>,
    %swap3A_204 = vector.shape_cast %swap3A_203 : vector<1x16xf32> to vector<16xf32>
    %swap3A_205 = vector.shape_cast %broadcast_in_dim3A_199 : vector<16xf32> to vector<1x16xf32>
    tpu.vector_store %arg10[%swap3A_201, %swap3A_202], %swap3A_205 {strides = array<i32>} : memref<8x128xf32, #tpu.memory_space<vmem>>, vector<1x16xf32>,
    %broadcast_in_dim3A_206 = arith.constant 0.000000e+00 : f32
    %broadcast_in_dim3A_207 = vector.broadcast %broadcast_in_dim3A_206 : f32 to vector<16xf32>
    %swap3A_208 = arith.constant 2 : i32
    %swap3A_209 = arith.index_cast %swap3A_208 : i32 to index
    %swap3A_210 = arith.constant 96 : index
    %swap3A_211 = tpu.vector_load %arg10[%swap3A_209, %swap3A_210] {strides = array<i32>} : memref<8x128xf32, #tpu.memory_space<vmem>>, vector<1x16xf32>,
    %swap3A_212 = vector.shape_cast %swap3A_211 : vector<1x16xf32> to vector<16xf32>
    %swap3A_213 = vector.shape_cast %broadcast_in_dim3A_207 : vector<16xf32> to vector<1x16xf32>
    tpu.vector_store %arg10[%swap3A_209, %swap3A_210], %swap3A_213 {strides = array<i32>} : memref<8x128xf32, #tpu.memory_space<vmem>>, vector<1x16xf32>,
    %broadcast_in_dim3A_214 = arith.constant 0.000000e+00 : f32
    %broadcast_in_dim3A_215 = vector.broadcast %broadcast_in_dim3A_214 : f32 to vector<16xf32>
    %swap3A_216 = arith.constant 2 : i32
    %swap3A_217 = arith.index_cast %swap3A_216 : i32 to index
    %swap3A_218 = arith.constant 112 : index
    %swap3A_219 = tpu.vector_load %arg10[%swap3A_217, %swap3A_218] {strides = array<i32>} : memref<8x128xf32, #tpu.memory_space<vmem>>, vector<1x16xf32>,
    %swap3A_220 = vector.shape_cast %swap3A_219 : vector<1x16xf32> to vector<16xf32>
    %swap3A_221 = vector.shape_cast %broadcast_in_dim3A_215 : vector<16xf32> to vector<1x16xf32>
    tpu.vector_store %arg10[%swap3A_217, %swap3A_218], %swap3A_221 {strides = array<i32>} : memref<8x128xf32, #tpu.memory_space<vmem>>, vector<1x16xf32>,
    %broadcast_in_dim3A_222 = arith.constant 0.000000e+00 : f32
    %broadcast_in_dim3A_223 = vector.broadcast %broadcast_in_dim3A_222 : f32 to vector<16xf32>
    %swap3A_224 = arith.constant 3 : i32
    %swap3A_225 = arith.index_cast %swap3A_224 : i32 to index
    %swap3A_226 = arith.constant 0 : index
    %swap3A_227 = tpu.vector_load %arg10[%swap3A_225, %swap3A_226] {strides = array<i32>} : memref<8x128xf32, #tpu.memory_space<vmem>>, vector<1x16xf32>,
    %swap3A_228 = vector.shape_cast %swap3A_227 : vector<1x16xf32> to vector<16xf32>
    %swap3A_229 = vector.shape_cast %broadcast_in_dim3A_223 : vector<16xf32> to vector<1x16xf32>
    tpu.vector_store %arg10[%swap3A_225, %swap3A_226], %swap3A_229 {strides = array<i32>} : memref<8x128xf32, #tpu.memory_space<vmem>>, vector<1x16xf32>,
    %broadcast_in_dim3A_230 = arith.constant 0.000000e+00 : f32
    %broadcast_in_dim3A_231 = vector.broadcast %broadcast_in_dim3A_230 : f32 to vector<16xf32>
    %swap3A_232 = arith.constant 3 : i32
    %swap3A_233 = arith.index_cast %swap3A_232 : i32 to index
    %swap3A_234 = arith.constant 16 : index
    %swap3A_235 = tpu.vector_load %arg10[%swap3A_233, %swap3A_234] {strides = array<i32>} : memref<8x128xf32, #tpu.memory_space<vmem>>, vector<1x16xf32>,
    %swap3A_236 = vector.shape_cast %swap3A_235 : vector<1x16xf32> to vector<16xf32>
    %swap3A_237 = vector.shape_cast %broadcast_in_dim3A_231 : vector<16xf32> to vector<1x16xf32>
    tpu.vector_store %arg10[%swap3A_233, %swap3A_234], %swap3A_237 {strides = array<i32>} : memref<8x128xf32, #tpu.memory_space<vmem>>, vector<1x16xf32>,
    %broadcast_in_dim3A_238 = arith.constant 0.000000e+00 : f32
    %broadcast_in_dim3A_239 = vector.broadcast %broadcast_in_dim3A_238 : f32 to vector<16xf32>
    %swap3A_240 = arith.constant 3 : i32
    %swap3A_241 = arith.index_cast %swap3A_240 : i32 to index
    %swap3A_242 = arith.constant 32 : index
    %swap3A_243 = tpu.vector_load %arg10[%swap3A_241, %swap3A_242] {strides = array<i32>} : memref<8x128xf32, #tpu.memory_space<vmem>>, vector<1x16xf32>,
    %swap3A_244 = vector.shape_cast %swap3A_243 : vector<1x16xf32> to vector<16xf32>
    %swap3A_245 = vector.shape_cast %broadcast_in_dim3A_239 : vector<16xf32> to vector<1x16xf32>
    tpu.vector_store %arg10[%swap3A_241, %swap3A_242], %swap3A_245 {strides = array<i32>} : memref<8x128xf32, #tpu.memory_space<vmem>>, vector<1x16xf32>,
    %broadcast_in_dim3A_246 = arith.constant 0.000000e+00 : f32
    %broadcast_in_dim3A_247 = vector.broadcast %broadcast_in_dim3A_246 : f32 to vector<16xf32>
    %swap3A_248 = arith.constant 3 : i32
    %swap3A_249 = arith.index_cast %swap3A_248 : i32 to index
    %swap3A_250 = arith.constant 48 : index
    %swap3A_251 = tpu.vector_load %arg10[%swap3A_249, %swap3A_250] {strides = array<i32>} : memref<8x128xf32, #tpu.memory_space<vmem>>, vector<1x16xf32>,
    %swap3A_252 = vector.shape_cast %swap3A_251 : vector<1x16xf32> to vector<16xf32>
    %swap3A_253 = vector.shape_cast %broadcast_in_dim3A_247 : vector<16xf32> to vector<1x16xf32>
    tpu.vector_store %arg10[%swap3A_249, %swap3A_250], %swap3A_253 {strides = array<i32>} : memref<8x128xf32, #tpu.memory_space<vmem>>, vector<1x16xf32>,
    %broadcast_in_dim3A_254 = arith.constant 0.000000e+00 : f32
    %broadcast_in_dim3A_255 = vector.broadcast %broadcast_in_dim3A_254 : f32 to vector<16xf32>
    %swap3A_256 = arith.constant 3 : i32
    %swap3A_257 = arith.index_cast %swap3A_256 : i32 to index
    %swap3A_258 = arith.constant 64 : index
    %swap3A_259 = tpu.vector_load %arg10[%swap3A_257, %swap3A_258] {strides = array<i32>} : memref<8x128xf32, #tpu.memory_space<vmem>>, vector<1x16xf32>,
    %swap3A_260 = vector.shape_cast %swap3A_259 : vector<1x16xf32> to vector<16xf32>
    %swap3A_261 = vector.shape_cast %broadcast_in_dim3A_255 : vector<16xf32> to vector<1x16xf32>
    tpu.vector_store %arg10[%swap3A_257, %swap3A_258], %swap3A_261 {strides = array<i32>} : memref<8x128xf32, #tpu.memory_space<vmem>>, vector<1x16xf32>,
    %broadcast_in_dim3A_262 = arith.constant 0.000000e+00 : f32
    %broadcast_in_dim3A_263 = vector.broadcast %broadcast_in_dim3A_262 : f32 to vector<16xf32>
    %swap3A_264 = arith.constant 3 : i32
    %swap3A_265 = arith.index_cast %swap3A_264 : i32 to index
    %swap3A_266 = arith.constant 80 : index
    %swap3A_267 = tpu.vector_load %arg10[%swap3A_265, %swap3A_266] {strides = array<i32>} : memref<8x128xf32, #tpu.memory_space<vmem>>, vector<1x16xf32>,
    %swap3A_268 = vector.shape_cast %swap3A_267 : vector<1x16xf32> to vector<16xf32>
    %swap3A_269 = vector.shape_cast %broadcast_in_dim3A_263 : vector<16xf32> to vector<1x16xf32>
    tpu.vector_store %arg10[%swap3A_265, %swap3A_266], %swap3A_269 {strides = array<i32>} : memref<8x128xf32, #tpu.memory_space<vmem>>, vector<1x16xf32>,
    %broadcast_in_dim3A_270 = arith.constant 0.000000e+00 : f32
    %broadcast_in_dim3A_271 = vector.broadcast %broadcast_in_dim3A_270 : f32 to vector<16xf32>
    %swap3A_272 = arith.constant 3 : i32
    %swap3A_273 = arith.index_cast %swap3A_272 : i32 to index
    %swap3A_274 = arith.constant 96 : index
    %swap3A_275 = tpu.vector_load %arg10[%swap3A_273, %swap3A_274] {strides = array<i32>} : memref<8x128xf32, #tpu.memory_space<vmem>>, vector<1x16xf32>,
    %swap3A_276 = vector.shape_cast %swap3A_275 : vector<1x16xf32> to vector<16xf32>
    %swap3A_277 = vector.shape_cast %broadcast_in_dim3A_271 : vector<16xf32> to vector<1x16xf32>
    tpu.vector_store %arg10[%swap3A_273, %swap3A_274], %swap3A_277 {strides = array<i32>} : memref<8x128xf32, #tpu.memory_space<vmem>>, vector<1x16xf32>,
    %broadcast_in_dim3A_278 = arith.constant 0.000000e+00 : f32
    %broadcast_in_dim3A_279 = vector.broadcast %broadcast_in_dim3A_278 : f32 to vector<16xf32>
    %swap3A_280 = arith.constant 3 : i32
    %swap3A_281 = arith.index_cast %swap3A_280 : i32 to index
    %swap3A_282 = arith.constant 112 : index
    %swap3A_283 = tpu.vector_load %arg10[%swap3A_281, %swap3A_282] {strides = array<i32>} : memref<8x128xf32, #tpu.memory_space<vmem>>, vector<1x16xf32>,
    %swap3A_284 = vector.shape_cast %swap3A_283 : vector<1x16xf32> to vector<16xf32>
    %swap3A_285 = vector.shape_cast %broadcast_in_dim3A_279 : vector<16xf32> to vector<1x16xf32>
    tpu.vector_store %arg10[%swap3A_281, %swap3A_282], %swap3A_285 {strides = array<i32>} : memref<8x128xf32, #tpu.memory_space<vmem>>, vector<1x16xf32>,
    %broadcast_in_dim3A_286 = arith.constant 0.000000e+00 : f32
    %broadcast_in_dim3A_287 = vector.broadcast %broadcast_in_dim3A_286 : f32 to vector<16xf32>
    %swap3A_288 = arith.constant 4 : i32
    %swap3A_289 = arith.index_cast %swap3A_288 : i32 to index
    %swap3A_290 = arith.constant 0 : index
    %swap3A_291 = tpu.vector_load %arg10[%swap3A_289, %swap3A_290] {strides = array<i32>} : memref<8x128xf32, #tpu.memory_space<vmem>>, vector<1x16xf32>,
    %swap3A_292 = vector.shape_cast %swap3A_291 : vector<1x16xf32> to vector<16xf32>
    %swap3A_293 = vector.shape_cast %broadcast_in_dim3A_287 : vector<16xf32> to vector<1x16xf32>
    tpu.vector_store %arg10[%swap3A_289, %swap3A_290], %swap3A_293 {strides = array<i32>} : memref<8x128xf32, #tpu.memory_space<vmem>>, vector<1x16xf32>,
    %broadcast_in_dim3A_294 = arith.constant 0.000000e+00 : f32
    %broadcast_in_dim3A_295 = vector.broadcast %broadcast_in_dim3A_294 : f32 to vector<16xf32>
    %swap3A_296 = arith.constant 4 : i32
    %swap3A_297 = arith.index_cast %swap3A_296 : i32 to index
    %swap3A_298 = arith.constant 16 : index
    %swap3A_299 = tpu.vector_load %arg10[%swap3A_297, %swap3A_298] {strides = array<i32>} : memref<8x128xf32, #tpu.memory_space<vmem>>, vector<1x16xf32>,
    %swap3A_300 = vector.shape_cast %swap3A_299 : vector<1x16xf32> to vector<16xf32>
    %swap3A_301 = vector.shape_cast %broadcast_in_dim3A_295 : vector<16xf32> to vector<1x16xf32>
    tpu.vector_store %arg10[%swap3A_297, %swap3A_298], %swap3A_301 {strides = array<i32>} : memref<8x128xf32, #tpu.memory_space<vmem>>, vector<1x16xf32>,
    %broadcast_in_dim3A_302 = arith.constant 0.000000e+00 : f32
    %broadcast_in_dim3A_303 = vector.broadcast %broadcast_in_dim3A_302 : f32 to vector<16xf32>
    %swap3A_304 = arith.constant 4 : i32
    %swap3A_305 = arith.index_cast %swap3A_304 : i32 to index
    %swap3A_306 = arith.constant 32 : index
    %swap3A_307 = tpu.vector_load %arg10[%swap3A_305, %swap3A_306] {strides = array<i32>} : memref<8x128xf32, #tpu.memory_space<vmem>>, vector<1x16xf32>,
    %swap3A_308 = vector.shape_cast %swap3A_307 : vector<1x16xf32> to vector<16xf32>
    %swap3A_309 = vector.shape_cast %broadcast_in_dim3A_303 : vector<16xf32> to vector<1x16xf32>
    tpu.vector_store %arg10[%swap3A_305, %swap3A_306], %swap3A_309 {strides = array<i32>} : memref<8x128xf32, #tpu.memory_space<vmem>>, vector<1x16xf32>,
    %broadcast_in_dim3A_310 = arith.constant 0.000000e+00 : f32
    %broadcast_in_dim3A_311 = vector.broadcast %broadcast_in_dim3A_310 : f32 to vector<16xf32>
    %swap3A_312 = arith.constant 4 : i32
    %swap3A_313 = arith.index_cast %swap3A_312 : i32 to index
    %swap3A_314 = arith.constant 48 : index
    %swap3A_315 = tpu.vector_load %arg10[%swap3A_313, %swap3A_314] {strides = array<i32>} : memref<8x128xf32, #tpu.memory_space<vmem>>, vector<1x16xf32>,
    %swap3A_316 = vector.shape_cast %swap3A_315 : vector<1x16xf32> to vector<16xf32>
    %swap3A_317 = vector.shape_cast %broadcast_in_dim3A_311 : vector<16xf32> to vector<1x16xf32>
    tpu.vector_store %arg10[%swap3A_313, %swap3A_314], %swap3A_317 {strides = array<i32>} : memref<8x128xf32, #tpu.memory_space<vmem>>, vector<1x16xf32>,
    %broadcast_in_dim3A_318 = arith.constant 0.000000e+00 : f32
    %broadcast_in_dim3A_319 = vector.broadcast %broadcast_in_dim3A_318 : f32 to vector<16xf32>
    %swap3A_320 = arith.constant 4 : i32
    %swap3A_321 = arith.index_cast %swap3A_320 : i32 to index
    %swap3A_322 = arith.constant 64 : index
    %swap3A_323 = tpu.vector_load %arg10[%swap3A_321, %swap3A_322] {strides = array<i32>} : memref<8x128xf32, #tpu.memory_space<vmem>>, vector<1x16xf32>,
    %swap3A_324 = vector.shape_cast %swap3A_323 : vector<1x16xf32> to vector<16xf32>
    %swap3A_325 = vector.shape_cast %broadcast_in_dim3A_319 : vector<16xf32> to vector<1x16xf32>
    tpu.vector_store %arg10[%swap3A_321, %swap3A_322], %swap3A_325 {strides = array<i32>} : memref<8x128xf32, #tpu.memory_space<vmem>>, vector<1x16xf32>,
    %broadcast_in_dim3A_326 = arith.constant 0.000000e+00 : f32
    %broadcast_in_dim3A_327 = vector.broadcast %broadcast_in_dim3A_326 : f32 to vector<16xf32>
    %swap3A_328 = arith.constant 4 : i32
    %swap3A_329 = arith.index_cast %swap3A_328 : i32 to index
    %swap3A_330 = arith.constant 80 : index
    %swap3A_331 = tpu.vector_load %arg10[%swap3A_329, %swap3A_330] {strides = array<i32>} : memref<8x128xf32, #tpu.memory_space<vmem>>, vector<1x16xf32>,
    %swap3A_332 = vector.shape_cast %swap3A_331 : vector<1x16xf32> to vector<16xf32>
    %swap3A_333 = vector.shape_cast %broadcast_in_dim3A_327 : vector<16xf32> to vector<1x16xf32>
    tpu.vector_store %arg10[%swap3A_329, %swap3A_330], %swap3A_333 {strides = array<i32>} : memref<8x128xf32, #tpu.memory_space<vmem>>, vector<1x16xf32>,
    %broadcast_in_dim3A_334 = arith.constant 0.000000e+00 : f32
    %broadcast_in_dim3A_335 = vector.broadcast %broadcast_in_dim3A_334 : f32 to vector<16xf32>
    %swap3A_336 = arith.constant 4 : i32
    %swap3A_337 = arith.index_cast %swap3A_336 : i32 to index
    %swap3A_338 = arith.constant 96 : index
    %swap3A_339 = tpu.vector_load %arg10[%swap3A_337, %swap3A_338] {strides = array<i32>} : memref<8x128xf32, #tpu.memory_space<vmem>>, vector<1x16xf32>,
    %swap3A_340 = vector.shape_cast %swap3A_339 : vector<1x16xf32> to vector<16xf32>
    %swap3A_341 = vector.shape_cast %broadcast_in_dim3A_335 : vector<16xf32> to vector<1x16xf32>
    tpu.vector_store %arg10[%swap3A_337, %swap3A_338], %swap3A_341 {strides = array<i32>} : memref<8x128xf32, #tpu.memory_space<vmem>>, vector<1x16xf32>,
    %broadcast_in_dim3A_342 = arith.constant 0.000000e+00 : f32
    %broadcast_in_dim3A_343 = vector.broadcast %broadcast_in_dim3A_342 : f32 to vector<16xf32>
    %swap3A_344 = arith.constant 4 : i32
    %swap3A_345 = arith.index_cast %swap3A_344 : i32 to index
    %swap3A_346 = arith.constant 112 : index
    %swap3A_347 = tpu.vector_load %arg10[%swap3A_345, %swap3A_346] {strides = array<i32>} : memref<8x128xf32, #tpu.memory_space<vmem>>, vector<1x16xf32>,
    %swap3A_348 = vector.shape_cast %swap3A_347 : vector<1x16xf32> to vector<16xf32>
    %swap3A_349 = vector.shape_cast %broadcast_in_dim3A_343 : vector<16xf32> to vector<1x16xf32>
    tpu.vector_store %arg10[%swap3A_345, %swap3A_346], %swap3A_349 {strides = array<i32>} : memref<8x128xf32, #tpu.memory_space<vmem>>, vector<1x16xf32>,
    %broadcast_in_dim3A_350 = arith.constant 0.000000e+00 : f32
    %broadcast_in_dim3A_351 = vector.broadcast %broadcast_in_dim3A_350 : f32 to vector<16xf32>
    %swap3A_352 = arith.constant 5 : i32
    %swap3A_353 = arith.index_cast %swap3A_352 : i32 to index
    %swap3A_354 = arith.constant 0 : index
    %swap3A_355 = tpu.vector_load %arg10[%swap3A_353, %swap3A_354] {strides = array<i32>} : memref<8x128xf32, #tpu.memory_space<vmem>>, vector<1x16xf32>,
    %swap3A_356 = vector.shape_cast %swap3A_355 : vector<1x16xf32> to vector<16xf32>
    %swap3A_357 = vector.shape_cast %broadcast_in_dim3A_351 : vector<16xf32> to vector<1x16xf32>
    tpu.vector_store %arg10[%swap3A_353, %swap3A_354], %swap3A_357 {strides = array<i32>} : memref<8x128xf32, #tpu.memory_space<vmem>>, vector<1x16xf32>,
    %broadcast_in_dim3A_358 = arith.constant 0.000000e+00 : f32
    %broadcast_in_dim3A_359 = vector.broadcast %broadcast_in_dim3A_358 : f32 to vector<16xf32>
    %swap3A_360 = arith.constant 5 : i32
    %swap3A_361 = arith.index_cast %swap3A_360 : i32 to index
    %swap3A_362 = arith.constant 16 : index
    %swap3A_363 = tpu.vector_load %arg10[%swap3A_361, %swap3A_362] {strides = array<i32>} : memref<8x128xf32, #tpu.memory_space<vmem>>, vector<1x16xf32>,
    %swap3A_364 = vector.shape_cast %swap3A_363 : vector<1x16xf32> to vector<16xf32>
    %swap3A_365 = vector.shape_cast %broadcast_in_dim3A_359 : vector<16xf32> to vector<1x16xf32>
    tpu.vector_store %arg10[%swap3A_361, %swap3A_362], %swap3A_365 {strides = array<i32>} : memref<8x128xf32, #tpu.memory_space<vmem>>, vector<1x16xf32>,
    %broadcast_in_dim3A_366 = arith.constant 0.000000e+00 : f32
    %broadcast_in_dim3A_367 = vector.broadcast %broadcast_in_dim3A_366 : f32 to vector<16xf32>
    %swap3A_368 = arith.constant 5 : i32
    %swap3A_369 = arith.index_cast %swap3A_368 : i32 to index
    %swap3A_370 = arith.constant 32 : index
    %swap3A_371 = tpu.vector_load %arg10[%swap3A_369, %swap3A_370] {strides = array<i32>} : memref<8x128xf32, #tpu.memory_space<vmem>>, vector<1x16xf32>,
    %swap3A_372 = vector.shape_cast %swap3A_371 : vector<1x16xf32> to vector<16xf32>
    %swap3A_373 = vector.shape_cast %broadcast_in_dim3A_367 : vector<16xf32> to vector<1x16xf32>
    tpu.vector_store %arg10[%swap3A_369, %swap3A_370], %swap3A_373 {strides = array<i32>} : memref<8x128xf32, #tpu.memory_space<vmem>>, vector<1x16xf32>,
    %broadcast_in_dim3A_374 = arith.constant 0.000000e+00 : f32
    %broadcast_in_dim3A_375 = vector.broadcast %broadcast_in_dim3A_374 : f32 to vector<16xf32>
    %swap3A_376 = arith.constant 5 : i32
    %swap3A_377 = arith.index_cast %swap3A_376 : i32 to index
    %swap3A_378 = arith.constant 48 : index
    %swap3A_379 = tpu.vector_load %arg10[%swap3A_377, %swap3A_378] {strides = array<i32>} : memref<8x128xf32, #tpu.memory_space<vmem>>, vector<1x16xf32>,
    %swap3A_380 = vector.shape_cast %swap3A_379 : vector<1x16xf32> to vector<16xf32>
    %swap3A_381 = vector.shape_cast %broadcast_in_dim3A_375 : vector<16xf32> to vector<1x16xf32>
    tpu.vector_store %arg10[%swap3A_377, %swap3A_378], %swap3A_381 {strides = array<i32>} : memref<8x128xf32, #tpu.memory_space<vmem>>, vector<1x16xf32>,
    %broadcast_in_dim3A_382 = arith.constant 0.000000e+00 : f32
    %broadcast_in_dim3A_383 = vector.broadcast %broadcast_in_dim3A_382 : f32 to vector<16xf32>
    %swap3A_384 = arith.constant 5 : i32
    %swap3A_385 = arith.index_cast %swap3A_384 : i32 to index
    %swap3A_386 = arith.constant 64 : index
    %swap3A_387 = tpu.vector_load %arg10[%swap3A_385, %swap3A_386] {strides = array<i32>} : memref<8x128xf32, #tpu.memory_space<vmem>>, vector<1x16xf32>,
    %swap3A_388 = vector.shape_cast %swap3A_387 : vector<1x16xf32> to vector<16xf32>
    %swap3A_389 = vector.shape_cast %broadcast_in_dim3A_383 : vector<16xf32> to vector<1x16xf32>
    tpu.vector_store %arg10[%swap3A_385, %swap3A_386], %swap3A_389 {strides = array<i32>} : memref<8x128xf32, #tpu.memory_space<vmem>>, vector<1x16xf32>,
    %broadcast_in_dim3A_390 = arith.constant 0.000000e+00 : f32
    %broadcast_in_dim3A_391 = vector.broadcast %broadcast_in_dim3A_390 : f32 to vector<16xf32>
    %swap3A_392 = arith.constant 5 : i32
    %swap3A_393 = arith.index_cast %swap3A_392 : i32 to index
    %swap3A_394 = arith.constant 80 : index
    %swap3A_395 = tpu.vector_load %arg10[%swap3A_393, %swap3A_394] {strides = array<i32>} : memref<8x128xf32, #tpu.memory_space<vmem>>, vector<1x16xf32>,
    %swap3A_396 = vector.shape_cast %swap3A_395 : vector<1x16xf32> to vector<16xf32>
    %swap3A_397 = vector.shape_cast %broadcast_in_dim3A_391 : vector<16xf32> to vector<1x16xf32>
    tpu.vector_store %arg10[%swap3A_393, %swap3A_394], %swap3A_397 {strides = array<i32>} : memref<8x128xf32, #tpu.memory_space<vmem>>, vector<1x16xf32>,
    %broadcast_in_dim3A_398 = arith.constant 0.000000e+00 : f32
    %broadcast_in_dim3A_399 = vector.broadcast %broadcast_in_dim3A_398 : f32 to vector<16xf32>
    %swap3A_400 = arith.constant 5 : i32
    %swap3A_401 = arith.index_cast %swap3A_400 : i32 to index
    %swap3A_402 = arith.constant 96 : index
    %swap3A_403 = tpu.vector_load %arg10[%swap3A_401, %swap3A_402] {strides = array<i32>} : memref<8x128xf32, #tpu.memory_space<vmem>>, vector<1x16xf32>,
    %swap3A_404 = vector.shape_cast %swap3A_403 : vector<1x16xf32> to vector<16xf32>
    %swap3A_405 = vector.shape_cast %broadcast_in_dim3A_399 : vector<16xf32> to vector<1x16xf32>
    tpu.vector_store %arg10[%swap3A_401, %swap3A_402], %swap3A_405 {strides = array<i32>} : memref<8x128xf32, #tpu.memory_space<vmem>>, vector<1x16xf32>,
    %broadcast_in_dim3A_406 = arith.constant 0.000000e+00 : f32
    %broadcast_in_dim3A_407 = vector.broadcast %broadcast_in_dim3A_406 : f32 to vector<16xf32>
    %swap3A_408 = arith.constant 5 : i32
    %swap3A_409 = arith.index_cast %swap3A_408 : i32 to index
    %swap3A_410 = arith.constant 112 : index
    %swap3A_411 = tpu.vector_load %arg10[%swap3A_409, %swap3A_410] {strides = array<i32>} : memref<8x128xf32, #tpu.memory_space<vmem>>, vector<1x16xf32>,
    %swap3A_412 = vector.shape_cast %swap3A_411 : vector<1x16xf32> to vector<16xf32>
    %swap3A_413 = vector.shape_cast %broadcast_in_dim3A_407 : vector<16xf32> to vector<1x16xf32>
    tpu.vector_store %arg10[%swap3A_409, %swap3A_410], %swap3A_413 {strides = array<i32>} : memref<8x128xf32, #tpu.memory_space<vmem>>, vector<1x16xf32>,
    %broadcast_in_dim3A_414 = arith.constant 0.000000e+00 : f32
    %broadcast_in_dim3A_415 = vector.broadcast %broadcast_in_dim3A_414 : f32 to vector<16xf32>
    %swap3A_416 = arith.constant 6 : i32
    %swap3A_417 = arith.index_cast %swap3A_416 : i32 to index
    %swap3A_418 = arith.constant 0 : index
    %swap3A_419 = tpu.vector_load %arg10[%swap3A_417, %swap3A_418] {strides = array<i32>} : memref<8x128xf32, #tpu.memory_space<vmem>>, vector<1x16xf32>,
    %swap3A_420 = vector.shape_cast %swap3A_419 : vector<1x16xf32> to vector<16xf32>
    %swap3A_421 = vector.shape_cast %broadcast_in_dim3A_415 : vector<16xf32> to vector<1x16xf32>
    tpu.vector_store %arg10[%swap3A_417, %swap3A_418], %swap3A_421 {strides = array<i32>} : memref<8x128xf32, #tpu.memory_space<vmem>>, vector<1x16xf32>,
    %broadcast_in_dim3A_422 = arith.constant 0.000000e+00 : f32
    %broadcast_in_dim3A_423 = vector.broadcast %broadcast_in_dim3A_422 : f32 to vector<16xf32>
    %swap3A_424 = arith.constant 6 : i32
    %swap3A_425 = arith.index_cast %swap3A_424 : i32 to index
    %swap3A_426 = arith.constant 16 : index
    %swap3A_427 = tpu.vector_load %arg10[%swap3A_425, %swap3A_426] {strides = array<i32>} : memref<8x128xf32, #tpu.memory_space<vmem>>, vector<1x16xf32>,
    %swap3A_428 = vector.shape_cast %swap3A_427 : vector<1x16xf32> to vector<16xf32>
    %swap3A_429 = vector.shape_cast %broadcast_in_dim3A_423 : vector<16xf32> to vector<1x16xf32>
    tpu.vector_store %arg10[%swap3A_425, %swap3A_426], %swap3A_429 {strides = array<i32>} : memref<8x128xf32, #tpu.memory_space<vmem>>, vector<1x16xf32>,
    %broadcast_in_dim3A_430 = arith.constant 0.000000e+00 : f32
    %broadcast_in_dim3A_431 = vector.broadcast %broadcast_in_dim3A_430 : f32 to vector<16xf32>
    %swap3A_432 = arith.constant 6 : i32
    %swap3A_433 = arith.index_cast %swap3A_432 : i32 to index
    %swap3A_434 = arith.constant 32 : index
    %swap3A_435 = tpu.vector_load %arg10[%swap3A_433, %swap3A_434] {strides = array<i32>} : memref<8x128xf32, #tpu.memory_space<vmem>>, vector<1x16xf32>,
    %swap3A_436 = vector.shape_cast %swap3A_435 : vector<1x16xf32> to vector<16xf32>
    %swap3A_437 = vector.shape_cast %broadcast_in_dim3A_431 : vector<16xf32> to vector<1x16xf32>
    tpu.vector_store %arg10[%swap3A_433, %swap3A_434], %swap3A_437 {strides = array<i32>} : memref<8x128xf32, #tpu.memory_space<vmem>>, vector<1x16xf32>,
    %broadcast_in_dim3A_438 = arith.constant 0.000000e+00 : f32
    %broadcast_in_dim3A_439 = vector.broadcast %broadcast_in_dim3A_438 : f32 to vector<16xf32>
    %swap3A_440 = arith.constant 6 : i32
    %swap3A_441 = arith.index_cast %swap3A_440 : i32 to index
    %swap3A_442 = arith.constant 48 : index
    %swap3A_443 = tpu.vector_load %arg10[%swap3A_441, %swap3A_442] {strides = array<i32>} : memref<8x128xf32, #tpu.memory_space<vmem>>, vector<1x16xf32>,
    %swap3A_444 = vector.shape_cast %swap3A_443 : vector<1x16xf32> to vector<16xf32>
    %swap3A_445 = vector.shape_cast %broadcast_in_dim3A_439 : vector<16xf32> to vector<1x16xf32>
    tpu.vector_store %arg10[%swap3A_441, %swap3A_442], %swap3A_445 {strides = array<i32>} : memref<8x128xf32, #tpu.memory_space<vmem>>, vector<1x16xf32>,
    %broadcast_in_dim3A_446 = arith.constant 0.000000e+00 : f32
    %broadcast_in_dim3A_447 = vector.broadcast %broadcast_in_dim3A_446 : f32 to vector<16xf32>
    %swap3A_448 = arith.constant 6 : i32
    %swap3A_449 = arith.index_cast %swap3A_448 : i32 to index
    %swap3A_450 = arith.constant 64 : index
    %swap3A_451 = tpu.vector_load %arg10[%swap3A_449, %swap3A_450] {strides = array<i32>} : memref<8x128xf32, #tpu.memory_space<vmem>>, vector<1x16xf32>,
    %swap3A_452 = vector.shape_cast %swap3A_451 : vector<1x16xf32> to vector<16xf32>
    %swap3A_453 = vector.shape_cast %broadcast_in_dim3A_447 : vector<16xf32> to vector<1x16xf32>
    tpu.vector_store %arg10[%swap3A_449, %swap3A_450], %swap3A_453 {strides = array<i32>} : memref<8x128xf32, #tpu.memory_space<vmem>>, vector<1x16xf32>,
    %broadcast_in_dim3A_454 = arith.constant 0.000000e+00 : f32
    %broadcast_in_dim3A_455 = vector.broadcast %broadcast_in_dim3A_454 : f32 to vector<16xf32>
    %swap3A_456 = arith.constant 6 : i32
    %swap3A_457 = arith.index_cast %swap3A_456 : i32 to index
    %swap3A_458 = arith.constant 80 : index
    %swap3A_459 = tpu.vector_load %arg10[%swap3A_457, %swap3A_458] {strides = array<i32>} : memref<8x128xf32, #tpu.memory_space<vmem>>, vector<1x16xf32>,
    %swap3A_460 = vector.shape_cast %swap3A_459 : vector<1x16xf32> to vector<16xf32>
    %swap3A_461 = vector.shape_cast %broadcast_in_dim3A_455 : vector<16xf32> to vector<1x16xf32>
    tpu.vector_store %arg10[%swap3A_457, %swap3A_458], %swap3A_461 {strides = array<i32>} : memref<8x128xf32, #tpu.memory_space<vmem>>, vector<1x16xf32>,
    %broadcast_in_dim3A_462 = arith.constant 0.000000e+00 : f32
    %broadcast_in_dim3A_463 = vector.broadcast %broadcast_in_dim3A_462 : f32 to vector<16xf32>
    %swap3A_464 = arith.constant 6 : i32
    %swap3A_465 = arith.index_cast %swap3A_464 : i32 to index
    %swap3A_466 = arith.constant 96 : index
    %swap3A_467 = tpu.vector_load %arg10[%swap3A_465, %swap3A_466] {strides = array<i32>} : memref<8x128xf32, #tpu.memory_space<vmem>>, vector<1x16xf32>,
    %swap3A_468 = vector.shape_cast %swap3A_467 : vector<1x16xf32> to vector<16xf32>
    %swap3A_469 = vector.shape_cast %broadcast_in_dim3A_463 : vector<16xf32> to vector<1x16xf32>
    tpu.vector_store %arg10[%swap3A_465, %swap3A_466], %swap3A_469 {strides = array<i32>} : memref<8x128xf32, #tpu.memory_space<vmem>>, vector<1x16xf32>,
    %broadcast_in_dim3A_470 = arith.constant 0.000000e+00 : f32
    %broadcast_in_dim3A_471 = vector.broadcast %broadcast_in_dim3A_470 : f32 to vector<16xf32>
    %swap3A_472 = arith.constant 6 : i32
    %swap3A_473 = arith.index_cast %swap3A_472 : i32 to index
    %swap3A_474 = arith.constant 112 : index
    %swap3A_475 = tpu.vector_load %arg10[%swap3A_473, %swap3A_474] {strides = array<i32>} : memref<8x128xf32, #tpu.memory_space<vmem>>, vector<1x16xf32>,
    %swap3A_476 = vector.shape_cast %swap3A_475 : vector<1x16xf32> to vector<16xf32>
    %swap3A_477 = vector.shape_cast %broadcast_in_dim3A_471 : vector<16xf32> to vector<1x16xf32>
    tpu.vector_store %arg10[%swap3A_473, %swap3A_474], %swap3A_477 {strides = array<i32>} : memref<8x128xf32, #tpu.memory_space<vmem>>, vector<1x16xf32>,
    %broadcast_in_dim3A_478 = arith.constant 0.000000e+00 : f32
    %broadcast_in_dim3A_479 = vector.broadcast %broadcast_in_dim3A_478 : f32 to vector<16xf32>
    %swap3A_480 = arith.constant 7 : i32
    %swap3A_481 = arith.index_cast %swap3A_480 : i32 to index
    %swap3A_482 = arith.constant 0 : index
    %swap3A_483 = tpu.vector_load %arg10[%swap3A_481, %swap3A_482] {strides = array<i32>} : memref<8x128xf32, #tpu.memory_space<vmem>>, vector<1x16xf32>,
    %swap3A_484 = vector.shape_cast %swap3A_483 : vector<1x16xf32> to vector<16xf32>
    %swap3A_485 = vector.shape_cast %broadcast_in_dim3A_479 : vector<16xf32> to vector<1x16xf32>
    tpu.vector_store %arg10[%swap3A_481, %swap3A_482], %swap3A_485 {strides = array<i32>} : memref<8x128xf32, #tpu.memory_space<vmem>>, vector<1x16xf32>,
    %broadcast_in_dim3A_486 = arith.constant 0.000000e+00 : f32
    %broadcast_in_dim3A_487 = vector.broadcast %broadcast_in_dim3A_486 : f32 to vector<16xf32>
    %swap3A_488 = arith.constant 7 : i32
    %swap3A_489 = arith.index_cast %swap3A_488 : i32 to index
    %swap3A_490 = arith.constant 16 : index
    %swap3A_491 = tpu.vector_load %arg10[%swap3A_489, %swap3A_490] {strides = array<i32>} : memref<8x128xf32, #tpu.memory_space<vmem>>, vector<1x16xf32>,
    %swap3A_492 = vector.shape_cast %swap3A_491 : vector<1x16xf32> to vector<16xf32>
    %swap3A_493 = vector.shape_cast %broadcast_in_dim3A_487 : vector<16xf32> to vector<1x16xf32>
    tpu.vector_store %arg10[%swap3A_489, %swap3A_490], %swap3A_493 {strides = array<i32>} : memref<8x128xf32, #tpu.memory_space<vmem>>, vector<1x16xf32>,
    %broadcast_in_dim3A_494 = arith.constant 0.000000e+00 : f32
    %broadcast_in_dim3A_495 = vector.broadcast %broadcast_in_dim3A_494 : f32 to vector<16xf32>
    %swap3A_496 = arith.constant 7 : i32
    %swap3A_497 = arith.index_cast %swap3A_496 : i32 to index
    %swap3A_498 = arith.constant 32 : index
    %swap3A_499 = tpu.vector_load %arg10[%swap3A_497, %swap3A_498] {strides = array<i32>} : memref<8x128xf32, #tpu.memory_space<vmem>>, vector<1x16xf32>,
    %swap3A_500 = vector.shape_cast %swap3A_499 : vector<1x16xf32> to vector<16xf32>
    %swap3A_501 = vector.shape_cast %broadcast_in_dim3A_495 : vector<16xf32> to vector<1x16xf32>
    tpu.vector_store %arg10[%swap3A_497, %swap3A_498], %swap3A_501 {strides = array<i32>} : memref<8x128xf32, #tpu.memory_space<vmem>>, vector<1x16xf32>,
    %broadcast_in_dim3A_502 = arith.constant 0.000000e+00 : f32
    %broadcast_in_dim3A_503 = vector.broadcast %broadcast_in_dim3A_502 : f32 to vector<16xf32>
    %swap3A_504 = arith.constant 7 : i32
    %swap3A_505 = arith.index_cast %swap3A_504 : i32 to index
    %swap3A_506 = arith.constant 48 : index
    %swap3A_507 = tpu.vector_load %arg10[%swap3A_505, %swap3A_506] {strides = array<i32>} : memref<8x128xf32, #tpu.memory_space<vmem>>, vector<1x16xf32>,
    %swap3A_508 = vector.shape_cast %swap3A_507 : vector<1x16xf32> to vector<16xf32>
    %swap3A_509 = vector.shape_cast %broadcast_in_dim3A_503 : vector<16xf32> to vector<1x16xf32>
    tpu.vector_store %arg10[%swap3A_505, %swap3A_506], %swap3A_509 {strides = array<i32>} : memref<8x128xf32, #tpu.memory_space<vmem>>, vector<1x16xf32>,
    %broadcast_in_dim3A_510 = arith.constant 0.000000e+00 : f32
    %broadcast_in_dim3A_511 = vector.broadcast %broadcast_in_dim3A_510 : f32 to vector<16xf32>
    %swap3A_512 = arith.constant 7 : i32
    %swap3A_513 = arith.index_cast %swap3A_512 : i32 to index
    %swap3A_514 = arith.constant 64 : index
    %swap3A_515 = tpu.vector_load %arg10[%swap3A_513, %swap3A_514] {strides = array<i32>} : memref<8x128xf32, #tpu.memory_space<vmem>>, vector<1x16xf32>,
    %swap3A_516 = vector.shape_cast %swap3A_515 : vector<1x16xf32> to vector<16xf32>
    %swap3A_517 = vector.shape_cast %broadcast_in_dim3A_511 : vector<16xf32> to vector<1x16xf32>
    tpu.vector_store %arg10[%swap3A_513, %swap3A_514], %swap3A_517 {strides = array<i32>} : memref<8x128xf32, #tpu.memory_space<vmem>>, vector<1x16xf32>,
    %broadcast_in_dim3A_518 = arith.constant 0.000000e+00 : f32
    %broadcast_in_dim3A_519 = vector.broadcast %broadcast_in_dim3A_518 : f32 to vector<16xf32>
    %swap3A_520 = arith.constant 7 : i32
    %swap3A_521 = arith.index_cast %swap3A_520 : i32 to index
    %swap3A_522 = arith.constant 80 : index
    %swap3A_523 = tpu.vector_load %arg10[%swap3A_521, %swap3A_522] {strides = array<i32>} : memref<8x128xf32, #tpu.memory_space<vmem>>, vector<1x16xf32>,
    %swap3A_524 = vector.shape_cast %swap3A_523 : vector<1x16xf32> to vector<16xf32>
    %swap3A_525 = vector.shape_cast %broadcast_in_dim3A_519 : vector<16xf32> to vector<1x16xf32>
    tpu.vector_store %arg10[%swap3A_521, %swap3A_522], %swap3A_525 {strides = array<i32>} : memref<8x128xf32, #tpu.memory_space<vmem>>, vector<1x16xf32>,
    %broadcast_in_dim3A_526 = arith.constant 0.000000e+00 : f32
    %broadcast_in_dim3A_527 = vector.broadcast %broadcast_in_dim3A_526 : f32 to vector<16xf32>
    %swap3A_528 = arith.constant 7 : i32
    %swap3A_529 = arith.index_cast %swap3A_528 : i32 to index
    %swap3A_530 = arith.constant 96 : index
    %swap3A_531 = tpu.vector_load %arg10[%swap3A_529, %swap3A_530] {strides = array<i32>} : memref<8x128xf32, #tpu.memory_space<vmem>>, vector<1x16xf32>,
    %swap3A_532 = vector.shape_cast %swap3A_531 : vector<1x16xf32> to vector<16xf32>
    %swap3A_533 = vector.shape_cast %broadcast_in_dim3A_527 : vector<16xf32> to vector<1x16xf32>
    tpu.vector_store %arg10[%swap3A_529, %swap3A_530], %swap3A_533 {strides = array<i32>} : memref<8x128xf32, #tpu.memory_space<vmem>>, vector<1x16xf32>,
    %broadcast_in_dim3A_534 = arith.constant 0.000000e+00 : f32
    %broadcast_in_dim3A_535 = vector.broadcast %broadcast_in_dim3A_534 : f32 to vector<16xf32>
    %swap3A_536 = arith.constant 7 : i32
    %swap3A_537 = arith.index_cast %swap3A_536 : i32 to index
    %swap3A_538 = arith.constant 112 : index
    %swap3A_539 = tpu.vector_load %arg10[%swap3A_537, %swap3A_538] {strides = array<i32>} : memref<8x128xf32, #tpu.memory_space<vmem>>, vector<1x16xf32>,
    %swap3A_540 = vector.shape_cast %swap3A_539 : vector<1x16xf32> to vector<16xf32>
    %swap3A_541 = vector.shape_cast %broadcast_in_dim3A_535 : vector<16xf32> to vector<1x16xf32>
    tpu.vector_store %arg10[%swap3A_537, %swap3A_538], %swap3A_541 {strides = array<i32>} : memref<8x128xf32, #tpu.memory_space<vmem>>, vector<1x16xf32>,
    %eq3A = arith.constant 0 : i32
    %eq3A_542 = arith.cmpi eq, %arg0, %eq3A : i32
    %lt3A = arith.constant 15 : i32
    %lt3A_543 = arith.cmpi slt, %arg1, %lt3A : i32
    %and3A = arith.andi %eq3A_542, %lt3A_543 : i1
    %convert_element_type3A = arith.extui %and3A : i1 to i32
    %cond3A = arith.constant 0 : i32
    %cond3A_544 = arith.cmpi ne, %convert_element_type3A, %cond3A : i32
    scf.if %cond3A_544 {
      %mul3A_665 = arith.constant 632 : i32
      %mul3A_666 = arith.muli %arg1, %mul3A_665 : i32
      %mul3A_667 = arith.constant 632 : i32
      %mul3A_668 = arith.muli %arg1, %mul3A_667 : i32
      "tpu.region"() ({
        %run_scoped3A = tpu.sem_alloc : memref<!tpu.dma_semaphore, #tpu.memory_space<semaphore_mem>>
        %dma_start3A_669 = arith.constant 0 : i32
        %dma_start3A_670 = tpu.memref_slice %arg6[%mul3A_668, %dma_start3A_669] : memref<10112x128xf32, #tpu.memory_space<vmem_shared>> -> memref<632x128xf32, #tpu.memory_space<vmem_shared>>
        %dma_start3A_671 = arith.constant 0 : i32
        %dma_start3A_672 = tpu.memref_slice %arg4[%mul3A_666, %dma_start3A_671] : memref<10000x128xf32, #tpu.memory_space<hbm>> -> memref<632x128xf32, #tpu.memory_space<hbm>>
        tpu.enqueue_dma source(%dma_start3A_672 : memref<632x128xf32, #tpu.memory_space<hbm>>) target(%dma_start3A_670 : memref<632x128xf32, #tpu.memory_space<vmem_shared>>) target_semaphore(%run_scoped3A : memref<!tpu.dma_semaphore, #tpu.memory_space<semaphore_mem>>)
        %dma_wait3A_673 = arith.constant 0 : i32
        %dma_wait3A_674 = tpu.memref_slice %arg6[%mul3A_668, %dma_wait3A_673] : memref<10112x128xf32, #tpu.memory_space<vmem_shared>> -> memref<632x128xf32, #tpu.memory_space<vmem_shared>>
        %dma_wait3A_675 = arith.constant 0 : i32
        %dma_wait3A_676 = tpu.memref_slice %arg4[%mul3A_666, %dma_wait3A_675] : memref<10000x128xf32, #tpu.memory_space<hbm>> -> memref<632x128xf32, #tpu.memory_space<hbm>>
        tpu.wait_dma2 semaphore(%run_scoped3A : memref<!tpu.dma_semaphore, #tpu.memory_space<semaphore_mem>>) src(%dma_wait3A_676 : memref<632x128xf32, #tpu.memory_space<hbm>>) dst(%dma_wait3A_674 : memref<632x128xf32, #tpu.memory_space<vmem_shared>>)
        tpu.yield
      }) : () -> ()
    } else {
    }
    %eq3A_545 = arith.constant 0 : i32
    %eq3A_546 = arith.cmpi eq, %arg0, %eq3A_545 : i32
    %eq3A_547 = arith.constant 15 : i32
    %eq3A_548 = arith.cmpi eq, %arg1, %eq3A_547 : i32
    %and3A_549 = arith.andi %eq3A_546, %eq3A_548 : i1
    %convert_element_type3A_550 = arith.extui %and3A_549 : i1 to i32
    %cond3A_551 = arith.constant 0 : i32
    %cond3A_552 = arith.cmpi ne, %convert_element_type3A_550, %cond3A_551 : i32
    scf.if %cond3A_552 {
      %mul3A_665 = arith.constant 632 : i32
      %mul3A_666 = arith.muli %arg1, %mul3A_665 : i32
      %mul3A_667 = arith.constant 632 : i32
      %mul3A_668 = arith.muli %arg1, %mul3A_667 : i32
      "tpu.region"() ({
        %run_scoped3A = tpu.sem_alloc : memref<!tpu.dma_semaphore, #tpu.memory_space<semaphore_mem>>
        %dma_start3A_753 = arith.constant 0 : i32
        %dma_start3A_754 = tpu.memref_slice %arg6[%mul3A_668, %dma_start3A_753] : memref<10112x128xf32, #tpu.memory_space<vmem_shared>> -> memref<520x128xf32, #tpu.memory_space<vmem_shared>>
        %dma_start3A_755 = arith.constant 0 : i32
        %dma_start3A_756 = tpu.memref_slice %arg4[%mul3A_666, %dma_start3A_755] : memref<10000x128xf32, #tpu.memory_space<hbm>> -> memref<520x128xf32, #tpu.memory_space<hbm>>
        tpu.enqueue_dma source(%dma_start3A_756 : memref<520x128xf32, #tpu.memory_space<hbm>>) target(%dma_start3A_754 : memref<520x128xf32, #tpu.memory_space<vmem_shared>>) target_semaphore(%run_scoped3A : memref<!tpu.dma_semaphore, #tpu.memory_space<semaphore_mem>>)
        %dma_wait3A_757 = arith.constant 0 : i32
        %dma_wait3A_758 = tpu.memref_slice %arg6[%mul3A_668, %dma_wait3A_757] : memref<10112x128xf32, #tpu.memory_space<vmem_shared>> -> memref<520x128xf32, #tpu.memory_space<vmem_shared>>
        %dma_wait3A_759 = arith.constant 0 : i32
        %dma_wait3A_760 = tpu.memref_slice %arg4[%mul3A_666, %dma_wait3A_759] : memref<10000x128xf32, #tpu.memory_space<hbm>> -> memref<520x128xf32, #tpu.memory_space<hbm>>
        tpu.wait_dma2 semaphore(%run_scoped3A : memref<!tpu.dma_semaphore, #tpu.memory_space<semaphore_mem>>) src(%dma_wait3A_760 : memref<520x128xf32, #tpu.memory_space<hbm>>) dst(%dma_wait3A_758 : memref<520x128xf32, #tpu.memory_space<vmem_shared>>)
        tpu.yield
      }) : () -> ()
      %mul3A_669 = arith.constant 632 : i32
      %mul3A_670 = arith.muli %arg1, %mul3A_669 : i32
      %add3A_671 = arith.constant 520 : i32
      %add3A_672 = arith.addi %mul3A_670, %add3A_671 : i32
      %add3A_673 = arith.constant 0 : i32
      %add3A_674 = arith.addi %add3A_672, %add3A_673 : i32
      "tpu.region"() ({
        %run_scoped3A = tpu.sem_alloc : memref<!tpu.dma_semaphore, #tpu.memory_space<semaphore_mem>>
        %dma_start3A_753 = arith.constant 0 : i32
        %dma_start3A_754 = tpu.memref_slice %arg6[%add3A_674, %dma_start3A_753] : memref<10112x128xf32, #tpu.memory_space<vmem_shared>> -> memref<8x128xf32, #tpu.memory_space<vmem_shared>>
        %dma_start3A_755 = arith.constant 0 : i32
        %dma_start3A_756 = tpu.memref_slice %arg6[%add3A_674, %dma_start3A_755] : memref<10112x128xf32, #tpu.memory_space<vmem_shared>> -> memref<8x128xf32, #tpu.memory_space<vmem_shared>>
        tpu.enqueue_dma source(%arg10 : memref<8x128xf32, #tpu.memory_space<vmem>>) target(%dma_start3A_756 : memref<8x128xf32, #tpu.memory_space<vmem_shared>>) target_semaphore(%run_scoped3A : memref<!tpu.dma_semaphore, #tpu.memory_space<semaphore_mem>>)
        %dma_wait3A_757 = arith.constant 0 : i32
        %dma_wait3A_758 = tpu.memref_slice %arg6[%add3A_674, %dma_wait3A_757] : memref<10112x128xf32, #tpu.memory_space<vmem_shared>> -> memref<8x128xf32, #tpu.memory_space<vmem_shared>>
        %dma_wait3A_759 = arith.constant 0 : i32
        %dma_wait3A_760 = tpu.memref_slice %arg6[%add3A_674, %dma_wait3A_759] : memref<10112x128xf32, #tpu.memory_space<vmem_shared>> -> memref<8x128xf32, #tpu.memory_space<vmem_shared>>
        tpu.wait_dma2 semaphore(%run_scoped3A : memref<!tpu.dma_semaphore, #tpu.memory_space<semaphore_mem>>) src(%arg10 : memref<8x128xf32, #tpu.memory_space<vmem>>) dst(%dma_wait3A_760 : memref<8x128xf32, #tpu.memory_space<vmem_shared>>)
        tpu.yield
      }) : () -> ()
      %mul3A_675 = arith.constant 632 : i32
      %mul3A_676 = arith.muli %arg1, %mul3A_675 : i32
      %add3A_677 = arith.constant 520 : i32
      %add3A_678 = arith.addi %mul3A_676, %add3A_677 : i32
      %add3A_679 = arith.constant 8 : i32
      %add3A_680 = arith.addi %add3A_678, %add3A_679 : i32
      "tpu.region"() ({
        %run_scoped3A = tpu.sem_alloc : memref<!tpu.dma_semaphore, #tpu.memory_space<semaphore_mem>>
        %dma_start3A_753 = arith.constant 0 : i32
        %dma_start3A_754 = tpu.memref_slice %arg6[%add3A_680, %dma_start3A_753] : memref<10112x128xf32, #tpu.memory_space<vmem_shared>> -> memref<8x128xf32, #tpu.memory_space<vmem_shared>>
        %dma_start3A_755 = arith.constant 0 : i32
        %dma_start3A_756 = tpu.memref_slice %arg6[%add3A_680, %dma_start3A_755] : memref<10112x128xf32, #tpu.memory_space<vmem_shared>> -> memref<8x128xf32, #tpu.memory_space<vmem_shared>>
        tpu.enqueue_dma source(%arg10 : memref<8x128xf32, #tpu.memory_space<vmem>>) target(%dma_start3A_756 : memref<8x128xf32, #tpu.memory_space<vmem_shared>>) target_semaphore(%run_scoped3A : memref<!tpu.dma_semaphore, #tpu.memory_space<semaphore_mem>>)
        %dma_wait3A_757 = arith.constant 0 : i32
        %dma_wait3A_758 = tpu.memref_slice %arg6[%add3A_680, %dma_wait3A_757] : memref<10112x128xf32, #tpu.memory_space<vmem_shared>> -> memref<8x128xf32, #tpu.memory_space<vmem_shared>>
        %dma_wait3A_759 = arith.constant 0 : i32
        %dma_wait3A_760 = tpu.memref_slice %arg6[%add3A_680, %dma_wait3A_759] : memref<10112x128xf32, #tpu.memory_space<vmem_shared>> -> memref<8x128xf32, #tpu.memory_space<vmem_shared>>
        tpu.wait_dma2 semaphore(%run_scoped3A : memref<!tpu.dma_semaphore, #tpu.memory_space<semaphore_mem>>) src(%arg10 : memref<8x128xf32, #tpu.memory_space<vmem>>) dst(%dma_wait3A_760 : memref<8x128xf32, #tpu.memory_space<vmem_shared>>)
        tpu.yield
      }) : () -> ()
      %mul3A_681 = arith.constant 632 : i32
      %mul3A_682 = arith.muli %arg1, %mul3A_681 : i32
      %add3A_683 = arith.constant 520 : i32
      %add3A_684 = arith.addi %mul3A_682, %add3A_683 : i32
      %add3A_685 = arith.constant 16 : i32
      %add3A_686 = arith.addi %add3A_684, %add3A_685 : i32
      "tpu.region"() ({
        %run_scoped3A = tpu.sem_alloc : memref<!tpu.dma_semaphore, #tpu.memory_space<semaphore_mem>>
        %dma_start3A_753 = arith.constant 0 : i32
        %dma_start3A_754 = tpu.memref_slice %arg6[%add3A_686, %dma_start3A_753] : memref<10112x128xf32, #tpu.memory_space<vmem_shared>> -> memref<8x128xf32, #tpu.memory_space<vmem_shared>>
        %dma_start3A_755 = arith.constant 0 : i32
        %dma_start3A_756 = tpu.memref_slice %arg6[%add3A_686, %dma_start3A_755] : memref<10112x128xf32, #tpu.memory_space<vmem_shared>> -> memref<8x128xf32, #tpu.memory_space<vmem_shared>>
        tpu.enqueue_dma source(%arg10 : memref<8x128xf32, #tpu.memory_space<vmem>>) target(%dma_start3A_756 : memref<8x128xf32, #tpu.memory_space<vmem_shared>>) target_semaphore(%run_scoped3A : memref<!tpu.dma_semaphore, #tpu.memory_space<semaphore_mem>>)
        %dma_wait3A_757 = arith.constant 0 : i32
        %dma_wait3A_758 = tpu.memref_slice %arg6[%add3A_686, %dma_wait3A_757] : memref<10112x128xf32, #tpu.memory_space<vmem_shared>> -> memref<8x128xf32, #tpu.memory_space<vmem_shared>>
        %dma_wait3A_759 = arith.constant 0 : i32
        %dma_wait3A_760 = tpu.memref_slice %arg6[%add3A_686, %dma_wait3A_759] : memref<10112x128xf32, #tpu.memory_space<vmem_shared>> -> memref<8x128xf32, #tpu.memory_space<vmem_shared>>
        tpu.wait_dma2 semaphore(%run_scoped3A : memref<!tpu.dma_semaphore, #tpu.memory_space<semaphore_mem>>) src(%arg10 : memref<8x128xf32, #tpu.memory_space<vmem>>) dst(%dma_wait3A_760 : memref<8x128xf32, #tpu.memory_space<vmem_shared>>)
        tpu.yield
      }) : () -> ()
      %mul3A_687 = arith.constant 632 : i32
      %mul3A_688 = arith.muli %arg1, %mul3A_687 : i32
      %add3A_689 = arith.constant 520 : i32
      %add3A_690 = arith.addi %mul3A_688, %add3A_689 : i32
      %add3A_691 = arith.constant 24 : i32
      %add3A_692 = arith.addi %add3A_690, %add3A_691 : i32
      "tpu.region"() ({
        %run_scoped3A = tpu.sem_alloc : memref<!tpu.dma_semaphore, #tpu.memory_space<semaphore_mem>>
        %dma_start3A_753 = arith.constant 0 : i32
        %dma_start3A_754 = tpu.memref_slice %arg6[%add3A_692, %dma_start3A_753] : memref<10112x128xf32, #tpu.memory_space<vmem_shared>> -> memref<8x128xf32, #tpu.memory_space<vmem_shared>>
        %dma_start3A_755 = arith.constant 0 : i32
        %dma_start3A_756 = tpu.memref_slice %arg6[%add3A_692, %dma_start3A_755] : memref<10112x128xf32, #tpu.memory_space<vmem_shared>> -> memref<8x128xf32, #tpu.memory_space<vmem_shared>>
        tpu.enqueue_dma source(%arg10 : memref<8x128xf32, #tpu.memory_space<vmem>>) target(%dma_start3A_756 : memref<8x128xf32, #tpu.memory_space<vmem_shared>>) target_semaphore(%run_scoped3A : memref<!tpu.dma_semaphore, #tpu.memory_space<semaphore_mem>>)
        %dma_wait3A_757 = arith.constant 0 : i32
        %dma_wait3A_758 = tpu.memref_slice %arg6[%add3A_692, %dma_wait3A_757] : memref<10112x128xf32, #tpu.memory_space<vmem_shared>> -> memref<8x128xf32, #tpu.memory_space<vmem_shared>>
        %dma_wait3A_759 = arith.constant 0 : i32
        %dma_wait3A_760 = tpu.memref_slice %arg6[%add3A_692, %dma_wait3A_759] : memref<10112x128xf32, #tpu.memory_space<vmem_shared>> -> memref<8x128xf32, #tpu.memory_space<vmem_shared>>
        tpu.wait_dma2 semaphore(%run_scoped3A : memref<!tpu.dma_semaphore, #tpu.memory_space<semaphore_mem>>) src(%arg10 : memref<8x128xf32, #tpu.memory_space<vmem>>) dst(%dma_wait3A_760 : memref<8x128xf32, #tpu.memory_space<vmem_shared>>)
        tpu.yield
      }) : () -> ()
      %mul3A_693 = arith.constant 632 : i32
      %mul3A_694 = arith.muli %arg1, %mul3A_693 : i32
      %add3A_695 = arith.constant 520 : i32
      %add3A_696 = arith.addi %mul3A_694, %add3A_695 : i32
      %add3A_697 = arith.constant 32 : i32
      %add3A_698 = arith.addi %add3A_696, %add3A_697 : i32
      "tpu.region"() ({
        %run_scoped3A = tpu.sem_alloc : memref<!tpu.dma_semaphore, #tpu.memory_space<semaphore_mem>>
        %dma_start3A_753 = arith.constant 0 : i32
        %dma_start3A_754 = tpu.memref_slice %arg6[%add3A_698, %dma_start3A_753] : memref<10112x128xf32, #tpu.memory_space<vmem_shared>> -> memref<8x128xf32, #tpu.memory_space<vmem_shared>>
        %dma_start3A_755 = arith.constant 0 : i32
        %dma_start3A_756 = tpu.memref_slice %arg6[%add3A_698, %dma_start3A_755] : memref<10112x128xf32, #tpu.memory_space<vmem_shared>> -> memref<8x128xf32, #tpu.memory_space<vmem_shared>>
        tpu.enqueue_dma source(%arg10 : memref<8x128xf32, #tpu.memory_space<vmem>>) target(%dma_start3A_756 : memref<8x128xf32, #tpu.memory_space<vmem_shared>>) target_semaphore(%run_scoped3A : memref<!tpu.dma_semaphore, #tpu.memory_space<semaphore_mem>>)
        %dma_wait3A_757 = arith.constant 0 : i32
        %dma_wait3A_758 = tpu.memref_slice %arg6[%add3A_698, %dma_wait3A_757] : memref<10112x128xf32, #tpu.memory_space<vmem_shared>> -> memref<8x128xf32, #tpu.memory_space<vmem_shared>>
        %dma_wait3A_759 = arith.constant 0 : i32
        %dma_wait3A_760 = tpu.memref_slice %arg6[%add3A_698, %dma_wait3A_759] : memref<10112x128xf32, #tpu.memory_space<vmem_shared>> -> memref<8x128xf32, #tpu.memory_space<vmem_shared>>
        tpu.wait_dma2 semaphore(%run_scoped3A : memref<!tpu.dma_semaphore, #tpu.memory_space<semaphore_mem>>) src(%arg10 : memref<8x128xf32, #tpu.memory_space<vmem>>) dst(%dma_wait3A_760 : memref<8x128xf32, #tpu.memory_space<vmem_shared>>)
        tpu.yield
      }) : () -> ()
      %mul3A_699 = arith.constant 632 : i32
      %mul3A_700 = arith.muli %arg1, %mul3A_699 : i32
      %add3A_701 = arith.constant 520 : i32
      %add3A_702 = arith.addi %mul3A_700, %add3A_701 : i32
      %add3A_703 = arith.constant 40 : i32
      %add3A_704 = arith.addi %add3A_702, %add3A_703 : i32
      "tpu.region"() ({
        %run_scoped3A = tpu.sem_alloc : memref<!tpu.dma_semaphore, #tpu.memory_space<semaphore_mem>>
        %dma_start3A_753 = arith.constant 0 : i32
        %dma_start3A_754 = tpu.memref_slice %arg6[%add3A_704, %dma_start3A_753] : memref<10112x128xf32, #tpu.memory_space<vmem_shared>> -> memref<8x128xf32, #tpu.memory_space<vmem_shared>>
        %dma_start3A_755 = arith.constant 0 : i32
        %dma_start3A_756 = tpu.memref_slice %arg6[%add3A_704, %dma_start3A_755] : memref<10112x128xf32, #tpu.memory_space<vmem_shared>> -> memref<8x128xf32, #tpu.memory_space<vmem_shared>>
        tpu.enqueue_dma source(%arg10 : memref<8x128xf32, #tpu.memory_space<vmem>>) target(%dma_start3A_756 : memref<8x128xf32, #tpu.memory_space<vmem_shared>>) target_semaphore(%run_scoped3A : memref<!tpu.dma_semaphore, #tpu.memory_space<semaphore_mem>>)
        %dma_wait3A_757 = arith.constant 0 : i32
        %dma_wait3A_758 = tpu.memref_slice %arg6[%add3A_704, %dma_wait3A_757] : memref<10112x128xf32, #tpu.memory_space<vmem_shared>> -> memref<8x128xf32, #tpu.memory_space<vmem_shared>>
        %dma_wait3A_759 = arith.constant 0 : i32
        %dma_wait3A_760 = tpu.memref_slice %arg6[%add3A_704, %dma_wait3A_759] : memref<10112x128xf32, #tpu.memory_space<vmem_shared>> -> memref<8x128xf32, #tpu.memory_space<vmem_shared>>
        tpu.wait_dma2 semaphore(%run_scoped3A : memref<!tpu.dma_semaphore, #tpu.memory_space<semaphore_mem>>) src(%arg10 : memref<8x128xf32, #tpu.memory_space<vmem>>) dst(%dma_wait3A_760 : memref<8x128xf32, #tpu.memory_space<vmem_shared>>)
        tpu.yield
      }) : () -> ()
      %mul3A_705 = arith.constant 632 : i32
      %mul3A_706 = arith.muli %arg1, %mul3A_705 : i32
      %add3A_707 = arith.constant 520 : i32
      %add3A_708 = arith.addi %mul3A_706, %add3A_707 : i32
      %add3A_709 = arith.constant 48 : i32
      %add3A_710 = arith.addi %add3A_708, %add3A_709 : i32
      "tpu.region"() ({
        %run_scoped3A = tpu.sem_alloc : memref<!tpu.dma_semaphore, #tpu.memory_space<semaphore_mem>>
        %dma_start3A_753 = arith.constant 0 : i32
        %dma_start3A_754 = tpu.memref_slice %arg6[%add3A_710, %dma_start3A_753] : memref<10112x128xf32, #tpu.memory_space<vmem_shared>> -> memref<8x128xf32, #tpu.memory_space<vmem_shared>>
        %dma_start3A_755 = arith.constant 0 : i32
        %dma_start3A_756 = tpu.memref_slice %arg6[%add3A_710, %dma_start3A_755] : memref<10112x128xf32, #tpu.memory_space<vmem_shared>> -> memref<8x128xf32, #tpu.memory_space<vmem_shared>>
        tpu.enqueue_dma source(%arg10 : memref<8x128xf32, #tpu.memory_space<vmem>>) target(%dma_start3A_756 : memref<8x128xf32, #tpu.memory_space<vmem_shared>>) target_semaphore(%run_scoped3A : memref<!tpu.dma_semaphore, #tpu.memory_space<semaphore_mem>>)
        %dma_wait3A_757 = arith.constant 0 : i32
        %dma_wait3A_758 = tpu.memref_slice %arg6[%add3A_710, %dma_wait3A_757] : memref<10112x128xf32, #tpu.memory_space<vmem_shared>> -> memref<8x128xf32, #tpu.memory_space<vmem_shared>>
        %dma_wait3A_759 = arith.constant 0 : i32
        %dma_wait3A_760 = tpu.memref_slice %arg6[%add3A_710, %dma_wait3A_759] : memref<10112x128xf32, #tpu.memory_space<vmem_shared>> -> memref<8x128xf32, #tpu.memory_space<vmem_shared>>
        tpu.wait_dma2 semaphore(%run_scoped3A : memref<!tpu.dma_semaphore, #tpu.memory_space<semaphore_mem>>) src(%arg10 : memref<8x128xf32, #tpu.memory_space<vmem>>) dst(%dma_wait3A_760 : memref<8x128xf32, #tpu.memory_space<vmem_shared>>)
        tpu.yield
      }) : () -> ()
      %mul3A_711 = arith.constant 632 : i32
      %mul3A_712 = arith.muli %arg1, %mul3A_711 : i32
      %add3A_713 = arith.constant 520 : i32
      %add3A_714 = arith.addi %mul3A_712, %add3A_713 : i32
      %add3A_715 = arith.constant 56 : i32
      %add3A_716 = arith.addi %add3A_714, %add3A_715 : i32
      "tpu.region"() ({
        %run_scoped3A = tpu.sem_alloc : memref<!tpu.dma_semaphore, #tpu.memory_space<semaphore_mem>>
        %dma_start3A_753 = arith.constant 0 : i32
        %dma_start3A_754 = tpu.memref_slice %arg6[%add3A_716, %dma_start3A_753] : memref<10112x128xf32, #tpu.memory_space<vmem_shared>> -> memref<8x128xf32, #tpu.memory_space<vmem_shared>>
        %dma_start3A_755 = arith.constant 0 : i32
        %dma_start3A_756 = tpu.memref_slice %arg6[%add3A_716, %dma_start3A_755] : memref<10112x128xf32, #tpu.memory_space<vmem_shared>> -> memref<8x128xf32, #tpu.memory_space<vmem_shared>>
        tpu.enqueue_dma source(%arg10 : memref<8x128xf32, #tpu.memory_space<vmem>>) target(%dma_start3A_756 : memref<8x128xf32, #tpu.memory_space<vmem_shared>>) target_semaphore(%run_scoped3A : memref<!tpu.dma_semaphore, #tpu.memory_space<semaphore_mem>>)
        %dma_wait3A_757 = arith.constant 0 : i32
        %dma_wait3A_758 = tpu.memref_slice %arg6[%add3A_716, %dma_wait3A_757] : memref<10112x128xf32, #tpu.memory_space<vmem_shared>> -> memref<8x128xf32, #tpu.memory_space<vmem_shared>>
        %dma_wait3A_759 = arith.constant 0 : i32
        %dma_wait3A_760 = tpu.memref_slice %arg6[%add3A_716, %dma_wait3A_759] : memref<10112x128xf32, #tpu.memory_space<vmem_shared>> -> memref<8x128xf32, #tpu.memory_space<vmem_shared>>
        tpu.wait_dma2 semaphore(%run_scoped3A : memref<!tpu.dma_semaphore, #tpu.memory_space<semaphore_mem>>) src(%arg10 : memref<8x128xf32, #tpu.memory_space<vmem>>) dst(%dma_wait3A_760 : memref<8x128xf32, #tpu.memory_space<vmem_shared>>)
        tpu.yield
      }) : () -> ()
      %mul3A_717 = arith.constant 632 : i32
      %mul3A_718 = arith.muli %arg1, %mul3A_717 : i32
      %add3A_719 = arith.constant 520 : i32
      %add3A_720 = arith.addi %mul3A_718, %add3A_719 : i32
      %add3A_721 = arith.constant 64 : i32
      %add3A_722 = arith.addi %add3A_720, %add3A_721 : i32
      "tpu.region"() ({
        %run_scoped3A = tpu.sem_alloc : memref<!tpu.dma_semaphore, #tpu.memory_space<semaphore_mem>>
        %dma_start3A_753 = arith.constant 0 : i32
        %dma_start3A_754 = tpu.memref_slice %arg6[%add3A_722, %dma_start3A_753] : memref<10112x128xf32, #tpu.memory_space<vmem_shared>> -> memref<8x128xf32, #tpu.memory_space<vmem_shared>>
        %dma_start3A_755 = arith.constant 0 : i32
        %dma_start3A_756 = tpu.memref_slice %arg6[%add3A_722, %dma_start3A_755] : memref<10112x128xf32, #tpu.memory_space<vmem_shared>> -> memref<8x128xf32, #tpu.memory_space<vmem_shared>>
        tpu.enqueue_dma source(%arg10 : memref<8x128xf32, #tpu.memory_space<vmem>>) target(%dma_start3A_756 : memref<8x128xf32, #tpu.memory_space<vmem_shared>>) target_semaphore(%run_scoped3A : memref<!tpu.dma_semaphore, #tpu.memory_space<semaphore_mem>>)
        %dma_wait3A_757 = arith.constant 0 : i32
        %dma_wait3A_758 = tpu.memref_slice %arg6[%add3A_722, %dma_wait3A_757] : memref<10112x128xf32, #tpu.memory_space<vmem_shared>> -> memref<8x128xf32, #tpu.memory_space<vmem_shared>>
        %dma_wait3A_759 = arith.constant 0 : i32
        %dma_wait3A_760 = tpu.memref_slice %arg6[%add3A_722, %dma_wait3A_759] : memref<10112x128xf32, #tpu.memory_space<vmem_shared>> -> memref<8x128xf32, #tpu.memory_space<vmem_shared>>
        tpu.wait_dma2 semaphore(%run_scoped3A : memref<!tpu.dma_semaphore, #tpu.memory_space<semaphore_mem>>) src(%arg10 : memref<8x128xf32, #tpu.memory_space<vmem>>) dst(%dma_wait3A_760 : memref<8x128xf32, #tpu.memory_space<vmem_shared>>)
        tpu.yield
      }) : () -> ()
      %mul3A_723 = arith.constant 632 : i32
      %mul3A_724 = arith.muli %arg1, %mul3A_723 : i32
      %add3A_725 = arith.constant 520 : i32
      %add3A_726 = arith.addi %mul3A_724, %add3A_725 : i32
      %add3A_727 = arith.constant 72 : i32
      %add3A_728 = arith.addi %add3A_726, %add3A_727 : i32
      "tpu.region"() ({
        %run_scoped3A = tpu.sem_alloc : memref<!tpu.dma_semaphore, #tpu.memory_space<semaphore_mem>>
        %dma_start3A_753 = arith.constant 0 : i32
        %dma_start3A_754 = tpu.memref_slice %arg6[%add3A_728, %dma_start3A_753] : memref<10112x128xf32, #tpu.memory_space<vmem_shared>> -> memref<8x128xf32, #tpu.memory_space<vmem_shared>>
        %dma_start3A_755 = arith.constant 0 : i32
        %dma_start3A_756 = tpu.memref_slice %arg6[%add3A_728, %dma_start3A_755] : memref<10112x128xf32, #tpu.memory_space<vmem_shared>> -> memref<8x128xf32, #tpu.memory_space<vmem_shared>>
        tpu.enqueue_dma source(%arg10 : memref<8x128xf32, #tpu.memory_space<vmem>>) target(%dma_start3A_756 : memref<8x128xf32, #tpu.memory_space<vmem_shared>>) target_semaphore(%run_scoped3A : memref<!tpu.dma_semaphore, #tpu.memory_space<semaphore_mem>>)
        %dma_wait3A_757 = arith.constant 0 : i32
        %dma_wait3A_758 = tpu.memref_slice %arg6[%add3A_728, %dma_wait3A_757] : memref<10112x128xf32, #tpu.memory_space<vmem_shared>> -> memref<8x128xf32, #tpu.memory_space<vmem_shared>>
        %dma_wait3A_759 = arith.constant 0 : i32
        %dma_wait3A_760 = tpu.memref_slice %arg6[%add3A_728, %dma_wait3A_759] : memref<10112x128xf32, #tpu.memory_space<vmem_shared>> -> memref<8x128xf32, #tpu.memory_space<vmem_shared>>
        tpu.wait_dma2 semaphore(%run_scoped3A : memref<!tpu.dma_semaphore, #tpu.memory_space<semaphore_mem>>) src(%arg10 : memref<8x128xf32, #tpu.memory_space<vmem>>) dst(%dma_wait3A_760 : memref<8x128xf32, #tpu.memory_space<vmem_shared>>)
        tpu.yield
      }) : () -> ()
      %mul3A_729 = arith.constant 632 : i32
      %mul3A_730 = arith.muli %arg1, %mul3A_729 : i32
      %add3A_731 = arith.constant 520 : i32
      %add3A_732 = arith.addi %mul3A_730, %add3A_731 : i32
      %add3A_733 = arith.constant 80 : i32
      %add3A_734 = arith.addi %add3A_732, %add3A_733 : i32
      "tpu.region"() ({
        %run_scoped3A = tpu.sem_alloc : memref<!tpu.dma_semaphore, #tpu.memory_space<semaphore_mem>>
        %dma_start3A_753 = arith.constant 0 : i32
        %dma_start3A_754 = tpu.memref_slice %arg6[%add3A_734, %dma_start3A_753] : memref<10112x128xf32, #tpu.memory_space<vmem_shared>> -> memref<8x128xf32, #tpu.memory_space<vmem_shared>>
        %dma_start3A_755 = arith.constant 0 : i32
        %dma_start3A_756 = tpu.memref_slice %arg6[%add3A_734, %dma_start3A_755] : memref<10112x128xf32, #tpu.memory_space<vmem_shared>> -> memref<8x128xf32, #tpu.memory_space<vmem_shared>>
        tpu.enqueue_dma source(%arg10 : memref<8x128xf32, #tpu.memory_space<vmem>>) target(%dma_start3A_756 : memref<8x128xf32, #tpu.memory_space<vmem_shared>>) target_semaphore(%run_scoped3A : memref<!tpu.dma_semaphore, #tpu.memory_space<semaphore_mem>>)
        %dma_wait3A_757 = arith.constant 0 : i32
        %dma_wait3A_758 = tpu.memref_slice %arg6[%add3A_734, %dma_wait3A_757] : memref<10112x128xf32, #tpu.memory_space<vmem_shared>> -> memref<8x128xf32, #tpu.memory_space<vmem_shared>>
        %dma_wait3A_759 = arith.constant 0 : i32
        %dma_wait3A_760 = tpu.memref_slice %arg6[%add3A_734, %dma_wait3A_759] : memref<10112x128xf32, #tpu.memory_space<vmem_shared>> -> memref<8x128xf32, #tpu.memory_space<vmem_shared>>
        tpu.wait_dma2 semaphore(%run_scoped3A : memref<!tpu.dma_semaphore, #tpu.memory_space<semaphore_mem>>) src(%arg10 : memref<8x128xf32, #tpu.memory_space<vmem>>) dst(%dma_wait3A_760 : memref<8x128xf32, #tpu.memory_space<vmem_shared>>)
        tpu.yield
      }) : () -> ()
      %mul3A_735 = arith.constant 632 : i32
      %mul3A_736 = arith.muli %arg1, %mul3A_735 : i32
      %add3A_737 = arith.constant 520 : i32
      %add3A_738 = arith.addi %mul3A_736, %add3A_737 : i32
      %add3A_739 = arith.constant 88 : i32
      %add3A_740 = arith.addi %add3A_738, %add3A_739 : i32
      "tpu.region"() ({
        %run_scoped3A = tpu.sem_alloc : memref<!tpu.dma_semaphore, #tpu.memory_space<semaphore_mem>>
        %dma_start3A_753 = arith.constant 0 : i32
        %dma_start3A_754 = tpu.memref_slice %arg6[%add3A_740, %dma_start3A_753] : memref<10112x128xf32, #tpu.memory_space<vmem_shared>> -> memref<8x128xf32, #tpu.memory_space<vmem_shared>>
        %dma_start3A_755 = arith.constant 0 : i32
        %dma_start3A_756 = tpu.memref_slice %arg6[%add3A_740, %dma_start3A_755] : memref<10112x128xf32, #tpu.memory_space<vmem_shared>> -> memref<8x128xf32, #tpu.memory_space<vmem_shared>>
        tpu.enqueue_dma source(%arg10 : memref<8x128xf32, #tpu.memory_space<vmem>>) target(%dma_start3A_756 : memref<8x128xf32, #tpu.memory_space<vmem_shared>>) target_semaphore(%run_scoped3A : memref<!tpu.dma_semaphore, #tpu.memory_space<semaphore_mem>>)
        %dma_wait3A_757 = arith.constant 0 : i32
        %dma_wait3A_758 = tpu.memref_slice %arg6[%add3A_740, %dma_wait3A_757] : memref<10112x128xf32, #tpu.memory_space<vmem_shared>> -> memref<8x128xf32, #tpu.memory_space<vmem_shared>>
        %dma_wait3A_759 = arith.constant 0 : i32
        %dma_wait3A_760 = tpu.memref_slice %arg6[%add3A_740, %dma_wait3A_759] : memref<10112x128xf32, #tpu.memory_space<vmem_shared>> -> memref<8x128xf32, #tpu.memory_space<vmem_shared>>
        tpu.wait_dma2 semaphore(%run_scoped3A : memref<!tpu.dma_semaphore, #tpu.memory_space<semaphore_mem>>) src(%arg10 : memref<8x128xf32, #tpu.memory_space<vmem>>) dst(%dma_wait3A_760 : memref<8x128xf32, #tpu.memory_space<vmem_shared>>)
        tpu.yield
      }) : () -> ()
      %mul3A_741 = arith.constant 632 : i32
      %mul3A_742 = arith.muli %arg1, %mul3A_741 : i32
      %add3A_743 = arith.constant 520 : i32
      %add3A_744 = arith.addi %mul3A_742, %add3A_743 : i32
      %add3A_745 = arith.constant 96 : i32
      %add3A_746 = arith.addi %add3A_744, %add3A_745 : i32
      "tpu.region"() ({
        %run_scoped3A = tpu.sem_alloc : memref<!tpu.dma_semaphore, #tpu.memory_space<semaphore_mem>>
        %dma_start3A_753 = arith.constant 0 : i32
        %dma_start3A_754 = tpu.memref_slice %arg6[%add3A_746, %dma_start3A_753] : memref<10112x128xf32, #tpu.memory_space<vmem_shared>> -> memref<8x128xf32, #tpu.memory_space<vmem_shared>>
        %dma_start3A_755 = arith.constant 0 : i32
        %dma_start3A_756 = tpu.memref_slice %arg6[%add3A_746, %dma_start3A_755] : memref<10112x128xf32, #tpu.memory_space<vmem_shared>> -> memref<8x128xf32, #tpu.memory_space<vmem_shared>>
        tpu.enqueue_dma source(%arg10 : memref<8x128xf32, #tpu.memory_space<vmem>>) target(%dma_start3A_756 : memref<8x128xf32, #tpu.memory_space<vmem_shared>>) target_semaphore(%run_scoped3A : memref<!tpu.dma_semaphore, #tpu.memory_space<semaphore_mem>>)
        %dma_wait3A_757 = arith.constant 0 : i32
        %dma_wait3A_758 = tpu.memref_slice %arg6[%add3A_746, %dma_wait3A_757] : memref<10112x128xf32, #tpu.memory_space<vmem_shared>> -> memref<8x128xf32, #tpu.memory_space<vmem_shared>>
        %dma_wait3A_759 = arith.constant 0 : i32
        %dma_wait3A_760 = tpu.memref_slice %arg6[%add3A_746, %dma_wait3A_759] : memref<10112x128xf32, #tpu.memory_space<vmem_shared>> -> memref<8x128xf32, #tpu.memory_space<vmem_shared>>
        tpu.wait_dma2 semaphore(%run_scoped3A : memref<!tpu.dma_semaphore, #tpu.memory_space<semaphore_mem>>) src(%arg10 : memref<8x128xf32, #tpu.memory_space<vmem>>) dst(%dma_wait3A_760 : memref<8x128xf32, #tpu.memory_space<vmem_shared>>)
        tpu.yield
      }) : () -> ()
      %mul3A_747 = arith.constant 632 : i32
      %mul3A_748 = arith.muli %arg1, %mul3A_747 : i32
      %add3A_749 = arith.constant 520 : i32
      %add3A_750 = arith.addi %mul3A_748, %add3A_749 : i32
      %add3A_751 = arith.constant 104 : i32
      %add3A_752 = arith.addi %add3A_750, %add3A_751 : i32
      "tpu.region"() ({
        %run_scoped3A = tpu.sem_alloc : memref<!tpu.dma_semaphore, #tpu.memory_space<semaphore_mem>>
        %dma_start3A_753 = arith.constant 0 : i32
        %dma_start3A_754 = tpu.memref_slice %arg6[%add3A_752, %dma_start3A_753] : memref<10112x128xf32, #tpu.memory_space<vmem_shared>> -> memref<8x128xf32, #tpu.memory_space<vmem_shared>>
        %dma_start3A_755 = arith.constant 0 : i32
        %dma_start3A_756 = tpu.memref_slice %arg6[%add3A_752, %dma_start3A_755] : memref<10112x128xf32, #tpu.memory_space<vmem_shared>> -> memref<8x128xf32, #tpu.memory_space<vmem_shared>>
        tpu.enqueue_dma source(%arg10 : memref<8x128xf32, #tpu.memory_space<vmem>>) target(%dma_start3A_756 : memref<8x128xf32, #tpu.memory_space<vmem_shared>>) target_semaphore(%run_scoped3A : memref<!tpu.dma_semaphore, #tpu.memory_space<semaphore_mem>>)
        %dma_wait3A_757 = arith.constant 0 : i32
        %dma_wait3A_758 = tpu.memref_slice %arg6[%add3A_752, %dma_wait3A_757] : memref<10112x128xf32, #tpu.memory_space<vmem_shared>> -> memref<8x128xf32, #tpu.memory_space<vmem_shared>>
        %dma_wait3A_759 = arith.constant 0 : i32
        %dma_wait3A_760 = tpu.memref_slice %arg6[%add3A_752, %dma_wait3A_759] : memref<10112x128xf32, #tpu.memory_space<vmem_shared>> -> memref<8x128xf32, #tpu.memory_space<vmem_shared>>
        tpu.wait_dma2 semaphore(%run_scoped3A : memref<!tpu.dma_semaphore, #tpu.memory_space<semaphore_mem>>) src(%arg10 : memref<8x128xf32, #tpu.memory_space<vmem>>) dst(%dma_wait3A_760 : memref<8x128xf32, #tpu.memory_space<vmem_shared>>)
        tpu.yield
      }) : () -> ()
    } else {
    }
    %ne3A = arith.constant 0 : i32
    %ne3A_553 = arith.cmpi ne, %arg0, %ne3A : i32
    %convert_element_type3A_554 = arith.extui %ne3A_553 : i1 to i32
    %cond3A_555 = arith.constant 0 : i32
    %cond3A_556 = arith.cmpi ne, %convert_element_type3A_554, %cond3A_555 : i32
    scf.if %cond3A_556 {
      %mul3A_665 = arith.constant 632 : i32
      %mul3A_666 = arith.muli %arg1, %mul3A_665 : i32
      %add3A_667 = arith.constant 0 : i32
      %add3A_668 = arith.addi %mul3A_666, %add3A_667 : i32
      "tpu.region"() ({
        %run_scoped3A = tpu.sem_alloc : memref<!tpu.dma_semaphore, #tpu.memory_space<semaphore_mem>>
        %dma_start3A_981 = arith.constant 0 : i32
        %dma_start3A_982 = tpu.memref_slice %arg6[%add3A_668, %dma_start3A_981] : memref<10112x128xf32, #tpu.memory_space<vmem_shared>> -> memref<8x128xf32, #tpu.memory_space<vmem_shared>>
        %dma_start3A_983 = arith.constant 0 : i32
        %dma_start3A_984 = tpu.memref_slice %arg6[%add3A_668, %dma_start3A_983] : memref<10112x128xf32, #tpu.memory_space<vmem_shared>> -> memref<8x128xf32, #tpu.memory_space<vmem_shared>>
        tpu.enqueue_dma source(%arg10 : memref<8x128xf32, #tpu.memory_space<vmem>>) target(%dma_start3A_984 : memref<8x128xf32, #tpu.memory_space<vmem_shared>>) target_semaphore(%run_scoped3A : memref<!tpu.dma_semaphore, #tpu.memory_space<semaphore_mem>>)
        %dma_wait3A_985 = arith.constant 0 : i32
        %dma_wait3A_986 = tpu.memref_slice %arg6[%add3A_668, %dma_wait3A_985] : memref<10112x128xf32, #tpu.memory_space<vmem_shared>> -> memref<8x128xf32, #tpu.memory_space<vmem_shared>>
        %dma_wait3A_987 = arith.constant 0 : i32
        %dma_wait3A_988 = tpu.memref_slice %arg6[%add3A_668, %dma_wait3A_987] : memref<10112x128xf32, #tpu.memory_space<vmem_shared>> -> memref<8x128xf32, #tpu.memory_space<vmem_shared>>
        tpu.wait_dma2 semaphore(%run_scoped3A : memref<!tpu.dma_semaphore, #tpu.memory_space<semaphore_mem>>) src(%arg10 : memref<8x128xf32, #tpu.memory_space<vmem>>) dst(%dma_wait3A_988 : memref<8x128xf32, #tpu.memory_space<vmem_shared>>)
        tpu.yield
      }) : () -> ()
      %mul3A_669 = arith.constant 632 : i32
      %mul3A_670 = arith.muli %arg1, %mul3A_669 : i32
      %add3A_671 = arith.constant 8 : i32
      %add3A_672 = arith.addi %mul3A_670, %add3A_671 : i32
      "tpu.region"() ({
        %run_scoped3A = tpu.sem_alloc : memref<!tpu.dma_semaphore, #tpu.memory_space<semaphore_mem>>
        %dma_start3A_981 = arith.constant 0 : i32
        %dma_start3A_982 = tpu.memref_slice %arg6[%add3A_672, %dma_start3A_981] : memref<10112x128xf32, #tpu.memory_space<vmem_shared>> -> memref<8x128xf32, #tpu.memory_space<vmem_shared>>
        %dma_start3A_983 = arith.constant 0 : i32
        %dma_start3A_984 = tpu.memref_slice %arg6[%add3A_672, %dma_start3A_983] : memref<10112x128xf32, #tpu.memory_space<vmem_shared>> -> memref<8x128xf32, #tpu.memory_space<vmem_shared>>
        tpu.enqueue_dma source(%arg10 : memref<8x128xf32, #tpu.memory_space<vmem>>) target(%dma_start3A_984 : memref<8x128xf32, #tpu.memory_space<vmem_shared>>) target_semaphore(%run_scoped3A : memref<!tpu.dma_semaphore, #tpu.memory_space<semaphore_mem>>)
        %dma_wait3A_985 = arith.constant 0 : i32
        %dma_wait3A_986 = tpu.memref_slice %arg6[%add3A_672, %dma_wait3A_985] : memref<10112x128xf32, #tpu.memory_space<vmem_shared>> -> memref<8x128xf32, #tpu.memory_space<vmem_shared>>
        %dma_wait3A_987 = arith.constant 0 : i32
        %dma_wait3A_988 = tpu.memref_slice %arg6[%add3A_672, %dma_wait3A_987] : memref<10112x128xf32, #tpu.memory_space<vmem_shared>> -> memref<8x128xf32, #tpu.memory_space<vmem_shared>>
        tpu.wait_dma2 semaphore(%run_scoped3A : memref<!tpu.dma_semaphore, #tpu.memory_space<semaphore_mem>>) src(%arg10 : memref<8x128xf32, #tpu.memory_space<vmem>>) dst(%dma_wait3A_988 : memref<8x128xf32, #tpu.memory_space<vmem_shared>>)
        tpu.yield
      }) : () -> ()
      %mul3A_673 = arith.constant 632 : i32
      %mul3A_674 = arith.muli %arg1, %mul3A_673 : i32
      %add3A_675 = arith.constant 16 : i32
      %add3A_676 = arith.addi %mul3A_674, %add3A_675 : i32
      "tpu.region"() ({
        %run_scoped3A = tpu.sem_alloc : memref<!tpu.dma_semaphore, #tpu.memory_space<semaphore_mem>>
        %dma_start3A_981 = arith.constant 0 : i32
        %dma_start3A_982 = tpu.memref_slice %arg6[%add3A_676, %dma_start3A_981] : memref<10112x128xf32, #tpu.memory_space<vmem_shared>> -> memref<8x128xf32, #tpu.memory_space<vmem_shared>>
        %dma_start3A_983 = arith.constant 0 : i32
        %dma_start3A_984 = tpu.memref_slice %arg6[%add3A_676, %dma_start3A_983] : memref<10112x128xf32, #tpu.memory_space<vmem_shared>> -> memref<8x128xf32, #tpu.memory_space<vmem_shared>>
        tpu.enqueue_dma source(%arg10 : memref<8x128xf32, #tpu.memory_space<vmem>>) target(%dma_start3A_984 : memref<8x128xf32, #tpu.memory_space<vmem_shared>>) target_semaphore(%run_scoped3A : memref<!tpu.dma_semaphore, #tpu.memory_space<semaphore_mem>>)
        %dma_wait3A_985 = arith.constant 0 : i32
        %dma_wait3A_986 = tpu.memref_slice %arg6[%add3A_676, %dma_wait3A_985] : memref<10112x128xf32, #tpu.memory_space<vmem_shared>> -> memref<8x128xf32, #tpu.memory_space<vmem_shared>>
        %dma_wait3A_987 = arith.constant 0 : i32
        %dma_wait3A_988 = tpu.memref_slice %arg6[%add3A_676, %dma_wait3A_987] : memref<10112x128xf32, #tpu.memory_space<vmem_shared>> -> memref<8x128xf32, #tpu.memory_space<vmem_shared>>
        tpu.wait_dma2 semaphore(%run_scoped3A : memref<!tpu.dma_semaphore, #tpu.memory_space<semaphore_mem>>) src(%arg10 : memref<8x128xf32, #tpu.memory_space<vmem>>) dst(%dma_wait3A_988 : memref<8x128xf32, #tpu.memory_space<vmem_shared>>)
        tpu.yield
      }) : () -> ()
      %mul3A_677 = arith.constant 632 : i32
      %mul3A_678 = arith.muli %arg1, %mul3A_677 : i32
      %add3A_679 = arith.constant 24 : i32
      %add3A_680 = arith.addi %mul3A_678, %add3A_679 : i32
      "tpu.region"() ({
        %run_scoped3A = tpu.sem_alloc : memref<!tpu.dma_semaphore, #tpu.memory_space<semaphore_mem>>
        %dma_start3A_981 = arith.constant 0 : i32
        %dma_start3A_982 = tpu.memref_slice %arg6[%add3A_680, %dma_start3A_981] : memref<10112x128xf32, #tpu.memory_space<vmem_shared>> -> memref<8x128xf32, #tpu.memory_space<vmem_shared>>
        %dma_start3A_983 = arith.constant 0 : i32
        %dma_start3A_984 = tpu.memref_slice %arg6[%add3A_680, %dma_start3A_983] : memref<10112x128xf32, #tpu.memory_space<vmem_shared>> -> memref<8x128xf32, #tpu.memory_space<vmem_shared>>
        tpu.enqueue_dma source(%arg10 : memref<8x128xf32, #tpu.memory_space<vmem>>) target(%dma_start3A_984 : memref<8x128xf32, #tpu.memory_space<vmem_shared>>) target_semaphore(%run_scoped3A : memref<!tpu.dma_semaphore, #tpu.memory_space<semaphore_mem>>)
        %dma_wait3A_985 = arith.constant 0 : i32
        %dma_wait3A_986 = tpu.memref_slice %arg6[%add3A_680, %dma_wait3A_985] : memref<10112x128xf32, #tpu.memory_space<vmem_shared>> -> memref<8x128xf32, #tpu.memory_space<vmem_shared>>
        %dma_wait3A_987 = arith.constant 0 : i32
        %dma_wait3A_988 = tpu.memref_slice %arg6[%add3A_680, %dma_wait3A_987] : memref<10112x128xf32, #tpu.memory_space<vmem_shared>> -> memref<8x128xf32, #tpu.memory_space<vmem_shared>>
        tpu.wait_dma2 semaphore(%run_scoped3A : memref<!tpu.dma_semaphore, #tpu.memory_space<semaphore_mem>>) src(%arg10 : memref<8x128xf32, #tpu.memory_space<vmem>>) dst(%dma_wait3A_988 : memref<8x128xf32, #tpu.memory_space<vmem_shared>>)
        tpu.yield
      }) : () -> ()
      %mul3A_681 = arith.constant 632 : i32
      %mul3A_682 = arith.muli %arg1, %mul3A_681 : i32
      %add3A_683 = arith.constant 32 : i32
      %add3A_684 = arith.addi %mul3A_682, %add3A_683 : i32
      "tpu.region"() ({
        %run_scoped3A = tpu.sem_alloc : memref<!tpu.dma_semaphore, #tpu.memory_space<semaphore_mem>>
        %dma_start3A_981 = arith.constant 0 : i32
        %dma_start3A_982 = tpu.memref_slice %arg6[%add3A_684, %dma_start3A_981] : memref<10112x128xf32, #tpu.memory_space<vmem_shared>> -> memref<8x128xf32, #tpu.memory_space<vmem_shared>>
        %dma_start3A_983 = arith.constant 0 : i32
        %dma_start3A_984 = tpu.memref_slice %arg6[%add3A_684, %dma_start3A_983] : memref<10112x128xf32, #tpu.memory_space<vmem_shared>> -> memref<8x128xf32, #tpu.memory_space<vmem_shared>>
        tpu.enqueue_dma source(%arg10 : memref<8x128xf32, #tpu.memory_space<vmem>>) target(%dma_start3A_984 : memref<8x128xf32, #tpu.memory_space<vmem_shared>>) target_semaphore(%run_scoped3A : memref<!tpu.dma_semaphore, #tpu.memory_space<semaphore_mem>>)
        %dma_wait3A_985 = arith.constant 0 : i32
        %dma_wait3A_986 = tpu.memref_slice %arg6[%add3A_684, %dma_wait3A_985] : memref<10112x128xf32, #tpu.memory_space<vmem_shared>> -> memref<8x128xf32, #tpu.memory_space<vmem_shared>>
        %dma_wait3A_987 = arith.constant 0 : i32
        %dma_wait3A_988 = tpu.memref_slice %arg6[%add3A_684, %dma_wait3A_987] : memref<10112x128xf32, #tpu.memory_space<vmem_shared>> -> memref<8x128xf32, #tpu.memory_space<vmem_shared>>
        tpu.wait_dma2 semaphore(%run_scoped3A : memref<!tpu.dma_semaphore, #tpu.memory_space<semaphore_mem>>) src(%arg10 : memref<8x128xf32, #tpu.memory_space<vmem>>) dst(%dma_wait3A_988 : memref<8x128xf32, #tpu.memory_space<vmem_shared>>)
        tpu.yield
      }) : () -> ()
      %mul3A_685 = arith.constant 632 : i32
      %mul3A_686 = arith.muli %arg1, %mul3A_685 : i32
      %add3A_687 = arith.constant 40 : i32
      %add3A_688 = arith.addi %mul3A_686, %add3A_687 : i32
      "tpu.region"() ({
        %run_scoped3A = tpu.sem_alloc : memref<!tpu.dma_semaphore, #tpu.memory_space<semaphore_mem>>
        %dma_start3A_981 = arith.constant 0 : i32
        %dma_start3A_982 = tpu.memref_slice %arg6[%add3A_688, %dma_start3A_981] : memref<10112x128xf32, #tpu.memory_space<vmem_shared>> -> memref<8x128xf32, #tpu.memory_space<vmem_shared>>
        %dma_start3A_983 = arith.constant 0 : i32
        %dma_start3A_984 = tpu.memref_slice %arg6[%add3A_688, %dma_start3A_983] : memref<10112x128xf32, #tpu.memory_space<vmem_shared>> -> memref<8x128xf32, #tpu.memory_space<vmem_shared>>
        tpu.enqueue_dma source(%arg10 : memref<8x128xf32, #tpu.memory_space<vmem>>) target(%dma_start3A_984 : memref<8x128xf32, #tpu.memory_space<vmem_shared>>) target_semaphore(%run_scoped3A : memref<!tpu.dma_semaphore, #tpu.memory_space<semaphore_mem>>)
        %dma_wait3A_985 = arith.constant 0 : i32
        %dma_wait3A_986 = tpu.memref_slice %arg6[%add3A_688, %dma_wait3A_985] : memref<10112x128xf32, #tpu.memory_space<vmem_shared>> -> memref<8x128xf32, #tpu.memory_space<vmem_shared>>
        %dma_wait3A_987 = arith.constant 0 : i32
        %dma_wait3A_988 = tpu.memref_slice %arg6[%add3A_688, %dma_wait3A_987] : memref<10112x128xf32, #tpu.memory_space<vmem_shared>> -> memref<8x128xf32, #tpu.memory_space<vmem_shared>>
        tpu.wait_dma2 semaphore(%run_scoped3A : memref<!tpu.dma_semaphore, #tpu.memory_space<semaphore_mem>>) src(%arg10 : memref<8x128xf32, #tpu.memory_space<vmem>>) dst(%dma_wait3A_988 : memref<8x128xf32, #tpu.memory_space<vmem_shared>>)
        tpu.yield
      }) : () -> ()
      %mul3A_689 = arith.constant 632 : i32
      %mul3A_690 = arith.muli %arg1, %mul3A_689 : i32
      %add3A_691 = arith.constant 48 : i32
      %add3A_692 = arith.addi %mul3A_690, %add3A_691 : i32
      "tpu.region"() ({
        %run_scoped3A = tpu.sem_alloc : memref<!tpu.dma_semaphore, #tpu.memory_space<semaphore_mem>>
        %dma_start3A_981 = arith.constant 0 : i32
        %dma_start3A_982 = tpu.memref_slice %arg6[%add3A_692, %dma_start3A_981] : memref<10112x128xf32, #tpu.memory_space<vmem_shared>> -> memref<8x128xf32, #tpu.memory_space<vmem_shared>>
        %dma_start3A_983 = arith.constant 0 : i32
        %dma_start3A_984 = tpu.memref_slice %arg6[%add3A_692, %dma_start3A_983] : memref<10112x128xf32, #tpu.memory_space<vmem_shared>> -> memref<8x128xf32, #tpu.memory_space<vmem_shared>>
        tpu.enqueue_dma source(%arg10 : memref<8x128xf32, #tpu.memory_space<vmem>>) target(%dma_start3A_984 : memref<8x128xf32, #tpu.memory_space<vmem_shared>>) target_semaphore(%run_scoped3A : memref<!tpu.dma_semaphore, #tpu.memory_space<semaphore_mem>>)
        %dma_wait3A_985 = arith.constant 0 : i32
        %dma_wait3A_986 = tpu.memref_slice %arg6[%add3A_692, %dma_wait3A_985] : memref<10112x128xf32, #tpu.memory_space<vmem_shared>> -> memref<8x128xf32, #tpu.memory_space<vmem_shared>>
        %dma_wait3A_987 = arith.constant 0 : i32
        %dma_wait3A_988 = tpu.memref_slice %arg6[%add3A_692, %dma_wait3A_987] : memref<10112x128xf32, #tpu.memory_space<vmem_shared>> -> memref<8x128xf32, #tpu.memory_space<vmem_shared>>
        tpu.wait_dma2 semaphore(%run_scoped3A : memref<!tpu.dma_semaphore, #tpu.memory_space<semaphore_mem>>) src(%arg10 : memref<8x128xf32, #tpu.memory_space<vmem>>) dst(%dma_wait3A_988 : memref<8x128xf32, #tpu.memory_space<vmem_shared>>)
        tpu.yield
      }) : () -> ()
      %mul3A_693 = arith.constant 632 : i32
      %mul3A_694 = arith.muli %arg1, %mul3A_693 : i32
      %add3A_695 = arith.constant 56 : i32
      %add3A_696 = arith.addi %mul3A_694, %add3A_695 : i32
      "tpu.region"() ({
        %run_scoped3A = tpu.sem_alloc : memref<!tpu.dma_semaphore, #tpu.memory_space<semaphore_mem>>
        %dma_start3A_981 = arith.constant 0 : i32
        %dma_start3A_982 = tpu.memref_slice %arg6[%add3A_696, %dma_start3A_981] : memref<10112x128xf32, #tpu.memory_space<vmem_shared>> -> memref<8x128xf32, #tpu.memory_space<vmem_shared>>
        %dma_start3A_983 = arith.constant 0 : i32
        %dma_start3A_984 = tpu.memref_slice %arg6[%add3A_696, %dma_start3A_983] : memref<10112x128xf32, #tpu.memory_space<vmem_shared>> -> memref<8x128xf32, #tpu.memory_space<vmem_shared>>
        tpu.enqueue_dma source(%arg10 : memref<8x128xf32, #tpu.memory_space<vmem>>) target(%dma_start3A_984 : memref<8x128xf32, #tpu.memory_space<vmem_shared>>) target_semaphore(%run_scoped3A : memref<!tpu.dma_semaphore, #tpu.memory_space<semaphore_mem>>)
        %dma_wait3A_985 = arith.constant 0 : i32
        %dma_wait3A_986 = tpu.memref_slice %arg6[%add3A_696, %dma_wait3A_985] : memref<10112x128xf32, #tpu.memory_space<vmem_shared>> -> memref<8x128xf32, #tpu.memory_space<vmem_shared>>
        %dma_wait3A_987 = arith.constant 0 : i32
        %dma_wait3A_988 = tpu.memref_slice %arg6[%add3A_696, %dma_wait3A_987] : memref<10112x128xf32, #tpu.memory_space<vmem_shared>> -> memref<8x128xf32, #tpu.memory_space<vmem_shared>>
        tpu.wait_dma2 semaphore(%run_scoped3A : memref<!tpu.dma_semaphore, #tpu.memory_space<semaphore_mem>>) src(%arg10 : memref<8x128xf32, #tpu.memory_space<vmem>>) dst(%dma_wait3A_988 : memref<8x128xf32, #tpu.memory_space<vmem_shared>>)
        tpu.yield
      }) : () -> ()
      %mul3A_697 = arith.constant 632 : i32
      %mul3A_698 = arith.muli %arg1, %mul3A_697 : i32
      %add3A_699 = arith.constant 64 : i32
      %add3A_700 = arith.addi %mul3A_698, %add3A_699 : i32
      "tpu.region"() ({
        %run_scoped3A = tpu.sem_alloc : memref<!tpu.dma_semaphore, #tpu.memory_space<semaphore_mem>>
        %dma_start3A_981 = arith.constant 0 : i32
        %dma_start3A_982 = tpu.memref_slice %arg6[%add3A_700, %dma_start3A_981] : memref<10112x128xf32, #tpu.memory_space<vmem_shared>> -> memref<8x128xf32, #tpu.memory_space<vmem_shared>>
        %dma_start3A_983 = arith.constant 0 : i32
        %dma_start3A_984 = tpu.memref_slice %arg6[%add3A_700, %dma_start3A_983] : memref<10112x128xf32, #tpu.memory_space<vmem_shared>> -> memref<8x128xf32, #tpu.memory_space<vmem_shared>>
        tpu.enqueue_dma source(%arg10 : memref<8x128xf32, #tpu.memory_space<vmem>>) target(%dma_start3A_984 : memref<8x128xf32, #tpu.memory_space<vmem_shared>>) target_semaphore(%run_scoped3A : memref<!tpu.dma_semaphore, #tpu.memory_space<semaphore_mem>>)
        %dma_wait3A_985 = arith.constant 0 : i32
        %dma_wait3A_986 = tpu.memref_slice %arg6[%add3A_700, %dma_wait3A_985] : memref<10112x128xf32, #tpu.memory_space<vmem_shared>> -> memref<8x128xf32, #tpu.memory_space<vmem_shared>>
        %dma_wait3A_987 = arith.constant 0 : i32
        %dma_wait3A_988 = tpu.memref_slice %arg6[%add3A_700, %dma_wait3A_987] : memref<10112x128xf32, #tpu.memory_space<vmem_shared>> -> memref<8x128xf32, #tpu.memory_space<vmem_shared>>
        tpu.wait_dma2 semaphore(%run_scoped3A : memref<!tpu.dma_semaphore, #tpu.memory_space<semaphore_mem>>) src(%arg10 : memref<8x128xf32, #tpu.memory_space<vmem>>) dst(%dma_wait3A_988 : memref<8x128xf32, #tpu.memory_space<vmem_shared>>)
        tpu.yield
      }) : () -> ()
      %mul3A_701 = arith.constant 632 : i32
      %mul3A_702 = arith.muli %arg1, %mul3A_701 : i32
      %add3A_703 = arith.constant 72 : i32
      %add3A_704 = arith.addi %mul3A_702, %add3A_703 : i32
      "tpu.region"() ({
        %run_scoped3A = tpu.sem_alloc : memref<!tpu.dma_semaphore, #tpu.memory_space<semaphore_mem>>
        %dma_start3A_981 = arith.constant 0 : i32
        %dma_start3A_982 = tpu.memref_slice %arg6[%add3A_704, %dma_start3A_981] : memref<10112x128xf32, #tpu.memory_space<vmem_shared>> -> memref<8x128xf32, #tpu.memory_space<vmem_shared>>
        %dma_start3A_983 = arith.constant 0 : i32
        %dma_start3A_984 = tpu.memref_slice %arg6[%add3A_704, %dma_start3A_983] : memref<10112x128xf32, #tpu.memory_space<vmem_shared>> -> memref<8x128xf32, #tpu.memory_space<vmem_shared>>
        tpu.enqueue_dma source(%arg10 : memref<8x128xf32, #tpu.memory_space<vmem>>) target(%dma_start3A_984 : memref<8x128xf32, #tpu.memory_space<vmem_shared>>) target_semaphore(%run_scoped3A : memref<!tpu.dma_semaphore, #tpu.memory_space<semaphore_mem>>)
        %dma_wait3A_985 = arith.constant 0 : i32
        %dma_wait3A_986 = tpu.memref_slice %arg6[%add3A_704, %dma_wait3A_985] : memref<10112x128xf32, #tpu.memory_space<vmem_shared>> -> memref<8x128xf32, #tpu.memory_space<vmem_shared>>
        %dma_wait3A_987 = arith.constant 0 : i32
        %dma_wait3A_988 = tpu.memref_slice %arg6[%add3A_704, %dma_wait3A_987] : memref<10112x128xf32, #tpu.memory_space<vmem_shared>> -> memref<8x128xf32, #tpu.memory_space<vmem_shared>>
        tpu.wait_dma2 semaphore(%run_scoped3A : memref<!tpu.dma_semaphore, #tpu.memory_space<semaphore_mem>>) src(%arg10 : memref<8x128xf32, #tpu.memory_space<vmem>>) dst(%dma_wait3A_988 : memref<8x128xf32, #tpu.memory_space<vmem_shared>>)
        tpu.yield
      }) : () -> ()
      %mul3A_705 = arith.constant 632 : i32
      %mul3A_706 = arith.muli %arg1, %mul3A_705 : i32
      %add3A_707 = arith.constant 80 : i32
      %add3A_708 = arith.addi %mul3A_706, %add3A_707 : i32
      "tpu.region"() ({
        %run_scoped3A = tpu.sem_alloc : memref<!tpu.dma_semaphore, #tpu.memory_space<semaphore_mem>>
        %dma_start3A_981 = arith.constant 0 : i32
        %dma_start3A_982 = tpu.memref_slice %arg6[%add3A_708, %dma_start3A_981] : memref<10112x128xf32, #tpu.memory_space<vmem_shared>> -> memref<8x128xf32, #tpu.memory_space<vmem_shared>>
        %dma_start3A_983 = arith.constant 0 : i32
        %dma_start3A_984 = tpu.memref_slice %arg6[%add3A_708, %dma_start3A_983] : memref<10112x128xf32, #tpu.memory_space<vmem_shared>> -> memref<8x128xf32, #tpu.memory_space<vmem_shared>>
        tpu.enqueue_dma source(%arg10 : memref<8x128xf32, #tpu.memory_space<vmem>>) target(%dma_start3A_984 : memref<8x128xf32, #tpu.memory_space<vmem_shared>>) target_semaphore(%run_scoped3A : memref<!tpu.dma_semaphore, #tpu.memory_space<semaphore_mem>>)
        %dma_wait3A_985 = arith.constant 0 : i32
        %dma_wait3A_986 = tpu.memref_slice %arg6[%add3A_708, %dma_wait3A_985] : memref<10112x128xf32, #tpu.memory_space<vmem_shared>> -> memref<8x128xf32, #tpu.memory_space<vmem_shared>>
        %dma_wait3A_987 = arith.constant 0 : i32
        %dma_wait3A_988 = tpu.memref_slice %arg6[%add3A_708, %dma_wait3A_987] : memref<10112x128xf32, #tpu.memory_space<vmem_shared>> -> memref<8x128xf32, #tpu.memory_space<vmem_shared>>
        tpu.wait_dma2 semaphore(%run_scoped3A : memref<!tpu.dma_semaphore, #tpu.memory_space<semaphore_mem>>) src(%arg10 : memref<8x128xf32, #tpu.memory_space<vmem>>) dst(%dma_wait3A_988 : memref<8x128xf32, #tpu.memory_space<vmem_shared>>)
        tpu.yield
      }) : () -> ()
      %mul3A_709 = arith.constant 632 : i32
      %mul3A_710 = arith.muli %arg1, %mul3A_709 : i32
      %add3A_711 = arith.constant 88 : i32
      %add3A_712 = arith.addi %mul3A_710, %add3A_711 : i32
      "tpu.region"() ({
        %run_scoped3A = tpu.sem_alloc : memref<!tpu.dma_semaphore, #tpu.memory_space<semaphore_mem>>
        %dma_start3A_981 = arith.constant 0 : i32
        %dma_start3A_982 = tpu.memref_slice %arg6[%add3A_712, %dma_start3A_981] : memref<10112x128xf32, #tpu.memory_space<vmem_shared>> -> memref<8x128xf32, #tpu.memory_space<vmem_shared>>
        %dma_start3A_983 = arith.constant 0 : i32
        %dma_start3A_984 = tpu.memref_slice %arg6[%add3A_712, %dma_start3A_983] : memref<10112x128xf32, #tpu.memory_space<vmem_shared>> -> memref<8x128xf32, #tpu.memory_space<vmem_shared>>
        tpu.enqueue_dma source(%arg10 : memref<8x128xf32, #tpu.memory_space<vmem>>) target(%dma_start3A_984 : memref<8x128xf32, #tpu.memory_space<vmem_shared>>) target_semaphore(%run_scoped3A : memref<!tpu.dma_semaphore, #tpu.memory_space<semaphore_mem>>)
        %dma_wait3A_985 = arith.constant 0 : i32
        %dma_wait3A_986 = tpu.memref_slice %arg6[%add3A_712, %dma_wait3A_985] : memref<10112x128xf32, #tpu.memory_space<vmem_shared>> -> memref<8x128xf32, #tpu.memory_space<vmem_shared>>
        %dma_wait3A_987 = arith.constant 0 : i32
        %dma_wait3A_988 = tpu.memref_slice %arg6[%add3A_712, %dma_wait3A_987] : memref<10112x128xf32, #tpu.memory_space<vmem_shared>> -> memref<8x128xf32, #tpu.memory_space<vmem_shared>>
        tpu.wait_dma2 semaphore(%run_scoped3A : memref<!tpu.dma_semaphore, #tpu.memory_space<semaphore_mem>>) src(%arg10 : memref<8x128xf32, #tpu.memory_space<vmem>>) dst(%dma_wait3A_988 : memref<8x128xf32, #tpu.memory_space<vmem_shared>>)
        tpu.yield
      }) : () -> ()
      %mul3A_713 = arith.constant 632 : i32
      %mul3A_714 = arith.muli %arg1, %mul3A_713 : i32
      %add3A_715 = arith.constant 96 : i32
      %add3A_716 = arith.addi %mul3A_714, %add3A_715 : i32
      "tpu.region"() ({
        %run_scoped3A = tpu.sem_alloc : memref<!tpu.dma_semaphore, #tpu.memory_space<semaphore_mem>>
        %dma_start3A_981 = arith.constant 0 : i32
        %dma_start3A_982 = tpu.memref_slice %arg6[%add3A_716, %dma_start3A_981] : memref<10112x128xf32, #tpu.memory_space<vmem_shared>> -> memref<8x128xf32, #tpu.memory_space<vmem_shared>>
        %dma_start3A_983 = arith.constant 0 : i32
        %dma_start3A_984 = tpu.memref_slice %arg6[%add3A_716, %dma_start3A_983] : memref<10112x128xf32, #tpu.memory_space<vmem_shared>> -> memref<8x128xf32, #tpu.memory_space<vmem_shared>>
        tpu.enqueue_dma source(%arg10 : memref<8x128xf32, #tpu.memory_space<vmem>>) target(%dma_start3A_984 : memref<8x128xf32, #tpu.memory_space<vmem_shared>>) target_semaphore(%run_scoped3A : memref<!tpu.dma_semaphore, #tpu.memory_space<semaphore_mem>>)
        %dma_wait3A_985 = arith.constant 0 : i32
        %dma_wait3A_986 = tpu.memref_slice %arg6[%add3A_716, %dma_wait3A_985] : memref<10112x128xf32, #tpu.memory_space<vmem_shared>> -> memref<8x128xf32, #tpu.memory_space<vmem_shared>>
        %dma_wait3A_987 = arith.constant 0 : i32
        %dma_wait3A_988 = tpu.memref_slice %arg6[%add3A_716, %dma_wait3A_987] : memref<10112x128xf32, #tpu.memory_space<vmem_shared>> -> memref<8x128xf32, #tpu.memory_space<vmem_shared>>
        tpu.wait_dma2 semaphore(%run_scoped3A : memref<!tpu.dma_semaphore, #tpu.memory_space<semaphore_mem>>) src(%arg10 : memref<8x128xf32, #tpu.memory_space<vmem>>) dst(%dma_wait3A_988 : memref<8x128xf32, #tpu.memory_space<vmem_shared>>)
        tpu.yield
      }) : () -> ()
      %mul3A_717 = arith.constant 632 : i32
      %mul3A_718 = arith.muli %arg1, %mul3A_717 : i32
      %add3A_719 = arith.constant 104 : i32
      %add3A_720 = arith.addi %mul3A_718, %add3A_719 : i32
      "tpu.region"() ({
        %run_scoped3A = tpu.sem_alloc : memref<!tpu.dma_semaphore, #tpu.memory_space<semaphore_mem>>
        %dma_start3A_981 = arith.constant 0 : i32
        %dma_start3A_982 = tpu.memref_slice %arg6[%add3A_720, %dma_start3A_981] : memref<10112x128xf32, #tpu.memory_space<vmem_shared>> -> memref<8x128xf32, #tpu.memory_space<vmem_shared>>
        %dma_start3A_983 = arith.constant 0 : i32
        %dma_start3A_984 = tpu.memref_slice %arg6[%add3A_720, %dma_start3A_983] : memref<10112x128xf32, #tpu.memory_space<vmem_shared>> -> memref<8x128xf32, #tpu.memory_space<vmem_shared>>
        tpu.enqueue_dma source(%arg10 : memref<8x128xf32, #tpu.memory_space<vmem>>) target(%dma_start3A_984 : memref<8x128xf32, #tpu.memory_space<vmem_shared>>) target_semaphore(%run_scoped3A : memref<!tpu.dma_semaphore, #tpu.memory_space<semaphore_mem>>)
        %dma_wait3A_985 = arith.constant 0 : i32
        %dma_wait3A_986 = tpu.memref_slice %arg6[%add3A_720, %dma_wait3A_985] : memref<10112x128xf32, #tpu.memory_space<vmem_shared>> -> memref<8x128xf32, #tpu.memory_space<vmem_shared>>
        %dma_wait3A_987 = arith.constant 0 : i32
        %dma_wait3A_988 = tpu.memref_slice %arg6[%add3A_720, %dma_wait3A_987] : memref<10112x128xf32, #tpu.memory_space<vmem_shared>> -> memref<8x128xf32, #tpu.memory_space<vmem_shared>>
        tpu.wait_dma2 semaphore(%run_scoped3A : memref<!tpu.dma_semaphore, #tpu.memory_space<semaphore_mem>>) src(%arg10 : memref<8x128xf32, #tpu.memory_space<vmem>>) dst(%dma_wait3A_988 : memref<8x128xf32, #tpu.memory_space<vmem_shared>>)
        tpu.yield
      }) : () -> ()
      %mul3A_721 = arith.constant 632 : i32
      %mul3A_722 = arith.muli %arg1, %mul3A_721 : i32
      %add3A_723 = arith.constant 112 : i32
      %add3A_724 = arith.addi %mul3A_722, %add3A_723 : i32
      "tpu.region"() ({
        %run_scoped3A = tpu.sem_alloc : memref<!tpu.dma_semaphore, #tpu.memory_space<semaphore_mem>>
        %dma_start3A_981 = arith.constant 0 : i32
        %dma_start3A_982 = tpu.memref_slice %arg6[%add3A_724, %dma_start3A_981] : memref<10112x128xf32, #tpu.memory_space<vmem_shared>> -> memref<8x128xf32, #tpu.memory_space<vmem_shared>>
        %dma_start3A_983 = arith.constant 0 : i32
        %dma_start3A_984 = tpu.memref_slice %arg6[%add3A_724, %dma_start3A_983] : memref<10112x128xf32, #tpu.memory_space<vmem_shared>> -> memref<8x128xf32, #tpu.memory_space<vmem_shared>>
        tpu.enqueue_dma source(%arg10 : memref<8x128xf32, #tpu.memory_space<vmem>>) target(%dma_start3A_984 : memref<8x128xf32, #tpu.memory_space<vmem_shared>>) target_semaphore(%run_scoped3A : memref<!tpu.dma_semaphore, #tpu.memory_space<semaphore_mem>>)
        %dma_wait3A_985 = arith.constant 0 : i32
        %dma_wait3A_986 = tpu.memref_slice %arg6[%add3A_724, %dma_wait3A_985] : memref<10112x128xf32, #tpu.memory_space<vmem_shared>> -> memref<8x128xf32, #tpu.memory_space<vmem_shared>>
        %dma_wait3A_987 = arith.constant 0 : i32
        %dma_wait3A_988 = tpu.memref_slice %arg6[%add3A_724, %dma_wait3A_987] : memref<10112x128xf32, #tpu.memory_space<vmem_shared>> -> memref<8x128xf32, #tpu.memory_space<vmem_shared>>
        tpu.wait_dma2 semaphore(%run_scoped3A : memref<!tpu.dma_semaphore, #tpu.memory_space<semaphore_mem>>) src(%arg10 : memref<8x128xf32, #tpu.memory_space<vmem>>) dst(%dma_wait3A_988 : memref<8x128xf32, #tpu.memory_space<vmem_shared>>)
        tpu.yield
      }) : () -> ()
      %mul3A_725 = arith.constant 632 : i32
      %mul3A_726 = arith.muli %arg1, %mul3A_725 : i32
      %add3A_727 = arith.constant 120 : i32
      %add3A_728 = arith.addi %mul3A_726, %add3A_727 : i32
      "tpu.region"() ({
        %run_scoped3A = tpu.sem_alloc : memref<!tpu.dma_semaphore, #tpu.memory_space<semaphore_mem>>
        %dma_start3A_981 = arith.constant 0 : i32
        %dma_start3A_982 = tpu.memref_slice %arg6[%add3A_728, %dma_start3A_981] : memref<10112x128xf32, #tpu.memory_space<vmem_shared>> -> memref<8x128xf32, #tpu.memory_space<vmem_shared>>
        %dma_start3A_983 = arith.constant 0 : i32
        %dma_start3A_984 = tpu.memref_slice %arg6[%add3A_728, %dma_start3A_983] : memref<10112x128xf32, #tpu.memory_space<vmem_shared>> -> memref<8x128xf32, #tpu.memory_space<vmem_shared>>
        tpu.enqueue_dma source(%arg10 : memref<8x128xf32, #tpu.memory_space<vmem>>) target(%dma_start3A_984 : memref<8x128xf32, #tpu.memory_space<vmem_shared>>) target_semaphore(%run_scoped3A : memref<!tpu.dma_semaphore, #tpu.memory_space<semaphore_mem>>)
        %dma_wait3A_985 = arith.constant 0 : i32
        %dma_wait3A_986 = tpu.memref_slice %arg6[%add3A_728, %dma_wait3A_985] : memref<10112x128xf32, #tpu.memory_space<vmem_shared>> -> memref<8x128xf32, #tpu.memory_space<vmem_shared>>
        %dma_wait3A_987 = arith.constant 0 : i32
        %dma_wait3A_988 = tpu.memref_slice %arg6[%add3A_728, %dma_wait3A_987] : memref<10112x128xf32, #tpu.memory_space<vmem_shared>> -> memref<8x128xf32, #tpu.memory_space<vmem_shared>>
        tpu.wait_dma2 semaphore(%run_scoped3A : memref<!tpu.dma_semaphore, #tpu.memory_space<semaphore_mem>>) src(%arg10 : memref<8x128xf32, #tpu.memory_space<vmem>>) dst(%dma_wait3A_988 : memref<8x128xf32, #tpu.memory_space<vmem_shared>>)
        tpu.yield
      }) : () -> ()
      %mul3A_729 = arith.constant 632 : i32
      %mul3A_730 = arith.muli %arg1, %mul3A_729 : i32
      %add3A_731 = arith.constant 128 : i32
      %add3A_732 = arith.addi %mul3A_730, %add3A_731 : i32
      "tpu.region"() ({
        %run_scoped3A = tpu.sem_alloc : memref<!tpu.dma_semaphore, #tpu.memory_space<semaphore_mem>>
        %dma_start3A_981 = arith.constant 0 : i32
        %dma_start3A_982 = tpu.memref_slice %arg6[%add3A_732, %dma_start3A_981] : memref<10112x128xf32, #tpu.memory_space<vmem_shared>> -> memref<8x128xf32, #tpu.memory_space<vmem_shared>>
        %dma_start3A_983 = arith.constant 0 : i32
        %dma_start3A_984 = tpu.memref_slice %arg6[%add3A_732, %dma_start3A_983] : memref<10112x128xf32, #tpu.memory_space<vmem_shared>> -> memref<8x128xf32, #tpu.memory_space<vmem_shared>>
        tpu.enqueue_dma source(%arg10 : memref<8x128xf32, #tpu.memory_space<vmem>>) target(%dma_start3A_984 : memref<8x128xf32, #tpu.memory_space<vmem_shared>>) target_semaphore(%run_scoped3A : memref<!tpu.dma_semaphore, #tpu.memory_space<semaphore_mem>>)
        %dma_wait3A_985 = arith.constant 0 : i32
        %dma_wait3A_986 = tpu.memref_slice %arg6[%add3A_732, %dma_wait3A_985] : memref<10112x128xf32, #tpu.memory_space<vmem_shared>> -> memref<8x128xf32, #tpu.memory_space<vmem_shared>>
        %dma_wait3A_987 = arith.constant 0 : i32
        %dma_wait3A_988 = tpu.memref_slice %arg6[%add3A_732, %dma_wait3A_987] : memref<10112x128xf32, #tpu.memory_space<vmem_shared>> -> memref<8x128xf32, #tpu.memory_space<vmem_shared>>
        tpu.wait_dma2 semaphore(%run_scoped3A : memref<!tpu.dma_semaphore, #tpu.memory_space<semaphore_mem>>) src(%arg10 : memref<8x128xf32, #tpu.memory_space<vmem>>) dst(%dma_wait3A_988 : memref<8x128xf32, #tpu.memory_space<vmem_shared>>)
        tpu.yield
      }) : () -> ()
      %mul3A_733 = arith.constant 632 : i32
      %mul3A_734 = arith.muli %arg1, %mul3A_733 : i32
      %add3A_735 = arith.constant 136 : i32
      %add3A_736 = arith.addi %mul3A_734, %add3A_735 : i32
      "tpu.region"() ({
        %run_scoped3A = tpu.sem_alloc : memref<!tpu.dma_semaphore, #tpu.memory_space<semaphore_mem>>
        %dma_start3A_981 = arith.constant 0 : i32
        %dma_start3A_982 = tpu.memref_slice %arg6[%add3A_736, %dma_start3A_981] : memref<10112x128xf32, #tpu.memory_space<vmem_shared>> -> memref<8x128xf32, #tpu.memory_space<vmem_shared>>
        %dma_start3A_983 = arith.constant 0 : i32
        %dma_start3A_984 = tpu.memref_slice %arg6[%add3A_736, %dma_start3A_983] : memref<10112x128xf32, #tpu.memory_space<vmem_shared>> -> memref<8x128xf32, #tpu.memory_space<vmem_shared>>
        tpu.enqueue_dma source(%arg10 : memref<8x128xf32, #tpu.memory_space<vmem>>) target(%dma_start3A_984 : memref<8x128xf32, #tpu.memory_space<vmem_shared>>) target_semaphore(%run_scoped3A : memref<!tpu.dma_semaphore, #tpu.memory_space<semaphore_mem>>)
        %dma_wait3A_985 = arith.constant 0 : i32
        %dma_wait3A_986 = tpu.memref_slice %arg6[%add3A_736, %dma_wait3A_985] : memref<10112x128xf32, #tpu.memory_space<vmem_shared>> -> memref<8x128xf32, #tpu.memory_space<vmem_shared>>
        %dma_wait3A_987 = arith.constant 0 : i32
        %dma_wait3A_988 = tpu.memref_slice %arg6[%add3A_736, %dma_wait3A_987] : memref<10112x128xf32, #tpu.memory_space<vmem_shared>> -> memref<8x128xf32, #tpu.memory_space<vmem_shared>>
        tpu.wait_dma2 semaphore(%run_scoped3A : memref<!tpu.dma_semaphore, #tpu.memory_space<semaphore_mem>>) src(%arg10 : memref<8x128xf32, #tpu.memory_space<vmem>>) dst(%dma_wait3A_988 : memref<8x128xf32, #tpu.memory_space<vmem_shared>>)
        tpu.yield
      }) : () -> ()
      %mul3A_737 = arith.constant 632 : i32
      %mul3A_738 = arith.muli %arg1, %mul3A_737 : i32
      %add3A_739 = arith.constant 144 : i32
      %add3A_740 = arith.addi %mul3A_738, %add3A_739 : i32
      "tpu.region"() ({
        %run_scoped3A = tpu.sem_alloc : memref<!tpu.dma_semaphore, #tpu.memory_space<semaphore_mem>>
        %dma_start3A_981 = arith.constant 0 : i32
        %dma_start3A_982 = tpu.memref_slice %arg6[%add3A_740, %dma_start3A_981] : memref<10112x128xf32, #tpu.memory_space<vmem_shared>> -> memref<8x128xf32, #tpu.memory_space<vmem_shared>>
        %dma_start3A_983 = arith.constant 0 : i32
        %dma_start3A_984 = tpu.memref_slice %arg6[%add3A_740, %dma_start3A_983] : memref<10112x128xf32, #tpu.memory_space<vmem_shared>> -> memref<8x128xf32, #tpu.memory_space<vmem_shared>>
        tpu.enqueue_dma source(%arg10 : memref<8x128xf32, #tpu.memory_space<vmem>>) target(%dma_start3A_984 : memref<8x128xf32, #tpu.memory_space<vmem_shared>>) target_semaphore(%run_scoped3A : memref<!tpu.dma_semaphore, #tpu.memory_space<semaphore_mem>>)
        %dma_wait3A_985 = arith.constant 0 : i32
        %dma_wait3A_986 = tpu.memref_slice %arg6[%add3A_740, %dma_wait3A_985] : memref<10112x128xf32, #tpu.memory_space<vmem_shared>> -> memref<8x128xf32, #tpu.memory_space<vmem_shared>>
        %dma_wait3A_987 = arith.constant 0 : i32
        %dma_wait3A_988 = tpu.memref_slice %arg6[%add3A_740, %dma_wait3A_987] : memref<10112x128xf32, #tpu.memory_space<vmem_shared>> -> memref<8x128xf32, #tpu.memory_space<vmem_shared>>
        tpu.wait_dma2 semaphore(%run_scoped3A : memref<!tpu.dma_semaphore, #tpu.memory_space<semaphore_mem>>) src(%arg10 : memref<8x128xf32, #tpu.memory_space<vmem>>) dst(%dma_wait3A_988 : memref<8x128xf32, #tpu.memory_space<vmem_shared>>)
        tpu.yield
      }) : () -> ()
      %mul3A_741 = arith.constant 632 : i32
      %mul3A_742 = arith.muli %arg1, %mul3A_741 : i32
      %add3A_743 = arith.constant 152 : i32
      %add3A_744 = arith.addi %mul3A_742, %add3A_743 : i32
      "tpu.region"() ({
        %run_scoped3A = tpu.sem_alloc : memref<!tpu.dma_semaphore, #tpu.memory_space<semaphore_mem>>
        %dma_start3A_981 = arith.constant 0 : i32
        %dma_start3A_982 = tpu.memref_slice %arg6[%add3A_744, %dma_start3A_981] : memref<10112x128xf32, #tpu.memory_space<vmem_shared>> -> memref<8x128xf32, #tpu.memory_space<vmem_shared>>
        %dma_start3A_983 = arith.constant 0 : i32
        %dma_start3A_984 = tpu.memref_slice %arg6[%add3A_744, %dma_start3A_983] : memref<10112x128xf32, #tpu.memory_space<vmem_shared>> -> memref<8x128xf32, #tpu.memory_space<vmem_shared>>
        tpu.enqueue_dma source(%arg10 : memref<8x128xf32, #tpu.memory_space<vmem>>) target(%dma_start3A_984 : memref<8x128xf32, #tpu.memory_space<vmem_shared>>) target_semaphore(%run_scoped3A : memref<!tpu.dma_semaphore, #tpu.memory_space<semaphore_mem>>)
        %dma_wait3A_985 = arith.constant 0 : i32
        %dma_wait3A_986 = tpu.memref_slice %arg6[%add3A_744, %dma_wait3A_985] : memref<10112x128xf32, #tpu.memory_space<vmem_shared>> -> memref<8x128xf32, #tpu.memory_space<vmem_shared>>
        %dma_wait3A_987 = arith.constant 0 : i32
        %dma_wait3A_988 = tpu.memref_slice %arg6[%add3A_744, %dma_wait3A_987] : memref<10112x128xf32, #tpu.memory_space<vmem_shared>> -> memref<8x128xf32, #tpu.memory_space<vmem_shared>>
        tpu.wait_dma2 semaphore(%run_scoped3A : memref<!tpu.dma_semaphore, #tpu.memory_space<semaphore_mem>>) src(%arg10 : memref<8x128xf32, #tpu.memory_space<vmem>>) dst(%dma_wait3A_988 : memref<8x128xf32, #tpu.memory_space<vmem_shared>>)
        tpu.yield
      }) : () -> ()
      %mul3A_745 = arith.constant 632 : i32
      %mul3A_746 = arith.muli %arg1, %mul3A_745 : i32
      %add3A_747 = arith.constant 160 : i32
      %add3A_748 = arith.addi %mul3A_746, %add3A_747 : i32
      "tpu.region"() ({
        %run_scoped3A = tpu.sem_alloc : memref<!tpu.dma_semaphore, #tpu.memory_space<semaphore_mem>>
        %dma_start3A_981 = arith.constant 0 : i32
        %dma_start3A_982 = tpu.memref_slice %arg6[%add3A_748, %dma_start3A_981] : memref<10112x128xf32, #tpu.memory_space<vmem_shared>> -> memref<8x128xf32, #tpu.memory_space<vmem_shared>>
        %dma_start3A_983 = arith.constant 0 : i32
        %dma_start3A_984 = tpu.memref_slice %arg6[%add3A_748, %dma_start3A_983] : memref<10112x128xf32, #tpu.memory_space<vmem_shared>> -> memref<8x128xf32, #tpu.memory_space<vmem_shared>>
        tpu.enqueue_dma source(%arg10 : memref<8x128xf32, #tpu.memory_space<vmem>>) target(%dma_start3A_984 : memref<8x128xf32, #tpu.memory_space<vmem_shared>>) target_semaphore(%run_scoped3A : memref<!tpu.dma_semaphore, #tpu.memory_space<semaphore_mem>>)
        %dma_wait3A_985 = arith.constant 0 : i32
        %dma_wait3A_986 = tpu.memref_slice %arg6[%add3A_748, %dma_wait3A_985] : memref<10112x128xf32, #tpu.memory_space<vmem_shared>> -> memref<8x128xf32, #tpu.memory_space<vmem_shared>>
        %dma_wait3A_987 = arith.constant 0 : i32
        %dma_wait3A_988 = tpu.memref_slice %arg6[%add3A_748, %dma_wait3A_987] : memref<10112x128xf32, #tpu.memory_space<vmem_shared>> -> memref<8x128xf32, #tpu.memory_space<vmem_shared>>
        tpu.wait_dma2 semaphore(%run_scoped3A : memref<!tpu.dma_semaphore, #tpu.memory_space<semaphore_mem>>) src(%arg10 : memref<8x128xf32, #tpu.memory_space<vmem>>) dst(%dma_wait3A_988 : memref<8x128xf32, #tpu.memory_space<vmem_shared>>)
        tpu.yield
      }) : () -> ()
      %mul3A_749 = arith.constant 632 : i32
      %mul3A_750 = arith.muli %arg1, %mul3A_749 : i32
      %add3A_751 = arith.constant 168 : i32
      %add3A_752 = arith.addi %mul3A_750, %add3A_751 : i32
      "tpu.region"() ({
        %run_scoped3A = tpu.sem_alloc : memref<!tpu.dma_semaphore, #tpu.memory_space<semaphore_mem>>
        %dma_start3A_981 = arith.constant 0 : i32
        %dma_start3A_982 = tpu.memref_slice %arg6[%add3A_752, %dma_start3A_981] : memref<10112x128xf32, #tpu.memory_space<vmem_shared>> -> memref<8x128xf32, #tpu.memory_space<vmem_shared>>
        %dma_start3A_983 = arith.constant 0 : i32
        %dma_start3A_984 = tpu.memref_slice %arg6[%add3A_752, %dma_start3A_983] : memref<10112x128xf32, #tpu.memory_space<vmem_shared>> -> memref<8x128xf32, #tpu.memory_space<vmem_shared>>
        tpu.enqueue_dma source(%arg10 : memref<8x128xf32, #tpu.memory_space<vmem>>) target(%dma_start3A_984 : memref<8x128xf32, #tpu.memory_space<vmem_shared>>) target_semaphore(%run_scoped3A : memref<!tpu.dma_semaphore, #tpu.memory_space<semaphore_mem>>)
        %dma_wait3A_985 = arith.constant 0 : i32
        %dma_wait3A_986 = tpu.memref_slice %arg6[%add3A_752, %dma_wait3A_985] : memref<10112x128xf32, #tpu.memory_space<vmem_shared>> -> memref<8x128xf32, #tpu.memory_space<vmem_shared>>
        %dma_wait3A_987 = arith.constant 0 : i32
        %dma_wait3A_988 = tpu.memref_slice %arg6[%add3A_752, %dma_wait3A_987] : memref<10112x128xf32, #tpu.memory_space<vmem_shared>> -> memref<8x128xf32, #tpu.memory_space<vmem_shared>>
        tpu.wait_dma2 semaphore(%run_scoped3A : memref<!tpu.dma_semaphore, #tpu.memory_space<semaphore_mem>>) src(%arg10 : memref<8x128xf32, #tpu.memory_space<vmem>>) dst(%dma_wait3A_988 : memref<8x128xf32, #tpu.memory_space<vmem_shared>>)
        tpu.yield
      }) : () -> ()
      %mul3A_753 = arith.constant 632 : i32
      %mul3A_754 = arith.muli %arg1, %mul3A_753 : i32
      %add3A_755 = arith.constant 176 : i32
      %add3A_756 = arith.addi %mul3A_754, %add3A_755 : i32
      "tpu.region"() ({
        %run_scoped3A = tpu.sem_alloc : memref<!tpu.dma_semaphore, #tpu.memory_space<semaphore_mem>>
        %dma_start3A_981 = arith.constant 0 : i32
        %dma_start3A_982 = tpu.memref_slice %arg6[%add3A_756, %dma_start3A_981] : memref<10112x128xf32, #tpu.memory_space<vmem_shared>> -> memref<8x128xf32, #tpu.memory_space<vmem_shared>>
        %dma_start3A_983 = arith.constant 0 : i32
        %dma_start3A_984 = tpu.memref_slice %arg6[%add3A_756, %dma_start3A_983] : memref<10112x128xf32, #tpu.memory_space<vmem_shared>> -> memref<8x128xf32, #tpu.memory_space<vmem_shared>>
        tpu.enqueue_dma source(%arg10 : memref<8x128xf32, #tpu.memory_space<vmem>>) target(%dma_start3A_984 : memref<8x128xf32, #tpu.memory_space<vmem_shared>>) target_semaphore(%run_scoped3A : memref<!tpu.dma_semaphore, #tpu.memory_space<semaphore_mem>>)
        %dma_wait3A_985 = arith.constant 0 : i32
        %dma_wait3A_986 = tpu.memref_slice %arg6[%add3A_756, %dma_wait3A_985] : memref<10112x128xf32, #tpu.memory_space<vmem_shared>> -> memref<8x128xf32, #tpu.memory_space<vmem_shared>>
        %dma_wait3A_987 = arith.constant 0 : i32
        %dma_wait3A_988 = tpu.memref_slice %arg6[%add3A_756, %dma_wait3A_987] : memref<10112x128xf32, #tpu.memory_space<vmem_shared>> -> memref<8x128xf32, #tpu.memory_space<vmem_shared>>
        tpu.wait_dma2 semaphore(%run_scoped3A : memref<!tpu.dma_semaphore, #tpu.memory_space<semaphore_mem>>) src(%arg10 : memref<8x128xf32, #tpu.memory_space<vmem>>) dst(%dma_wait3A_988 : memref<8x128xf32, #tpu.memory_space<vmem_shared>>)
        tpu.yield
      }) : () -> ()
      %mul3A_757 = arith.constant 632 : i32
      %mul3A_758 = arith.muli %arg1, %mul3A_757 : i32
      %add3A_759 = arith.constant 184 : i32
      %add3A_760 = arith.addi %mul3A_758, %add3A_759 : i32
      "tpu.region"() ({
        %run_scoped3A = tpu.sem_alloc : memref<!tpu.dma_semaphore, #tpu.memory_space<semaphore_mem>>
        %dma_start3A_981 = arith.constant 0 : i32
        %dma_start3A_982 = tpu.memref_slice %arg6[%add3A_760, %dma_start3A_981] : memref<10112x128xf32, #tpu.memory_space<vmem_shared>> -> memref<8x128xf32, #tpu.memory_space<vmem_shared>>
        %dma_start3A_983 = arith.constant 0 : i32
        %dma_start3A_984 = tpu.memref_slice %arg6[%add3A_760, %dma_start3A_983] : memref<10112x128xf32, #tpu.memory_space<vmem_shared>> -> memref<8x128xf32, #tpu.memory_space<vmem_shared>>
        tpu.enqueue_dma source(%arg10 : memref<8x128xf32, #tpu.memory_space<vmem>>) target(%dma_start3A_984 : memref<8x128xf32, #tpu.memory_space<vmem_shared>>) target_semaphore(%run_scoped3A : memref<!tpu.dma_semaphore, #tpu.memory_space<semaphore_mem>>)
        %dma_wait3A_985 = arith.constant 0 : i32
        %dma_wait3A_986 = tpu.memref_slice %arg6[%add3A_760, %dma_wait3A_985] : memref<10112x128xf32, #tpu.memory_space<vmem_shared>> -> memref<8x128xf32, #tpu.memory_space<vmem_shared>>
        %dma_wait3A_987 = arith.constant 0 : i32
        %dma_wait3A_988 = tpu.memref_slice %arg6[%add3A_760, %dma_wait3A_987] : memref<10112x128xf32, #tpu.memory_space<vmem_shared>> -> memref<8x128xf32, #tpu.memory_space<vmem_shared>>
        tpu.wait_dma2 semaphore(%run_scoped3A : memref<!tpu.dma_semaphore, #tpu.memory_space<semaphore_mem>>) src(%arg10 : memref<8x128xf32, #tpu.memory_space<vmem>>) dst(%dma_wait3A_988 : memref<8x128xf32, #tpu.memory_space<vmem_shared>>)
        tpu.yield
      }) : () -> ()
      %mul3A_761 = arith.constant 632 : i32
      %mul3A_762 = arith.muli %arg1, %mul3A_761 : i32
      %add3A_763 = arith.constant 192 : i32
      %add3A_764 = arith.addi %mul3A_762, %add3A_763 : i32
      "tpu.region"() ({
        %run_scoped3A = tpu.sem_alloc : memref<!tpu.dma_semaphore, #tpu.memory_space<semaphore_mem>>
        %dma_start3A_981 = arith.constant 0 : i32
        %dma_start3A_982 = tpu.memref_slice %arg6[%add3A_764, %dma_start3A_981] : memref<10112x128xf32, #tpu.memory_space<vmem_shared>> -> memref<8x128xf32, #tpu.memory_space<vmem_shared>>
        %dma_start3A_983 = arith.constant 0 : i32
        %dma_start3A_984 = tpu.memref_slice %arg6[%add3A_764, %dma_start3A_983] : memref<10112x128xf32, #tpu.memory_space<vmem_shared>> -> memref<8x128xf32, #tpu.memory_space<vmem_shared>>
        tpu.enqueue_dma source(%arg10 : memref<8x128xf32, #tpu.memory_space<vmem>>) target(%dma_start3A_984 : memref<8x128xf32, #tpu.memory_space<vmem_shared>>) target_semaphore(%run_scoped3A : memref<!tpu.dma_semaphore, #tpu.memory_space<semaphore_mem>>)
        %dma_wait3A_985 = arith.constant 0 : i32
        %dma_wait3A_986 = tpu.memref_slice %arg6[%add3A_764, %dma_wait3A_985] : memref<10112x128xf32, #tpu.memory_space<vmem_shared>> -> memref<8x128xf32, #tpu.memory_space<vmem_shared>>
        %dma_wait3A_987 = arith.constant 0 : i32
        %dma_wait3A_988 = tpu.memref_slice %arg6[%add3A_764, %dma_wait3A_987] : memref<10112x128xf32, #tpu.memory_space<vmem_shared>> -> memref<8x128xf32, #tpu.memory_space<vmem_shared>>
        tpu.wait_dma2 semaphore(%run_scoped3A : memref<!tpu.dma_semaphore, #tpu.memory_space<semaphore_mem>>) src(%arg10 : memref<8x128xf32, #tpu.memory_space<vmem>>) dst(%dma_wait3A_988 : memref<8x128xf32, #tpu.memory_space<vmem_shared>>)
        tpu.yield
      }) : () -> ()
      %mul3A_765 = arith.constant 632 : i32
      %mul3A_766 = arith.muli %arg1, %mul3A_765 : i32
      %add3A_767 = arith.constant 200 : i32
      %add3A_768 = arith.addi %mul3A_766, %add3A_767 : i32
      "tpu.region"() ({
        %run_scoped3A = tpu.sem_alloc : memref<!tpu.dma_semaphore, #tpu.memory_space<semaphore_mem>>
        %dma_start3A_981 = arith.constant 0 : i32
        %dma_start3A_982 = tpu.memref_slice %arg6[%add3A_768, %dma_start3A_981] : memref<10112x128xf32, #tpu.memory_space<vmem_shared>> -> memref<8x128xf32, #tpu.memory_space<vmem_shared>>
        %dma_start3A_983 = arith.constant 0 : i32
        %dma_start3A_984 = tpu.memref_slice %arg6[%add3A_768, %dma_start3A_983] : memref<10112x128xf32, #tpu.memory_space<vmem_shared>> -> memref<8x128xf32, #tpu.memory_space<vmem_shared>>
        tpu.enqueue_dma source(%arg10 : memref<8x128xf32, #tpu.memory_space<vmem>>) target(%dma_start3A_984 : memref<8x128xf32, #tpu.memory_space<vmem_shared>>) target_semaphore(%run_scoped3A : memref<!tpu.dma_semaphore, #tpu.memory_space<semaphore_mem>>)
        %dma_wait3A_985 = arith.constant 0 : i32
        %dma_wait3A_986 = tpu.memref_slice %arg6[%add3A_768, %dma_wait3A_985] : memref<10112x128xf32, #tpu.memory_space<vmem_shared>> -> memref<8x128xf32, #tpu.memory_space<vmem_shared>>
        %dma_wait3A_987 = arith.constant 0 : i32
        %dma_wait3A_988 = tpu.memref_slice %arg6[%add3A_768, %dma_wait3A_987] : memref<10112x128xf32, #tpu.memory_space<vmem_shared>> -> memref<8x128xf32, #tpu.memory_space<vmem_shared>>
        tpu.wait_dma2 semaphore(%run_scoped3A : memref<!tpu.dma_semaphore, #tpu.memory_space<semaphore_mem>>) src(%arg10 : memref<8x128xf32, #tpu.memory_space<vmem>>) dst(%dma_wait3A_988 : memref<8x128xf32, #tpu.memory_space<vmem_shared>>)
        tpu.yield
      }) : () -> ()
      %mul3A_769 = arith.constant 632 : i32
      %mul3A_770 = arith.muli %arg1, %mul3A_769 : i32
      %add3A_771 = arith.constant 208 : i32
      %add3A_772 = arith.addi %mul3A_770, %add3A_771 : i32
      "tpu.region"() ({
        %run_scoped3A = tpu.sem_alloc : memref<!tpu.dma_semaphore, #tpu.memory_space<semaphore_mem>>
        %dma_start3A_981 = arith.constant 0 : i32
        %dma_start3A_982 = tpu.memref_slice %arg6[%add3A_772, %dma_start3A_981] : memref<10112x128xf32, #tpu.memory_space<vmem_shared>> -> memref<8x128xf32, #tpu.memory_space<vmem_shared>>
        %dma_start3A_983 = arith.constant 0 : i32
        %dma_start3A_984 = tpu.memref_slice %arg6[%add3A_772, %dma_start3A_983] : memref<10112x128xf32, #tpu.memory_space<vmem_shared>> -> memref<8x128xf32, #tpu.memory_space<vmem_shared>>
        tpu.enqueue_dma source(%arg10 : memref<8x128xf32, #tpu.memory_space<vmem>>) target(%dma_start3A_984 : memref<8x128xf32, #tpu.memory_space<vmem_shared>>) target_semaphore(%run_scoped3A : memref<!tpu.dma_semaphore, #tpu.memory_space<semaphore_mem>>)
        %dma_wait3A_985 = arith.constant 0 : i32
        %dma_wait3A_986 = tpu.memref_slice %arg6[%add3A_772, %dma_wait3A_985] : memref<10112x128xf32, #tpu.memory_space<vmem_shared>> -> memref<8x128xf32, #tpu.memory_space<vmem_shared>>
        %dma_wait3A_987 = arith.constant 0 : i32
        %dma_wait3A_988 = tpu.memref_slice %arg6[%add3A_772, %dma_wait3A_987] : memref<10112x128xf32, #tpu.memory_space<vmem_shared>> -> memref<8x128xf32, #tpu.memory_space<vmem_shared>>
        tpu.wait_dma2 semaphore(%run_scoped3A : memref<!tpu.dma_semaphore, #tpu.memory_space<semaphore_mem>>) src(%arg10 : memref<8x128xf32, #tpu.memory_space<vmem>>) dst(%dma_wait3A_988 : memref<8x128xf32, #tpu.memory_space<vmem_shared>>)
        tpu.yield
      }) : () -> ()
      %mul3A_773 = arith.constant 632 : i32
      %mul3A_774 = arith.muli %arg1, %mul3A_773 : i32
      %add3A_775 = arith.constant 216 : i32
      %add3A_776 = arith.addi %mul3A_774, %add3A_775 : i32
      "tpu.region"() ({
        %run_scoped3A = tpu.sem_alloc : memref<!tpu.dma_semaphore, #tpu.memory_space<semaphore_mem>>
        %dma_start3A_981 = arith.constant 0 : i32
        %dma_start3A_982 = tpu.memref_slice %arg6[%add3A_776, %dma_start3A_981] : memref<10112x128xf32, #tpu.memory_space<vmem_shared>> -> memref<8x128xf32, #tpu.memory_space<vmem_shared>>
        %dma_start3A_983 = arith.constant 0 : i32
        %dma_start3A_984 = tpu.memref_slice %arg6[%add3A_776, %dma_start3A_983] : memref<10112x128xf32, #tpu.memory_space<vmem_shared>> -> memref<8x128xf32, #tpu.memory_space<vmem_shared>>
        tpu.enqueue_dma source(%arg10 : memref<8x128xf32, #tpu.memory_space<vmem>>) target(%dma_start3A_984 : memref<8x128xf32, #tpu.memory_space<vmem_shared>>) target_semaphore(%run_scoped3A : memref<!tpu.dma_semaphore, #tpu.memory_space<semaphore_mem>>)
        %dma_wait3A_985 = arith.constant 0 : i32
        %dma_wait3A_986 = tpu.memref_slice %arg6[%add3A_776, %dma_wait3A_985] : memref<10112x128xf32, #tpu.memory_space<vmem_shared>> -> memref<8x128xf32, #tpu.memory_space<vmem_shared>>
        %dma_wait3A_987 = arith.constant 0 : i32
        %dma_wait3A_988 = tpu.memref_slice %arg6[%add3A_776, %dma_wait3A_987] : memref<10112x128xf32, #tpu.memory_space<vmem_shared>> -> memref<8x128xf32, #tpu.memory_space<vmem_shared>>
        tpu.wait_dma2 semaphore(%run_scoped3A : memref<!tpu.dma_semaphore, #tpu.memory_space<semaphore_mem>>) src(%arg10 : memref<8x128xf32, #tpu.memory_space<vmem>>) dst(%dma_wait3A_988 : memref<8x128xf32, #tpu.memory_space<vmem_shared>>)
        tpu.yield
      }) : () -> ()
      %mul3A_777 = arith.constant 632 : i32
      %mul3A_778 = arith.muli %arg1, %mul3A_777 : i32
      %add3A_779 = arith.constant 224 : i32
      %add3A_780 = arith.addi %mul3A_778, %add3A_779 : i32
      "tpu.region"() ({
        %run_scoped3A = tpu.sem_alloc : memref<!tpu.dma_semaphore, #tpu.memory_space<semaphore_mem>>
        %dma_start3A_981 = arith.constant 0 : i32
        %dma_start3A_982 = tpu.memref_slice %arg6[%add3A_780, %dma_start3A_981] : memref<10112x128xf32, #tpu.memory_space<vmem_shared>> -> memref<8x128xf32, #tpu.memory_space<vmem_shared>>
        %dma_start3A_983 = arith.constant 0 : i32
        %dma_start3A_984 = tpu.memref_slice %arg6[%add3A_780, %dma_start3A_983] : memref<10112x128xf32, #tpu.memory_space<vmem_shared>> -> memref<8x128xf32, #tpu.memory_space<vmem_shared>>
        tpu.enqueue_dma source(%arg10 : memref<8x128xf32, #tpu.memory_space<vmem>>) target(%dma_start3A_984 : memref<8x128xf32, #tpu.memory_space<vmem_shared>>) target_semaphore(%run_scoped3A : memref<!tpu.dma_semaphore, #tpu.memory_space<semaphore_mem>>)
        %dma_wait3A_985 = arith.constant 0 : i32
        %dma_wait3A_986 = tpu.memref_slice %arg6[%add3A_780, %dma_wait3A_985] : memref<10112x128xf32, #tpu.memory_space<vmem_shared>> -> memref<8x128xf32, #tpu.memory_space<vmem_shared>>
        %dma_wait3A_987 = arith.constant 0 : i32
        %dma_wait3A_988 = tpu.memref_slice %arg6[%add3A_780, %dma_wait3A_987] : memref<10112x128xf32, #tpu.memory_space<vmem_shared>> -> memref<8x128xf32, #tpu.memory_space<vmem_shared>>
        tpu.wait_dma2 semaphore(%run_scoped3A : memref<!tpu.dma_semaphore, #tpu.memory_space<semaphore_mem>>) src(%arg10 : memref<8x128xf32, #tpu.memory_space<vmem>>) dst(%dma_wait3A_988 : memref<8x128xf32, #tpu.memory_space<vmem_shared>>)
        tpu.yield
      }) : () -> ()
      %mul3A_781 = arith.constant 632 : i32
      %mul3A_782 = arith.muli %arg1, %mul3A_781 : i32
      %add3A_783 = arith.constant 232 : i32
      %add3A_784 = arith.addi %mul3A_782, %add3A_783 : i32
      "tpu.region"() ({
        %run_scoped3A = tpu.sem_alloc : memref<!tpu.dma_semaphore, #tpu.memory_space<semaphore_mem>>
        %dma_start3A_981 = arith.constant 0 : i32
        %dma_start3A_982 = tpu.memref_slice %arg6[%add3A_784, %dma_start3A_981] : memref<10112x128xf32, #tpu.memory_space<vmem_shared>> -> memref<8x128xf32, #tpu.memory_space<vmem_shared>>
        %dma_start3A_983 = arith.constant 0 : i32
        %dma_start3A_984 = tpu.memref_slice %arg6[%add3A_784, %dma_start3A_983] : memref<10112x128xf32, #tpu.memory_space<vmem_shared>> -> memref<8x128xf32, #tpu.memory_space<vmem_shared>>
        tpu.enqueue_dma source(%arg10 : memref<8x128xf32, #tpu.memory_space<vmem>>) target(%dma_start3A_984 : memref<8x128xf32, #tpu.memory_space<vmem_shared>>) target_semaphore(%run_scoped3A : memref<!tpu.dma_semaphore, #tpu.memory_space<semaphore_mem>>)
        %dma_wait3A_985 = arith.constant 0 : i32
        %dma_wait3A_986 = tpu.memref_slice %arg6[%add3A_784, %dma_wait3A_985] : memref<10112x128xf32, #tpu.memory_space<vmem_shared>> -> memref<8x128xf32, #tpu.memory_space<vmem_shared>>
        %dma_wait3A_987 = arith.constant 0 : i32
        %dma_wait3A_988 = tpu.memref_slice %arg6[%add3A_784, %dma_wait3A_987] : memref<10112x128xf32, #tpu.memory_space<vmem_shared>> -> memref<8x128xf32, #tpu.memory_space<vmem_shared>>
        tpu.wait_dma2 semaphore(%run_scoped3A : memref<!tpu.dma_semaphore, #tpu.memory_space<semaphore_mem>>) src(%arg10 : memref<8x128xf32, #tpu.memory_space<vmem>>) dst(%dma_wait3A_988 : memref<8x128xf32, #tpu.memory_space<vmem_shared>>)
        tpu.yield
      }) : () -> ()
      %mul3A_785 = arith.constant 632 : i32
      %mul3A_786 = arith.muli %arg1, %mul3A_785 : i32
      %add3A_787 = arith.constant 240 : i32
      %add3A_788 = arith.addi %mul3A_786, %add3A_787 : i32
      "tpu.region"() ({
        %run_scoped3A = tpu.sem_alloc : memref<!tpu.dma_semaphore, #tpu.memory_space<semaphore_mem>>
        %dma_start3A_981 = arith.constant 0 : i32
        %dma_start3A_982 = tpu.memref_slice %arg6[%add3A_788, %dma_start3A_981] : memref<10112x128xf32, #tpu.memory_space<vmem_shared>> -> memref<8x128xf32, #tpu.memory_space<vmem_shared>>
        %dma_start3A_983 = arith.constant 0 : i32
        %dma_start3A_984 = tpu.memref_slice %arg6[%add3A_788, %dma_start3A_983] : memref<10112x128xf32, #tpu.memory_space<vmem_shared>> -> memref<8x128xf32, #tpu.memory_space<vmem_shared>>
        tpu.enqueue_dma source(%arg10 : memref<8x128xf32, #tpu.memory_space<vmem>>) target(%dma_start3A_984 : memref<8x128xf32, #tpu.memory_space<vmem_shared>>) target_semaphore(%run_scoped3A : memref<!tpu.dma_semaphore, #tpu.memory_space<semaphore_mem>>)
        %dma_wait3A_985 = arith.constant 0 : i32
        %dma_wait3A_986 = tpu.memref_slice %arg6[%add3A_788, %dma_wait3A_985] : memref<10112x128xf32, #tpu.memory_space<vmem_shared>> -> memref<8x128xf32, #tpu.memory_space<vmem_shared>>
        %dma_wait3A_987 = arith.constant 0 : i32
        %dma_wait3A_988 = tpu.memref_slice %arg6[%add3A_788, %dma_wait3A_987] : memref<10112x128xf32, #tpu.memory_space<vmem_shared>> -> memref<8x128xf32, #tpu.memory_space<vmem_shared>>
        tpu.wait_dma2 semaphore(%run_scoped3A : memref<!tpu.dma_semaphore, #tpu.memory_space<semaphore_mem>>) src(%arg10 : memref<8x128xf32, #tpu.memory_space<vmem>>) dst(%dma_wait3A_988 : memref<8x128xf32, #tpu.memory_space<vmem_shared>>)
        tpu.yield
      }) : () -> ()
      %mul3A_789 = arith.constant 632 : i32
      %mul3A_790 = arith.muli %arg1, %mul3A_789 : i32
      %add3A_791 = arith.constant 248 : i32
      %add3A_792 = arith.addi %mul3A_790, %add3A_791 : i32
      "tpu.region"() ({
        %run_scoped3A = tpu.sem_alloc : memref<!tpu.dma_semaphore, #tpu.memory_space<semaphore_mem>>
        %dma_start3A_981 = arith.constant 0 : i32
        %dma_start3A_982 = tpu.memref_slice %arg6[%add3A_792, %dma_start3A_981] : memref<10112x128xf32, #tpu.memory_space<vmem_shared>> -> memref<8x128xf32, #tpu.memory_space<vmem_shared>>
        %dma_start3A_983 = arith.constant 0 : i32
        %dma_start3A_984 = tpu.memref_slice %arg6[%add3A_792, %dma_start3A_983] : memref<10112x128xf32, #tpu.memory_space<vmem_shared>> -> memref<8x128xf32, #tpu.memory_space<vmem_shared>>
        tpu.enqueue_dma source(%arg10 : memref<8x128xf32, #tpu.memory_space<vmem>>) target(%dma_start3A_984 : memref<8x128xf32, #tpu.memory_space<vmem_shared>>) target_semaphore(%run_scoped3A : memref<!tpu.dma_semaphore, #tpu.memory_space<semaphore_mem>>)
        %dma_wait3A_985 = arith.constant 0 : i32
        %dma_wait3A_986 = tpu.memref_slice %arg6[%add3A_792, %dma_wait3A_985] : memref<10112x128xf32, #tpu.memory_space<vmem_shared>> -> memref<8x128xf32, #tpu.memory_space<vmem_shared>>
        %dma_wait3A_987 = arith.constant 0 : i32
        %dma_wait3A_988 = tpu.memref_slice %arg6[%add3A_792, %dma_wait3A_987] : memref<10112x128xf32, #tpu.memory_space<vmem_shared>> -> memref<8x128xf32, #tpu.memory_space<vmem_shared>>
        tpu.wait_dma2 semaphore(%run_scoped3A : memref<!tpu.dma_semaphore, #tpu.memory_space<semaphore_mem>>) src(%arg10 : memref<8x128xf32, #tpu.memory_space<vmem>>) dst(%dma_wait3A_988 : memref<8x128xf32, #tpu.memory_space<vmem_shared>>)
        tpu.yield
      }) : () -> ()
      %mul3A_793 = arith.constant 632 : i32
      %mul3A_794 = arith.muli %arg1, %mul3A_793 : i32
      %add3A_795 = arith.constant 256 : i32
      %add3A_796 = arith.addi %mul3A_794, %add3A_795 : i32
      "tpu.region"() ({
        %run_scoped3A = tpu.sem_alloc : memref<!tpu.dma_semaphore, #tpu.memory_space<semaphore_mem>>
        %dma_start3A_981 = arith.constant 0 : i32
        %dma_start3A_982 = tpu.memref_slice %arg6[%add3A_796, %dma_start3A_981] : memref<10112x128xf32, #tpu.memory_space<vmem_shared>> -> memref<8x128xf32, #tpu.memory_space<vmem_shared>>
        %dma_start3A_983 = arith.constant 0 : i32
        %dma_start3A_984 = tpu.memref_slice %arg6[%add3A_796, %dma_start3A_983] : memref<10112x128xf32, #tpu.memory_space<vmem_shared>> -> memref<8x128xf32, #tpu.memory_space<vmem_shared>>
        tpu.enqueue_dma source(%arg10 : memref<8x128xf32, #tpu.memory_space<vmem>>) target(%dma_start3A_984 : memref<8x128xf32, #tpu.memory_space<vmem_shared>>) target_semaphore(%run_scoped3A : memref<!tpu.dma_semaphore, #tpu.memory_space<semaphore_mem>>)
        %dma_wait3A_985 = arith.constant 0 : i32
        %dma_wait3A_986 = tpu.memref_slice %arg6[%add3A_796, %dma_wait3A_985] : memref<10112x128xf32, #tpu.memory_space<vmem_shared>> -> memref<8x128xf32, #tpu.memory_space<vmem_shared>>
        %dma_wait3A_987 = arith.constant 0 : i32
        %dma_wait3A_988 = tpu.memref_slice %arg6[%add3A_796, %dma_wait3A_987] : memref<10112x128xf32, #tpu.memory_space<vmem_shared>> -> memref<8x128xf32, #tpu.memory_space<vmem_shared>>
        tpu.wait_dma2 semaphore(%run_scoped3A : memref<!tpu.dma_semaphore, #tpu.memory_space<semaphore_mem>>) src(%arg10 : memref<8x128xf32, #tpu.memory_space<vmem>>) dst(%dma_wait3A_988 : memref<8x128xf32, #tpu.memory_space<vmem_shared>>)
        tpu.yield
      }) : () -> ()
      %mul3A_797 = arith.constant 632 : i32
      %mul3A_798 = arith.muli %arg1, %mul3A_797 : i32
      %add3A_799 = arith.constant 264 : i32
      %add3A_800 = arith.addi %mul3A_798, %add3A_799 : i32
      "tpu.region"() ({
        %run_scoped3A = tpu.sem_alloc : memref<!tpu.dma_semaphore, #tpu.memory_space<semaphore_mem>>
        %dma_start3A_981 = arith.constant 0 : i32
        %dma_start3A_982 = tpu.memref_slice %arg6[%add3A_800, %dma_start3A_981] : memref<10112x128xf32, #tpu.memory_space<vmem_shared>> -> memref<8x128xf32, #tpu.memory_space<vmem_shared>>
        %dma_start3A_983 = arith.constant 0 : i32
        %dma_start3A_984 = tpu.memref_slice %arg6[%add3A_800, %dma_start3A_983] : memref<10112x128xf32, #tpu.memory_space<vmem_shared>> -> memref<8x128xf32, #tpu.memory_space<vmem_shared>>
        tpu.enqueue_dma source(%arg10 : memref<8x128xf32, #tpu.memory_space<vmem>>) target(%dma_start3A_984 : memref<8x128xf32, #tpu.memory_space<vmem_shared>>) target_semaphore(%run_scoped3A : memref<!tpu.dma_semaphore, #tpu.memory_space<semaphore_mem>>)
        %dma_wait3A_985 = arith.constant 0 : i32
        %dma_wait3A_986 = tpu.memref_slice %arg6[%add3A_800, %dma_wait3A_985] : memref<10112x128xf32, #tpu.memory_space<vmem_shared>> -> memref<8x128xf32, #tpu.memory_space<vmem_shared>>
        %dma_wait3A_987 = arith.constant 0 : i32
        %dma_wait3A_988 = tpu.memref_slice %arg6[%add3A_800, %dma_wait3A_987] : memref<10112x128xf32, #tpu.memory_space<vmem_shared>> -> memref<8x128xf32, #tpu.memory_space<vmem_shared>>
        tpu.wait_dma2 semaphore(%run_scoped3A : memref<!tpu.dma_semaphore, #tpu.memory_space<semaphore_mem>>) src(%arg10 : memref<8x128xf32, #tpu.memory_space<vmem>>) dst(%dma_wait3A_988 : memref<8x128xf32, #tpu.memory_space<vmem_shared>>)
        tpu.yield
      }) : () -> ()
      %mul3A_801 = arith.constant 632 : i32
      %mul3A_802 = arith.muli %arg1, %mul3A_801 : i32
      %add3A_803 = arith.constant 272 : i32
      %add3A_804 = arith.addi %mul3A_802, %add3A_803 : i32
      "tpu.region"() ({
        %run_scoped3A = tpu.sem_alloc : memref<!tpu.dma_semaphore, #tpu.memory_space<semaphore_mem>>
        %dma_start3A_981 = arith.constant 0 : i32
        %dma_start3A_982 = tpu.memref_slice %arg6[%add3A_804, %dma_start3A_981] : memref<10112x128xf32, #tpu.memory_space<vmem_shared>> -> memref<8x128xf32, #tpu.memory_space<vmem_shared>>
        %dma_start3A_983 = arith.constant 0 : i32
        %dma_start3A_984 = tpu.memref_slice %arg6[%add3A_804, %dma_start3A_983] : memref<10112x128xf32, #tpu.memory_space<vmem_shared>> -> memref<8x128xf32, #tpu.memory_space<vmem_shared>>
        tpu.enqueue_dma source(%arg10 : memref<8x128xf32, #tpu.memory_space<vmem>>) target(%dma_start3A_984 : memref<8x128xf32, #tpu.memory_space<vmem_shared>>) target_semaphore(%run_scoped3A : memref<!tpu.dma_semaphore, #tpu.memory_space<semaphore_mem>>)
        %dma_wait3A_985 = arith.constant 0 : i32
        %dma_wait3A_986 = tpu.memref_slice %arg6[%add3A_804, %dma_wait3A_985] : memref<10112x128xf32, #tpu.memory_space<vmem_shared>> -> memref<8x128xf32, #tpu.memory_space<vmem_shared>>
        %dma_wait3A_987 = arith.constant 0 : i32
        %dma_wait3A_988 = tpu.memref_slice %arg6[%add3A_804, %dma_wait3A_987] : memref<10112x128xf32, #tpu.memory_space<vmem_shared>> -> memref<8x128xf32, #tpu.memory_space<vmem_shared>>
        tpu.wait_dma2 semaphore(%run_scoped3A : memref<!tpu.dma_semaphore, #tpu.memory_space<semaphore_mem>>) src(%arg10 : memref<8x128xf32, #tpu.memory_space<vmem>>) dst(%dma_wait3A_988 : memref<8x128xf32, #tpu.memory_space<vmem_shared>>)
        tpu.yield
      }) : () -> ()
      %mul3A_805 = arith.constant 632 : i32
      %mul3A_806 = arith.muli %arg1, %mul3A_805 : i32
      %add3A_807 = arith.constant 280 : i32
      %add3A_808 = arith.addi %mul3A_806, %add3A_807 : i32
      "tpu.region"() ({
        %run_scoped3A = tpu.sem_alloc : memref<!tpu.dma_semaphore, #tpu.memory_space<semaphore_mem>>
        %dma_start3A_981 = arith.constant 0 : i32
        %dma_start3A_982 = tpu.memref_slice %arg6[%add3A_808, %dma_start3A_981] : memref<10112x128xf32, #tpu.memory_space<vmem_shared>> -> memref<8x128xf32, #tpu.memory_space<vmem_shared>>
        %dma_start3A_983 = arith.constant 0 : i32
        %dma_start3A_984 = tpu.memref_slice %arg6[%add3A_808, %dma_start3A_983] : memref<10112x128xf32, #tpu.memory_space<vmem_shared>> -> memref<8x128xf32, #tpu.memory_space<vmem_shared>>
        tpu.enqueue_dma source(%arg10 : memref<8x128xf32, #tpu.memory_space<vmem>>) target(%dma_start3A_984 : memref<8x128xf32, #tpu.memory_space<vmem_shared>>) target_semaphore(%run_scoped3A : memref<!tpu.dma_semaphore, #tpu.memory_space<semaphore_mem>>)
        %dma_wait3A_985 = arith.constant 0 : i32
        %dma_wait3A_986 = tpu.memref_slice %arg6[%add3A_808, %dma_wait3A_985] : memref<10112x128xf32, #tpu.memory_space<vmem_shared>> -> memref<8x128xf32, #tpu.memory_space<vmem_shared>>
        %dma_wait3A_987 = arith.constant 0 : i32
        %dma_wait3A_988 = tpu.memref_slice %arg6[%add3A_808, %dma_wait3A_987] : memref<10112x128xf32, #tpu.memory_space<vmem_shared>> -> memref<8x128xf32, #tpu.memory_space<vmem_shared>>
        tpu.wait_dma2 semaphore(%run_scoped3A : memref<!tpu.dma_semaphore, #tpu.memory_space<semaphore_mem>>) src(%arg10 : memref<8x128xf32, #tpu.memory_space<vmem>>) dst(%dma_wait3A_988 : memref<8x128xf32, #tpu.memory_space<vmem_shared>>)
        tpu.yield
      }) : () -> ()
      %mul3A_809 = arith.constant 632 : i32
      %mul3A_810 = arith.muli %arg1, %mul3A_809 : i32
      %add3A_811 = arith.constant 288 : i32
      %add3A_812 = arith.addi %mul3A_810, %add3A_811 : i32
      "tpu.region"() ({
        %run_scoped3A = tpu.sem_alloc : memref<!tpu.dma_semaphore, #tpu.memory_space<semaphore_mem>>
        %dma_start3A_981 = arith.constant 0 : i32
        %dma_start3A_982 = tpu.memref_slice %arg6[%add3A_812, %dma_start3A_981] : memref<10112x128xf32, #tpu.memory_space<vmem_shared>> -> memref<8x128xf32, #tpu.memory_space<vmem_shared>>
        %dma_start3A_983 = arith.constant 0 : i32
        %dma_start3A_984 = tpu.memref_slice %arg6[%add3A_812, %dma_start3A_983] : memref<10112x128xf32, #tpu.memory_space<vmem_shared>> -> memref<8x128xf32, #tpu.memory_space<vmem_shared>>
        tpu.enqueue_dma source(%arg10 : memref<8x128xf32, #tpu.memory_space<vmem>>) target(%dma_start3A_984 : memref<8x128xf32, #tpu.memory_space<vmem_shared>>) target_semaphore(%run_scoped3A : memref<!tpu.dma_semaphore, #tpu.memory_space<semaphore_mem>>)
        %dma_wait3A_985 = arith.constant 0 : i32
        %dma_wait3A_986 = tpu.memref_slice %arg6[%add3A_812, %dma_wait3A_985] : memref<10112x128xf32, #tpu.memory_space<vmem_shared>> -> memref<8x128xf32, #tpu.memory_space<vmem_shared>>
        %dma_wait3A_987 = arith.constant 0 : i32
        %dma_wait3A_988 = tpu.memref_slice %arg6[%add3A_812, %dma_wait3A_987] : memref<10112x128xf32, #tpu.memory_space<vmem_shared>> -> memref<8x128xf32, #tpu.memory_space<vmem_shared>>
        tpu.wait_dma2 semaphore(%run_scoped3A : memref<!tpu.dma_semaphore, #tpu.memory_space<semaphore_mem>>) src(%arg10 : memref<8x128xf32, #tpu.memory_space<vmem>>) dst(%dma_wait3A_988 : memref<8x128xf32, #tpu.memory_space<vmem_shared>>)
        tpu.yield
      }) : () -> ()
      %mul3A_813 = arith.constant 632 : i32
      %mul3A_814 = arith.muli %arg1, %mul3A_813 : i32
      %add3A_815 = arith.constant 296 : i32
      %add3A_816 = arith.addi %mul3A_814, %add3A_815 : i32
      "tpu.region"() ({
        %run_scoped3A = tpu.sem_alloc : memref<!tpu.dma_semaphore, #tpu.memory_space<semaphore_mem>>
        %dma_start3A_981 = arith.constant 0 : i32
        %dma_start3A_982 = tpu.memref_slice %arg6[%add3A_816, %dma_start3A_981] : memref<10112x128xf32, #tpu.memory_space<vmem_shared>> -> memref<8x128xf32, #tpu.memory_space<vmem_shared>>
        %dma_start3A_983 = arith.constant 0 : i32
        %dma_start3A_984 = tpu.memref_slice %arg6[%add3A_816, %dma_start3A_983] : memref<10112x128xf32, #tpu.memory_space<vmem_shared>> -> memref<8x128xf32, #tpu.memory_space<vmem_shared>>
        tpu.enqueue_dma source(%arg10 : memref<8x128xf32, #tpu.memory_space<vmem>>) target(%dma_start3A_984 : memref<8x128xf32, #tpu.memory_space<vmem_shared>>) target_semaphore(%run_scoped3A : memref<!tpu.dma_semaphore, #tpu.memory_space<semaphore_mem>>)
        %dma_wait3A_985 = arith.constant 0 : i32
        %dma_wait3A_986 = tpu.memref_slice %arg6[%add3A_816, %dma_wait3A_985] : memref<10112x128xf32, #tpu.memory_space<vmem_shared>> -> memref<8x128xf32, #tpu.memory_space<vmem_shared>>
        %dma_wait3A_987 = arith.constant 0 : i32
        %dma_wait3A_988 = tpu.memref_slice %arg6[%add3A_816, %dma_wait3A_987] : memref<10112x128xf32, #tpu.memory_space<vmem_shared>> -> memref<8x128xf32, #tpu.memory_space<vmem_shared>>
        tpu.wait_dma2 semaphore(%run_scoped3A : memref<!tpu.dma_semaphore, #tpu.memory_space<semaphore_mem>>) src(%arg10 : memref<8x128xf32, #tpu.memory_space<vmem>>) dst(%dma_wait3A_988 : memref<8x128xf32, #tpu.memory_space<vmem_shared>>)
        tpu.yield
      }) : () -> ()
      %mul3A_817 = arith.constant 632 : i32
      %mul3A_818 = arith.muli %arg1, %mul3A_817 : i32
      %add3A_819 = arith.constant 304 : i32
      %add3A_820 = arith.addi %mul3A_818, %add3A_819 : i32
      "tpu.region"() ({
        %run_scoped3A = tpu.sem_alloc : memref<!tpu.dma_semaphore, #tpu.memory_space<semaphore_mem>>
        %dma_start3A_981 = arith.constant 0 : i32
        %dma_start3A_982 = tpu.memref_slice %arg6[%add3A_820, %dma_start3A_981] : memref<10112x128xf32, #tpu.memory_space<vmem_shared>> -> memref<8x128xf32, #tpu.memory_space<vmem_shared>>
        %dma_start3A_983 = arith.constant 0 : i32
        %dma_start3A_984 = tpu.memref_slice %arg6[%add3A_820, %dma_start3A_983] : memref<10112x128xf32, #tpu.memory_space<vmem_shared>> -> memref<8x128xf32, #tpu.memory_space<vmem_shared>>
        tpu.enqueue_dma source(%arg10 : memref<8x128xf32, #tpu.memory_space<vmem>>) target(%dma_start3A_984 : memref<8x128xf32, #tpu.memory_space<vmem_shared>>) target_semaphore(%run_scoped3A : memref<!tpu.dma_semaphore, #tpu.memory_space<semaphore_mem>>)
        %dma_wait3A_985 = arith.constant 0 : i32
        %dma_wait3A_986 = tpu.memref_slice %arg6[%add3A_820, %dma_wait3A_985] : memref<10112x128xf32, #tpu.memory_space<vmem_shared>> -> memref<8x128xf32, #tpu.memory_space<vmem_shared>>
        %dma_wait3A_987 = arith.constant 0 : i32
        %dma_wait3A_988 = tpu.memref_slice %arg6[%add3A_820, %dma_wait3A_987] : memref<10112x128xf32, #tpu.memory_space<vmem_shared>> -> memref<8x128xf32, #tpu.memory_space<vmem_shared>>
        tpu.wait_dma2 semaphore(%run_scoped3A : memref<!tpu.dma_semaphore, #tpu.memory_space<semaphore_mem>>) src(%arg10 : memref<8x128xf32, #tpu.memory_space<vmem>>) dst(%dma_wait3A_988 : memref<8x128xf32, #tpu.memory_space<vmem_shared>>)
        tpu.yield
      }) : () -> ()
      %mul3A_821 = arith.constant 632 : i32
      %mul3A_822 = arith.muli %arg1, %mul3A_821 : i32
      %add3A_823 = arith.constant 312 : i32
      %add3A_824 = arith.addi %mul3A_822, %add3A_823 : i32
      "tpu.region"() ({
        %run_scoped3A = tpu.sem_alloc : memref<!tpu.dma_semaphore, #tpu.memory_space<semaphore_mem>>
        %dma_start3A_981 = arith.constant 0 : i32
        %dma_start3A_982 = tpu.memref_slice %arg6[%add3A_824, %dma_start3A_981] : memref<10112x128xf32, #tpu.memory_space<vmem_shared>> -> memref<8x128xf32, #tpu.memory_space<vmem_shared>>
        %dma_start3A_983 = arith.constant 0 : i32
        %dma_start3A_984 = tpu.memref_slice %arg6[%add3A_824, %dma_start3A_983] : memref<10112x128xf32, #tpu.memory_space<vmem_shared>> -> memref<8x128xf32, #tpu.memory_space<vmem_shared>>
        tpu.enqueue_dma source(%arg10 : memref<8x128xf32, #tpu.memory_space<vmem>>) target(%dma_start3A_984 : memref<8x128xf32, #tpu.memory_space<vmem_shared>>) target_semaphore(%run_scoped3A : memref<!tpu.dma_semaphore, #tpu.memory_space<semaphore_mem>>)
        %dma_wait3A_985 = arith.constant 0 : i32
        %dma_wait3A_986 = tpu.memref_slice %arg6[%add3A_824, %dma_wait3A_985] : memref<10112x128xf32, #tpu.memory_space<vmem_shared>> -> memref<8x128xf32, #tpu.memory_space<vmem_shared>>
        %dma_wait3A_987 = arith.constant 0 : i32
        %dma_wait3A_988 = tpu.memref_slice %arg6[%add3A_824, %dma_wait3A_987] : memref<10112x128xf32, #tpu.memory_space<vmem_shared>> -> memref<8x128xf32, #tpu.memory_space<vmem_shared>>
        tpu.wait_dma2 semaphore(%run_scoped3A : memref<!tpu.dma_semaphore, #tpu.memory_space<semaphore_mem>>) src(%arg10 : memref<8x128xf32, #tpu.memory_space<vmem>>) dst(%dma_wait3A_988 : memref<8x128xf32, #tpu.memory_space<vmem_shared>>)
        tpu.yield
      }) : () -> ()
      %mul3A_825 = arith.constant 632 : i32
      %mul3A_826 = arith.muli %arg1, %mul3A_825 : i32
      %add3A_827 = arith.constant 320 : i32
      %add3A_828 = arith.addi %mul3A_826, %add3A_827 : i32
      "tpu.region"() ({
        %run_scoped3A = tpu.sem_alloc : memref<!tpu.dma_semaphore, #tpu.memory_space<semaphore_mem>>
        %dma_start3A_981 = arith.constant 0 : i32
        %dma_start3A_982 = tpu.memref_slice %arg6[%add3A_828, %dma_start3A_981] : memref<10112x128xf32, #tpu.memory_space<vmem_shared>> -> memref<8x128xf32, #tpu.memory_space<vmem_shared>>
        %dma_start3A_983 = arith.constant 0 : i32
        %dma_start3A_984 = tpu.memref_slice %arg6[%add3A_828, %dma_start3A_983] : memref<10112x128xf32, #tpu.memory_space<vmem_shared>> -> memref<8x128xf32, #tpu.memory_space<vmem_shared>>
        tpu.enqueue_dma source(%arg10 : memref<8x128xf32, #tpu.memory_space<vmem>>) target(%dma_start3A_984 : memref<8x128xf32, #tpu.memory_space<vmem_shared>>) target_semaphore(%run_scoped3A : memref<!tpu.dma_semaphore, #tpu.memory_space<semaphore_mem>>)
        %dma_wait3A_985 = arith.constant 0 : i32
        %dma_wait3A_986 = tpu.memref_slice %arg6[%add3A_828, %dma_wait3A_985] : memref<10112x128xf32, #tpu.memory_space<vmem_shared>> -> memref<8x128xf32, #tpu.memory_space<vmem_shared>>
        %dma_wait3A_987 = arith.constant 0 : i32
        %dma_wait3A_988 = tpu.memref_slice %arg6[%add3A_828, %dma_wait3A_987] : memref<10112x128xf32, #tpu.memory_space<vmem_shared>> -> memref<8x128xf32, #tpu.memory_space<vmem_shared>>
        tpu.wait_dma2 semaphore(%run_scoped3A : memref<!tpu.dma_semaphore, #tpu.memory_space<semaphore_mem>>) src(%arg10 : memref<8x128xf32, #tpu.memory_space<vmem>>) dst(%dma_wait3A_988 : memref<8x128xf32, #tpu.memory_space<vmem_shared>>)
        tpu.yield
      }) : () -> ()
      %mul3A_829 = arith.constant 632 : i32
      %mul3A_830 = arith.muli %arg1, %mul3A_829 : i32
      %add3A_831 = arith.constant 328 : i32
      %add3A_832 = arith.addi %mul3A_830, %add3A_831 : i32
      "tpu.region"() ({
        %run_scoped3A = tpu.sem_alloc : memref<!tpu.dma_semaphore, #tpu.memory_space<semaphore_mem>>
        %dma_start3A_981 = arith.constant 0 : i32
        %dma_start3A_982 = tpu.memref_slice %arg6[%add3A_832, %dma_start3A_981] : memref<10112x128xf32, #tpu.memory_space<vmem_shared>> -> memref<8x128xf32, #tpu.memory_space<vmem_shared>>
        %dma_start3A_983 = arith.constant 0 : i32
        %dma_start3A_984 = tpu.memref_slice %arg6[%add3A_832, %dma_start3A_983] : memref<10112x128xf32, #tpu.memory_space<vmem_shared>> -> memref<8x128xf32, #tpu.memory_space<vmem_shared>>
        tpu.enqueue_dma source(%arg10 : memref<8x128xf32, #tpu.memory_space<vmem>>) target(%dma_start3A_984 : memref<8x128xf32, #tpu.memory_space<vmem_shared>>) target_semaphore(%run_scoped3A : memref<!tpu.dma_semaphore, #tpu.memory_space<semaphore_mem>>)
        %dma_wait3A_985 = arith.constant 0 : i32
        %dma_wait3A_986 = tpu.memref_slice %arg6[%add3A_832, %dma_wait3A_985] : memref<10112x128xf32, #tpu.memory_space<vmem_shared>> -> memref<8x128xf32, #tpu.memory_space<vmem_shared>>
        %dma_wait3A_987 = arith.constant 0 : i32
        %dma_wait3A_988 = tpu.memref_slice %arg6[%add3A_832, %dma_wait3A_987] : memref<10112x128xf32, #tpu.memory_space<vmem_shared>> -> memref<8x128xf32, #tpu.memory_space<vmem_shared>>
        tpu.wait_dma2 semaphore(%run_scoped3A : memref<!tpu.dma_semaphore, #tpu.memory_space<semaphore_mem>>) src(%arg10 : memref<8x128xf32, #tpu.memory_space<vmem>>) dst(%dma_wait3A_988 : memref<8x128xf32, #tpu.memory_space<vmem_shared>>)
        tpu.yield
      }) : () -> ()
      %mul3A_833 = arith.constant 632 : i32
      %mul3A_834 = arith.muli %arg1, %mul3A_833 : i32
      %add3A_835 = arith.constant 336 : i32
      %add3A_836 = arith.addi %mul3A_834, %add3A_835 : i32
      "tpu.region"() ({
        %run_scoped3A = tpu.sem_alloc : memref<!tpu.dma_semaphore, #tpu.memory_space<semaphore_mem>>
        %dma_start3A_981 = arith.constant 0 : i32
        %dma_start3A_982 = tpu.memref_slice %arg6[%add3A_836, %dma_start3A_981] : memref<10112x128xf32, #tpu.memory_space<vmem_shared>> -> memref<8x128xf32, #tpu.memory_space<vmem_shared>>
        %dma_start3A_983 = arith.constant 0 : i32
        %dma_start3A_984 = tpu.memref_slice %arg6[%add3A_836, %dma_start3A_983] : memref<10112x128xf32, #tpu.memory_space<vmem_shared>> -> memref<8x128xf32, #tpu.memory_space<vmem_shared>>
        tpu.enqueue_dma source(%arg10 : memref<8x128xf32, #tpu.memory_space<vmem>>) target(%dma_start3A_984 : memref<8x128xf32, #tpu.memory_space<vmem_shared>>) target_semaphore(%run_scoped3A : memref<!tpu.dma_semaphore, #tpu.memory_space<semaphore_mem>>)
        %dma_wait3A_985 = arith.constant 0 : i32
        %dma_wait3A_986 = tpu.memref_slice %arg6[%add3A_836, %dma_wait3A_985] : memref<10112x128xf32, #tpu.memory_space<vmem_shared>> -> memref<8x128xf32, #tpu.memory_space<vmem_shared>>
        %dma_wait3A_987 = arith.constant 0 : i32
        %dma_wait3A_988 = tpu.memref_slice %arg6[%add3A_836, %dma_wait3A_987] : memref<10112x128xf32, #tpu.memory_space<vmem_shared>> -> memref<8x128xf32, #tpu.memory_space<vmem_shared>>
        tpu.wait_dma2 semaphore(%run_scoped3A : memref<!tpu.dma_semaphore, #tpu.memory_space<semaphore_mem>>) src(%arg10 : memref<8x128xf32, #tpu.memory_space<vmem>>) dst(%dma_wait3A_988 : memref<8x128xf32, #tpu.memory_space<vmem_shared>>)
        tpu.yield
      }) : () -> ()
      %mul3A_837 = arith.constant 632 : i32
      %mul3A_838 = arith.muli %arg1, %mul3A_837 : i32
      %add3A_839 = arith.constant 344 : i32
      %add3A_840 = arith.addi %mul3A_838, %add3A_839 : i32
      "tpu.region"() ({
        %run_scoped3A = tpu.sem_alloc : memref<!tpu.dma_semaphore, #tpu.memory_space<semaphore_mem>>
        %dma_start3A_981 = arith.constant 0 : i32
        %dma_start3A_982 = tpu.memref_slice %arg6[%add3A_840, %dma_start3A_981] : memref<10112x128xf32, #tpu.memory_space<vmem_shared>> -> memref<8x128xf32, #tpu.memory_space<vmem_shared>>
        %dma_start3A_983 = arith.constant 0 : i32
        %dma_start3A_984 = tpu.memref_slice %arg6[%add3A_840, %dma_start3A_983] : memref<10112x128xf32, #tpu.memory_space<vmem_shared>> -> memref<8x128xf32, #tpu.memory_space<vmem_shared>>
        tpu.enqueue_dma source(%arg10 : memref<8x128xf32, #tpu.memory_space<vmem>>) target(%dma_start3A_984 : memref<8x128xf32, #tpu.memory_space<vmem_shared>>) target_semaphore(%run_scoped3A : memref<!tpu.dma_semaphore, #tpu.memory_space<semaphore_mem>>)
        %dma_wait3A_985 = arith.constant 0 : i32
        %dma_wait3A_986 = tpu.memref_slice %arg6[%add3A_840, %dma_wait3A_985] : memref<10112x128xf32, #tpu.memory_space<vmem_shared>> -> memref<8x128xf32, #tpu.memory_space<vmem_shared>>
        %dma_wait3A_987 = arith.constant 0 : i32
        %dma_wait3A_988 = tpu.memref_slice %arg6[%add3A_840, %dma_wait3A_987] : memref<10112x128xf32, #tpu.memory_space<vmem_shared>> -> memref<8x128xf32, #tpu.memory_space<vmem_shared>>
        tpu.wait_dma2 semaphore(%run_scoped3A : memref<!tpu.dma_semaphore, #tpu.memory_space<semaphore_mem>>) src(%arg10 : memref<8x128xf32, #tpu.memory_space<vmem>>) dst(%dma_wait3A_988 : memref<8x128xf32, #tpu.memory_space<vmem_shared>>)
        tpu.yield
      }) : () -> ()
      %mul3A_841 = arith.constant 632 : i32
      %mul3A_842 = arith.muli %arg1, %mul3A_841 : i32
      %add3A_843 = arith.constant 352 : i32
      %add3A_844 = arith.addi %mul3A_842, %add3A_843 : i32
      "tpu.region"() ({
        %run_scoped3A = tpu.sem_alloc : memref<!tpu.dma_semaphore, #tpu.memory_space<semaphore_mem>>
        %dma_start3A_981 = arith.constant 0 : i32
        %dma_start3A_982 = tpu.memref_slice %arg6[%add3A_844, %dma_start3A_981] : memref<10112x128xf32, #tpu.memory_space<vmem_shared>> -> memref<8x128xf32, #tpu.memory_space<vmem_shared>>
        %dma_start3A_983 = arith.constant 0 : i32
        %dma_start3A_984 = tpu.memref_slice %arg6[%add3A_844, %dma_start3A_983] : memref<10112x128xf32, #tpu.memory_space<vmem_shared>> -> memref<8x128xf32, #tpu.memory_space<vmem_shared>>
        tpu.enqueue_dma source(%arg10 : memref<8x128xf32, #tpu.memory_space<vmem>>) target(%dma_start3A_984 : memref<8x128xf32, #tpu.memory_space<vmem_shared>>) target_semaphore(%run_scoped3A : memref<!tpu.dma_semaphore, #tpu.memory_space<semaphore_mem>>)
        %dma_wait3A_985 = arith.constant 0 : i32
        %dma_wait3A_986 = tpu.memref_slice %arg6[%add3A_844, %dma_wait3A_985] : memref<10112x128xf32, #tpu.memory_space<vmem_shared>> -> memref<8x128xf32, #tpu.memory_space<vmem_shared>>
        %dma_wait3A_987 = arith.constant 0 : i32
        %dma_wait3A_988 = tpu.memref_slice %arg6[%add3A_844, %dma_wait3A_987] : memref<10112x128xf32, #tpu.memory_space<vmem_shared>> -> memref<8x128xf32, #tpu.memory_space<vmem_shared>>
        tpu.wait_dma2 semaphore(%run_scoped3A : memref<!tpu.dma_semaphore, #tpu.memory_space<semaphore_mem>>) src(%arg10 : memref<8x128xf32, #tpu.memory_space<vmem>>) dst(%dma_wait3A_988 : memref<8x128xf32, #tpu.memory_space<vmem_shared>>)
        tpu.yield
      }) : () -> ()
      %mul3A_845 = arith.constant 632 : i32
      %mul3A_846 = arith.muli %arg1, %mul3A_845 : i32
      %add3A_847 = arith.constant 360 : i32
      %add3A_848 = arith.addi %mul3A_846, %add3A_847 : i32
      "tpu.region"() ({
        %run_scoped3A = tpu.sem_alloc : memref<!tpu.dma_semaphore, #tpu.memory_space<semaphore_mem>>
        %dma_start3A_981 = arith.constant 0 : i32
        %dma_start3A_982 = tpu.memref_slice %arg6[%add3A_848, %dma_start3A_981] : memref<10112x128xf32, #tpu.memory_space<vmem_shared>> -> memref<8x128xf32, #tpu.memory_space<vmem_shared>>
        %dma_start3A_983 = arith.constant 0 : i32
        %dma_start3A_984 = tpu.memref_slice %arg6[%add3A_848, %dma_start3A_983] : memref<10112x128xf32, #tpu.memory_space<vmem_shared>> -> memref<8x128xf32, #tpu.memory_space<vmem_shared>>
        tpu.enqueue_dma source(%arg10 : memref<8x128xf32, #tpu.memory_space<vmem>>) target(%dma_start3A_984 : memref<8x128xf32, #tpu.memory_space<vmem_shared>>) target_semaphore(%run_scoped3A : memref<!tpu.dma_semaphore, #tpu.memory_space<semaphore_mem>>)
        %dma_wait3A_985 = arith.constant 0 : i32
        %dma_wait3A_986 = tpu.memref_slice %arg6[%add3A_848, %dma_wait3A_985] : memref<10112x128xf32, #tpu.memory_space<vmem_shared>> -> memref<8x128xf32, #tpu.memory_space<vmem_shared>>
        %dma_wait3A_987 = arith.constant 0 : i32
        %dma_wait3A_988 = tpu.memref_slice %arg6[%add3A_848, %dma_wait3A_987] : memref<10112x128xf32, #tpu.memory_space<vmem_shared>> -> memref<8x128xf32, #tpu.memory_space<vmem_shared>>
        tpu.wait_dma2 semaphore(%run_scoped3A : memref<!tpu.dma_semaphore, #tpu.memory_space<semaphore_mem>>) src(%arg10 : memref<8x128xf32, #tpu.memory_space<vmem>>) dst(%dma_wait3A_988 : memref<8x128xf32, #tpu.memory_space<vmem_shared>>)
        tpu.yield
      }) : () -> ()
      %mul3A_849 = arith.constant 632 : i32
      %mul3A_850 = arith.muli %arg1, %mul3A_849 : i32
      %add3A_851 = arith.constant 368 : i32
      %add3A_852 = arith.addi %mul3A_850, %add3A_851 : i32
      "tpu.region"() ({
        %run_scoped3A = tpu.sem_alloc : memref<!tpu.dma_semaphore, #tpu.memory_space<semaphore_mem>>
        %dma_start3A_981 = arith.constant 0 : i32
        %dma_start3A_982 = tpu.memref_slice %arg6[%add3A_852, %dma_start3A_981] : memref<10112x128xf32, #tpu.memory_space<vmem_shared>> -> memref<8x128xf32, #tpu.memory_space<vmem_shared>>
        %dma_start3A_983 = arith.constant 0 : i32
        %dma_start3A_984 = tpu.memref_slice %arg6[%add3A_852, %dma_start3A_983] : memref<10112x128xf32, #tpu.memory_space<vmem_shared>> -> memref<8x128xf32, #tpu.memory_space<vmem_shared>>
        tpu.enqueue_dma source(%arg10 : memref<8x128xf32, #tpu.memory_space<vmem>>) target(%dma_start3A_984 : memref<8x128xf32, #tpu.memory_space<vmem_shared>>) target_semaphore(%run_scoped3A : memref<!tpu.dma_semaphore, #tpu.memory_space<semaphore_mem>>)
        %dma_wait3A_985 = arith.constant 0 : i32
        %dma_wait3A_986 = tpu.memref_slice %arg6[%add3A_852, %dma_wait3A_985] : memref<10112x128xf32, #tpu.memory_space<vmem_shared>> -> memref<8x128xf32, #tpu.memory_space<vmem_shared>>
        %dma_wait3A_987 = arith.constant 0 : i32
        %dma_wait3A_988 = tpu.memref_slice %arg6[%add3A_852, %dma_wait3A_987] : memref<10112x128xf32, #tpu.memory_space<vmem_shared>> -> memref<8x128xf32, #tpu.memory_space<vmem_shared>>
        tpu.wait_dma2 semaphore(%run_scoped3A : memref<!tpu.dma_semaphore, #tpu.memory_space<semaphore_mem>>) src(%arg10 : memref<8x128xf32, #tpu.memory_space<vmem>>) dst(%dma_wait3A_988 : memref<8x128xf32, #tpu.memory_space<vmem_shared>>)
        tpu.yield
      }) : () -> ()
      %mul3A_853 = arith.constant 632 : i32
      %mul3A_854 = arith.muli %arg1, %mul3A_853 : i32
      %add3A_855 = arith.constant 376 : i32
      %add3A_856 = arith.addi %mul3A_854, %add3A_855 : i32
      "tpu.region"() ({
        %run_scoped3A = tpu.sem_alloc : memref<!tpu.dma_semaphore, #tpu.memory_space<semaphore_mem>>
        %dma_start3A_981 = arith.constant 0 : i32
        %dma_start3A_982 = tpu.memref_slice %arg6[%add3A_856, %dma_start3A_981] : memref<10112x128xf32, #tpu.memory_space<vmem_shared>> -> memref<8x128xf32, #tpu.memory_space<vmem_shared>>
        %dma_start3A_983 = arith.constant 0 : i32
        %dma_start3A_984 = tpu.memref_slice %arg6[%add3A_856, %dma_start3A_983] : memref<10112x128xf32, #tpu.memory_space<vmem_shared>> -> memref<8x128xf32, #tpu.memory_space<vmem_shared>>
        tpu.enqueue_dma source(%arg10 : memref<8x128xf32, #tpu.memory_space<vmem>>) target(%dma_start3A_984 : memref<8x128xf32, #tpu.memory_space<vmem_shared>>) target_semaphore(%run_scoped3A : memref<!tpu.dma_semaphore, #tpu.memory_space<semaphore_mem>>)
        %dma_wait3A_985 = arith.constant 0 : i32
        %dma_wait3A_986 = tpu.memref_slice %arg6[%add3A_856, %dma_wait3A_985] : memref<10112x128xf32, #tpu.memory_space<vmem_shared>> -> memref<8x128xf32, #tpu.memory_space<vmem_shared>>
        %dma_wait3A_987 = arith.constant 0 : i32
        %dma_wait3A_988 = tpu.memref_slice %arg6[%add3A_856, %dma_wait3A_987] : memref<10112x128xf32, #tpu.memory_space<vmem_shared>> -> memref<8x128xf32, #tpu.memory_space<vmem_shared>>
        tpu.wait_dma2 semaphore(%run_scoped3A : memref<!tpu.dma_semaphore, #tpu.memory_space<semaphore_mem>>) src(%arg10 : memref<8x128xf32, #tpu.memory_space<vmem>>) dst(%dma_wait3A_988 : memref<8x128xf32, #tpu.memory_space<vmem_shared>>)
        tpu.yield
      }) : () -> ()
      %mul3A_857 = arith.constant 632 : i32
      %mul3A_858 = arith.muli %arg1, %mul3A_857 : i32
      %add3A_859 = arith.constant 384 : i32
      %add3A_860 = arith.addi %mul3A_858, %add3A_859 : i32
      "tpu.region"() ({
        %run_scoped3A = tpu.sem_alloc : memref<!tpu.dma_semaphore, #tpu.memory_space<semaphore_mem>>
        %dma_start3A_981 = arith.constant 0 : i32
        %dma_start3A_982 = tpu.memref_slice %arg6[%add3A_860, %dma_start3A_981] : memref<10112x128xf32, #tpu.memory_space<vmem_shared>> -> memref<8x128xf32, #tpu.memory_space<vmem_shared>>
        %dma_start3A_983 = arith.constant 0 : i32
        %dma_start3A_984 = tpu.memref_slice %arg6[%add3A_860, %dma_start3A_983] : memref<10112x128xf32, #tpu.memory_space<vmem_shared>> -> memref<8x128xf32, #tpu.memory_space<vmem_shared>>
        tpu.enqueue_dma source(%arg10 : memref<8x128xf32, #tpu.memory_space<vmem>>) target(%dma_start3A_984 : memref<8x128xf32, #tpu.memory_space<vmem_shared>>) target_semaphore(%run_scoped3A : memref<!tpu.dma_semaphore, #tpu.memory_space<semaphore_mem>>)
        %dma_wait3A_985 = arith.constant 0 : i32
        %dma_wait3A_986 = tpu.memref_slice %arg6[%add3A_860, %dma_wait3A_985] : memref<10112x128xf32, #tpu.memory_space<vmem_shared>> -> memref<8x128xf32, #tpu.memory_space<vmem_shared>>
        %dma_wait3A_987 = arith.constant 0 : i32
        %dma_wait3A_988 = tpu.memref_slice %arg6[%add3A_860, %dma_wait3A_987] : memref<10112x128xf32, #tpu.memory_space<vmem_shared>> -> memref<8x128xf32, #tpu.memory_space<vmem_shared>>
        tpu.wait_dma2 semaphore(%run_scoped3A : memref<!tpu.dma_semaphore, #tpu.memory_space<semaphore_mem>>) src(%arg10 : memref<8x128xf32, #tpu.memory_space<vmem>>) dst(%dma_wait3A_988 : memref<8x128xf32, #tpu.memory_space<vmem_shared>>)
        tpu.yield
      }) : () -> ()
      %mul3A_861 = arith.constant 632 : i32
      %mul3A_862 = arith.muli %arg1, %mul3A_861 : i32
      %add3A_863 = arith.constant 392 : i32
      %add3A_864 = arith.addi %mul3A_862, %add3A_863 : i32
      "tpu.region"() ({
        %run_scoped3A = tpu.sem_alloc : memref<!tpu.dma_semaphore, #tpu.memory_space<semaphore_mem>>
        %dma_start3A_981 = arith.constant 0 : i32
        %dma_start3A_982 = tpu.memref_slice %arg6[%add3A_864, %dma_start3A_981] : memref<10112x128xf32, #tpu.memory_space<vmem_shared>> -> memref<8x128xf32, #tpu.memory_space<vmem_shared>>
        %dma_start3A_983 = arith.constant 0 : i32
        %dma_start3A_984 = tpu.memref_slice %arg6[%add3A_864, %dma_start3A_983] : memref<10112x128xf32, #tpu.memory_space<vmem_shared>> -> memref<8x128xf32, #tpu.memory_space<vmem_shared>>
        tpu.enqueue_dma source(%arg10 : memref<8x128xf32, #tpu.memory_space<vmem>>) target(%dma_start3A_984 : memref<8x128xf32, #tpu.memory_space<vmem_shared>>) target_semaphore(%run_scoped3A : memref<!tpu.dma_semaphore, #tpu.memory_space<semaphore_mem>>)
        %dma_wait3A_985 = arith.constant 0 : i32
        %dma_wait3A_986 = tpu.memref_slice %arg6[%add3A_864, %dma_wait3A_985] : memref<10112x128xf32, #tpu.memory_space<vmem_shared>> -> memref<8x128xf32, #tpu.memory_space<vmem_shared>>
        %dma_wait3A_987 = arith.constant 0 : i32
        %dma_wait3A_988 = tpu.memref_slice %arg6[%add3A_864, %dma_wait3A_987] : memref<10112x128xf32, #tpu.memory_space<vmem_shared>> -> memref<8x128xf32, #tpu.memory_space<vmem_shared>>
        tpu.wait_dma2 semaphore(%run_scoped3A : memref<!tpu.dma_semaphore, #tpu.memory_space<semaphore_mem>>) src(%arg10 : memref<8x128xf32, #tpu.memory_space<vmem>>) dst(%dma_wait3A_988 : memref<8x128xf32, #tpu.memory_space<vmem_shared>>)
        tpu.yield
      }) : () -> ()
      %mul3A_865 = arith.constant 632 : i32
      %mul3A_866 = arith.muli %arg1, %mul3A_865 : i32
      %add3A_867 = arith.constant 400 : i32
      %add3A_868 = arith.addi %mul3A_866, %add3A_867 : i32
      "tpu.region"() ({
        %run_scoped3A = tpu.sem_alloc : memref<!tpu.dma_semaphore, #tpu.memory_space<semaphore_mem>>
        %dma_start3A_981 = arith.constant 0 : i32
        %dma_start3A_982 = tpu.memref_slice %arg6[%add3A_868, %dma_start3A_981] : memref<10112x128xf32, #tpu.memory_space<vmem_shared>> -> memref<8x128xf32, #tpu.memory_space<vmem_shared>>
        %dma_start3A_983 = arith.constant 0 : i32
        %dma_start3A_984 = tpu.memref_slice %arg6[%add3A_868, %dma_start3A_983] : memref<10112x128xf32, #tpu.memory_space<vmem_shared>> -> memref<8x128xf32, #tpu.memory_space<vmem_shared>>
        tpu.enqueue_dma source(%arg10 : memref<8x128xf32, #tpu.memory_space<vmem>>) target(%dma_start3A_984 : memref<8x128xf32, #tpu.memory_space<vmem_shared>>) target_semaphore(%run_scoped3A : memref<!tpu.dma_semaphore, #tpu.memory_space<semaphore_mem>>)
        %dma_wait3A_985 = arith.constant 0 : i32
        %dma_wait3A_986 = tpu.memref_slice %arg6[%add3A_868, %dma_wait3A_985] : memref<10112x128xf32, #tpu.memory_space<vmem_shared>> -> memref<8x128xf32, #tpu.memory_space<vmem_shared>>
        %dma_wait3A_987 = arith.constant 0 : i32
        %dma_wait3A_988 = tpu.memref_slice %arg6[%add3A_868, %dma_wait3A_987] : memref<10112x128xf32, #tpu.memory_space<vmem_shared>> -> memref<8x128xf32, #tpu.memory_space<vmem_shared>>
        tpu.wait_dma2 semaphore(%run_scoped3A : memref<!tpu.dma_semaphore, #tpu.memory_space<semaphore_mem>>) src(%arg10 : memref<8x128xf32, #tpu.memory_space<vmem>>) dst(%dma_wait3A_988 : memref<8x128xf32, #tpu.memory_space<vmem_shared>>)
        tpu.yield
      }) : () -> ()
      %mul3A_869 = arith.constant 632 : i32
      %mul3A_870 = arith.muli %arg1, %mul3A_869 : i32
      %add3A_871 = arith.constant 408 : i32
      %add3A_872 = arith.addi %mul3A_870, %add3A_871 : i32
      "tpu.region"() ({
        %run_scoped3A = tpu.sem_alloc : memref<!tpu.dma_semaphore, #tpu.memory_space<semaphore_mem>>
        %dma_start3A_981 = arith.constant 0 : i32
        %dma_start3A_982 = tpu.memref_slice %arg6[%add3A_872, %dma_start3A_981] : memref<10112x128xf32, #tpu.memory_space<vmem_shared>> -> memref<8x128xf32, #tpu.memory_space<vmem_shared>>
        %dma_start3A_983 = arith.constant 0 : i32
        %dma_start3A_984 = tpu.memref_slice %arg6[%add3A_872, %dma_start3A_983] : memref<10112x128xf32, #tpu.memory_space<vmem_shared>> -> memref<8x128xf32, #tpu.memory_space<vmem_shared>>
        tpu.enqueue_dma source(%arg10 : memref<8x128xf32, #tpu.memory_space<vmem>>) target(%dma_start3A_984 : memref<8x128xf32, #tpu.memory_space<vmem_shared>>) target_semaphore(%run_scoped3A : memref<!tpu.dma_semaphore, #tpu.memory_space<semaphore_mem>>)
        %dma_wait3A_985 = arith.constant 0 : i32
        %dma_wait3A_986 = tpu.memref_slice %arg6[%add3A_872, %dma_wait3A_985] : memref<10112x128xf32, #tpu.memory_space<vmem_shared>> -> memref<8x128xf32, #tpu.memory_space<vmem_shared>>
        %dma_wait3A_987 = arith.constant 0 : i32
        %dma_wait3A_988 = tpu.memref_slice %arg6[%add3A_872, %dma_wait3A_987] : memref<10112x128xf32, #tpu.memory_space<vmem_shared>> -> memref<8x128xf32, #tpu.memory_space<vmem_shared>>
        tpu.wait_dma2 semaphore(%run_scoped3A : memref<!tpu.dma_semaphore, #tpu.memory_space<semaphore_mem>>) src(%arg10 : memref<8x128xf32, #tpu.memory_space<vmem>>) dst(%dma_wait3A_988 : memref<8x128xf32, #tpu.memory_space<vmem_shared>>)
        tpu.yield
      }) : () -> ()
      %mul3A_873 = arith.constant 632 : i32
      %mul3A_874 = arith.muli %arg1, %mul3A_873 : i32
      %add3A_875 = arith.constant 416 : i32
      %add3A_876 = arith.addi %mul3A_874, %add3A_875 : i32
      "tpu.region"() ({
        %run_scoped3A = tpu.sem_alloc : memref<!tpu.dma_semaphore, #tpu.memory_space<semaphore_mem>>
        %dma_start3A_981 = arith.constant 0 : i32
        %dma_start3A_982 = tpu.memref_slice %arg6[%add3A_876, %dma_start3A_981] : memref<10112x128xf32, #tpu.memory_space<vmem_shared>> -> memref<8x128xf32, #tpu.memory_space<vmem_shared>>
        %dma_start3A_983 = arith.constant 0 : i32
        %dma_start3A_984 = tpu.memref_slice %arg6[%add3A_876, %dma_start3A_983] : memref<10112x128xf32, #tpu.memory_space<vmem_shared>> -> memref<8x128xf32, #tpu.memory_space<vmem_shared>>
        tpu.enqueue_dma source(%arg10 : memref<8x128xf32, #tpu.memory_space<vmem>>) target(%dma_start3A_984 : memref<8x128xf32, #tpu.memory_space<vmem_shared>>) target_semaphore(%run_scoped3A : memref<!tpu.dma_semaphore, #tpu.memory_space<semaphore_mem>>)
        %dma_wait3A_985 = arith.constant 0 : i32
        %dma_wait3A_986 = tpu.memref_slice %arg6[%add3A_876, %dma_wait3A_985] : memref<10112x128xf32, #tpu.memory_space<vmem_shared>> -> memref<8x128xf32, #tpu.memory_space<vmem_shared>>
        %dma_wait3A_987 = arith.constant 0 : i32
        %dma_wait3A_988 = tpu.memref_slice %arg6[%add3A_876, %dma_wait3A_987] : memref<10112x128xf32, #tpu.memory_space<vmem_shared>> -> memref<8x128xf32, #tpu.memory_space<vmem_shared>>
        tpu.wait_dma2 semaphore(%run_scoped3A : memref<!tpu.dma_semaphore, #tpu.memory_space<semaphore_mem>>) src(%arg10 : memref<8x128xf32, #tpu.memory_space<vmem>>) dst(%dma_wait3A_988 : memref<8x128xf32, #tpu.memory_space<vmem_shared>>)
        tpu.yield
      }) : () -> ()
      %mul3A_877 = arith.constant 632 : i32
      %mul3A_878 = arith.muli %arg1, %mul3A_877 : i32
      %add3A_879 = arith.constant 424 : i32
      %add3A_880 = arith.addi %mul3A_878, %add3A_879 : i32
      "tpu.region"() ({
        %run_scoped3A = tpu.sem_alloc : memref<!tpu.dma_semaphore, #tpu.memory_space<semaphore_mem>>
        %dma_start3A_981 = arith.constant 0 : i32
        %dma_start3A_982 = tpu.memref_slice %arg6[%add3A_880, %dma_start3A_981] : memref<10112x128xf32, #tpu.memory_space<vmem_shared>> -> memref<8x128xf32, #tpu.memory_space<vmem_shared>>
        %dma_start3A_983 = arith.constant 0 : i32
        %dma_start3A_984 = tpu.memref_slice %arg6[%add3A_880, %dma_start3A_983] : memref<10112x128xf32, #tpu.memory_space<vmem_shared>> -> memref<8x128xf32, #tpu.memory_space<vmem_shared>>
        tpu.enqueue_dma source(%arg10 : memref<8x128xf32, #tpu.memory_space<vmem>>) target(%dma_start3A_984 : memref<8x128xf32, #tpu.memory_space<vmem_shared>>) target_semaphore(%run_scoped3A : memref<!tpu.dma_semaphore, #tpu.memory_space<semaphore_mem>>)
        %dma_wait3A_985 = arith.constant 0 : i32
        %dma_wait3A_986 = tpu.memref_slice %arg6[%add3A_880, %dma_wait3A_985] : memref<10112x128xf32, #tpu.memory_space<vmem_shared>> -> memref<8x128xf32, #tpu.memory_space<vmem_shared>>
        %dma_wait3A_987 = arith.constant 0 : i32
        %dma_wait3A_988 = tpu.memref_slice %arg6[%add3A_880, %dma_wait3A_987] : memref<10112x128xf32, #tpu.memory_space<vmem_shared>> -> memref<8x128xf32, #tpu.memory_space<vmem_shared>>
        tpu.wait_dma2 semaphore(%run_scoped3A : memref<!tpu.dma_semaphore, #tpu.memory_space<semaphore_mem>>) src(%arg10 : memref<8x128xf32, #tpu.memory_space<vmem>>) dst(%dma_wait3A_988 : memref<8x128xf32, #tpu.memory_space<vmem_shared>>)
        tpu.yield
      }) : () -> ()
      %mul3A_881 = arith.constant 632 : i32
      %mul3A_882 = arith.muli %arg1, %mul3A_881 : i32
      %add3A_883 = arith.constant 432 : i32
      %add3A_884 = arith.addi %mul3A_882, %add3A_883 : i32
      "tpu.region"() ({
        %run_scoped3A = tpu.sem_alloc : memref<!tpu.dma_semaphore, #tpu.memory_space<semaphore_mem>>
        %dma_start3A_981 = arith.constant 0 : i32
        %dma_start3A_982 = tpu.memref_slice %arg6[%add3A_884, %dma_start3A_981] : memref<10112x128xf32, #tpu.memory_space<vmem_shared>> -> memref<8x128xf32, #tpu.memory_space<vmem_shared>>
        %dma_start3A_983 = arith.constant 0 : i32
        %dma_start3A_984 = tpu.memref_slice %arg6[%add3A_884, %dma_start3A_983] : memref<10112x128xf32, #tpu.memory_space<vmem_shared>> -> memref<8x128xf32, #tpu.memory_space<vmem_shared>>
        tpu.enqueue_dma source(%arg10 : memref<8x128xf32, #tpu.memory_space<vmem>>) target(%dma_start3A_984 : memref<8x128xf32, #tpu.memory_space<vmem_shared>>) target_semaphore(%run_scoped3A : memref<!tpu.dma_semaphore, #tpu.memory_space<semaphore_mem>>)
        %dma_wait3A_985 = arith.constant 0 : i32
        %dma_wait3A_986 = tpu.memref_slice %arg6[%add3A_884, %dma_wait3A_985] : memref<10112x128xf32, #tpu.memory_space<vmem_shared>> -> memref<8x128xf32, #tpu.memory_space<vmem_shared>>
        %dma_wait3A_987 = arith.constant 0 : i32
        %dma_wait3A_988 = tpu.memref_slice %arg6[%add3A_884, %dma_wait3A_987] : memref<10112x128xf32, #tpu.memory_space<vmem_shared>> -> memref<8x128xf32, #tpu.memory_space<vmem_shared>>
        tpu.wait_dma2 semaphore(%run_scoped3A : memref<!tpu.dma_semaphore, #tpu.memory_space<semaphore_mem>>) src(%arg10 : memref<8x128xf32, #tpu.memory_space<vmem>>) dst(%dma_wait3A_988 : memref<8x128xf32, #tpu.memory_space<vmem_shared>>)
        tpu.yield
      }) : () -> ()
      %mul3A_885 = arith.constant 632 : i32
      %mul3A_886 = arith.muli %arg1, %mul3A_885 : i32
      %add3A_887 = arith.constant 440 : i32
      %add3A_888 = arith.addi %mul3A_886, %add3A_887 : i32
      "tpu.region"() ({
        %run_scoped3A = tpu.sem_alloc : memref<!tpu.dma_semaphore, #tpu.memory_space<semaphore_mem>>
        %dma_start3A_981 = arith.constant 0 : i32
        %dma_start3A_982 = tpu.memref_slice %arg6[%add3A_888, %dma_start3A_981] : memref<10112x128xf32, #tpu.memory_space<vmem_shared>> -> memref<8x128xf32, #tpu.memory_space<vmem_shared>>
        %dma_start3A_983 = arith.constant 0 : i32
        %dma_start3A_984 = tpu.memref_slice %arg6[%add3A_888, %dma_start3A_983] : memref<10112x128xf32, #tpu.memory_space<vmem_shared>> -> memref<8x128xf32, #tpu.memory_space<vmem_shared>>
        tpu.enqueue_dma source(%arg10 : memref<8x128xf32, #tpu.memory_space<vmem>>) target(%dma_start3A_984 : memref<8x128xf32, #tpu.memory_space<vmem_shared>>) target_semaphore(%run_scoped3A : memref<!tpu.dma_semaphore, #tpu.memory_space<semaphore_mem>>)
        %dma_wait3A_985 = arith.constant 0 : i32
        %dma_wait3A_986 = tpu.memref_slice %arg6[%add3A_888, %dma_wait3A_985] : memref<10112x128xf32, #tpu.memory_space<vmem_shared>> -> memref<8x128xf32, #tpu.memory_space<vmem_shared>>
        %dma_wait3A_987 = arith.constant 0 : i32
        %dma_wait3A_988 = tpu.memref_slice %arg6[%add3A_888, %dma_wait3A_987] : memref<10112x128xf32, #tpu.memory_space<vmem_shared>> -> memref<8x128xf32, #tpu.memory_space<vmem_shared>>
        tpu.wait_dma2 semaphore(%run_scoped3A : memref<!tpu.dma_semaphore, #tpu.memory_space<semaphore_mem>>) src(%arg10 : memref<8x128xf32, #tpu.memory_space<vmem>>) dst(%dma_wait3A_988 : memref<8x128xf32, #tpu.memory_space<vmem_shared>>)
        tpu.yield
      }) : () -> ()
      %mul3A_889 = arith.constant 632 : i32
      %mul3A_890 = arith.muli %arg1, %mul3A_889 : i32
      %add3A_891 = arith.constant 448 : i32
      %add3A_892 = arith.addi %mul3A_890, %add3A_891 : i32
      "tpu.region"() ({
        %run_scoped3A = tpu.sem_alloc : memref<!tpu.dma_semaphore, #tpu.memory_space<semaphore_mem>>
        %dma_start3A_981 = arith.constant 0 : i32
        %dma_start3A_982 = tpu.memref_slice %arg6[%add3A_892, %dma_start3A_981] : memref<10112x128xf32, #tpu.memory_space<vmem_shared>> -> memref<8x128xf32, #tpu.memory_space<vmem_shared>>
        %dma_start3A_983 = arith.constant 0 : i32
        %dma_start3A_984 = tpu.memref_slice %arg6[%add3A_892, %dma_start3A_983] : memref<10112x128xf32, #tpu.memory_space<vmem_shared>> -> memref<8x128xf32, #tpu.memory_space<vmem_shared>>
        tpu.enqueue_dma source(%arg10 : memref<8x128xf32, #tpu.memory_space<vmem>>) target(%dma_start3A_984 : memref<8x128xf32, #tpu.memory_space<vmem_shared>>) target_semaphore(%run_scoped3A : memref<!tpu.dma_semaphore, #tpu.memory_space<semaphore_mem>>)
        %dma_wait3A_985 = arith.constant 0 : i32
        %dma_wait3A_986 = tpu.memref_slice %arg6[%add3A_892, %dma_wait3A_985] : memref<10112x128xf32, #tpu.memory_space<vmem_shared>> -> memref<8x128xf32, #tpu.memory_space<vmem_shared>>
        %dma_wait3A_987 = arith.constant 0 : i32
        %dma_wait3A_988 = tpu.memref_slice %arg6[%add3A_892, %dma_wait3A_987] : memref<10112x128xf32, #tpu.memory_space<vmem_shared>> -> memref<8x128xf32, #tpu.memory_space<vmem_shared>>
        tpu.wait_dma2 semaphore(%run_scoped3A : memref<!tpu.dma_semaphore, #tpu.memory_space<semaphore_mem>>) src(%arg10 : memref<8x128xf32, #tpu.memory_space<vmem>>) dst(%dma_wait3A_988 : memref<8x128xf32, #tpu.memory_space<vmem_shared>>)
        tpu.yield
      }) : () -> ()
      %mul3A_893 = arith.constant 632 : i32
      %mul3A_894 = arith.muli %arg1, %mul3A_893 : i32
      %add3A_895 = arith.constant 456 : i32
      %add3A_896 = arith.addi %mul3A_894, %add3A_895 : i32
      "tpu.region"() ({
        %run_scoped3A = tpu.sem_alloc : memref<!tpu.dma_semaphore, #tpu.memory_space<semaphore_mem>>
        %dma_start3A_981 = arith.constant 0 : i32
        %dma_start3A_982 = tpu.memref_slice %arg6[%add3A_896, %dma_start3A_981] : memref<10112x128xf32, #tpu.memory_space<vmem_shared>> -> memref<8x128xf32, #tpu.memory_space<vmem_shared>>
        %dma_start3A_983 = arith.constant 0 : i32
        %dma_start3A_984 = tpu.memref_slice %arg6[%add3A_896, %dma_start3A_983] : memref<10112x128xf32, #tpu.memory_space<vmem_shared>> -> memref<8x128xf32, #tpu.memory_space<vmem_shared>>
        tpu.enqueue_dma source(%arg10 : memref<8x128xf32, #tpu.memory_space<vmem>>) target(%dma_start3A_984 : memref<8x128xf32, #tpu.memory_space<vmem_shared>>) target_semaphore(%run_scoped3A : memref<!tpu.dma_semaphore, #tpu.memory_space<semaphore_mem>>)
        %dma_wait3A_985 = arith.constant 0 : i32
        %dma_wait3A_986 = tpu.memref_slice %arg6[%add3A_896, %dma_wait3A_985] : memref<10112x128xf32, #tpu.memory_space<vmem_shared>> -> memref<8x128xf32, #tpu.memory_space<vmem_shared>>
        %dma_wait3A_987 = arith.constant 0 : i32
        %dma_wait3A_988 = tpu.memref_slice %arg6[%add3A_896, %dma_wait3A_987] : memref<10112x128xf32, #tpu.memory_space<vmem_shared>> -> memref<8x128xf32, #tpu.memory_space<vmem_shared>>
        tpu.wait_dma2 semaphore(%run_scoped3A : memref<!tpu.dma_semaphore, #tpu.memory_space<semaphore_mem>>) src(%arg10 : memref<8x128xf32, #tpu.memory_space<vmem>>) dst(%dma_wait3A_988 : memref<8x128xf32, #tpu.memory_space<vmem_shared>>)
        tpu.yield
      }) : () -> ()
      %mul3A_897 = arith.constant 632 : i32
      %mul3A_898 = arith.muli %arg1, %mul3A_897 : i32
      %add3A_899 = arith.constant 464 : i32
      %add3A_900 = arith.addi %mul3A_898, %add3A_899 : i32
      "tpu.region"() ({
        %run_scoped3A = tpu.sem_alloc : memref<!tpu.dma_semaphore, #tpu.memory_space<semaphore_mem>>
        %dma_start3A_981 = arith.constant 0 : i32
        %dma_start3A_982 = tpu.memref_slice %arg6[%add3A_900, %dma_start3A_981] : memref<10112x128xf32, #tpu.memory_space<vmem_shared>> -> memref<8x128xf32, #tpu.memory_space<vmem_shared>>
        %dma_start3A_983 = arith.constant 0 : i32
        %dma_start3A_984 = tpu.memref_slice %arg6[%add3A_900, %dma_start3A_983] : memref<10112x128xf32, #tpu.memory_space<vmem_shared>> -> memref<8x128xf32, #tpu.memory_space<vmem_shared>>
        tpu.enqueue_dma source(%arg10 : memref<8x128xf32, #tpu.memory_space<vmem>>) target(%dma_start3A_984 : memref<8x128xf32, #tpu.memory_space<vmem_shared>>) target_semaphore(%run_scoped3A : memref<!tpu.dma_semaphore, #tpu.memory_space<semaphore_mem>>)
        %dma_wait3A_985 = arith.constant 0 : i32
        %dma_wait3A_986 = tpu.memref_slice %arg6[%add3A_900, %dma_wait3A_985] : memref<10112x128xf32, #tpu.memory_space<vmem_shared>> -> memref<8x128xf32, #tpu.memory_space<vmem_shared>>
        %dma_wait3A_987 = arith.constant 0 : i32
        %dma_wait3A_988 = tpu.memref_slice %arg6[%add3A_900, %dma_wait3A_987] : memref<10112x128xf32, #tpu.memory_space<vmem_shared>> -> memref<8x128xf32, #tpu.memory_space<vmem_shared>>
        tpu.wait_dma2 semaphore(%run_scoped3A : memref<!tpu.dma_semaphore, #tpu.memory_space<semaphore_mem>>) src(%arg10 : memref<8x128xf32, #tpu.memory_space<vmem>>) dst(%dma_wait3A_988 : memref<8x128xf32, #tpu.memory_space<vmem_shared>>)
        tpu.yield
      }) : () -> ()
      %mul3A_901 = arith.constant 632 : i32
      %mul3A_902 = arith.muli %arg1, %mul3A_901 : i32
      %add3A_903 = arith.constant 472 : i32
      %add3A_904 = arith.addi %mul3A_902, %add3A_903 : i32
      "tpu.region"() ({
        %run_scoped3A = tpu.sem_alloc : memref<!tpu.dma_semaphore, #tpu.memory_space<semaphore_mem>>
        %dma_start3A_981 = arith.constant 0 : i32
        %dma_start3A_982 = tpu.memref_slice %arg6[%add3A_904, %dma_start3A_981] : memref<10112x128xf32, #tpu.memory_space<vmem_shared>> -> memref<8x128xf32, #tpu.memory_space<vmem_shared>>
        %dma_start3A_983 = arith.constant 0 : i32
        %dma_start3A_984 = tpu.memref_slice %arg6[%add3A_904, %dma_start3A_983] : memref<10112x128xf32, #tpu.memory_space<vmem_shared>> -> memref<8x128xf32, #tpu.memory_space<vmem_shared>>
        tpu.enqueue_dma source(%arg10 : memref<8x128xf32, #tpu.memory_space<vmem>>) target(%dma_start3A_984 : memref<8x128xf32, #tpu.memory_space<vmem_shared>>) target_semaphore(%run_scoped3A : memref<!tpu.dma_semaphore, #tpu.memory_space<semaphore_mem>>)
        %dma_wait3A_985 = arith.constant 0 : i32
        %dma_wait3A_986 = tpu.memref_slice %arg6[%add3A_904, %dma_wait3A_985] : memref<10112x128xf32, #tpu.memory_space<vmem_shared>> -> memref<8x128xf32, #tpu.memory_space<vmem_shared>>
        %dma_wait3A_987 = arith.constant 0 : i32
        %dma_wait3A_988 = tpu.memref_slice %arg6[%add3A_904, %dma_wait3A_987] : memref<10112x128xf32, #tpu.memory_space<vmem_shared>> -> memref<8x128xf32, #tpu.memory_space<vmem_shared>>
        tpu.wait_dma2 semaphore(%run_scoped3A : memref<!tpu.dma_semaphore, #tpu.memory_space<semaphore_mem>>) src(%arg10 : memref<8x128xf32, #tpu.memory_space<vmem>>) dst(%dma_wait3A_988 : memref<8x128xf32, #tpu.memory_space<vmem_shared>>)
        tpu.yield
      }) : () -> ()
      %mul3A_905 = arith.constant 632 : i32
      %mul3A_906 = arith.muli %arg1, %mul3A_905 : i32
      %add3A_907 = arith.constant 480 : i32
      %add3A_908 = arith.addi %mul3A_906, %add3A_907 : i32
      "tpu.region"() ({
        %run_scoped3A = tpu.sem_alloc : memref<!tpu.dma_semaphore, #tpu.memory_space<semaphore_mem>>
        %dma_start3A_981 = arith.constant 0 : i32
        %dma_start3A_982 = tpu.memref_slice %arg6[%add3A_908, %dma_start3A_981] : memref<10112x128xf32, #tpu.memory_space<vmem_shared>> -> memref<8x128xf32, #tpu.memory_space<vmem_shared>>
        %dma_start3A_983 = arith.constant 0 : i32
        %dma_start3A_984 = tpu.memref_slice %arg6[%add3A_908, %dma_start3A_983] : memref<10112x128xf32, #tpu.memory_space<vmem_shared>> -> memref<8x128xf32, #tpu.memory_space<vmem_shared>>
        tpu.enqueue_dma source(%arg10 : memref<8x128xf32, #tpu.memory_space<vmem>>) target(%dma_start3A_984 : memref<8x128xf32, #tpu.memory_space<vmem_shared>>) target_semaphore(%run_scoped3A : memref<!tpu.dma_semaphore, #tpu.memory_space<semaphore_mem>>)
        %dma_wait3A_985 = arith.constant 0 : i32
        %dma_wait3A_986 = tpu.memref_slice %arg6[%add3A_908, %dma_wait3A_985] : memref<10112x128xf32, #tpu.memory_space<vmem_shared>> -> memref<8x128xf32, #tpu.memory_space<vmem_shared>>
        %dma_wait3A_987 = arith.constant 0 : i32
        %dma_wait3A_988 = tpu.memref_slice %arg6[%add3A_908, %dma_wait3A_987] : memref<10112x128xf32, #tpu.memory_space<vmem_shared>> -> memref<8x128xf32, #tpu.memory_space<vmem_shared>>
        tpu.wait_dma2 semaphore(%run_scoped3A : memref<!tpu.dma_semaphore, #tpu.memory_space<semaphore_mem>>) src(%arg10 : memref<8x128xf32, #tpu.memory_space<vmem>>) dst(%dma_wait3A_988 : memref<8x128xf32, #tpu.memory_space<vmem_shared>>)
        tpu.yield
      }) : () -> ()
      %mul3A_909 = arith.constant 632 : i32
      %mul3A_910 = arith.muli %arg1, %mul3A_909 : i32
      %add3A_911 = arith.constant 488 : i32
      %add3A_912 = arith.addi %mul3A_910, %add3A_911 : i32
      "tpu.region"() ({
        %run_scoped3A = tpu.sem_alloc : memref<!tpu.dma_semaphore, #tpu.memory_space<semaphore_mem>>
        %dma_start3A_981 = arith.constant 0 : i32
        %dma_start3A_982 = tpu.memref_slice %arg6[%add3A_912, %dma_start3A_981] : memref<10112x128xf32, #tpu.memory_space<vmem_shared>> -> memref<8x128xf32, #tpu.memory_space<vmem_shared>>
        %dma_start3A_983 = arith.constant 0 : i32
        %dma_start3A_984 = tpu.memref_slice %arg6[%add3A_912, %dma_start3A_983] : memref<10112x128xf32, #tpu.memory_space<vmem_shared>> -> memref<8x128xf32, #tpu.memory_space<vmem_shared>>
        tpu.enqueue_dma source(%arg10 : memref<8x128xf32, #tpu.memory_space<vmem>>) target(%dma_start3A_984 : memref<8x128xf32, #tpu.memory_space<vmem_shared>>) target_semaphore(%run_scoped3A : memref<!tpu.dma_semaphore, #tpu.memory_space<semaphore_mem>>)
        %dma_wait3A_985 = arith.constant 0 : i32
        %dma_wait3A_986 = tpu.memref_slice %arg6[%add3A_912, %dma_wait3A_985] : memref<10112x128xf32, #tpu.memory_space<vmem_shared>> -> memref<8x128xf32, #tpu.memory_space<vmem_shared>>
        %dma_wait3A_987 = arith.constant 0 : i32
        %dma_wait3A_988 = tpu.memref_slice %arg6[%add3A_912, %dma_wait3A_987] : memref<10112x128xf32, #tpu.memory_space<vmem_shared>> -> memref<8x128xf32, #tpu.memory_space<vmem_shared>>
        tpu.wait_dma2 semaphore(%run_scoped3A : memref<!tpu.dma_semaphore, #tpu.memory_space<semaphore_mem>>) src(%arg10 : memref<8x128xf32, #tpu.memory_space<vmem>>) dst(%dma_wait3A_988 : memref<8x128xf32, #tpu.memory_space<vmem_shared>>)
        tpu.yield
      }) : () -> ()
      %mul3A_913 = arith.constant 632 : i32
      %mul3A_914 = arith.muli %arg1, %mul3A_913 : i32
      %add3A_915 = arith.constant 496 : i32
      %add3A_916 = arith.addi %mul3A_914, %add3A_915 : i32
      "tpu.region"() ({
        %run_scoped3A = tpu.sem_alloc : memref<!tpu.dma_semaphore, #tpu.memory_space<semaphore_mem>>
        %dma_start3A_981 = arith.constant 0 : i32
        %dma_start3A_982 = tpu.memref_slice %arg6[%add3A_916, %dma_start3A_981] : memref<10112x128xf32, #tpu.memory_space<vmem_shared>> -> memref<8x128xf32, #tpu.memory_space<vmem_shared>>
        %dma_start3A_983 = arith.constant 0 : i32
        %dma_start3A_984 = tpu.memref_slice %arg6[%add3A_916, %dma_start3A_983] : memref<10112x128xf32, #tpu.memory_space<vmem_shared>> -> memref<8x128xf32, #tpu.memory_space<vmem_shared>>
        tpu.enqueue_dma source(%arg10 : memref<8x128xf32, #tpu.memory_space<vmem>>) target(%dma_start3A_984 : memref<8x128xf32, #tpu.memory_space<vmem_shared>>) target_semaphore(%run_scoped3A : memref<!tpu.dma_semaphore, #tpu.memory_space<semaphore_mem>>)
        %dma_wait3A_985 = arith.constant 0 : i32
        %dma_wait3A_986 = tpu.memref_slice %arg6[%add3A_916, %dma_wait3A_985] : memref<10112x128xf32, #tpu.memory_space<vmem_shared>> -> memref<8x128xf32, #tpu.memory_space<vmem_shared>>
        %dma_wait3A_987 = arith.constant 0 : i32
        %dma_wait3A_988 = tpu.memref_slice %arg6[%add3A_916, %dma_wait3A_987] : memref<10112x128xf32, #tpu.memory_space<vmem_shared>> -> memref<8x128xf32, #tpu.memory_space<vmem_shared>>
        tpu.wait_dma2 semaphore(%run_scoped3A : memref<!tpu.dma_semaphore, #tpu.memory_space<semaphore_mem>>) src(%arg10 : memref<8x128xf32, #tpu.memory_space<vmem>>) dst(%dma_wait3A_988 : memref<8x128xf32, #tpu.memory_space<vmem_shared>>)
        tpu.yield
      }) : () -> ()
      %mul3A_917 = arith.constant 632 : i32
      %mul3A_918 = arith.muli %arg1, %mul3A_917 : i32
      %add3A_919 = arith.constant 504 : i32
      %add3A_920 = arith.addi %mul3A_918, %add3A_919 : i32
      "tpu.region"() ({
        %run_scoped3A = tpu.sem_alloc : memref<!tpu.dma_semaphore, #tpu.memory_space<semaphore_mem>>
        %dma_start3A_981 = arith.constant 0 : i32
        %dma_start3A_982 = tpu.memref_slice %arg6[%add3A_920, %dma_start3A_981] : memref<10112x128xf32, #tpu.memory_space<vmem_shared>> -> memref<8x128xf32, #tpu.memory_space<vmem_shared>>
        %dma_start3A_983 = arith.constant 0 : i32
        %dma_start3A_984 = tpu.memref_slice %arg6[%add3A_920, %dma_start3A_983] : memref<10112x128xf32, #tpu.memory_space<vmem_shared>> -> memref<8x128xf32, #tpu.memory_space<vmem_shared>>
        tpu.enqueue_dma source(%arg10 : memref<8x128xf32, #tpu.memory_space<vmem>>) target(%dma_start3A_984 : memref<8x128xf32, #tpu.memory_space<vmem_shared>>) target_semaphore(%run_scoped3A : memref<!tpu.dma_semaphore, #tpu.memory_space<semaphore_mem>>)
        %dma_wait3A_985 = arith.constant 0 : i32
        %dma_wait3A_986 = tpu.memref_slice %arg6[%add3A_920, %dma_wait3A_985] : memref<10112x128xf32, #tpu.memory_space<vmem_shared>> -> memref<8x128xf32, #tpu.memory_space<vmem_shared>>
        %dma_wait3A_987 = arith.constant 0 : i32
        %dma_wait3A_988 = tpu.memref_slice %arg6[%add3A_920, %dma_wait3A_987] : memref<10112x128xf32, #tpu.memory_space<vmem_shared>> -> memref<8x128xf32, #tpu.memory_space<vmem_shared>>
        tpu.wait_dma2 semaphore(%run_scoped3A : memref<!tpu.dma_semaphore, #tpu.memory_space<semaphore_mem>>) src(%arg10 : memref<8x128xf32, #tpu.memory_space<vmem>>) dst(%dma_wait3A_988 : memref<8x128xf32, #tpu.memory_space<vmem_shared>>)
        tpu.yield
      }) : () -> ()
      %mul3A_921 = arith.constant 632 : i32
      %mul3A_922 = arith.muli %arg1, %mul3A_921 : i32
      %add3A_923 = arith.constant 512 : i32
      %add3A_924 = arith.addi %mul3A_922, %add3A_923 : i32
      "tpu.region"() ({
        %run_scoped3A = tpu.sem_alloc : memref<!tpu.dma_semaphore, #tpu.memory_space<semaphore_mem>>
        %dma_start3A_981 = arith.constant 0 : i32
        %dma_start3A_982 = tpu.memref_slice %arg6[%add3A_924, %dma_start3A_981] : memref<10112x128xf32, #tpu.memory_space<vmem_shared>> -> memref<8x128xf32, #tpu.memory_space<vmem_shared>>
        %dma_start3A_983 = arith.constant 0 : i32
        %dma_start3A_984 = tpu.memref_slice %arg6[%add3A_924, %dma_start3A_983] : memref<10112x128xf32, #tpu.memory_space<vmem_shared>> -> memref<8x128xf32, #tpu.memory_space<vmem_shared>>
        tpu.enqueue_dma source(%arg10 : memref<8x128xf32, #tpu.memory_space<vmem>>) target(%dma_start3A_984 : memref<8x128xf32, #tpu.memory_space<vmem_shared>>) target_semaphore(%run_scoped3A : memref<!tpu.dma_semaphore, #tpu.memory_space<semaphore_mem>>)
        %dma_wait3A_985 = arith.constant 0 : i32
        %dma_wait3A_986 = tpu.memref_slice %arg6[%add3A_924, %dma_wait3A_985] : memref<10112x128xf32, #tpu.memory_space<vmem_shared>> -> memref<8x128xf32, #tpu.memory_space<vmem_shared>>
        %dma_wait3A_987 = arith.constant 0 : i32
        %dma_wait3A_988 = tpu.memref_slice %arg6[%add3A_924, %dma_wait3A_987] : memref<10112x128xf32, #tpu.memory_space<vmem_shared>> -> memref<8x128xf32, #tpu.memory_space<vmem_shared>>
        tpu.wait_dma2 semaphore(%run_scoped3A : memref<!tpu.dma_semaphore, #tpu.memory_space<semaphore_mem>>) src(%arg10 : memref<8x128xf32, #tpu.memory_space<vmem>>) dst(%dma_wait3A_988 : memref<8x128xf32, #tpu.memory_space<vmem_shared>>)
        tpu.yield
      }) : () -> ()
      %mul3A_925 = arith.constant 632 : i32
      %mul3A_926 = arith.muli %arg1, %mul3A_925 : i32
      %add3A_927 = arith.constant 520 : i32
      %add3A_928 = arith.addi %mul3A_926, %add3A_927 : i32
      "tpu.region"() ({
        %run_scoped3A = tpu.sem_alloc : memref<!tpu.dma_semaphore, #tpu.memory_space<semaphore_mem>>
        %dma_start3A_981 = arith.constant 0 : i32
        %dma_start3A_982 = tpu.memref_slice %arg6[%add3A_928, %dma_start3A_981] : memref<10112x128xf32, #tpu.memory_space<vmem_shared>> -> memref<8x128xf32, #tpu.memory_space<vmem_shared>>
        %dma_start3A_983 = arith.constant 0 : i32
        %dma_start3A_984 = tpu.memref_slice %arg6[%add3A_928, %dma_start3A_983] : memref<10112x128xf32, #tpu.memory_space<vmem_shared>> -> memref<8x128xf32, #tpu.memory_space<vmem_shared>>
        tpu.enqueue_dma source(%arg10 : memref<8x128xf32, #tpu.memory_space<vmem>>) target(%dma_start3A_984 : memref<8x128xf32, #tpu.memory_space<vmem_shared>>) target_semaphore(%run_scoped3A : memref<!tpu.dma_semaphore, #tpu.memory_space<semaphore_mem>>)
        %dma_wait3A_985 = arith.constant 0 : i32
        %dma_wait3A_986 = tpu.memref_slice %arg6[%add3A_928, %dma_wait3A_985] : memref<10112x128xf32, #tpu.memory_space<vmem_shared>> -> memref<8x128xf32, #tpu.memory_space<vmem_shared>>
        %dma_wait3A_987 = arith.constant 0 : i32
        %dma_wait3A_988 = tpu.memref_slice %arg6[%add3A_928, %dma_wait3A_987] : memref<10112x128xf32, #tpu.memory_space<vmem_shared>> -> memref<8x128xf32, #tpu.memory_space<vmem_shared>>
        tpu.wait_dma2 semaphore(%run_scoped3A : memref<!tpu.dma_semaphore, #tpu.memory_space<semaphore_mem>>) src(%arg10 : memref<8x128xf32, #tpu.memory_space<vmem>>) dst(%dma_wait3A_988 : memref<8x128xf32, #tpu.memory_space<vmem_shared>>)
        tpu.yield
      }) : () -> ()
      %mul3A_929 = arith.constant 632 : i32
      %mul3A_930 = arith.muli %arg1, %mul3A_929 : i32
      %add3A_931 = arith.constant 528 : i32
      %add3A_932 = arith.addi %mul3A_930, %add3A_931 : i32
      "tpu.region"() ({
        %run_scoped3A = tpu.sem_alloc : memref<!tpu.dma_semaphore, #tpu.memory_space<semaphore_mem>>
        %dma_start3A_981 = arith.constant 0 : i32
        %dma_start3A_982 = tpu.memref_slice %arg6[%add3A_932, %dma_start3A_981] : memref<10112x128xf32, #tpu.memory_space<vmem_shared>> -> memref<8x128xf32, #tpu.memory_space<vmem_shared>>
        %dma_start3A_983 = arith.constant 0 : i32
        %dma_start3A_984 = tpu.memref_slice %arg6[%add3A_932, %dma_start3A_983] : memref<10112x128xf32, #tpu.memory_space<vmem_shared>> -> memref<8x128xf32, #tpu.memory_space<vmem_shared>>
        tpu.enqueue_dma source(%arg10 : memref<8x128xf32, #tpu.memory_space<vmem>>) target(%dma_start3A_984 : memref<8x128xf32, #tpu.memory_space<vmem_shared>>) target_semaphore(%run_scoped3A : memref<!tpu.dma_semaphore, #tpu.memory_space<semaphore_mem>>)
        %dma_wait3A_985 = arith.constant 0 : i32
        %dma_wait3A_986 = tpu.memref_slice %arg6[%add3A_932, %dma_wait3A_985] : memref<10112x128xf32, #tpu.memory_space<vmem_shared>> -> memref<8x128xf32, #tpu.memory_space<vmem_shared>>
        %dma_wait3A_987 = arith.constant 0 : i32
        %dma_wait3A_988 = tpu.memref_slice %arg6[%add3A_932, %dma_wait3A_987] : memref<10112x128xf32, #tpu.memory_space<vmem_shared>> -> memref<8x128xf32, #tpu.memory_space<vmem_shared>>
        tpu.wait_dma2 semaphore(%run_scoped3A : memref<!tpu.dma_semaphore, #tpu.memory_space<semaphore_mem>>) src(%arg10 : memref<8x128xf32, #tpu.memory_space<vmem>>) dst(%dma_wait3A_988 : memref<8x128xf32, #tpu.memory_space<vmem_shared>>)
        tpu.yield
      }) : () -> ()
      %mul3A_933 = arith.constant 632 : i32
      %mul3A_934 = arith.muli %arg1, %mul3A_933 : i32
      %add3A_935 = arith.constant 536 : i32
      %add3A_936 = arith.addi %mul3A_934, %add3A_935 : i32
      "tpu.region"() ({
        %run_scoped3A = tpu.sem_alloc : memref<!tpu.dma_semaphore, #tpu.memory_space<semaphore_mem>>
        %dma_start3A_981 = arith.constant 0 : i32
        %dma_start3A_982 = tpu.memref_slice %arg6[%add3A_936, %dma_start3A_981] : memref<10112x128xf32, #tpu.memory_space<vmem_shared>> -> memref<8x128xf32, #tpu.memory_space<vmem_shared>>
        %dma_start3A_983 = arith.constant 0 : i32
        %dma_start3A_984 = tpu.memref_slice %arg6[%add3A_936, %dma_start3A_983] : memref<10112x128xf32, #tpu.memory_space<vmem_shared>> -> memref<8x128xf32, #tpu.memory_space<vmem_shared>>
        tpu.enqueue_dma source(%arg10 : memref<8x128xf32, #tpu.memory_space<vmem>>) target(%dma_start3A_984 : memref<8x128xf32, #tpu.memory_space<vmem_shared>>) target_semaphore(%run_scoped3A : memref<!tpu.dma_semaphore, #tpu.memory_space<semaphore_mem>>)
        %dma_wait3A_985 = arith.constant 0 : i32
        %dma_wait3A_986 = tpu.memref_slice %arg6[%add3A_936, %dma_wait3A_985] : memref<10112x128xf32, #tpu.memory_space<vmem_shared>> -> memref<8x128xf32, #tpu.memory_space<vmem_shared>>
        %dma_wait3A_987 = arith.constant 0 : i32
        %dma_wait3A_988 = tpu.memref_slice %arg6[%add3A_936, %dma_wait3A_987] : memref<10112x128xf32, #tpu.memory_space<vmem_shared>> -> memref<8x128xf32, #tpu.memory_space<vmem_shared>>
        tpu.wait_dma2 semaphore(%run_scoped3A : memref<!tpu.dma_semaphore, #tpu.memory_space<semaphore_mem>>) src(%arg10 : memref<8x128xf32, #tpu.memory_space<vmem>>) dst(%dma_wait3A_988 : memref<8x128xf32, #tpu.memory_space<vmem_shared>>)
        tpu.yield
      }) : () -> ()
      %mul3A_937 = arith.constant 632 : i32
      %mul3A_938 = arith.muli %arg1, %mul3A_937 : i32
      %add3A_939 = arith.constant 544 : i32
      %add3A_940 = arith.addi %mul3A_938, %add3A_939 : i32
      "tpu.region"() ({
        %run_scoped3A = tpu.sem_alloc : memref<!tpu.dma_semaphore, #tpu.memory_space<semaphore_mem>>
        %dma_start3A_981 = arith.constant 0 : i32
        %dma_start3A_982 = tpu.memref_slice %arg6[%add3A_940, %dma_start3A_981] : memref<10112x128xf32, #tpu.memory_space<vmem_shared>> -> memref<8x128xf32, #tpu.memory_space<vmem_shared>>
        %dma_start3A_983 = arith.constant 0 : i32
        %dma_start3A_984 = tpu.memref_slice %arg6[%add3A_940, %dma_start3A_983] : memref<10112x128xf32, #tpu.memory_space<vmem_shared>> -> memref<8x128xf32, #tpu.memory_space<vmem_shared>>
        tpu.enqueue_dma source(%arg10 : memref<8x128xf32, #tpu.memory_space<vmem>>) target(%dma_start3A_984 : memref<8x128xf32, #tpu.memory_space<vmem_shared>>) target_semaphore(%run_scoped3A : memref<!tpu.dma_semaphore, #tpu.memory_space<semaphore_mem>>)
        %dma_wait3A_985 = arith.constant 0 : i32
        %dma_wait3A_986 = tpu.memref_slice %arg6[%add3A_940, %dma_wait3A_985] : memref<10112x128xf32, #tpu.memory_space<vmem_shared>> -> memref<8x128xf32, #tpu.memory_space<vmem_shared>>
        %dma_wait3A_987 = arith.constant 0 : i32
        %dma_wait3A_988 = tpu.memref_slice %arg6[%add3A_940, %dma_wait3A_987] : memref<10112x128xf32, #tpu.memory_space<vmem_shared>> -> memref<8x128xf32, #tpu.memory_space<vmem_shared>>
        tpu.wait_dma2 semaphore(%run_scoped3A : memref<!tpu.dma_semaphore, #tpu.memory_space<semaphore_mem>>) src(%arg10 : memref<8x128xf32, #tpu.memory_space<vmem>>) dst(%dma_wait3A_988 : memref<8x128xf32, #tpu.memory_space<vmem_shared>>)
        tpu.yield
      }) : () -> ()
      %mul3A_941 = arith.constant 632 : i32
      %mul3A_942 = arith.muli %arg1, %mul3A_941 : i32
      %add3A_943 = arith.constant 552 : i32
      %add3A_944 = arith.addi %mul3A_942, %add3A_943 : i32
      "tpu.region"() ({
        %run_scoped3A = tpu.sem_alloc : memref<!tpu.dma_semaphore, #tpu.memory_space<semaphore_mem>>
        %dma_start3A_981 = arith.constant 0 : i32
        %dma_start3A_982 = tpu.memref_slice %arg6[%add3A_944, %dma_start3A_981] : memref<10112x128xf32, #tpu.memory_space<vmem_shared>> -> memref<8x128xf32, #tpu.memory_space<vmem_shared>>
        %dma_start3A_983 = arith.constant 0 : i32
        %dma_start3A_984 = tpu.memref_slice %arg6[%add3A_944, %dma_start3A_983] : memref<10112x128xf32, #tpu.memory_space<vmem_shared>> -> memref<8x128xf32, #tpu.memory_space<vmem_shared>>
        tpu.enqueue_dma source(%arg10 : memref<8x128xf32, #tpu.memory_space<vmem>>) target(%dma_start3A_984 : memref<8x128xf32, #tpu.memory_space<vmem_shared>>) target_semaphore(%run_scoped3A : memref<!tpu.dma_semaphore, #tpu.memory_space<semaphore_mem>>)
        %dma_wait3A_985 = arith.constant 0 : i32
        %dma_wait3A_986 = tpu.memref_slice %arg6[%add3A_944, %dma_wait3A_985] : memref<10112x128xf32, #tpu.memory_space<vmem_shared>> -> memref<8x128xf32, #tpu.memory_space<vmem_shared>>
        %dma_wait3A_987 = arith.constant 0 : i32
        %dma_wait3A_988 = tpu.memref_slice %arg6[%add3A_944, %dma_wait3A_987] : memref<10112x128xf32, #tpu.memory_space<vmem_shared>> -> memref<8x128xf32, #tpu.memory_space<vmem_shared>>
        tpu.wait_dma2 semaphore(%run_scoped3A : memref<!tpu.dma_semaphore, #tpu.memory_space<semaphore_mem>>) src(%arg10 : memref<8x128xf32, #tpu.memory_space<vmem>>) dst(%dma_wait3A_988 : memref<8x128xf32, #tpu.memory_space<vmem_shared>>)
        tpu.yield
      }) : () -> ()
      %mul3A_945 = arith.constant 632 : i32
      %mul3A_946 = arith.muli %arg1, %mul3A_945 : i32
      %add3A_947 = arith.constant 560 : i32
      %add3A_948 = arith.addi %mul3A_946, %add3A_947 : i32
      "tpu.region"() ({
        %run_scoped3A = tpu.sem_alloc : memref<!tpu.dma_semaphore, #tpu.memory_space<semaphore_mem>>
        %dma_start3A_981 = arith.constant 0 : i32
        %dma_start3A_982 = tpu.memref_slice %arg6[%add3A_948, %dma_start3A_981] : memref<10112x128xf32, #tpu.memory_space<vmem_shared>> -> memref<8x128xf32, #tpu.memory_space<vmem_shared>>
        %dma_start3A_983 = arith.constant 0 : i32
        %dma_start3A_984 = tpu.memref_slice %arg6[%add3A_948, %dma_start3A_983] : memref<10112x128xf32, #tpu.memory_space<vmem_shared>> -> memref<8x128xf32, #tpu.memory_space<vmem_shared>>
        tpu.enqueue_dma source(%arg10 : memref<8x128xf32, #tpu.memory_space<vmem>>) target(%dma_start3A_984 : memref<8x128xf32, #tpu.memory_space<vmem_shared>>) target_semaphore(%run_scoped3A : memref<!tpu.dma_semaphore, #tpu.memory_space<semaphore_mem>>)
        %dma_wait3A_985 = arith.constant 0 : i32
        %dma_wait3A_986 = tpu.memref_slice %arg6[%add3A_948, %dma_wait3A_985] : memref<10112x128xf32, #tpu.memory_space<vmem_shared>> -> memref<8x128xf32, #tpu.memory_space<vmem_shared>>
        %dma_wait3A_987 = arith.constant 0 : i32
        %dma_wait3A_988 = tpu.memref_slice %arg6[%add3A_948, %dma_wait3A_987] : memref<10112x128xf32, #tpu.memory_space<vmem_shared>> -> memref<8x128xf32, #tpu.memory_space<vmem_shared>>
        tpu.wait_dma2 semaphore(%run_scoped3A : memref<!tpu.dma_semaphore, #tpu.memory_space<semaphore_mem>>) src(%arg10 : memref<8x128xf32, #tpu.memory_space<vmem>>) dst(%dma_wait3A_988 : memref<8x128xf32, #tpu.memory_space<vmem_shared>>)
        tpu.yield
      }) : () -> ()
      %mul3A_949 = arith.constant 632 : i32
      %mul3A_950 = arith.muli %arg1, %mul3A_949 : i32
      %add3A_951 = arith.constant 568 : i32
      %add3A_952 = arith.addi %mul3A_950, %add3A_951 : i32
      "tpu.region"() ({
        %run_scoped3A = tpu.sem_alloc : memref<!tpu.dma_semaphore, #tpu.memory_space<semaphore_mem>>
        %dma_start3A_981 = arith.constant 0 : i32
        %dma_start3A_982 = tpu.memref_slice %arg6[%add3A_952, %dma_start3A_981] : memref<10112x128xf32, #tpu.memory_space<vmem_shared>> -> memref<8x128xf32, #tpu.memory_space<vmem_shared>>
        %dma_start3A_983 = arith.constant 0 : i32
        %dma_start3A_984 = tpu.memref_slice %arg6[%add3A_952, %dma_start3A_983] : memref<10112x128xf32, #tpu.memory_space<vmem_shared>> -> memref<8x128xf32, #tpu.memory_space<vmem_shared>>
        tpu.enqueue_dma source(%arg10 : memref<8x128xf32, #tpu.memory_space<vmem>>) target(%dma_start3A_984 : memref<8x128xf32, #tpu.memory_space<vmem_shared>>) target_semaphore(%run_scoped3A : memref<!tpu.dma_semaphore, #tpu.memory_space<semaphore_mem>>)
        %dma_wait3A_985 = arith.constant 0 : i32
        %dma_wait3A_986 = tpu.memref_slice %arg6[%add3A_952, %dma_wait3A_985] : memref<10112x128xf32, #tpu.memory_space<vmem_shared>> -> memref<8x128xf32, #tpu.memory_space<vmem_shared>>
        %dma_wait3A_987 = arith.constant 0 : i32
        %dma_wait3A_988 = tpu.memref_slice %arg6[%add3A_952, %dma_wait3A_987] : memref<10112x128xf32, #tpu.memory_space<vmem_shared>> -> memref<8x128xf32, #tpu.memory_space<vmem_shared>>
        tpu.wait_dma2 semaphore(%run_scoped3A : memref<!tpu.dma_semaphore, #tpu.memory_space<semaphore_mem>>) src(%arg10 : memref<8x128xf32, #tpu.memory_space<vmem>>) dst(%dma_wait3A_988 : memref<8x128xf32, #tpu.memory_space<vmem_shared>>)
        tpu.yield
      }) : () -> ()
      %mul3A_953 = arith.constant 632 : i32
      %mul3A_954 = arith.muli %arg1, %mul3A_953 : i32
      %add3A_955 = arith.constant 576 : i32
      %add3A_956 = arith.addi %mul3A_954, %add3A_955 : i32
      "tpu.region"() ({
        %run_scoped3A = tpu.sem_alloc : memref<!tpu.dma_semaphore, #tpu.memory_space<semaphore_mem>>
        %dma_start3A_981 = arith.constant 0 : i32
        %dma_start3A_982 = tpu.memref_slice %arg6[%add3A_956, %dma_start3A_981] : memref<10112x128xf32, #tpu.memory_space<vmem_shared>> -> memref<8x128xf32, #tpu.memory_space<vmem_shared>>
        %dma_start3A_983 = arith.constant 0 : i32
        %dma_start3A_984 = tpu.memref_slice %arg6[%add3A_956, %dma_start3A_983] : memref<10112x128xf32, #tpu.memory_space<vmem_shared>> -> memref<8x128xf32, #tpu.memory_space<vmem_shared>>
        tpu.enqueue_dma source(%arg10 : memref<8x128xf32, #tpu.memory_space<vmem>>) target(%dma_start3A_984 : memref<8x128xf32, #tpu.memory_space<vmem_shared>>) target_semaphore(%run_scoped3A : memref<!tpu.dma_semaphore, #tpu.memory_space<semaphore_mem>>)
        %dma_wait3A_985 = arith.constant 0 : i32
        %dma_wait3A_986 = tpu.memref_slice %arg6[%add3A_956, %dma_wait3A_985] : memref<10112x128xf32, #tpu.memory_space<vmem_shared>> -> memref<8x128xf32, #tpu.memory_space<vmem_shared>>
        %dma_wait3A_987 = arith.constant 0 : i32
        %dma_wait3A_988 = tpu.memref_slice %arg6[%add3A_956, %dma_wait3A_987] : memref<10112x128xf32, #tpu.memory_space<vmem_shared>> -> memref<8x128xf32, #tpu.memory_space<vmem_shared>>
        tpu.wait_dma2 semaphore(%run_scoped3A : memref<!tpu.dma_semaphore, #tpu.memory_space<semaphore_mem>>) src(%arg10 : memref<8x128xf32, #tpu.memory_space<vmem>>) dst(%dma_wait3A_988 : memref<8x128xf32, #tpu.memory_space<vmem_shared>>)
        tpu.yield
      }) : () -> ()
      %mul3A_957 = arith.constant 632 : i32
      %mul3A_958 = arith.muli %arg1, %mul3A_957 : i32
      %add3A_959 = arith.constant 584 : i32
      %add3A_960 = arith.addi %mul3A_958, %add3A_959 : i32
      "tpu.region"() ({
        %run_scoped3A = tpu.sem_alloc : memref<!tpu.dma_semaphore, #tpu.memory_space<semaphore_mem>>
        %dma_start3A_981 = arith.constant 0 : i32
        %dma_start3A_982 = tpu.memref_slice %arg6[%add3A_960, %dma_start3A_981] : memref<10112x128xf32, #tpu.memory_space<vmem_shared>> -> memref<8x128xf32, #tpu.memory_space<vmem_shared>>
        %dma_start3A_983 = arith.constant 0 : i32
        %dma_start3A_984 = tpu.memref_slice %arg6[%add3A_960, %dma_start3A_983] : memref<10112x128xf32, #tpu.memory_space<vmem_shared>> -> memref<8x128xf32, #tpu.memory_space<vmem_shared>>
        tpu.enqueue_dma source(%arg10 : memref<8x128xf32, #tpu.memory_space<vmem>>) target(%dma_start3A_984 : memref<8x128xf32, #tpu.memory_space<vmem_shared>>) target_semaphore(%run_scoped3A : memref<!tpu.dma_semaphore, #tpu.memory_space<semaphore_mem>>)
        %dma_wait3A_985 = arith.constant 0 : i32
        %dma_wait3A_986 = tpu.memref_slice %arg6[%add3A_960, %dma_wait3A_985] : memref<10112x128xf32, #tpu.memory_space<vmem_shared>> -> memref<8x128xf32, #tpu.memory_space<vmem_shared>>
        %dma_wait3A_987 = arith.constant 0 : i32
        %dma_wait3A_988 = tpu.memref_slice %arg6[%add3A_960, %dma_wait3A_987] : memref<10112x128xf32, #tpu.memory_space<vmem_shared>> -> memref<8x128xf32, #tpu.memory_space<vmem_shared>>
        tpu.wait_dma2 semaphore(%run_scoped3A : memref<!tpu.dma_semaphore, #tpu.memory_space<semaphore_mem>>) src(%arg10 : memref<8x128xf32, #tpu.memory_space<vmem>>) dst(%dma_wait3A_988 : memref<8x128xf32, #tpu.memory_space<vmem_shared>>)
        tpu.yield
      }) : () -> ()
      %mul3A_961 = arith.constant 632 : i32
      %mul3A_962 = arith.muli %arg1, %mul3A_961 : i32
      %add3A_963 = arith.constant 592 : i32
      %add3A_964 = arith.addi %mul3A_962, %add3A_963 : i32
      "tpu.region"() ({
        %run_scoped3A = tpu.sem_alloc : memref<!tpu.dma_semaphore, #tpu.memory_space<semaphore_mem>>
        %dma_start3A_981 = arith.constant 0 : i32
        %dma_start3A_982 = tpu.memref_slice %arg6[%add3A_964, %dma_start3A_981] : memref<10112x128xf32, #tpu.memory_space<vmem_shared>> -> memref<8x128xf32, #tpu.memory_space<vmem_shared>>
        %dma_start3A_983 = arith.constant 0 : i32
        %dma_start3A_984 = tpu.memref_slice %arg6[%add3A_964, %dma_start3A_983] : memref<10112x128xf32, #tpu.memory_space<vmem_shared>> -> memref<8x128xf32, #tpu.memory_space<vmem_shared>>
        tpu.enqueue_dma source(%arg10 : memref<8x128xf32, #tpu.memory_space<vmem>>) target(%dma_start3A_984 : memref<8x128xf32, #tpu.memory_space<vmem_shared>>) target_semaphore(%run_scoped3A : memref<!tpu.dma_semaphore, #tpu.memory_space<semaphore_mem>>)
        %dma_wait3A_985 = arith.constant 0 : i32
        %dma_wait3A_986 = tpu.memref_slice %arg6[%add3A_964, %dma_wait3A_985] : memref<10112x128xf32, #tpu.memory_space<vmem_shared>> -> memref<8x128xf32, #tpu.memory_space<vmem_shared>>
        %dma_wait3A_987 = arith.constant 0 : i32
        %dma_wait3A_988 = tpu.memref_slice %arg6[%add3A_964, %dma_wait3A_987] : memref<10112x128xf32, #tpu.memory_space<vmem_shared>> -> memref<8x128xf32, #tpu.memory_space<vmem_shared>>
        tpu.wait_dma2 semaphore(%run_scoped3A : memref<!tpu.dma_semaphore, #tpu.memory_space<semaphore_mem>>) src(%arg10 : memref<8x128xf32, #tpu.memory_space<vmem>>) dst(%dma_wait3A_988 : memref<8x128xf32, #tpu.memory_space<vmem_shared>>)
        tpu.yield
      }) : () -> ()
      %mul3A_965 = arith.constant 632 : i32
      %mul3A_966 = arith.muli %arg1, %mul3A_965 : i32
      %add3A_967 = arith.constant 600 : i32
      %add3A_968 = arith.addi %mul3A_966, %add3A_967 : i32
      "tpu.region"() ({
        %run_scoped3A = tpu.sem_alloc : memref<!tpu.dma_semaphore, #tpu.memory_space<semaphore_mem>>
        %dma_start3A_981 = arith.constant 0 : i32
        %dma_start3A_982 = tpu.memref_slice %arg6[%add3A_968, %dma_start3A_981] : memref<10112x128xf32, #tpu.memory_space<vmem_shared>> -> memref<8x128xf32, #tpu.memory_space<vmem_shared>>
        %dma_start3A_983 = arith.constant 0 : i32
        %dma_start3A_984 = tpu.memref_slice %arg6[%add3A_968, %dma_start3A_983] : memref<10112x128xf32, #tpu.memory_space<vmem_shared>> -> memref<8x128xf32, #tpu.memory_space<vmem_shared>>
        tpu.enqueue_dma source(%arg10 : memref<8x128xf32, #tpu.memory_space<vmem>>) target(%dma_start3A_984 : memref<8x128xf32, #tpu.memory_space<vmem_shared>>) target_semaphore(%run_scoped3A : memref<!tpu.dma_semaphore, #tpu.memory_space<semaphore_mem>>)
        %dma_wait3A_985 = arith.constant 0 : i32
        %dma_wait3A_986 = tpu.memref_slice %arg6[%add3A_968, %dma_wait3A_985] : memref<10112x128xf32, #tpu.memory_space<vmem_shared>> -> memref<8x128xf32, #tpu.memory_space<vmem_shared>>
        %dma_wait3A_987 = arith.constant 0 : i32
        %dma_wait3A_988 = tpu.memref_slice %arg6[%add3A_968, %dma_wait3A_987] : memref<10112x128xf32, #tpu.memory_space<vmem_shared>> -> memref<8x128xf32, #tpu.memory_space<vmem_shared>>
        tpu.wait_dma2 semaphore(%run_scoped3A : memref<!tpu.dma_semaphore, #tpu.memory_space<semaphore_mem>>) src(%arg10 : memref<8x128xf32, #tpu.memory_space<vmem>>) dst(%dma_wait3A_988 : memref<8x128xf32, #tpu.memory_space<vmem_shared>>)
        tpu.yield
      }) : () -> ()
      %mul3A_969 = arith.constant 632 : i32
      %mul3A_970 = arith.muli %arg1, %mul3A_969 : i32
      %add3A_971 = arith.constant 608 : i32
      %add3A_972 = arith.addi %mul3A_970, %add3A_971 : i32
      "tpu.region"() ({
        %run_scoped3A = tpu.sem_alloc : memref<!tpu.dma_semaphore, #tpu.memory_space<semaphore_mem>>
        %dma_start3A_981 = arith.constant 0 : i32
        %dma_start3A_982 = tpu.memref_slice %arg6[%add3A_972, %dma_start3A_981] : memref<10112x128xf32, #tpu.memory_space<vmem_shared>> -> memref<8x128xf32, #tpu.memory_space<vmem_shared>>
        %dma_start3A_983 = arith.constant 0 : i32
        %dma_start3A_984 = tpu.memref_slice %arg6[%add3A_972, %dma_start3A_983] : memref<10112x128xf32, #tpu.memory_space<vmem_shared>> -> memref<8x128xf32, #tpu.memory_space<vmem_shared>>
        tpu.enqueue_dma source(%arg10 : memref<8x128xf32, #tpu.memory_space<vmem>>) target(%dma_start3A_984 : memref<8x128xf32, #tpu.memory_space<vmem_shared>>) target_semaphore(%run_scoped3A : memref<!tpu.dma_semaphore, #tpu.memory_space<semaphore_mem>>)
        %dma_wait3A_985 = arith.constant 0 : i32
        %dma_wait3A_986 = tpu.memref_slice %arg6[%add3A_972, %dma_wait3A_985] : memref<10112x128xf32, #tpu.memory_space<vmem_shared>> -> memref<8x128xf32, #tpu.memory_space<vmem_shared>>
        %dma_wait3A_987 = arith.constant 0 : i32
        %dma_wait3A_988 = tpu.memref_slice %arg6[%add3A_972, %dma_wait3A_987] : memref<10112x128xf32, #tpu.memory_space<vmem_shared>> -> memref<8x128xf32, #tpu.memory_space<vmem_shared>>
        tpu.wait_dma2 semaphore(%run_scoped3A : memref<!tpu.dma_semaphore, #tpu.memory_space<semaphore_mem>>) src(%arg10 : memref<8x128xf32, #tpu.memory_space<vmem>>) dst(%dma_wait3A_988 : memref<8x128xf32, #tpu.memory_space<vmem_shared>>)
        tpu.yield
      }) : () -> ()
      %mul3A_973 = arith.constant 632 : i32
      %mul3A_974 = arith.muli %arg1, %mul3A_973 : i32
      %add3A_975 = arith.constant 616 : i32
      %add3A_976 = arith.addi %mul3A_974, %add3A_975 : i32
      "tpu.region"() ({
        %run_scoped3A = tpu.sem_alloc : memref<!tpu.dma_semaphore, #tpu.memory_space<semaphore_mem>>
        %dma_start3A_981 = arith.constant 0 : i32
        %dma_start3A_982 = tpu.memref_slice %arg6[%add3A_976, %dma_start3A_981] : memref<10112x128xf32, #tpu.memory_space<vmem_shared>> -> memref<8x128xf32, #tpu.memory_space<vmem_shared>>
        %dma_start3A_983 = arith.constant 0 : i32
        %dma_start3A_984 = tpu.memref_slice %arg6[%add3A_976, %dma_start3A_983] : memref<10112x128xf32, #tpu.memory_space<vmem_shared>> -> memref<8x128xf32, #tpu.memory_space<vmem_shared>>
        tpu.enqueue_dma source(%arg10 : memref<8x128xf32, #tpu.memory_space<vmem>>) target(%dma_start3A_984 : memref<8x128xf32, #tpu.memory_space<vmem_shared>>) target_semaphore(%run_scoped3A : memref<!tpu.dma_semaphore, #tpu.memory_space<semaphore_mem>>)
        %dma_wait3A_985 = arith.constant 0 : i32
        %dma_wait3A_986 = tpu.memref_slice %arg6[%add3A_976, %dma_wait3A_985] : memref<10112x128xf32, #tpu.memory_space<vmem_shared>> -> memref<8x128xf32, #tpu.memory_space<vmem_shared>>
        %dma_wait3A_987 = arith.constant 0 : i32
        %dma_wait3A_988 = tpu.memref_slice %arg6[%add3A_976, %dma_wait3A_987] : memref<10112x128xf32, #tpu.memory_space<vmem_shared>> -> memref<8x128xf32, #tpu.memory_space<vmem_shared>>
        tpu.wait_dma2 semaphore(%run_scoped3A : memref<!tpu.dma_semaphore, #tpu.memory_space<semaphore_mem>>) src(%arg10 : memref<8x128xf32, #tpu.memory_space<vmem>>) dst(%dma_wait3A_988 : memref<8x128xf32, #tpu.memory_space<vmem_shared>>)
        tpu.yield
      }) : () -> ()
      %mul3A_977 = arith.constant 632 : i32
      %mul3A_978 = arith.muli %arg1, %mul3A_977 : i32
      %add3A_979 = arith.constant 624 : i32
      %add3A_980 = arith.addi %mul3A_978, %add3A_979 : i32
      "tpu.region"() ({
        %run_scoped3A = tpu.sem_alloc : memref<!tpu.dma_semaphore, #tpu.memory_space<semaphore_mem>>
        %dma_start3A_981 = arith.constant 0 : i32
        %dma_start3A_982 = tpu.memref_slice %arg6[%add3A_980, %dma_start3A_981] : memref<10112x128xf32, #tpu.memory_space<vmem_shared>> -> memref<8x128xf32, #tpu.memory_space<vmem_shared>>
        %dma_start3A_983 = arith.constant 0 : i32
        %dma_start3A_984 = tpu.memref_slice %arg6[%add3A_980, %dma_start3A_983] : memref<10112x128xf32, #tpu.memory_space<vmem_shared>> -> memref<8x128xf32, #tpu.memory_space<vmem_shared>>
        tpu.enqueue_dma source(%arg10 : memref<8x128xf32, #tpu.memory_space<vmem>>) target(%dma_start3A_984 : memref<8x128xf32, #tpu.memory_space<vmem_shared>>) target_semaphore(%run_scoped3A : memref<!tpu.dma_semaphore, #tpu.memory_space<semaphore_mem>>)
        %dma_wait3A_985 = arith.constant 0 : i32
        %dma_wait3A_986 = tpu.memref_slice %arg6[%add3A_980, %dma_wait3A_985] : memref<10112x128xf32, #tpu.memory_space<vmem_shared>> -> memref<8x128xf32, #tpu.memory_space<vmem_shared>>
        %dma_wait3A_987 = arith.constant 0 : i32
        %dma_wait3A_988 = tpu.memref_slice %arg6[%add3A_980, %dma_wait3A_987] : memref<10112x128xf32, #tpu.memory_space<vmem_shared>> -> memref<8x128xf32, #tpu.memory_space<vmem_shared>>
        tpu.wait_dma2 semaphore(%run_scoped3A : memref<!tpu.dma_semaphore, #tpu.memory_space<semaphore_mem>>) src(%arg10 : memref<8x128xf32, #tpu.memory_space<vmem>>) dst(%dma_wait3A_988 : memref<8x128xf32, #tpu.memory_space<vmem_shared>>)
        tpu.yield
      }) : () -> ()
    } else {
    }
    %rem3A_557 = arith.constant 0 : i32
    %rem3A_558 = arith.constant 2 : i32
    %rem3A_559 = arith.remsi %rem3A_557, %rem3A_558 : i32
    %add3A_560 = arith.constant 0 : i32
    %add3A_561 = arith.addi %mul3A_2, %add3A_560 : i32
    %dma_wait3A = arith.constant 0 : i32
    %dma_wait3A_562 = arith.constant 0 : i32
    %dma_wait3A_563 = tpu.memref_slice %arg7[%rem3A_559, %dma_wait3A, %dma_wait3A_562] : memref<2x32x64xi32, #tpu.memory_space<vmem>> -> memref<1x32x64xi32, #tpu.memory_space<vmem>>
    %dma_wait3A_564 = tpu.memref_squeeze %dma_wait3A_563 : memref<1x32x64xi32, #tpu.memory_space<vmem>> -> memref<32x64xi32, #tpu.memory_space<vmem>>
    %dma_wait3A_565 = arith.constant 0 : i32
    %dma_wait3A_566 = tpu.memref_slice %arg2[%add3A_561, %dma_wait3A_565] : memref<5120x64xi32, #tpu.memory_space<hbm>> -> memref<32x64xi32, #tpu.memory_space<hbm>>
    %dma_wait3A_567 = arith.constant 0 : i32
    %dma_wait3A_568 = arith.constant 0 : i32
    %dma_wait3A_569 = tpu.memref_slice %arg7[%rem3A_559, %dma_wait3A_567, %dma_wait3A_568] : memref<2x32x64xi32, #tpu.memory_space<vmem>> -> memref<1x32x64xi32, #tpu.memory_space<vmem>>
    %dma_wait3A_570 = tpu.memref_squeeze %dma_wait3A_569 : memref<1x32x64xi32, #tpu.memory_space<vmem>> -> memref<32x64xi32, #tpu.memory_space<vmem>>
    %dma_wait3A_571 = arith.constant 0 : i32
    %dma_wait3A_572 = tpu.memref_slice %arg2[%add3A_561, %dma_wait3A_571] : memref<5120x64xi32, #tpu.memory_space<hbm>> -> memref<32x64xi32, #tpu.memory_space<hbm>>
    tpu.wait_dma2 semaphore(%arg13 : memref<!tpu.dma_semaphore, #tpu.memory_space<semaphore_mem>>) src(%dma_wait3A_572 : memref<32x64xi32, #tpu.memory_space<hbm>>) dst(%dma_wait3A_570 : memref<32x64xi32, #tpu.memory_space<vmem>>)
    %add3A_573 = arith.constant 0 : i32
    %add3A_574 = arith.addi %mul3A_2, %add3A_573 : i32
    %dma_wait3A_575 = arith.constant 0 : i32
    %dma_wait3A_576 = arith.constant 0 : i32
    %dma_wait3A_577 = tpu.memref_slice %arg8[%rem3A_559, %dma_wait3A_575, %dma_wait3A_576] : memref<2x32x64xi32, #tpu.memory_space<vmem>> -> memref<1x32x64xi32, #tpu.memory_space<vmem>>
    %dma_wait3A_578 = tpu.memref_squeeze %dma_wait3A_577 : memref<1x32x64xi32, #tpu.memory_space<vmem>> -> memref<32x64xi32, #tpu.memory_space<vmem>>
    %dma_wait3A_579 = arith.constant 0 : i32
    %dma_wait3A_580 = tpu.memref_slice %arg3[%add3A_574, %dma_wait3A_579] : memref<5120x64xi32, #tpu.memory_space<hbm>> -> memref<32x64xi32, #tpu.memory_space<hbm>>
    %dma_wait3A_581 = arith.constant 0 : i32
    %dma_wait3A_582 = arith.constant 0 : i32
    %dma_wait3A_583 = tpu.memref_slice %arg8[%rem3A_559, %dma_wait3A_581, %dma_wait3A_582] : memref<2x32x64xi32, #tpu.memory_space<vmem>> -> memref<1x32x64xi32, #tpu.memory_space<vmem>>
    %dma_wait3A_584 = tpu.memref_squeeze %dma_wait3A_583 : memref<1x32x64xi32, #tpu.memory_space<vmem>> -> memref<32x64xi32, #tpu.memory_space<vmem>>
    %dma_wait3A_585 = arith.constant 0 : i32
    %dma_wait3A_586 = tpu.memref_slice %arg3[%add3A_574, %dma_wait3A_585] : memref<5120x64xi32, #tpu.memory_space<hbm>> -> memref<32x64xi32, #tpu.memory_space<hbm>>
    tpu.wait_dma2 semaphore(%arg13 : memref<!tpu.dma_semaphore, #tpu.memory_space<semaphore_mem>>) src(%dma_wait3A_586 : memref<32x64xi32, #tpu.memory_space<hbm>>) dst(%dma_wait3A_584 : memref<32x64xi32, #tpu.memory_space<vmem>>)
    %rem3A_587 = arith.constant 0 : i32
    %rem3A_588 = arith.constant 2 : i32
    %rem3A_589 = arith.remsi %rem3A_587, %rem3A_588 : i32
    %rem3A_590 = arith.constant 0 : i32
    %rem3A_591 = arith.constant 32 : i32
    %rem3A_592 = arith.remsi %rem3A_590, %rem3A_591 : i32
    %dma_start3A_593 = arith.constant 0 : i32
    %dma_start3A_594 = arith.constant 0 : i32
    %dma_start3A_595 = arith.constant 0 : i32
    %dma_start3A_596 = tpu.memref_slice %arg9[%dma_start3A_593, %dma_start3A_594, %dma_start3A_595] : memref<4x64x128xf32, #tpu.memory_space<vmem>> -> memref<1x64x128xf32, #tpu.memory_space<vmem>>
    %dma_start3A_597 = tpu.memref_squeeze %dma_start3A_596 : memref<1x64x128xf32, #tpu.memory_space<vmem>> -> memref<64x128xf32, #tpu.memory_space<vmem>>
    %dma_start3A_598 = arith.constant 0 : i32
    %dma_start3A_599 = tpu.memref_slice %arg7[%rem3A_589, %rem3A_592, %dma_start3A_598] : memref<2x32x64xi32, #tpu.memory_space<vmem>> -> memref<1x1x64xi32, #tpu.memory_space<vmem>>
    %dma_start3A_600 = tpu.memref_squeeze %dma_start3A_599 : memref<1x1x64xi32, #tpu.memory_space<vmem>> -> memref<64xi32, #tpu.memory_space<vmem>>
    %dma_start3A_601 = arith.constant 0 : i32
    %dma_start3A_602 = arith.constant 0 : i32
    %dma_start3A_603 = tpu.memref_slice %arg4[%dma_start3A_601, %dma_start3A_602] : memref<10000x128xf32, #tpu.memory_space<hbm>> -> memref<10000x128xf32, #tpu.memory_space<hbm>>
    tpu.enqueue_indirect_dma source(%dma_start3A_603 : memref<10000x128xf32, #tpu.memory_space<hbm>>) target(%dma_start3A_597 : memref<64x128xf32, #tpu.memory_space<vmem>>) offsets(%dma_start3A_600 : memref<64xi32, #tpu.memory_space<vmem>>) semaphore(%arg11 : memref<!tpu.dma_semaphore, #tpu.memory_space<semaphore_mem>>)
    %rem3A_604 = arith.constant 0 : i32
    %rem3A_605 = arith.constant 2 : i32
    %rem3A_606 = arith.remsi %rem3A_604, %rem3A_605 : i32
    %rem3A_607 = arith.constant 1 : i32
    %rem3A_608 = arith.constant 32 : i32
    %rem3A_609 = arith.remsi %rem3A_607, %rem3A_608 : i32
    %dma_start3A_610 = arith.constant 1 : i32
    %dma_start3A_611 = arith.constant 0 : i32
    %dma_start3A_612 = arith.constant 0 : i32
    %dma_start3A_613 = tpu.memref_slice %arg9[%dma_start3A_610, %dma_start3A_611, %dma_start3A_612] : memref<4x64x128xf32, #tpu.memory_space<vmem>> -> memref<1x64x128xf32, #tpu.memory_space<vmem>>
    %dma_start3A_614 = tpu.memref_squeeze %dma_start3A_613 : memref<1x64x128xf32, #tpu.memory_space<vmem>> -> memref<64x128xf32, #tpu.memory_space<vmem>>
    %dma_start3A_615 = arith.constant 0 : i32
    %dma_start3A_616 = tpu.memref_slice %arg7[%rem3A_606, %rem3A_609, %dma_start3A_615] : memref<2x32x64xi32, #tpu.memory_space<vmem>> -> memref<1x1x64xi32, #tpu.memory_space<vmem>>
    %dma_start3A_617 = tpu.memref_squeeze %dma_start3A_616 : memref<1x1x64xi32, #tpu.memory_space<vmem>> -> memref<64xi32, #tpu.memory_space<vmem>>
    %dma_start3A_618 = arith.constant 0 : i32
    %dma_start3A_619 = arith.constant 0 : i32
    %dma_start3A_620 = tpu.memref_slice %arg4[%dma_start3A_618, %dma_start3A_619] : memref<10000x128xf32, #tpu.memory_space<hbm>> -> memref<10000x128xf32, #tpu.memory_space<hbm>>
    tpu.enqueue_indirect_dma source(%dma_start3A_620 : memref<10000x128xf32, #tpu.memory_space<hbm>>) target(%dma_start3A_614 : memref<64x128xf32, #tpu.memory_space<vmem>>) offsets(%dma_start3A_617 : memref<64xi32, #tpu.memory_space<vmem>>) semaphore(%arg11 : memref<!tpu.dma_semaphore, #tpu.memory_space<semaphore_mem>>)
    %rem3A_621 = arith.constant 0 : i32
    %rem3A_622 = arith.constant 2 : i32
    %rem3A_623 = arith.remsi %rem3A_621, %rem3A_622 : i32
    %rem3A_624 = arith.constant 2 : i32
    %rem3A_625 = arith.constant 32 : i32
    %rem3A_626 = arith.remsi %rem3A_624, %rem3A_625 : i32
    %dma_start3A_627 = arith.constant 2 : i32
    %dma_start3A_628 = arith.constant 0 : i32
    %dma_start3A_629 = arith.constant 0 : i32
    %dma_start3A_630 = tpu.memref_slice %arg9[%dma_start3A_627, %dma_start3A_628, %dma_start3A_629] : memref<4x64x128xf32, #tpu.memory_space<vmem>> -> memref<1x64x128xf32, #tpu.memory_space<vmem>>
    %dma_start3A_631 = tpu.memref_squeeze %dma_start3A_630 : memref<1x64x128xf32, #tpu.memory_space<vmem>> -> memref<64x128xf32, #tpu.memory_space<vmem>>
    %dma_start3A_632 = arith.constant 0 : i32
    %dma_start3A_633 = tpu.memref_slice %arg7[%rem3A_623, %rem3A_626, %dma_start3A_632] : memref<2x32x64xi32, #tpu.memory_space<vmem>> -> memref<1x1x64xi32, #tpu.memory_space<vmem>>
    %dma_start3A_634 = tpu.memref_squeeze %dma_start3A_633 : memref<1x1x64xi32, #tpu.memory_space<vmem>> -> memref<64xi32, #tpu.memory_space<vmem>>
    %dma_start3A_635 = arith.constant 0 : i32
    %dma_start3A_636 = arith.constant 0 : i32
    %dma_start3A_637 = tpu.memref_slice %arg4[%dma_start3A_635, %dma_start3A_636] : memref<10000x128xf32, #tpu.memory_space<hbm>> -> memref<10000x128xf32, #tpu.memory_space<hbm>>
    tpu.enqueue_indirect_dma source(%dma_start3A_637 : memref<10000x128xf32, #tpu.memory_space<hbm>>) target(%dma_start3A_631 : memref<64x128xf32, #tpu.memory_space<vmem>>) offsets(%dma_start3A_634 : memref<64xi32, #tpu.memory_space<vmem>>) semaphore(%arg11 : memref<!tpu.dma_semaphore, #tpu.memory_space<semaphore_mem>>)
    %barrier3A = arith.constant 0 : index
    tpu.barrier barrier_id(%barrier3A)
    %scan3A = arith.constant 0 : i32
    %scan3A_638 = arith.constant 0 : i32
    %scan3A_639 = arith.constant 160 : i32
    %scan3A_640 = arith.addi %scan3A_638, %scan3A_639 : i32
    %scan3A_641 = arith.constant 1 : i32
    scf.for %scan3A_665 = %scan3A_638 to %scan3A_640 step %scan3A_641  : i32 {
      %rem3A_666 = arith.constant 4 : i32
      %rem3A_667 = arith.remsi %scan3A_665, %rem3A_666 : i32
      %jit3A = arith.constant 32 : i32
      %div3A = arith.divsi %scan3A_665, %jit3A : i32
      %sign3A = arith.constant 0 : i32
      %sign3A_668 = arith.cmpi sgt, %scan3A_665, %sign3A : i32
      %sign3A_669 = arith.extui %sign3A_668 : i1 to i32
      %sign3A_670 = arith.constant 0 : i32
      %sign3A_671 = arith.cmpi slt, %scan3A_665, %sign3A_670 : i32
      %sign3A_672 = arith.extui %sign3A_671 : i1 to i32
      %sign3A_673 = arith.subi %sign3A_669, %sign3A_672 : i32
      %sign3A_674 = arith.constant 0 : i32
      %sign3A_675 = arith.cmpi sgt, %jit3A, %sign3A_674 : i32
      %sign3A_676 = arith.extui %sign3A_675 : i1 to i32
      %sign3A_677 = arith.constant 0 : i32
      %sign3A_678 = arith.cmpi slt, %jit3A, %sign3A_677 : i32
      %sign3A_679 = arith.extui %sign3A_678 : i1 to i32
      %sign3A_680 = arith.subi %sign3A_676, %sign3A_679 : i32
      %ne3A_681 = arith.cmpi ne, %sign3A_673, %sign3A_680 : i32
      %rem3A_682 = arith.remsi %scan3A_665, %jit3A : i32
      %ne3A_683 = arith.constant 0 : i32
      %ne3A_684 = arith.cmpi ne, %rem3A_682, %ne3A_683 : i32
      %and3A_685 = arith.andi %ne3A_681, %ne3A_684 : i1
      %sub3A = arith.constant 1 : i32
      %sub3A_686 = arith.subi %div3A, %sub3A : i32
      %select_n3A = arith.select %and3A_685, %sub3A_686, %div3A : i32
      %rem3A_687 = arith.constant 2 : i32
      %rem3A_688 = arith.remsi %select_n3A, %rem3A_687 : i32
      %rem3A_689 = arith.constant 32 : i32
      %rem3A_690 = arith.remsi %scan3A_665, %rem3A_689 : i32
      %dma_wait3A_691 = arith.constant 0 : i32
      %dma_wait3A_692 = arith.constant 0 : i32
      %dma_wait3A_693 = tpu.memref_slice %arg9[%rem3A_667, %dma_wait3A_691, %dma_wait3A_692] : memref<4x64x128xf32, #tpu.memory_space<vmem>> -> memref<1x64x128xf32, #tpu.memory_space<vmem>>
      %dma_wait3A_694 = tpu.memref_squeeze %dma_wait3A_693 : memref<1x64x128xf32, #tpu.memory_space<vmem>> -> memref<64x128xf32, #tpu.memory_space<vmem>>
      %dma_wait3A_695 = arith.constant 0 : i32
      %dma_wait3A_696 = tpu.memref_slice %arg7[%rem3A_688, %rem3A_690, %dma_wait3A_695] : memref<2x32x64xi32, #tpu.memory_space<vmem>> -> memref<1x1x64xi32, #tpu.memory_space<vmem>>
      %dma_wait3A_697 = tpu.memref_squeeze %dma_wait3A_696 : memref<1x1x64xi32, #tpu.memory_space<vmem>> -> memref<64xi32, #tpu.memory_space<vmem>>
      %dma_wait3A_698 = arith.constant 0 : i32
      %dma_wait3A_699 = arith.constant 0 : i32
      %dma_wait3A_700 = tpu.memref_slice %arg4[%dma_wait3A_698, %dma_wait3A_699] : memref<10000x128xf32, #tpu.memory_space<hbm>> -> memref<10000x128xf32, #tpu.memory_space<hbm>>
      tpu.wait_indirect_dma semaphore(%arg11 : memref<!tpu.dma_semaphore, #tpu.memory_space<semaphore_mem>>) src(%dma_wait3A_700 : memref<10000x128xf32, #tpu.memory_space<hbm>>) dst(%dma_wait3A_694 : memref<64x128xf32, #tpu.memory_space<vmem>>)
      %jit3A_701 = arith.constant 32 : i32
      %div3A_702 = arith.divsi %scan3A_665, %jit3A_701 : i32
      %sign3A_703 = arith.constant 0 : i32
      %sign3A_704 = arith.cmpi sgt, %scan3A_665, %sign3A_703 : i32
      %sign3A_705 = arith.extui %sign3A_704 : i1 to i32
      %sign3A_706 = arith.constant 0 : i32
      %sign3A_707 = arith.cmpi slt, %scan3A_665, %sign3A_706 : i32
      %sign3A_708 = arith.extui %sign3A_707 : i1 to i32
      %sign3A_709 = arith.subi %sign3A_705, %sign3A_708 : i32
      %sign3A_710 = arith.constant 0 : i32
      %sign3A_711 = arith.cmpi sgt, %jit3A_701, %sign3A_710 : i32
      %sign3A_712 = arith.extui %sign3A_711 : i1 to i32
      %sign3A_713 = arith.constant 0 : i32
      %sign3A_714 = arith.cmpi slt, %jit3A_701, %sign3A_713 : i32
      %sign3A_715 = arith.extui %sign3A_714 : i1 to i32
      %sign3A_716 = arith.subi %sign3A_712, %sign3A_715 : i32
      %ne3A_717 = arith.cmpi ne, %sign3A_709, %sign3A_716 : i32
      %rem3A_718 = arith.remsi %scan3A_665, %jit3A_701 : i32
      %ne3A_719 = arith.constant 0 : i32
      %ne3A_720 = arith.cmpi ne, %rem3A_718, %ne3A_719 : i32
      %and3A_721 = arith.andi %ne3A_717, %ne3A_720 : i1
      %sub3A_722 = arith.constant 1 : i32
      %sub3A_723 = arith.subi %div3A_702, %sub3A_722 : i32
      %select_n3A_724 = arith.select %and3A_721, %sub3A_723, %div3A_702 : i32
      %rem3A_725 = arith.constant 2 : i32
      %rem3A_726 = arith.remsi %select_n3A_724, %rem3A_725 : i32
      %rem3A_727 = arith.constant 32 : i32
      %rem3A_728 = arith.remsi %scan3A_665, %rem3A_727 : i32
      %dma_start3A_729 = arith.constant 0 : i32
      %dma_start3A_730 = arith.constant 0 : i32
      %dma_start3A_731 = tpu.memref_slice %arg9[%rem3A_667, %dma_start3A_729, %dma_start3A_730] : memref<4x64x128xf32, #tpu.memory_space<vmem>> -> memref<1x64x128xf32, #tpu.memory_space<vmem>>
      %dma_start3A_732 = tpu.memref_squeeze %dma_start3A_731 : memref<1x64x128xf32, #tpu.memory_space<vmem>> -> memref<64x128xf32, #tpu.memory_space<vmem>>
      %dma_start3A_733 = arith.constant 0 : i32
      %dma_start3A_734 = tpu.memref_slice %arg8[%rem3A_726, %rem3A_728, %dma_start3A_733] : memref<2x32x64xi32, #tpu.memory_space<vmem>> -> memref<1x1x64xi32, #tpu.memory_space<vmem>>
      %dma_start3A_735 = tpu.memref_squeeze %dma_start3A_734 : memref<1x1x64xi32, #tpu.memory_space<vmem>> -> memref<64xi32, #tpu.memory_space<vmem>>
      %dma_start3A_736 = arith.constant 0 : i32
      %dma_start3A_737 = arith.constant 0 : i32
      %dma_start3A_738 = tpu.memref_slice %arg6[%dma_start3A_736, %dma_start3A_737] : memref<10112x128xf32, #tpu.memory_space<vmem_shared>> -> memref<10112x128xf32, #tpu.memory_space<vmem_shared>>
      tpu.enqueue_indirect_dma source(%dma_start3A_732 : memref<64x128xf32, #tpu.memory_space<vmem>>) target(%dma_start3A_738 : memref<10112x128xf32, #tpu.memory_space<vmem_shared>>) offsets(%dma_start3A_735 : memref<64xi32, #tpu.memory_space<vmem>>) semaphore(%arg12 : memref<!tpu.dma_semaphore, #tpu.memory_space<semaphore_mem>>) {add = true}
      %ge3A = arith.constant 1 : i32
      %ge3A_739 = arith.cmpi sge, %scan3A_665, %ge3A : i32
      %convert_element_type3A_740 = arith.extui %ge3A_739 : i1 to i32
      %cond3A_741 = arith.constant 0 : i32
      %cond3A_742 = arith.cmpi ne, %convert_element_type3A_740, %cond3A_741 : i32
      scf.if %cond3A_742 {
        %sub3A_766 = arith.constant 1 : i32
        %sub3A_767 = arith.subi %scan3A_665, %sub3A_766 : i32
        %sub3A_768 = arith.constant 1 : i32
        %sub3A_769 = arith.subi %scan3A_665, %sub3A_768 : i32
        %rem3A_770 = arith.constant 4 : i32
        %rem3A_771 = arith.remsi %sub3A_769, %rem3A_770 : i32
        %jit3A_772 = arith.constant 32 : i32
        %div3A_773 = arith.divsi %sub3A_767, %jit3A_772 : i32
        %sign3A_774 = arith.constant 0 : i32
        %sign3A_775 = arith.cmpi sgt, %sub3A_767, %sign3A_774 : i32
        %sign3A_776 = arith.extui %sign3A_775 : i1 to i32
        %sign3A_777 = arith.constant 0 : i32
        %sign3A_778 = arith.cmpi slt, %sub3A_767, %sign3A_777 : i32
        %sign3A_779 = arith.extui %sign3A_778 : i1 to i32
        %sign3A_780 = arith.subi %sign3A_776, %sign3A_779 : i32
        %sign3A_781 = arith.constant 0 : i32
        %sign3A_782 = arith.cmpi sgt, %jit3A_772, %sign3A_781 : i32
        %sign3A_783 = arith.extui %sign3A_782 : i1 to i32
        %sign3A_784 = arith.constant 0 : i32
        %sign3A_785 = arith.cmpi slt, %jit3A_772, %sign3A_784 : i32
        %sign3A_786 = arith.extui %sign3A_785 : i1 to i32
        %sign3A_787 = arith.subi %sign3A_783, %sign3A_786 : i32
        %ne3A_788 = arith.cmpi ne, %sign3A_780, %sign3A_787 : i32
        %rem3A_789 = arith.remsi %sub3A_767, %jit3A_772 : i32
        %ne3A_790 = arith.constant 0 : i32
        %ne3A_791 = arith.cmpi ne, %rem3A_789, %ne3A_790 : i32
        %and3A_792 = arith.andi %ne3A_788, %ne3A_791 : i1
        %sub3A_793 = arith.constant 1 : i32
        %sub3A_794 = arith.subi %div3A_773, %sub3A_793 : i32
        %select_n3A_795 = arith.select %and3A_792, %sub3A_794, %div3A_773 : i32
        %rem3A_796 = arith.constant 2 : i32
        %rem3A_797 = arith.remsi %select_n3A_795, %rem3A_796 : i32
        %rem3A_798 = arith.constant 32 : i32
        %rem3A_799 = arith.remsi %sub3A_767, %rem3A_798 : i32
        %dma_wait3A_800 = arith.constant 0 : i32
        %dma_wait3A_801 = arith.constant 0 : i32
        %dma_wait3A_802 = tpu.memref_slice %arg9[%rem3A_771, %dma_wait3A_800, %dma_wait3A_801] : memref<4x64x128xf32, #tpu.memory_space<vmem>> -> memref<1x64x128xf32, #tpu.memory_space<vmem>>
        %dma_wait3A_803 = tpu.memref_squeeze %dma_wait3A_802 : memref<1x64x128xf32, #tpu.memory_space<vmem>> -> memref<64x128xf32, #tpu.memory_space<vmem>>
        %dma_wait3A_804 = arith.constant 0 : i32
        %dma_wait3A_805 = tpu.memref_slice %arg8[%rem3A_797, %rem3A_799, %dma_wait3A_804] : memref<2x32x64xi32, #tpu.memory_space<vmem>> -> memref<1x1x64xi32, #tpu.memory_space<vmem>>
        %dma_wait3A_806 = tpu.memref_squeeze %dma_wait3A_805 : memref<1x1x64xi32, #tpu.memory_space<vmem>> -> memref<64xi32, #tpu.memory_space<vmem>>
        %dma_wait3A_807 = arith.constant 0 : i32
        %dma_wait3A_808 = arith.constant 0 : i32
        %dma_wait3A_809 = tpu.memref_slice %arg6[%dma_wait3A_807, %dma_wait3A_808] : memref<10112x128xf32, #tpu.memory_space<vmem_shared>> -> memref<10112x128xf32, #tpu.memory_space<vmem_shared>>
        tpu.wait_indirect_dma semaphore(%arg12 : memref<!tpu.dma_semaphore, #tpu.memory_space<semaphore_mem>>) src(%dma_wait3A_803 : memref<64x128xf32, #tpu.memory_space<vmem>>) dst(%dma_wait3A_809 : memref<10112x128xf32, #tpu.memory_space<vmem_shared>>)
      } else {
      }
      %rem3A_743 = arith.constant 32 : i32
      %rem3A_744 = arith.remsi %scan3A_665, %rem3A_743 : i32
      %eq3A_745 = arith.constant 4 : i32
      %eq3A_746 = arith.cmpi eq, %rem3A_744, %eq3A_745 : i32
      %add3A_747 = arith.constant 32 : i32
      %add3A_748 = arith.addi %scan3A_665, %add3A_747 : i32
      %sub3A_749 = arith.constant 4 : i32
      %sub3A_750 = arith.subi %add3A_748, %sub3A_749 : i32
      %lt3A_751 = arith.constant 160 : i32
      %lt3A_752 = arith.cmpi slt, %sub3A_750, %lt3A_751 : i32
      %and3A_753 = arith.andi %eq3A_746, %lt3A_752 : i1
      %convert_element_type3A_754 = arith.extui %and3A_753 : i1 to i32
      %cond3A_755 = arith.constant 0 : i32
      %cond3A_756 = arith.cmpi ne, %convert_element_type3A_754, %cond3A_755 : i32
      scf.if %cond3A_756 {
        %jit3A_766 = arith.constant 32 : i32
        %div3A_767 = arith.divsi %scan3A_665, %jit3A_766 : i32
        %sign3A_768 = arith.constant 0 : i32
        %sign3A_769 = arith.cmpi sgt, %scan3A_665, %sign3A_768 : i32
        %sign3A_770 = arith.extui %sign3A_769 : i1 to i32
        %sign3A_771 = arith.constant 0 : i32
        %sign3A_772 = arith.cmpi slt, %scan3A_665, %sign3A_771 : i32
        %sign3A_773 = arith.extui %sign3A_772 : i1 to i32
        %sign3A_774 = arith.subi %sign3A_770, %sign3A_773 : i32
        %sign3A_775 = arith.constant 0 : i32
        %sign3A_776 = arith.cmpi sgt, %jit3A_766, %sign3A_775 : i32
        %sign3A_777 = arith.extui %sign3A_776 : i1 to i32
        %sign3A_778 = arith.constant 0 : i32
        %sign3A_779 = arith.cmpi slt, %jit3A_766, %sign3A_778 : i32
        %sign3A_780 = arith.extui %sign3A_779 : i1 to i32
        %sign3A_781 = arith.subi %sign3A_777, %sign3A_780 : i32
        %ne3A_782 = arith.cmpi ne, %sign3A_774, %sign3A_781 : i32
        %rem3A_783 = arith.remsi %scan3A_665, %jit3A_766 : i32
        %ne3A_784 = arith.constant 0 : i32
        %ne3A_785 = arith.cmpi ne, %rem3A_783, %ne3A_784 : i32
        %and3A_786 = arith.andi %ne3A_782, %ne3A_785 : i1
        %sub3A_787 = arith.constant 1 : i32
        %sub3A_788 = arith.subi %div3A_767, %sub3A_787 : i32
        %select_n3A_789 = arith.select %and3A_786, %sub3A_788, %div3A_767 : i32
        %add3A_790 = arith.constant 1 : i32
        %add3A_791 = arith.addi %select_n3A_789, %add3A_790 : i32
        %rem3A_792 = arith.constant 2 : i32
        %rem3A_793 = arith.remsi %add3A_791, %rem3A_792 : i32
        %mul3A_794 = arith.constant 32 : i32
        %mul3A_795 = arith.muli %add3A_791, %mul3A_794 : i32
        %add3A_796 = arith.addi %mul3A_2, %mul3A_795 : i32
        %dma_start3A_797 = arith.constant 0 : i32
        %dma_start3A_798 = arith.constant 0 : i32
        %dma_start3A_799 = tpu.memref_slice %arg7[%rem3A_793, %dma_start3A_797, %dma_start3A_798] : memref<2x32x64xi32, #tpu.memory_space<vmem>> -> memref<1x32x64xi32, #tpu.memory_space<vmem>>
        %dma_start3A_800 = tpu.memref_squeeze %dma_start3A_799 : memref<1x32x64xi32, #tpu.memory_space<vmem>> -> memref<32x64xi32, #tpu.memory_space<vmem>>
        %dma_start3A_801 = arith.constant 0 : i32
        %dma_start3A_802 = tpu.memref_slice %arg2[%add3A_796, %dma_start3A_801] : memref<5120x64xi32, #tpu.memory_space<hbm>> -> memref<32x64xi32, #tpu.memory_space<hbm>>
        %dma_start3A_803 = arith.constant 0 : i32
        %dma_start3A_804 = arith.constant 0 : i32
        %dma_start3A_805 = tpu.memref_slice %arg7[%rem3A_793, %dma_start3A_803, %dma_start3A_804] : memref<2x32x64xi32, #tpu.memory_space<vmem>> -> memref<1x32x64xi32, #tpu.memory_space<vmem>>
        %dma_start3A_806 = tpu.memref_squeeze %dma_start3A_805 : memref<1x32x64xi32, #tpu.memory_space<vmem>> -> memref<32x64xi32, #tpu.memory_space<vmem>>
        %dma_start3A_807 = arith.constant 0 : i32
        %dma_start3A_808 = tpu.memref_slice %arg2[%add3A_796, %dma_start3A_807] : memref<5120x64xi32, #tpu.memory_space<hbm>> -> memref<32x64xi32, #tpu.memory_space<hbm>>
        tpu.enqueue_dma source(%dma_start3A_808 : memref<32x64xi32, #tpu.memory_space<hbm>>) target(%dma_start3A_806 : memref<32x64xi32, #tpu.memory_space<vmem>>) target_semaphore(%arg13 : memref<!tpu.dma_semaphore, #tpu.memory_space<semaphore_mem>>)
        %mul3A_809 = arith.constant 32 : i32
        %mul3A_810 = arith.muli %add3A_791, %mul3A_809 : i32
        %add3A_811 = arith.addi %mul3A_2, %mul3A_810 : i32
        %dma_start3A_812 = arith.constant 0 : i32
        %dma_start3A_813 = arith.constant 0 : i32
        %dma_start3A_814 = tpu.memref_slice %arg8[%rem3A_793, %dma_start3A_812, %dma_start3A_813] : memref<2x32x64xi32, #tpu.memory_space<vmem>> -> memref<1x32x64xi32, #tpu.memory_space<vmem>>
        %dma_start3A_815 = tpu.memref_squeeze %dma_start3A_814 : memref<1x32x64xi32, #tpu.memory_space<vmem>> -> memref<32x64xi32, #tpu.memory_space<vmem>>
        %dma_start3A_816 = arith.constant 0 : i32
        %dma_start3A_817 = tpu.memref_slice %arg3[%add3A_811, %dma_start3A_816] : memref<5120x64xi32, #tpu.memory_space<hbm>> -> memref<32x64xi32, #tpu.memory_space<hbm>>
        %dma_start3A_818 = arith.constant 0 : i32
        %dma_start3A_819 = arith.constant 0 : i32
        %dma_start3A_820 = tpu.memref_slice %arg8[%rem3A_793, %dma_start3A_818, %dma_start3A_819] : memref<2x32x64xi32, #tpu.memory_space<vmem>> -> memref<1x32x64xi32, #tpu.memory_space<vmem>>
        %dma_start3A_821 = tpu.memref_squeeze %dma_start3A_820 : memref<1x32x64xi32, #tpu.memory_space<vmem>> -> memref<32x64xi32, #tpu.memory_space<vmem>>
        %dma_start3A_822 = arith.constant 0 : i32
        %dma_start3A_823 = tpu.memref_slice %arg3[%add3A_811, %dma_start3A_822] : memref<5120x64xi32, #tpu.memory_space<hbm>> -> memref<32x64xi32, #tpu.memory_space<hbm>>
        tpu.enqueue_dma source(%dma_start3A_823 : memref<32x64xi32, #tpu.memory_space<hbm>>) target(%dma_start3A_821 : memref<32x64xi32, #tpu.memory_space<vmem>>) target_semaphore(%arg13 : memref<!tpu.dma_semaphore, #tpu.memory_space<semaphore_mem>>)
      } else {
      }
      %add3A_757 = arith.constant 4 : i32
      %add3A_758 = arith.addi %scan3A_665, %add3A_757 : i32
      %sub3A_759 = arith.constant 1 : i32
      %sub3A_760 = arith.subi %add3A_758, %sub3A_759 : i32
      %lt3A_761 = arith.constant 160 : i32
      %lt3A_762 = arith.cmpi slt, %sub3A_760, %lt3A_761 : i32
      %convert_element_type3A_763 = arith.extui %lt3A_762 : i1 to i32
      %cond3A_764 = arith.constant 0 : i32
      %cond3A_765 = arith.cmpi ne, %convert_element_type3A_763, %cond3A_764 : i32
      scf.if %cond3A_765 {
        %rem3A_766 = arith.constant 32 : i32
        %rem3A_767 = arith.remsi %sub3A_760, %rem3A_766 : i32
        %eq3A_768 = arith.constant 0 : i32
        %eq3A_769 = arith.cmpi eq, %rem3A_767, %eq3A_768 : i32
        %convert_element_type3A_770 = arith.extui %eq3A_769 : i1 to i32
        %cond3A_771 = arith.constant 0 : i32
        %cond3A_772 = arith.cmpi ne, %convert_element_type3A_770, %cond3A_771 : i32
        scf.if %cond3A_772 {
          %jit3A_813 = arith.constant 32 : i32
          %div3A_814 = arith.divsi %sub3A_760, %jit3A_813 : i32
          %sign3A_815 = arith.constant 0 : i32
          %sign3A_816 = arith.cmpi sgt, %sub3A_760, %sign3A_815 : i32
          %sign3A_817 = arith.extui %sign3A_816 : i1 to i32
          %sign3A_818 = arith.constant 0 : i32
          %sign3A_819 = arith.cmpi slt, %sub3A_760, %sign3A_818 : i32
          %sign3A_820 = arith.extui %sign3A_819 : i1 to i32
          %sign3A_821 = arith.subi %sign3A_817, %sign3A_820 : i32
          %sign3A_822 = arith.constant 0 : i32
          %sign3A_823 = arith.cmpi sgt, %jit3A_813, %sign3A_822 : i32
          %sign3A_824 = arith.extui %sign3A_823 : i1 to i32
          %sign3A_825 = arith.constant 0 : i32
          %sign3A_826 = arith.cmpi slt, %jit3A_813, %sign3A_825 : i32
          %sign3A_827 = arith.extui %sign3A_826 : i1 to i32
          %sign3A_828 = arith.subi %sign3A_824, %sign3A_827 : i32
          %ne3A_829 = arith.cmpi ne, %sign3A_821, %sign3A_828 : i32
          %rem3A_830 = arith.remsi %sub3A_760, %jit3A_813 : i32
          %ne3A_831 = arith.constant 0 : i32
          %ne3A_832 = arith.cmpi ne, %rem3A_830, %ne3A_831 : i32
          %and3A_833 = arith.andi %ne3A_829, %ne3A_832 : i1
          %sub3A_834 = arith.constant 1 : i32
          %sub3A_835 = arith.subi %div3A_814, %sub3A_834 : i32
          %select_n3A_836 = arith.select %and3A_833, %sub3A_835, %div3A_814 : i32
          %rem3A_837 = arith.constant 2 : i32
          %rem3A_838 = arith.remsi %select_n3A_836, %rem3A_837 : i32
          %mul3A_839 = arith.constant 32 : i32
          %mul3A_840 = arith.muli %select_n3A_836, %mul3A_839 : i32
          %add3A_841 = arith.addi %mul3A_2, %mul3A_840 : i32
          %dma_wait3A_842 = arith.constant 0 : i32
          %dma_wait3A_843 = arith.constant 0 : i32
          %dma_wait3A_844 = tpu.memref_slice %arg7[%rem3A_838, %dma_wait3A_842, %dma_wait3A_843] : memref<2x32x64xi32, #tpu.memory_space<vmem>> -> memref<1x32x64xi32, #tpu.memory_space<vmem>>
          %dma_wait3A_845 = tpu.memref_squeeze %dma_wait3A_844 : memref<1x32x64xi32, #tpu.memory_space<vmem>> -> memref<32x64xi32, #tpu.memory_space<vmem>>
          %dma_wait3A_846 = arith.constant 0 : i32
          %dma_wait3A_847 = tpu.memref_slice %arg2[%add3A_841, %dma_wait3A_846] : memref<5120x64xi32, #tpu.memory_space<hbm>> -> memref<32x64xi32, #tpu.memory_space<hbm>>
          %dma_wait3A_848 = arith.constant 0 : i32
          %dma_wait3A_849 = arith.constant 0 : i32
          %dma_wait3A_850 = tpu.memref_slice %arg7[%rem3A_838, %dma_wait3A_848, %dma_wait3A_849] : memref<2x32x64xi32, #tpu.memory_space<vmem>> -> memref<1x32x64xi32, #tpu.memory_space<vmem>>
          %dma_wait3A_851 = tpu.memref_squeeze %dma_wait3A_850 : memref<1x32x64xi32, #tpu.memory_space<vmem>> -> memref<32x64xi32, #tpu.memory_space<vmem>>
          %dma_wait3A_852 = arith.constant 0 : i32
          %dma_wait3A_853 = tpu.memref_slice %arg2[%add3A_841, %dma_wait3A_852] : memref<5120x64xi32, #tpu.memory_space<hbm>> -> memref<32x64xi32, #tpu.memory_space<hbm>>
          tpu.wait_dma2 semaphore(%arg13 : memref<!tpu.dma_semaphore, #tpu.memory_space<semaphore_mem>>) src(%dma_wait3A_853 : memref<32x64xi32, #tpu.memory_space<hbm>>) dst(%dma_wait3A_851 : memref<32x64xi32, #tpu.memory_space<vmem>>)
          %mul3A_854 = arith.constant 32 : i32
          %mul3A_855 = arith.muli %select_n3A_836, %mul3A_854 : i32
          %add3A_856 = arith.addi %mul3A_2, %mul3A_855 : i32
          %dma_wait3A_857 = arith.constant 0 : i32
          %dma_wait3A_858 = arith.constant 0 : i32
          %dma_wait3A_859 = tpu.memref_slice %arg8[%rem3A_838, %dma_wait3A_857, %dma_wait3A_858] : memref<2x32x64xi32, #tpu.memory_space<vmem>> -> memref<1x32x64xi32, #tpu.memory_space<vmem>>
          %dma_wait3A_860 = tpu.memref_squeeze %dma_wait3A_859 : memref<1x32x64xi32, #tpu.memory_space<vmem>> -> memref<32x64xi32, #tpu.memory_space<vmem>>
          %dma_wait3A_861 = arith.constant 0 : i32
          %dma_wait3A_862 = tpu.memref_slice %arg3[%add3A_856, %dma_wait3A_861] : memref<5120x64xi32, #tpu.memory_space<hbm>> -> memref<32x64xi32, #tpu.memory_space<hbm>>
          %dma_wait3A_863 = arith.constant 0 : i32
          %dma_wait3A_864 = arith.constant 0 : i32
          %dma_wait3A_865 = tpu.memref_slice %arg8[%rem3A_838, %dma_wait3A_863, %dma_wait3A_864] : memref<2x32x64xi32, #tpu.memory_space<vmem>> -> memref<1x32x64xi32, #tpu.memory_space<vmem>>
          %dma_wait3A_866 = tpu.memref_squeeze %dma_wait3A_865 : memref<1x32x64xi32, #tpu.memory_space<vmem>> -> memref<32x64xi32, #tpu.memory_space<vmem>>
          %dma_wait3A_867 = arith.constant 0 : i32
          %dma_wait3A_868 = tpu.memref_slice %arg3[%add3A_856, %dma_wait3A_867] : memref<5120x64xi32, #tpu.memory_space<hbm>> -> memref<32x64xi32, #tpu.memory_space<hbm>>
          tpu.wait_dma2 semaphore(%arg13 : memref<!tpu.dma_semaphore, #tpu.memory_space<semaphore_mem>>) src(%dma_wait3A_868 : memref<32x64xi32, #tpu.memory_space<hbm>>) dst(%dma_wait3A_866 : memref<32x64xi32, #tpu.memory_space<vmem>>)
        } else {
        }
        %rem3A_773 = arith.constant 4 : i32
        %rem3A_774 = arith.remsi %sub3A_760, %rem3A_773 : i32
        %jit3A_775 = arith.constant 32 : i32
        %div3A_776 = arith.divsi %sub3A_760, %jit3A_775 : i32
        %sign3A_777 = arith.constant 0 : i32
        %sign3A_778 = arith.cmpi sgt, %sub3A_760, %sign3A_777 : i32
        %sign3A_779 = arith.extui %sign3A_778 : i1 to i32
        %sign3A_780 = arith.constant 0 : i32
        %sign3A_781 = arith.cmpi slt, %sub3A_760, %sign3A_780 : i32
        %sign3A_782 = arith.extui %sign3A_781 : i1 to i32
        %sign3A_783 = arith.subi %sign3A_779, %sign3A_782 : i32
        %sign3A_784 = arith.constant 0 : i32
        %sign3A_785 = arith.cmpi sgt, %jit3A_775, %sign3A_784 : i32
        %sign3A_786 = arith.extui %sign3A_785 : i1 to i32
        %sign3A_787 = arith.constant 0 : i32
        %sign3A_788 = arith.cmpi slt, %jit3A_775, %sign3A_787 : i32
        %sign3A_789 = arith.extui %sign3A_788 : i1 to i32
        %sign3A_790 = arith.subi %sign3A_786, %sign3A_789 : i32
        %ne3A_791 = arith.cmpi ne, %sign3A_783, %sign3A_790 : i32
        %rem3A_792 = arith.remsi %sub3A_760, %jit3A_775 : i32
        %ne3A_793 = arith.constant 0 : i32
        %ne3A_794 = arith.cmpi ne, %rem3A_792, %ne3A_793 : i32
        %and3A_795 = arith.andi %ne3A_791, %ne3A_794 : i1
        %sub3A_796 = arith.constant 1 : i32
        %sub3A_797 = arith.subi %div3A_776, %sub3A_796 : i32
        %select_n3A_798 = arith.select %and3A_795, %sub3A_797, %div3A_776 : i32
        %rem3A_799 = arith.constant 2 : i32
        %rem3A_800 = arith.remsi %select_n3A_798, %rem3A_799 : i32
        %rem3A_801 = arith.constant 32 : i32
        %rem3A_802 = arith.remsi %sub3A_760, %rem3A_801 : i32
        %dma_start3A_803 = arith.constant 0 : i32
        %dma_start3A_804 = arith.constant 0 : i32
        %dma_start3A_805 = tpu.memref_slice %arg9[%rem3A_774, %dma_start3A_803, %dma_start3A_804] : memref<4x64x128xf32, #tpu.memory_space<vmem>> -> memref<1x64x128xf32, #tpu.memory_space<vmem>>
        %dma_start3A_806 = tpu.memref_squeeze %dma_start3A_805 : memref<1x64x128xf32, #tpu.memory_space<vmem>> -> memref<64x128xf32, #tpu.memory_space<vmem>>
        %dma_start3A_807 = arith.constant 0 : i32
        %dma_start3A_808 = tpu.memref_slice %arg7[%rem3A_800, %rem3A_802, %dma_start3A_807] : memref<2x32x64xi32, #tpu.memory_space<vmem>> -> memref<1x1x64xi32, #tpu.memory_space<vmem>>
        %dma_start3A_809 = tpu.memref_squeeze %dma_start3A_808 : memref<1x1x64xi32, #tpu.memory_space<vmem>> -> memref<64xi32, #tpu.memory_space<vmem>>
        %dma_start3A_810 = arith.constant 0 : i32
        %dma_start3A_811 = arith.constant 0 : i32
        %dma_start3A_812 = tpu.memref_slice %arg4[%dma_start3A_810, %dma_start3A_811] : memref<10000x128xf32, #tpu.memory_space<hbm>> -> memref<10000x128xf32, #tpu.memory_space<hbm>>
        tpu.enqueue_indirect_dma source(%dma_start3A_812 : memref<10000x128xf32, #tpu.memory_space<hbm>>) target(%dma_start3A_806 : memref<64x128xf32, #tpu.memory_space<vmem>>) offsets(%dma_start3A_809 : memref<64xi32, #tpu.memory_space<vmem>>) semaphore(%arg11 : memref<!tpu.dma_semaphore, #tpu.memory_space<semaphore_mem>>)
      } else {
      }
    }
    %scan3A_642 = arith.constant 160 : i32
    %rem3A_643 = arith.constant 4 : i32
    %rem3A_644 = arith.constant 2 : i32
    %rem3A_645 = arith.remsi %rem3A_643, %rem3A_644 : i32
    %rem3A_646 = arith.constant 159 : i32
    %rem3A_647 = arith.constant 32 : i32
    %rem3A_648 = arith.remsi %rem3A_646, %rem3A_647 : i32
    %dma_wait3A_649 = arith.constant 3 : i32
    %dma_wait3A_650 = arith.constant 0 : i32
    %dma_wait3A_651 = arith.constant 0 : i32
    %dma_wait3A_652 = tpu.memref_slice %arg9[%dma_wait3A_649, %dma_wait3A_650, %dma_wait3A_651] : memref<4x64x128xf32, #tpu.memory_space<vmem>> -> memref<1x64x128xf32, #tpu.memory_space<vmem>>
    %dma_wait3A_653 = tpu.memref_squeeze %dma_wait3A_652 : memref<1x64x128xf32, #tpu.memory_space<vmem>> -> memref<64x128xf32, #tpu.memory_space<vmem>>
    %dma_wait3A_654 = arith.constant 0 : i32
    %dma_wait3A_655 = tpu.memref_slice %arg8[%rem3A_645, %rem3A_648, %dma_wait3A_654] : memref<2x32x64xi32, #tpu.memory_space<vmem>> -> memref<1x1x64xi32, #tpu.memory_space<vmem>>
    %dma_wait3A_656 = tpu.memref_squeeze %dma_wait3A_655 : memref<1x1x64xi32, #tpu.memory_space<vmem>> -> memref<64xi32, #tpu.memory_space<vmem>>
    %dma_wait3A_657 = arith.constant 0 : i32
    %dma_wait3A_658 = arith.constant 0 : i32
    %dma_wait3A_659 = tpu.memref_slice %arg6[%dma_wait3A_657, %dma_wait3A_658] : memref<10112x128xf32, #tpu.memory_space<vmem_shared>> -> memref<10112x128xf32, #tpu.memory_space<vmem_shared>>
    tpu.wait_indirect_dma semaphore(%arg12 : memref<!tpu.dma_semaphore, #tpu.memory_space<semaphore_mem>>) src(%dma_wait3A_653 : memref<64x128xf32, #tpu.memory_space<vmem>>) dst(%dma_wait3A_659 : memref<10112x128xf32, #tpu.memory_space<vmem_shared>>)
    %barrier3A_660 = arith.constant 0 : index
    tpu.barrier barrier_id(%barrier3A_660)
    %mul3A_661 = arith.constant 632 : i32
    %mul3A_662 = arith.muli %arg1, %mul3A_661 : i32
    %mul3A_663 = arith.constant 632 : i32
    %mul3A_664 = arith.muli %arg1, %mul3A_663 : i32
    "tpu.region"() ({
      %run_scoped3A = tpu.sem_alloc : memref<!tpu.dma_semaphore, #tpu.memory_space<semaphore_mem>>
      %dma_start3A_665 = arith.constant 0 : i32
      %dma_start3A_666 = tpu.memref_slice %arg5[%arg0, %mul3A_664, %dma_start3A_665] : memref<2x10112x128xf32, #tpu.memory_space<hbm>> -> memref<1x632x128xf32, #tpu.memory_space<hbm>>
      %dma_start3A_667 = tpu.memref_squeeze %dma_start3A_666 : memref<1x632x128xf32, #tpu.memory_space<hbm>> -> memref<632x128xf32, #tpu.memory_space<hbm>>
      %dma_start3A_668 = arith.constant 0 : i32
      %dma_start3A_669 = tpu.memref_slice %arg6[%mul3A_662, %dma_start3A_668] : memref<10112x128xf32, #tpu.memory_space<vmem_shared>> -> memref<632x128xf32, #tpu.memory_space<vmem_shared>>
      tpu.enqueue_dma source(%dma_start3A_669 : memref<632x128xf32, #tpu.memory_space<vmem_shared>>) target(%dma_start3A_667 : memref<632x128xf32, #tpu.memory_space<hbm>>) target_semaphore(%run_scoped3A : memref<!tpu.dma_semaphore, #tpu.memory_space<semaphore_mem>>)
      %dma_wait3A_670 = arith.constant 0 : i32
      %dma_wait3A_671 = tpu.memref_slice %arg5[%arg0, %mul3A_664, %dma_wait3A_670] : memref<2x10112x128xf32, #tpu.memory_space<hbm>> -> memref<1x632x128xf32, #tpu.memory_space<hbm>>
      %dma_wait3A_672 = tpu.memref_squeeze %dma_wait3A_671 : memref<1x632x128xf32, #tpu.memory_space<hbm>> -> memref<632x128xf32, #tpu.memory_space<hbm>>
      %dma_wait3A_673 = arith.constant 0 : i32
      %dma_wait3A_674 = tpu.memref_slice %arg6[%mul3A_662, %dma_wait3A_673] : memref<10112x128xf32, #tpu.memory_space<vmem_shared>> -> memref<632x128xf32, #tpu.memory_space<vmem_shared>>
      tpu.wait_dma2 semaphore(%run_scoped3A : memref<!tpu.dma_semaphore, #tpu.memory_space<semaphore_mem>>) src(%dma_wait3A_674 : memref<632x128xf32, #tpu.memory_space<vmem_shared>>) dst(%dma_wait3A_672 : memref<632x128xf32, #tpu.memory_space<hbm>>)
      tpu.yield
    }) : () -> ()
    return
  }
}

module attributes {stable_mosaic.version = 14 : i64} {
  func.func @_combine_body(%arg0: i32, %arg1: memref<2x1000x128xf32, #tpu.memory_space<vmem>>, %arg2: memref<1000x128xf32, #tpu.memory_space<vmem>>) attributes {dimension_semantics = [#tpu.dimension_semantics<arbitrary>], iteration_bounds = array<i64: 10>, scalar_prefetch = 0 : i64, scratch_operands = 0 : i64, tpu.core_type = #tpu.core_type<tc>, window_params = [{transform_indices = @transform_0, window_bounds = array<i64: 2, 1000, 128>}, {transform_indices = @transform_1, window_bounds = array<i64: 1000, 128>}]} {
    %get3A = arith.constant 0 : index
    %get3A_0 = arith.constant 0 : index
    %get3A_1 = arith.constant 0 : index
    %get3A_2 = vector.load %arg1[%get3A, %get3A_0, %get3A_1] : memref<2x1000x128xf32, #tpu.memory_space<vmem>>, vector<1x1000x128xf32>
    %get3A_3 = vector.shape_cast %get3A_2 : vector<1x1000x128xf32> to vector<1000x128xf32>
    %get3A_4 = arith.constant 1 : index
    %get3A_5 = arith.constant 0 : index
    %get3A_6 = arith.constant 0 : index
    %get3A_7 = vector.load %arg1[%get3A_4, %get3A_5, %get3A_6] : memref<2x1000x128xf32, #tpu.memory_space<vmem>>, vector<1x1000x128xf32>
    %get3A_8 = vector.shape_cast %get3A_7 : vector<1x1000x128xf32> to vector<1000x128xf32>
    %add3A = arith.addf %get3A_3, %get3A_8 : vector<1000x128xf32>
    %swap3A = arith.constant 0 : index
    %swap3A_9 = arith.constant 0 : index
    %swap3A_10 = vector.load %arg2[%swap3A, %swap3A_9] : memref<1000x128xf32, #tpu.memory_space<vmem>>, vector<1000x128xf32>
    tpu.vector_store %arg2[%swap3A, %swap3A_9], %add3A {strides = array<i32>} : memref<1000x128xf32, #tpu.memory_space<vmem>>, vector<1000x128xf32>,
    return
  }
  func.func @transform_0(%arg0: i32) -> (i32, i32, i32) {
    %c0_i32 = arith.constant 0 : i32
    %c0_i32_0 = arith.constant 0 : i32
    %c0_i32_1 = arith.constant 0 : i32
    return %c0_i32, %arg0, %c0_i32_0 : i32, i32, i32
  }
  func.func @transform_1(%arg0: i32) -> (i32, i32) {
    %c0_i32 = arith.constant 0 : i32
    %c0_i32_0 = arith.constant 0 : i32
    return %arg0, %c0_i32 : i32, i32
  }
}

</mosaic_0001>

<sc_bundles>
// kernel: kernel.4.cloned.1.call-start
scs
__scs_entry_jumppad:
0x0: {  	(pc) =	sbr.rel $0x88, $3  }
0x1: {  	(tag) =	ssettag $0x0;
	lr =	simm.s32 $0x1  }
0x2: {  	[smem:$0x3F9F] =	sst lr;
	_ =	strace $0xD0000000  }
0x3: {  	_ = 	snop  }
0x4: {  	_ = 	snop  }
0x5: {  	_ = 	snop  }
0x6: {  	_ = 	snop  }
0x7: {  	_ = 	snop  }
__scs_overlays_trampoline_lowered:
0x8: {  	[smem:$0x3FAE] =	sst s0  }
0x9: {  	[smem:$0x3FAF] =	sst s1  }
0xa: {  	[smem:$0x3FB0] =	sst s2  }
0xb: {  	[smem:$0x3FB1] =	sst s3  }
0xc: {  	[smem:$0x3FB2] =	sst s4  }
0xd: {  	[smem:$0x3FB3] =	sst s5  }
0xe: {  	[smem:$0x3FB4] =	sst s6  }
0xf: {  	[smem:$0x3FB5] =	sst s7  }
0x10: {  	[smem:$0x3FB6] =	sst s8  }
0x11: {  	[smem:$0x3FB7] =	sst s9;
	s0 =	simm.s32 @!p0 $0x0  }
0x12: {  	s1 =	sld [smem:$0x3F9D];
	s0 =	simm.s32 @p0 $0x1  }
0x13: {  	[smem:$0x3FB8] =	sst s0;
	s0 =	simm.s32 @!p1 $0x0  }
0x14: {  	s2 =	sld [smem:$0x3F9C];
	s0 =	simm.s32 @p1 $0x1  }
0x15: {  	[smem:$0x3FB9] =	sst s0;
	s0 =	simm.s32 @!p2 $0x0  }
0x16: {  	s3 =	sld [smem:$0x3FDB];
	s0 =	simm.s32 @p2 $0x1  }
0x17: {  	s4 =	simm.s32 $0x1BF5;
	[smem:$0x3FBB] =	sst s0  }
0x18: {  	s0 =	sld [smem:$0x3F9E];
	_ =	swait.ge [sflag:s4], $0x0  }
0x19: {  	s7 =	sld [smem:$0x3F9F]  }
0x1a: {  	s8 =	sadd.s32 $0xFFFFE003, lr  }
0x1b: {  	s9 =	sadd.s32 $0xFFFFFEF7, lr;
	s5 =	simm.s32 $0xFFFFFFFF;
	p2 =	slt.u32 s8, $0xFFFFF086  }
0x1c: {  	p1 =	slt.u32 s9, $0xF7A;
	s5 =	simm.s32 @!p2 $0x0  }
0x1d: {  	s5 =	simm.s32 @p1 $0x1;
	p0 =	seq.s32 s7, s2  }
0x1e: {  	s7 =	smul.u32 @!p0 $0xF7A, s2;
	p2 =	seq.s32 @!p0 s5, $0x0  }
0x1f: {  	s9 =	smul.u32 $0xF7A, s1;
	s8 =	simm.s32 @!p0 $0x1BF5;
	p2 =	por !p2, p0  }
0x20: {  	[sflag:s8] =	ssyncset.s32 @!p0 $0xFFFFF086;
	s6 =	sadd.s32 @!p0 s3, s7;
	s7 =	simm.s32 @!p0 $0x108  }
0x21: {  	s3 =	sadd.s32 s3, s9;
	s6 =	sadd.s32 @!p0 $0x88, s6;
	s7 =	simm.s32 @p2 $0x1082  }
0x22: {  	[simem:s7], [sflag:s8] =	dma.local @!p0 [hbm:s6], $0xF7A  }
0x23: {  	s9 =	sor.u32 $0xD0000000, s2;
	s6 =	simm.s32 $0x108;
	_ =	swait.ge @!p0 [sflag:s8], $0x0  }
0x24: {  	s3 =	sadd.s32 $0x88, s3;
	s6 =	simm.s32 @!p1 $0x1082;
	[sflag:s4] =	ssyncset.s32 $0xFFFFF086  }
0x25: {  	[simem:s6], [sflag:s4] =	dma.local [hbm:s3], $0xF7A  }
0x26: {  	[smem:$0x3F9F] =	sst s1;
	(tag) =	ssettag s2;
	_ =	strace s9  }
0x27: {  	s1 =	sld [smem:$0x3FAF]  }
0x28: {  	s2 =	sld [smem:$0x3FB0]  }
0x29: {  	s4 =	sld [smem:$0x3FB2]  }
0x2a: {  	p0 =	seq.s32 s5, $0x0;
	s5 =	sld [smem:$0x3FB3]  }
0x2b: {  	s6 =	sld [smem:$0x3FB4]  }
0x2c: {  	s7 =	sld [smem:$0x3FB5]  }
0x2d: {  	s3 =	simm.s32 $0x108;
	s8 =	sld [smem:$0x3FB6]  }
0x2e: {  	s3 =	simm.s32 @!p0 $0x1082;
	s9 =	sld [smem:$0x3FB7]  }
0x2f: {  	lr =	sadd.s32 s0, s3;
	s0 =	sld [smem:$0x3FAE]  }
0x30: {  	s3 =	sld [smem:$0x3FB1]  }
0x31: {  	[smem:$0x3FBA] =	sst s10  }
0x32: {  	s10 =	sld [smem:$0x3FB8];
	_ =	sdelay $0x3  }
0x33: {  	p0 =	seq.s32 s10, $0x1;
	s10 =	sld [smem:$0x3FBA];
	_ =	sdelay $0x3  }
0x34: {  	[smem:$0x3FBA] =	sst s10  }
0x35: {  	s10 =	sld [smem:$0x3FB9];
	_ =	sdelay $0x3  }
0x36: {  	p1 =	seq.s32 s10, $0x1;
	s10 =	sld [smem:$0x3FBA];
	_ =	sdelay $0x3  }
0x37: {  	[smem:$0x3FBA] =	sst s10  }
0x38: {  	s10 =	sld [smem:$0x3FBB]  }
0x39: {  	_ = 	snop;
	(pc) =	sbr.ind lr, $3  }
0x3a: {  	_ = 	snop  }
0x3b: {  	_ = 	snop  }
0x3c: {  	p2 =	seq.s32 s10, $0x1;
	s10 =	sld [smem:$0x3FBA]  }
0x3d: {  	_ =	shalt  }
0x3e: {  	_ =	shalt  }
0x3f: {  	_ =	shalt  }
0x40: {  	_ =	shalt  }
0x41: {  	_ =	shalt  }
0x42: {  	_ =	shalt  }
0x43: {  	_ =	shalt  }
0x44: {  	_ =	shalt  }
0x45: {  	_ =	shalt  }
0x46: {  	_ =	shalt  }
0x47: {  	_ =	shalt  }
0x48: {  	_ =	shalt  }
0x49: {  	_ =	shalt  }
0x4a: {  	_ =	shalt  }
0x4b: {  	_ =	shalt  }
0x4c: {  	_ =	shalt  }
0x4d: {  	_ =	shalt  }
0x4e: {  	_ =	shalt  }
0x4f: {  	_ =	shalt  }
0x50: {  	_ =	shalt  }
0x51: {  	_ =	shalt  }
0x52: {  	_ =	shalt  }
0x53: {  	_ =	shalt  }
0x54: {  	_ =	shalt  }
0x55: {  	_ =	shalt  }
0x56: {  	_ =	shalt  }
0x57: {  	_ =	shalt  }
0x58: {  	_ =	shalt  }
0x59: {  	_ =	shalt  }
0x5a: {  	_ =	shalt  }
0x5b: {  	_ =	shalt  }
0x5c: {  	_ =	shalt  }
0x5d: {  	_ =	shalt  }
0x5e: {  	_ =	shalt  }
0x5f: {  	_ =	shalt  }
0x60: {  	_ =	shalt  }
0x61: {  	_ =	shalt  }
0x62: {  	_ =	shalt  }
0x63: {  	_ =	shalt  }
0x64: {  	_ =	shalt  }
0x65: {  	_ =	shalt  }
0x66: {  	_ =	shalt  }
0x67: {  	_ =	shalt  }
0x68: {  	_ =	shalt  }
0x69: {  	_ =	shalt  }
0x6a: {  	_ =	shalt  }
0x6b: {  	_ =	shalt  }
0x6c: {  	_ =	shalt  }
0x6d: {  	_ =	shalt  }
0x6e: {  	_ =	shalt  }
0x6f: {  	_ =	shalt  }
0x70: {  	_ =	shalt  }
0x71: {  	_ =	shalt  }
0x72: {  	_ =	shalt  }
0x73: {  	_ =	shalt  }
0x74: {  	_ =	shalt  }
0x75: {  	_ =	shalt  }
0x76: {  	_ =	shalt  }
0x77: {  	_ =	shalt  }
0x78: {  	_ =	shalt  }
0x79: {  	_ =	shalt  }
0x7a: {  	_ =	shalt  }
0x7b: {  	_ =	shalt  }
0x7c: {  	_ =	shalt  }
0x7d: {  	_ =	shalt  }
0x7e: {  	_ =	shalt  }
0x7f: {  	_ =	shalt  }
0x80: {  	_ =	shalt  }
0x81: {  	_ =	shalt  }
0x82: {  	_ =	shalt  }
0x83: {  	_ =	shalt  }
0x84: {  	_ =	shalt  }
0x85: {  	_ =	shalt  }
0x86: {  	_ =	shalt  }
0x87: {  	_ =	shalt  }
.Lfunc_end0:
.L_simem_size_0:
called_computation_lowered:
.L_overlay_start_0:
0x88: {  	s2 =	sld [smem:$0x3FD9]  }
0x89: {  	s3 =	sld [smem:$0x3FFE];
	_ =	sdelay $0x1  }
0x8a: {  	s1 =	srdreg.scid  }
0x8b: {  	s0 =	sand.u32 $0x1, s1  }
0x8c: {  	s17 =	sshll.u32 s0, $0xA;
	s2 =	sadd.s32 s3, s2  }
0x8d: {  	s2 =	sadd.s32 s2, s17  }
0x8e: {  	[smem:$0x3FC6] =	sst s2  }
0x8f: {  	_ = 	snop  }
0x90: {  	s2 =	sld [smem:$0x3FC8]  }
0x91: {  	s18 =	sld [smem:$0x3FD0];
	(tm) =	ssettm $0x1  }
0x92: {  	s4 =	sld [smem:$0x3FFB];
	_ =	sdelay $0x3  }
0x93: {  	_ =	strace s4  }
0x94: {  	s4 =	sld [smem:$0x3FFC];
	_ =	sdelay $0x3  }
0x95: {  	_ =	strace s4  }
0x96: {  	s4 =	sld [smem:$0x3FFD];
	_ =	sdelay $0x3  }
0x97: {  	_ =	strace s4  }
0x98: {  	_ =	strace $0x8FFFFFFF  }
0x99: {  	s19 =	sld [smem:$0x3FDB];
	_ =	sdelay $0x1  }
0x9a: {  	s5 =	simm.s32 $_scs_section_size  }
0x9b: {  	s6 =	simm.s32 $_size__tile_overlayer_lowered;
	s7 =	simm.s32 $_tile_overlayer_lowered  }
0x9c: {  	s22 =	simm.s32 $0x1BFF;
	s21 =	sshll.u32 s7, $0x1;
	s4 =	sadd.s32 s5, s19  }
0x9d: {  	s8 =	simm.s32 $0x0;
	s20 =	sshll.u32 s6, $0x1;
	s6 =	sadd.s32 s21, s4  }
0x9e: {  	[timem:s8], [sflag:s22] =	dma.local [hbm:s6], s20  }
0x9f: {  	_ =	swait.ge [sflag:s22], s20  }
0xa0: {  	s5 =	ssub.s32 $0x0, s20;
	[sflag:s22] =	ssyncset.done $0x0  }
0xa1: {  	[sflag:s22] =	ssyncadd.s32 s5;
	_ =	sdelay $0x1  }
0xa2: {  	s23 =	simm.s32 $0x1B8B  }
0xa3: {  	_ =	swait.ge [sflag:s23], $0x1  }
0xa4: {  	[sflag:s23] =	ssyncset.done $0x0  }
0xa5: {  	s25 =	simm.s32 $0x1B8E;
	s24 =	sld [smem:$0x3FFE];
	[sflag:s23] =	ssyncadd.s32 $0xFFFFFFFF  }
0xa6: {  	s26 =	simm.s32 $execute0_lowered;
	[smem:$0x3FD2] =	sst s25  }
0xa7: {  	s6 =	sshll.u32 s26, $0x1;
	_ =	strace $0x80000046;
	[dreg:$0x1] =	wrdreg $0xFFFFFFFF  }
0xa8: {  	s28 =	simm.s32 $_size_execute0_lowered;
	s4 =	sadd.s32 s4, s6;
	[dreg:$0x0] =	wrdreg $0x0  }
0xa9: {  	s6 =	sshll.u32 s28, $0x1;
	[dreg:$0x2] =	wrdreg s4  }
0xaa: {  	[dreg:$0x3] =	wrdreg s6  }
0xab: {  	[dreg:$0x4] =	wrdreg $0xC0  }
0xac: {  	_ =	task [dreg:s8], $0x5FFFF  }
0xad: {  	[dreg:$0x1] =	wrdreg $0xFFFFFFFF  }
0xae: {  	[dreg:$0x0] =	wrdreg $0x60  }
0xaf: {  	[dreg:$0x2] =	wrdreg s18  }
0xb0: {  	[dreg:$0x3] =	wrdreg s24  }
0xb1: {  	[dreg:$0x4] =	wrdreg s2  }
0xb2: {  	[dreg:$0x5] =	wrdreg $0x0  }
0xb3: {  	[dreg:$0x6] =	wrdreg $0x9  }
0xb4: {  	_ =	task.clear_ibuf [dreg:s8], $0x7FFFF;
	_ =	strace $0x90000046  }
0xb5: {  	s29 =	simm.s32 $0x9;
	_ =	strace $0x80000048  }
0xb6: {  	_ =	swait.ge [sflag:s29], $0x1  }
0xb7: {  	[sflag:s29] =	ssyncadd.s32 $0xFFFFFFFF  }
0xb8: {  	_ =	strace $0x90000048  }
0xb9: {  	_ =	sfence  }
0xba: {  	s30 =	sld [smem:$0x0];
	_ =	sdelay $0x2  }
0xbb: {  	s31 =	sshll.u32 s1, $0xD;
	s1 =	sshrl.u32 s1, $0x2  }
0xbc: {  	s3 =	sand.u32 $0x4000, s31;
	s1 =	sadd.s32 s1, s30  }
0xbd: {  	s0 =	sor.u32 s3, s0;
	s1 =	sshll.u32 s1, $0x11  }
0xbe: {  	s0 =	sor.u32 s1, s0  }
0xbf: {  	s0 =	sadd.s32 $0x8F2B, s0  }
0xc0: {  	[sflag:s0] =	ssyncadd.remote.s32 $0x1  }
0xc1: {  	_ =	sfence.sel $0xFFFF  }
0xc2: {  	[dreg:$0x0] =	wrdreg $0xFFFFFFFF;
	(pc) =	sbr.abs _section_cstart, $3  }
0xc3: {  	[dreg:$0x1] =	wrdreg $0xFFFFFFFF  }
0xc4: {  	_ =	task.clear_ibuf [dreg:s8], $0x2FFFF;
	_ =	strace $0x9FFFFFFF  }
0xc5: {  	(tm) =	ssettm $0x7FFFFFFF  }
tec
execute0_lowered:
.L_overlay_start_1:
0x0: {  	(tag) =	ssettag $0x1  }
0x1: {  	s0 =	rddreg [dreg:$0x0]  }
0x2: {  	s1 =	rddreg [dreg:$0x1]  }
0x3: {  	s4 =	rddreg [dreg:$0x2];
	s2 =	srdreg.scid  }
0x4: {  	s5 =	rddreg [dreg:$0x3];
	s12 =	stileid.u32  }
0x5: {  	s6 =	simm.s32 $0x0;
	s2 =	sand.u32 $0x1, s2;
	s7 =	smul.u32 $0x13C00, s12  }
0x6: {  	[smem:$0x7FF] =	sst s6;
	s19 =	smul.u32 $0x4F000, s12;
	s8 =	sshll.u32 s2, $0x4  }
0x7: {  	s15 =	sadd.s32 $0x128400, s5;
	s3 =	smul.u32 $0x13C000, s2;
	s10 =	sor.u32 s12, s8  }
0x8: {  	s17 =	ssub.s32 $0x2, s2;
	_ =	strace $0x80000047;
	s9 =	smul.u32 $0xA00, s10  }
0x9: {  	s16 =	sshrl.u32 s15, $0x3;
	s20 =	sshrl.u32 s19, $0x2;
	s3 =	sadd.s32 s7, s3  }
0xa: {  	s7 =	sadd.s32 s0, s9;
	s8 =	sadd.s32 s1, s9;
	s9 =	sadd.s32 s20, s5  }
0xb: {  	p0 =	seq.s32 s2, $0x0;
	[dreg:$0x11] =	wrdreg s16;
	s2 =	sadd.s32 $0x400, s9  }
0xc: {  	s21 =	sadd.s32 $0x800, s9;
	[dreg:$0x5] =	wrdreg s2  }
0xd: {  	s22 =	sadd.s32 $0xC00, s9;
	[dreg:$0x6] =	wrdreg s21  }
0xe: {  	s23 =	sadd.s32 $0x1000, s9;
	[dreg:$0x7] =	wrdreg s22  }
0xf: {  	s24 =	sadd.s32 $0x1400, s9;
	[dreg:$0x8] =	wrdreg s23  }
0x10: {  	s25 =	sadd.s32 $0x1800, s9;
	[dreg:$0x9] =	wrdreg s24  }
0x11: {  	s26 =	sadd.s32 $0x1C00, s9;
	[dreg:$0xa] =	wrdreg s25  }
0x12: {  	s28 =	sadd.s32 $0x2000, s9;
	[dreg:$0xb] =	wrdreg s26  }
0x13: {  	s30 =	sadd.s32 $0x2400, s9;
	[dreg:$0xc] =	wrdreg s28  }
0x14: {  	s13 =	sadd.s32 $0x2800, s9;
	[dreg:$0xd] =	wrdreg s30  }
0x15: {  	s18 =	sshrl.u32 s17, $0x1;
	s14 =	sadd.s32 $0x2C00, s9;
	[dreg:$0xe] =	wrdreg s13  }
0x16: {  	s11 =	ssub.s32 s17, s18;
	s17 =	sadd.s32 $0x3000, s9;
	[dreg:$0xf] =	wrdreg s14  }
0x17: {  	s18 =	sadd.s32 $0x3400, s9;
	[dreg:$0x12] =	wrdreg s17  }
0x18: {  	p1 =	sne.s32 s12, $0xF;
	s19 =	sadd.s32 $0x3800, s9;
	[dreg:$0x13] =	wrdreg s18  }
0x19: {  	p2 =	seq.s32 s12, $0xF;
	s20 =	sadd.s32 $0x3C00, s9;
	[dreg:$0x14] =	wrdreg s19  }
0x1a: {  	s29 =	smul.u32 $0x2780, s12;
	s12 =	sadd.s32 $0x6400, s9;
	[dreg:$0x15] =	wrdreg s20  }
0x1b: {  	s15 =	sadd.s32 $0x7000, s9;
	[dreg:$0x1f] =	wrdreg s12  }
0x1c: {  	s16 =	sadd.s32 $0x7400, s9;
	[smem:$0x7BC] =	sst s15  }
0x1d: {  	s2 =	sadd.s32 s4, s29;
	[smem:$0x7BD] =	sst s16  }
0x1e: {  	s21 =	sadd.s32 $0x4000, s9;
	[dreg:$0x10] =	wrdreg s2  }
0x1f: {  	s25 =	sadd.s32 $0x4400, s9;
	[dreg:$0x16] =	wrdreg s21  }
0x20: {  	s26 =	sadd.s32 $0x4800, s9;
	[dreg:$0x17] =	wrdreg s25  }
0x21: {  	s28 =	sadd.s32 $0x4C00, s9;
	[dreg:$0x18] =	wrdreg s26  }
0x22: {  	s3 =	sshrl.u32 s3, $0x3;
	s29 =	sadd.s32 $0x5000, s9;
	[dreg:$0x19] =	wrdreg s28  }
0x23: {  	s3 =	sadd.s32 s3, s1;
	s30 =	sadd.s32 $0x5400, s9;
	[dreg:$0x1a] =	wrdreg s29  }
0x24: {  	s23 =	sadd.s32 $0x14000, s3;
	s3 =	sadd.s32 $0x5800, s9;
	[dreg:$0x1b] =	wrdreg s30  }
0x25: {  	s22 =	smul.u32 $0x5000, s10;
	s10 =	sadd.s32 $0x5C00, s9;
	[dreg:$0x1c] =	wrdreg s3  }
0x26: {  	s24 =	smax.u32 s11, $0x1;
	s11 =	sadd.s32 $0x6000, s9;
	[dreg:$0x1d] =	wrdreg s10  }
0x27: {  	s13 =	sadd.s32 $0x6800, s9;
	[dreg:$0x1e] =	wrdreg s11  }
0x28: {  	s14 =	sadd.s32 $0x6C00, s9;
	[smem:$0x7BA] =	sst s13  }
0x29: {  	s17 =	sadd.s32 $0x7800, s9;
	[smem:$0x7BB] =	sst s14  }
0x2a: {  	s18 =	sadd.s32 $0x7C00, s9;
	[smem:$0x7BE] =	sst s17  }
0x2b: {  	s19 =	sadd.s32 $0x8000, s9;
	[smem:$0x7BF] =	sst s18  }
0x2c: {  	s20 =	sadd.s32 $0x8400, s9;
	[smem:$0x7C0] =	sst s19  }
0x2d: {  	s12 =	sadd.s32 $0xBC00, s9;
	[smem:$0x7C1] =	sst s20  }
0x2e: {  	s15 =	sadd.s32 $0xC800, s9;
	[smem:$0x7CB] =	sst s12  }
0x2f: {  	s16 =	sadd.s32 $0xCC00, s9;
	[smem:$0x7CE] =	sst s15  }
0x30: {  	s21 =	sadd.s32 $0x8800, s9;
	[smem:$0x7CF] =	sst s16  }
0x31: {  	s25 =	sadd.s32 $0x9000, s9;
	[smem:$0x7C2] =	sst s21  }
0x32: {  	s26 =	sadd.s32 $0x9400, s9;
	[smem:$0x7C3] =	sst s25  }
0x33: {  	s28 =	sadd.s32 $0x9800, s9;
	[smem:$0x7C4] =	sst s26  }
0x34: {  	s29 =	sadd.s32 $0xA000, s9;
	[smem:$0x7C5] =	sst s28  }
0x35: {  	s30 =	sadd.s32 $0xA400, s9;
	[smem:$0x7C6] =	sst s29  }
0x36: {  	s3 =	sadd.s32 $0xAC00, s9;
	[smem:$0x7C7] =	sst s30  }
0x37: {  	s10 =	sadd.s32 $0xB000, s9;
	[smem:$0x7C8] =	sst s3  }
0x38: {  	s11 =	sadd.s32 $0xB400, s9;
	[smem:$0x7C9] =	sst s10  }
0x39: {  	s13 =	sadd.s32 $0xC000, s9;
	[smem:$0x7CA] =	sst s11  }
0x3a: {  	s14 =	sadd.s32 $0xC400, s9;
	[smem:$0x7CC] =	sst s13  }
0x3b: {  	s17 =	sadd.s32 $0xD000, s9;
	[smem:$0x7CD] =	sst s14  }
0x3c: {  	s18 =	sadd.s32 $0xD400, s9;
	[smem:$0x7D0] =	sst s17  }
0x3d: {  	s19 =	sadd.s32 $0xD800, s9;
	[smem:$0x7D1] =	sst s18  }
0x3e: {  	s20 =	sadd.s32 $0xDC00, s9;
	[smem:$0x7D2] =	sst s19  }
0x3f: {  	s12 =	sadd.s32 $0x10400, s9;
	[smem:$0x7D3] =	sst s20  }
0x40: {  	s15 =	sadd.s32 $0x11000, s9;
	[smem:$0x7DD] =	sst s12  }
0x41: {  	s16 =	sadd.s32 $0x11400, s9;
	[smem:$0x7E0] =	sst s15  }
0x42: {  	s21 =	sadd.s32 $0xE000, s9;
	[smem:$0x7E1] =	sst s16  }
0x43: {  	s25 =	sadd.s32 $0xE400, s9;
	[smem:$0x7D4] =	sst s21  }
0x44: {  	s26 =	sadd.s32 $0xE800, s9;
	[smem:$0x7D5] =	sst s25  }
0x45: {  	s28 =	sadd.s32 $0xEC00, s9;
	[smem:$0x7D6] =	sst s26  }
0x46: {  	s29 =	sadd.s32 $0xF000, s9;
	[smem:$0x7D7] =	sst s28  }
0x47: {  	s30 =	sadd.s32 $0xF400, s9;
	[smem:$0x7D8] =	sst s29  }
0x48: {  	s3 =	sadd.s32 $0xF800, s9;
	[smem:$0x7D9] =	sst s30  }
0x49: {  	s10 =	sadd.s32 $0xFC00, s9;
	[smem:$0x7DA] =	sst s3  }
0x4a: {  	s11 =	sadd.s32 $0x10000, s9;
	[smem:$0x7DB] =	sst s10  }
0x4b: {  	s13 =	sadd.s32 $0x10800, s9;
	[smem:$0x7DC] =	sst s11  }
0x4c: {  	s14 =	sadd.s32 $0x10C00, s9;
	[smem:$0x7DE] =	sst s13  }
0x4d: {  	s17 =	sadd.s32 $0x11800, s9;
	[smem:$0x7DF] =	sst s14  }
0x4e: {  	s18 =	sadd.s32 $0x11C00, s9;
	[smem:$0x7E2] =	sst s17  }
0x4f: {  	s19 =	sadd.s32 $0x12000, s9;
	[smem:$0x7E3] =	sst s18  }
0x50: {  	s20 =	sadd.s32 $0x12400, s9;
	[smem:$0x7E4] =	sst s19  }
0x51: {  	s12 =	sadd.s32 $0x139000, s5;
	[smem:$0x7E5] =	sst s20  }
0x52: {  	s15 =	sadd.s32 $0x139800, s5;
	[smem:$0x7EF] =	sst s12  }
0x53: {  	s16 =	sadd.s32 $0x139C00, s5;
	[smem:$0x7F2] =	sst s15  }
0x54: {  	s21 =	sadd.s32 $0x12800, s9;
	[smem:$0x7F3] =	sst s16  }
0x55: {  	s25 =	sadd.s32 $0x12C00, s9;
	[smem:$0x7E6] =	sst s21  }
0x56: {  	s26 =	sadd.s32 $0x13000, s9;
	[smem:$0x7E7] =	sst s25  }
0x57: {  	s28 =	sadd.s32 $0x13400, s9;
	[smem:$0x7E8] =	sst s26  }
0x58: {  	s29 =	sadd.s32 $0x13800, s9;
	[smem:$0x7E9] =	sst s28  }
0x59: {  	s30 =	sadd.s32 $0x8C00, s9;
	[smem:$0x7EA] =	sst s29  }
0x5a: {  	s3 =	sadd.s32 $0x138800, s5;
	[smem:$0x7EB] =	sst s30  }
0x5b: {  	s10 =	sadd.s32 $0x138C00, s5;
	[smem:$0x7EC] =	sst s3  }
0x5c: {  	s31 =	simm.s32 $0x13C00;
	s11 =	sadd.s32 $0x25080, s4;
	[smem:$0x7ED] =	sst s10  }
0x5d: {  	p1 =	por !p0, !p1;
	s13 =	sadd.s32 $0x139400, s5;
	[smem:$0x7EE] =	sst s11  }
0x5e: {  	p2 =	por !p0, !p2;
	s14 =	sadd.s32 $0x9C00, s9;
	[smem:$0x7F0] =	sst s13  }
0x5f: {  	p1 =	por !p1, !p1;
	s17 =	sadd.s32 $0xA800, s9;
	[smem:$0x7F1] =	sst s14  }
0x60: {  	p2 =	por !p2, !p2;
	s18 =	sadd.s32 $0x13A400, s5;
	[smem:$0x7F4] =	sst s17  }
0x61: {  	s2 =	simm.s32 $0x1;
	s19 =	sadd.s32 $0x13A800, s5;
	[smem:$0x7F5] =	sst s18  }
0x62: {  	s20 =	sadd.s32 $0x13A000, s5;
	s12 =	simm.s32 $0x2;
	[smem:$0x7F6] =	sst s19  }
0x63: {  	[smem:$0x7F7] =	sst s20;
	s21 =	sadd.s32 $0x13AC00, s5;
	s25 =	sadd.s32 $0x13B000, s5  }
0x64: {  	s26 =	sadd.s32 $0xB800, s9;
	s28 =	sadd.s32 $0x13B400, s5;
	[smem:$0x7F8] =	sst s21  }
.Ltmp0:
0x65: {  	s29 =	sadd.s32 $0x13B800, s5;
	[smem:$0x7F9] =	sst s25;
	(pc) =	sbr.rel .LBB2_1-.Ltmp0, $4  }
0x66: {  	s15 =	simm.s32 $0x0;
	s30 =	sadd.s32 $0x13BC00, s5;
	[smem:$0x7FA] =	sst s26  }
0x67: {  	s14 =	simm.s32 $0x15C00;
	s17 =	simm.s32 $0x3;
	[smem:$0x7FB] =	sst s28  }
0x68: {  	s18 =	simm.s32 $0x40;
	s19 =	simm.s32 $0x17C00;
	[smem:$0x7FC] =	sst s29  }
0x69: {  	v0 =	vimm.f32 $0.0e+00;
	s13 =	simm.s32 $0x1FC00;
	[smem:$0x7FD] =	sst s30;
	s25 =	simm.s32 $0x4  }
.LBB2_13:
0x6a: {  	_ =	swait.ge [sflag:s12], $0x2000  }
0x6b: {  	s15 =	sadd.s32 $0x1, s15;
	[sflag:s12] =	ssyncset.done $0x0  }
0x6c: {  	p3 =	sne.s32 s15, s24;
	[sflag:s12] =	ssyncadd.s32 $0xFFFFE000  }
.Ltmp1:
0x6d: {  	[bflag:$0x0] =	sbarrier.arrive $0xFFFF;
	(pc) =	sbr.rel @!p3 .LBB2_14-.Ltmp1, $4  }
0x6e: {  	[hbm:s23], [sflag:s28] =	dma.local [spmem:s16], $0x2780  }
0x6f: {  	_ =	swait.ge [sflag:s25], $0x2780  }
0x70: {  	[sflag:s25] =	ssyncset.done $0x0  }
0x71: {  	[sflag:s25] =	ssyncadd.s32 $0xFFFFD880  }
.LBB2_1:
0x72: {  	[tilespmem:s31], [sflag:$0x3] =	stream.linear.gather [hbm4b:s7+s6], $0x1000, $0x38;
	v63 =	vld [tilespmem:$0x0]  }
0x73: {  	_ = 	snop  }
0x74: {  	[tilespmem:s14], [sflag:$0x3] =	stream.linear.gather [hbm4b:s8+s6], $0x1000, $0x38;
	v63 =	vld [tilespmem:$0x0]  }
0x75: {  	[tilespmem:$0x1FC00] =	vst v0  }
0x76: {  	[tilespmem:$0x1FC10] =	vst v0  }
0x77: {  	[tilespmem:$0x1FC20] =	vst v0  }
0x78: {  	[tilespmem:$0x1FC30] =	vst v0  }
0x79: {  	[tilespmem:$0x1FC40] =	vst v0  }
0x7a: {  	[tilespmem:$0x1FC50] =	vst v0  }
0x7b: {  	[tilespmem:$0x1FC60] =	vst v0  }
0x7c: {  	[tilespmem:$0x1FC70] =	vst v0  }
0x7d: {  	[tilespmem:$0x1FC80] =	vst v0  }
0x7e: {  	[tilespmem:$0x1FC90] =	vst v0  }
0x7f: {  	[tilespmem:$0x1FCA0] =	vst v0  }
0x80: {  	[tilespmem:$0x1FCB0] =	vst v0  }
0x81: {  	[tilespmem:$0x1FCC0] =	vst v0  }
0x82: {  	[tilespmem:$0x1FCD0] =	vst v0  }
0x83: {  	[tilespmem:$0x1FCE0] =	vst v0  }
0x84: {  	[tilespmem:$0x1FCF0] =	vst v0  }
0x85: {  	[tilespmem:$0x1FD00] =	vst v0  }
0x86: {  	[tilespmem:$0x1FD10] =	vst v0  }
0x87: {  	[tilespmem:$0x1FD20] =	vst v0  }
0x88: {  	[tilespmem:$0x1FD30] =	vst v0  }
0x89: {  	[tilespmem:$0x1FD40] =	vst v0  }
0x8a: {  	[tilespmem:$0x1FD50] =	vst v0  }
0x8b: {  	[tilespmem:$0x1FD60] =	vst v0  }
0x8c: {  	[tilespmem:$0x1FD70] =	vst v0  }
0x8d: {  	[tilespmem:$0x1FD80] =	vst v0  }
0x8e: {  	[tilespmem:$0x1FD90] =	vst v0  }
0x8f: {  	[tilespmem:$0x1FDA0] =	vst v0  }
0x90: {  	[tilespmem:$0x1FDB0] =	vst v0  }
0x91: {  	[tilespmem:$0x1FDC0] =	vst v0  }
0x92: {  	[tilespmem:$0x1FDD0] =	vst v0  }
0x93: {  	[tilespmem:$0x1FDE0] =	vst v0  }
0x94: {  	[tilespmem:$0x1FDF0] =	vst v0  }
0x95: {  	[tilespmem:$0x1FE00] =	vst v0  }
0x96: {  	[tilespmem:$0x1FE10] =	vst v0  }
0x97: {  	[tilespmem:$0x1FE20] =	vst v0  }
0x98: {  	[tilespmem:$0x1FE30] =	vst v0  }
0x99: {  	[tilespmem:$0x1FE40] =	vst v0  }
0x9a: {  	[tilespmem:$0x1FE50] =	vst v0  }
0x9b: {  	[tilespmem:$0x1FE60] =	vst v0  }
0x9c: {  	[tilespmem:$0x1FE70] =	vst v0  }
0x9d: {  	[tilespmem:$0x1FE80] =	vst v0  }
0x9e: {  	[tilespmem:$0x1FE90] =	vst v0  }
0x9f: {  	[tilespmem:$0x1FEA0] =	vst v0  }
0xa0: {  	[tilespmem:$0x1FEB0] =	vst v0  }
0xa1: {  	[tilespmem:$0x1FEC0] =	vst v0  }
0xa2: {  	[tilespmem:$0x1FED0] =	vst v0  }
0xa3: {  	[tilespmem:$0x1FEE0] =	vst v0  }
0xa4: {  	[tilespmem:$0x1FEF0] =	vst v0  }
0xa5: {  	[tilespmem:$0x1FF00] =	vst v0  }
0xa6: {  	[tilespmem:$0x1FF10] =	vst v0  }
0xa7: {  	[tilespmem:$0x1FF20] =	vst v0  }
0xa8: {  	[tilespmem:$0x1FF30] =	vst v0  }
0xa9: {  	[tilespmem:$0x1FF40] =	vst v0  }
0xaa: {  	[tilespmem:$0x1FF50] =	vst v0  }
0xab: {  	[tilespmem:$0x1FF60] =	vst v0  }
0xac: {  	[tilespmem:$0x1FF70] =	vst v0  }
0xad: {  	[tilespmem:$0x1FF80] =	vst v0  }
0xae: {  	[tilespmem:$0x1FF90] =	vst v0  }
0xaf: {  	[tilespmem:$0x1FFA0] =	vst v0  }
.Ltmp2:
0xb0: {  	[tilespmem:$0x1FFB0] =	vst v0;
	(pc) =	sbr.rel @!p1 .LBB2_3-.Ltmp2, $4  }
0xb1: {  	[tilespmem:$0x1FFC0] =	vst v0  }
0xb2: {  	s3 =	stileid.u32;
	[tilespmem:$0x1FFD0] =	vst v0  }
0xb3: {  	s3 =	sshll.u32 s3, $0x6;
	[tilespmem:$0x1FFE0] =	vst v0  }
0xb4: {  	s16 =	sshrl.u32 s9, $0x3;
	s28 =	sor.u32 $0x1C04, s3;
	[tilespmem:$0x1FFF0] =	vst v0  }
.Ltmp3:
0xb5: {  	s3 =	rddreg [dreg:$0x10];
	(pc) =	sbr.rel .LBB2_7-.Ltmp3, $4  }
0xb6: {  	[spmem:s16], [sflag:s28] =	dma.local [hbm:s3], $0x2780  }
0xb7: {  	_ =	swait.ge [sflag:s25], $0x2780  }
0xb8: {  	[sflag:s25] =	ssyncset.done $0x0  }
0xb9: {  	[sflag:s25] =	ssyncadd.s32 $0xFFFFD880  }
.LBB2_3:
.Ltmp4:
0xba: {  	(pc) =	sbr.rel @!p2 .LBB2_5-.Ltmp4, $1  }
0xbb: {  	_ =	sdelay $0x3  }
0xbc: {  	s10 =	sld [smem:$0x7EE];
	_ =	sdelay $0x1  }
0xbd: {  	s3 =	rddreg [dreg:$0x11];
	s11 =	simm.s32 $0x1FC4  }
0xbe: {  	[spmem:s3], [sflag:s11] =	dma.local [hbm:s10], $0x2080  }
0xbf: {  	_ =	swait.ge [sflag:s25], $0x2080  }
0xc0: {  	s10 =	sld [smem:$0x7EC]  }
0xc1: {  	[sflag:s25] =	ssyncset.done $0x0  }
0xc2: {  	[sflag:s25] =	ssyncadd.s32 $0xFFFFDF80  }
0xc3: {  	[spmem:s10] =	stream.linear.scatter [tilespmem:s13], [sflag:$0x4], $0x400, $0x38;
	v63 =	vld [tilespmem:$0x0]  }
0xc4: {  	_ =	swait.ge [sflag:s25], $0x400  }
0xc5: {  	s11 =	sld [smem:$0x7ED]  }
0xc6: {  	[sflag:s25] =	ssyncset.done $0x0  }
0xc7: {  	[sflag:s25] =	ssyncadd.s32 $0xFFFFFC00  }
0xc8: {  	[spmem:s11] =	stream.linear.scatter [tilespmem:s13], [sflag:$0x4], $0x400, $0x38;
	v63 =	vld [tilespmem:$0x0]  }
0xc9: {  	_ =	swait.ge [sflag:s25], $0x400  }
0xca: {  	s20 =	sld [smem:$0x7EF]  }
0xcb: {  	[sflag:s25] =	ssyncset.done $0x0  }
0xcc: {  	[sflag:s25] =	ssyncadd.s32 $0xFFFFFC00  }
0xcd: {  	[spmem:s20] =	stream.linear.scatter [tilespmem:s13], [sflag:$0x4], $0x400, $0x38;
	v63 =	vld [tilespmem:$0x0]  }
0xce: {  	_ =	swait.ge [sflag:s25], $0x400  }
0xcf: {  	s21 =	sld [smem:$0x7F0]  }
0xd0: {  	[sflag:s25] =	ssyncset.done $0x0  }
0xd1: {  	[sflag:s25] =	ssyncadd.s32 $0xFFFFFC00  }
0xd2: {  	[spmem:s21] =	stream.linear.scatter [tilespmem:s13], [sflag:$0x4], $0x400, $0x38;
	v63 =	vld [tilespmem:$0x0]  }
0xd3: {  	_ =	swait.ge [sflag:s25], $0x400  }
0xd4: {  	s26 =	sld [smem:$0x7F2]  }
0xd5: {  	[sflag:s25] =	ssyncset.done $0x0  }
0xd6: {  	[sflag:s25] =	ssyncadd.s32 $0xFFFFFC00  }
0xd7: {  	[spmem:s26] =	stream.linear.scatter [tilespmem:s13], [sflag:$0x4], $0x400, $0x38;
	v63 =	vld [tilespmem:$0x0]  }
0xd8: {  	_ =	swait.ge [sflag:s25], $0x400  }
0xd9: {  	s29 =	sld [smem:$0x7F3]  }
0xda: {  	[sflag:s25] =	ssyncset.done $0x0  }
0xdb: {  	[sflag:s25] =	ssyncadd.s32 $0xFFFFFC00  }
0xdc: {  	[spmem:s29] =	stream.linear.scatter [tilespmem:s13], [sflag:$0x4], $0x400, $0x38;
	v63 =	vld [tilespmem:$0x0]  }
0xdd: {  	_ =	swait.ge [sflag:s25], $0x400  }
0xde: {  	s30 =	sld [smem:$0x7F7]  }
0xdf: {  	[sflag:s25] =	ssyncset.done $0x0  }
0xe0: {  	[sflag:s25] =	ssyncadd.s32 $0xFFFFFC00  }
0xe1: {  	[spmem:s30] =	stream.linear.scatter [tilespmem:s13], [sflag:$0x4], $0x400, $0x38;
	v63 =	vld [tilespmem:$0x0]  }
0xe2: {  	_ =	swait.ge [sflag:s25], $0x400  }
0xe3: {  	s10 =	sld [smem:$0x7F5]  }
0xe4: {  	[sflag:s25] =	ssyncset.done $0x0  }
0xe5: {  	[sflag:s25] =	ssyncadd.s32 $0xFFFFFC00  }
0xe6: {  	[spmem:s10] =	stream.linear.scatter [tilespmem:s13], [sflag:$0x4], $0x400, $0x38;
	v63 =	vld [tilespmem:$0x0]  }
0xe7: {  	_ =	swait.ge [sflag:s25], $0x400  }
0xe8: {  	s11 =	sld [smem:$0x7F6]  }
0xe9: {  	[sflag:s25] =	ssyncset.done $0x0  }
0xea: {  	[sflag:s25] =	ssyncadd.s32 $0xFFFFFC00  }
0xeb: {  	[spmem:s11] =	stream.linear.scatter [tilespmem:s13], [sflag:$0x4], $0x400, $0x38;
	v63 =	vld [tilespmem:$0x0]  }
0xec: {  	_ =	swait.ge [sflag:s25], $0x400  }
0xed: {  	s20 =	sld [smem:$0x7F8]  }
0xee: {  	[sflag:s25] =	ssyncset.done $0x0  }
0xef: {  	[sflag:s25] =	ssyncadd.s32 $0xFFFFFC00  }
0xf0: {  	[spmem:s20] =	stream.linear.scatter [tilespmem:s13], [sflag:$0x4], $0x400, $0x38;
	v63 =	vld [tilespmem:$0x0]  }
0xf1: {  	_ =	swait.ge [sflag:s25], $0x400  }
0xf2: {  	s21 =	sld [smem:$0x7F9]  }
0xf3: {  	[sflag:s25] =	ssyncset.done $0x0  }
0xf4: {  	[sflag:s25] =	ssyncadd.s32 $0xFFFFFC00  }
0xf5: {  	[spmem:s21] =	stream.linear.scatter [tilespmem:s13], [sflag:$0x4], $0x400, $0x38;
	v63 =	vld [tilespmem:$0x0]  }
0xf6: {  	_ =	swait.ge [sflag:s25], $0x400  }
0xf7: {  	s26 =	sld [smem:$0x7FB]  }
0xf8: {  	[sflag:s25] =	ssyncset.done $0x0  }
0xf9: {  	[sflag:s25] =	ssyncadd.s32 $0xFFFFFC00  }
0xfa: {  	[spmem:s26] =	stream.linear.scatter [tilespmem:s13], [sflag:$0x4], $0x400, $0x38;
	v63 =	vld [tilespmem:$0x0]  }
0xfb: {  	_ =	swait.ge [sflag:s25], $0x400  }
0xfc: {  	s29 =	sld [smem:$0x7FC]  }
0xfd: {  	[sflag:s25] =	ssyncset.done $0x0  }
0xfe: {  	[sflag:s25] =	ssyncadd.s32 $0xFFFFFC00  }
0xff: {  	[spmem:s29] =	stream.linear.scatter [tilespmem:s13], [sflag:$0x4], $0x400, $0x38;
	v63 =	vld [tilespmem:$0x0]  }
0x100: {  	_ =	swait.ge [sflag:s25], $0x400  }
0x101: {  	s30 =	sld [smem:$0x7FD]  }
0x102: {  	[sflag:s25] =	ssyncset.done $0x0  }
.Ltmp5:
0x103: {  	[sflag:s25] =	ssyncadd.s32 $0xFFFFFC00;
	(pc) =	sbr.rel .LBB2_7-.Ltmp5, $4  }
0x104: {  	[spmem:s30] =	stream.linear.scatter [tilespmem:s13], [sflag:$0x4], $0x400, $0x38;
	v63 =	vld [tilespmem:$0x0]  }
0x105: {  	_ =	swait.ge [sflag:s25], $0x400  }
0x106: {  	[sflag:s25] =	ssyncset.done $0x0  }
0x107: {  	[sflag:s25] =	ssyncadd.s32 $0xFFFFFC00  }
.LBB2_5:
.Ltmp6:
0x108: {  	(pc) =	sbr.rel @p0 .LBB2_7-.Ltmp6, $1  }
0x109: {  	_ =	sdelay $0x3  }
0x10a: {  	[spmem:s9] =	stream.linear.scatter [tilespmem:s13], [sflag:$0x4], $0x400, $0x38;
	v63 =	vld [tilespmem:$0x0]  }
0x10b: {  	_ =	swait.ge [sflag:s25], $0x400  }
0x10c: {  	[sflag:s25] =	ssyncset.done $0x0  }
0x10d: {  	s3 =	rddreg [dreg:$0x5];
	[sflag:s25] =	ssyncadd.s32 $0xFFFFFC00  }
0x10e: {  	[spmem:s3] =	stream.linear.scatter [tilespmem:s13], [sflag:$0x4], $0x400, $0x38;
	v63 =	vld [tilespmem:$0x0]  }
0x10f: {  	_ =	swait.ge [sflag:s25], $0x400  }
0x110: {  	[sflag:s25] =	ssyncset.done $0x0  }
0x111: {  	s10 =	rddreg [dreg:$0x6];
	[sflag:s25] =	ssyncadd.s32 $0xFFFFFC00  }
0x112: {  	[spmem:s10] =	stream.linear.scatter [tilespmem:s13], [sflag:$0x4], $0x400, $0x38;
	v63 =	vld [tilespmem:$0x0]  }
0x113: {  	_ =	swait.ge [sflag:s25], $0x400  }
0x114: {  	[sflag:s25] =	ssyncset.done $0x0  }
0x115: {  	s11 =	rddreg [dreg:$0x7];
	[sflag:s25] =	ssyncadd.s32 $0xFFFFFC00  }
0x116: {  	[spmem:s11] =	stream.linear.scatter [tilespmem:s13], [sflag:$0x4], $0x400, $0x38;
	v63 =	vld [tilespmem:$0x0]  }
0x117: {  	_ =	swait.ge [sflag:s25], $0x400  }
0x118: {  	[sflag:s25] =	ssyncset.done $0x0  }
0x119: {  	s20 =	rddreg [dreg:$0x8];
	[sflag:s25] =	ssyncadd.s32 $0xFFFFFC00  }
0x11a: {  	[spmem:s20] =	stream.linear.scatter [tilespmem:s13], [sflag:$0x4], $0x400, $0x38;
	v63 =	vld [tilespmem:$0x0]  }
0x11b: {  	_ =	swait.ge [sflag:s25], $0x400  }
0x11c: {  	[sflag:s25] =	ssyncset.done $0x0  }
0x11d: {  	s21 =	rddreg [dreg:$0x9];
	[sflag:s25] =	ssyncadd.s32 $0xFFFFFC00  }
0x11e: {  	[spmem:s21] =	stream.linear.scatter [tilespmem:s13], [sflag:$0x4], $0x400, $0x38;
	v63 =	vld [tilespmem:$0x0]  }
0x11f: {  	_ =	swait.ge [sflag:s25], $0x400  }
0x120: {  	[sflag:s25] =	ssyncset.done $0x0  }
0x121: {  	s26 =	rddreg [dreg:$0xa];
	[sflag:s25] =	ssyncadd.s32 $0xFFFFFC00  }
0x122: {  	[spmem:s26] =	stream.linear.scatter [tilespmem:s13], [sflag:$0x4], $0x400, $0x38;
	v63 =	vld [tilespmem:$0x0]  }
0x123: {  	_ =	swait.ge [sflag:s25], $0x400  }
0x124: {  	[sflag:s25] =	ssyncset.done $0x0  }
0x125: {  	s29 =	rddreg [dreg:$0xb];
	[sflag:s25] =	ssyncadd.s32 $0xFFFFFC00  }
0x126: {  	[spmem:s29] =	stream.linear.scatter [tilespmem:s13], [sflag:$0x4], $0x400, $0x38;
	v63 =	vld [tilespmem:$0x0]  }
0x127: {  	_ =	swait.ge [sflag:s25], $0x400  }
0x128: {  	[sflag:s25] =	ssyncset.done $0x0  }
0x129: {  	s30 =	rddreg [dreg:$0xc];
	[sflag:s25] =	ssyncadd.s32 $0xFFFFFC00  }
0x12a: {  	[spmem:s30] =	stream.linear.scatter [tilespmem:s13], [sflag:$0x4], $0x400, $0x38;
	v63 =	vld [tilespmem:$0x0]  }
0x12b: {  	_ =	swait.ge [sflag:s25], $0x400  }
0x12c: {  	[sflag:s25] =	ssyncset.done $0x0  }
0x12d: {  	s10 =	rddreg [dreg:$0xd];
	[sflag:s25] =	ssyncadd.s32 $0xFFFFFC00  }
0x12e: {  	[spmem:s10] =	stream.linear.scatter [tilespmem:s13], [sflag:$0x4], $0x400, $0x38;
	v63 =	vld [tilespmem:$0x0]  }
0x12f: {  	_ =	swait.ge [sflag:s25], $0x400  }
0x130: {  	[sflag:s25] =	ssyncset.done $0x0  }
0x131: {  	s11 =	rddreg [dreg:$0xe];
	[sflag:s25] =	ssyncadd.s32 $0xFFFFFC00  }
0x132: {  	[spmem:s11] =	stream.linear.scatter [tilespmem:s13], [sflag:$0x4], $0x400, $0x38;
	v63 =	vld [tilespmem:$0x0]  }
0x133: {  	_ =	swait.ge [sflag:s25], $0x400  }
0x134: {  	[sflag:s25] =	ssyncset.done $0x0  }
0x135: {  	s20 =	rddreg [dreg:$0xf];
	[sflag:s25] =	ssyncadd.s32 $0xFFFFFC00  }
0x136: {  	[spmem:s20] =	stream.linear.scatter [tilespmem:s13], [sflag:$0x4], $0x400, $0x38;
	v63 =	vld [tilespmem:$0x0]  }
0x137: {  	_ =	swait.ge [sflag:s25], $0x400  }
0x138: {  	[sflag:s25] =	ssyncset.done $0x0  }
0x139: {  	s21 =	rddreg [dreg:$0x12];
	[sflag:s25] =	ssyncadd.s32 $0xFFFFFC00  }
0x13a: {  	[spmem:s21] =	stream.linear.scatter [tilespmem:s13], [sflag:$0x4], $0x400, $0x38;
	v63 =	vld [tilespmem:$0x0]  }
0x13b: {  	_ =	swait.ge [sflag:s25], $0x400  }
0x13c: {  	[sflag:s25] =	ssyncset.done $0x0  }
0x13d: {  	s26 =	rddreg [dreg:$0x13];
	[sflag:s25] =	ssyncadd.s32 $0xFFFFFC00  }
0x13e: {  	[spmem:s26] =	stream.linear.scatter [tilespmem:s13], [sflag:$0x4], $0x400, $0x38;
	v63 =	vld [tilespmem:$0x0]  }
0x13f: {  	_ =	swait.ge [sflag:s25], $0x400  }
0x140: {  	[sflag:s25] =	ssyncset.done $0x0  }
0x141: {  	s29 =	rddreg [dreg:$0x14];
	[sflag:s25] =	ssyncadd.s32 $0xFFFFFC00  }
0x142: {  	[spmem:s29] =	stream.linear.scatter [tilespmem:s13], [sflag:$0x4], $0x400, $0x38;
	v63 =	vld [tilespmem:$0x0]  }
0x143: {  	_ =	swait.ge [sflag:s25], $0x400  }
0x144: {  	[sflag:s25] =	ssyncset.done $0x0  }
0x145: {  	s30 =	rddreg [dreg:$0x15];
	[sflag:s25] =	ssyncadd.s32 $0xFFFFFC00  }
0x146: {  	[spmem:s30] =	stream.linear.scatter [tilespmem:s13], [sflag:$0x4], $0x400, $0x38;
	v63 =	vld [tilespmem:$0x0]  }
0x147: {  	_ =	swait.ge [sflag:s25], $0x400  }
0x148: {  	[sflag:s25] =	ssyncset.done $0x0  }
0x149: {  	s10 =	rddreg [dreg:$0x16];
	[sflag:s25] =	ssyncadd.s32 $0xFFFFFC00  }
0x14a: {  	[spmem:s10] =	stream.linear.scatter [tilespmem:s13], [sflag:$0x4], $0x400, $0x38;
	v63 =	vld [tilespmem:$0x0]  }
0x14b: {  	_ =	swait.ge [sflag:s25], $0x400  }
0x14c: {  	[sflag:s25] =	ssyncset.done $0x0  }
0x14d: {  	s11 =	rddreg [dreg:$0x17];
	[sflag:s25] =	ssyncadd.s32 $0xFFFFFC00  }
0x14e: {  	[spmem:s11] =	stream.linear.scatter [tilespmem:s13], [sflag:$0x4], $0x400, $0x38;
	v63 =	vld [tilespmem:$0x0]  }
0x14f: {  	_ =	swait.ge [sflag:s25], $0x400  }
0x150: {  	[sflag:s25] =	ssyncset.done $0x0  }
0x151: {  	s20 =	rddreg [dreg:$0x18];
	[sflag:s25] =	ssyncadd.s32 $0xFFFFFC00  }
0x152: {  	[spmem:s20] =	stream.linear.scatter [tilespmem:s13], [sflag:$0x4], $0x400, $0x38;
	v63 =	vld [tilespmem:$0x0]  }
0x153: {  	_ =	swait.ge [sflag:s25], $0x400  }
0x154: {  	[sflag:s25] =	ssyncset.done $0x0  }
0x155: {  	s21 =	rddreg [dreg:$0x19];
	[sflag:s25] =	ssyncadd.s32 $0xFFFFFC00  }
0x156: {  	[spmem:s21] =	stream.linear.scatter [tilespmem:s13], [sflag:$0x4], $0x400, $0x38;
	v63 =	vld [tilespmem:$0x0]  }
0x157: {  	_ =	swait.ge [sflag:s25], $0x400  }
0x158: {  	[sflag:s25] =	ssyncset.done $0x0  }
0x159: {  	s26 =	rddreg [dreg:$0x1a];
	[sflag:s25] =	ssyncadd.s32 $0xFFFFFC00  }
0x15a: {  	[spmem:s26] =	stream.linear.scatter [tilespmem:s13], [sflag:$0x4], $0x400, $0x38;
	v63 =	vld [tilespmem:$0x0]  }
0x15b: {  	_ =	swait.ge [sflag:s25], $0x400  }
0x15c: {  	[sflag:s25] =	ssyncset.done $0x0  }
0x15d: {  	s29 =	rddreg [dreg:$0x1b];
	[sflag:s25] =	ssyncadd.s32 $0xFFFFFC00  }
0x15e: {  	[spmem:s29] =	stream.linear.scatter [tilespmem:s13], [sflag:$0x4], $0x400, $0x38;
	v63 =	vld [tilespmem:$0x0]  }
0x15f: {  	_ =	swait.ge [sflag:s25], $0x400  }
0x160: {  	[sflag:s25] =	ssyncset.done $0x0  }
0x161: {  	s30 =	rddreg [dreg:$0x1c];
	[sflag:s25] =	ssyncadd.s32 $0xFFFFFC00  }
0x162: {  	[spmem:s30] =	stream.linear.scatter [tilespmem:s13], [sflag:$0x4], $0x400, $0x38;
	v63 =	vld [tilespmem:$0x0]  }
0x163: {  	_ =	swait.ge [sflag:s25], $0x400  }
0x164: {  	[sflag:s25] =	ssyncset.done $0x0  }
0x165: {  	s10 =	rddreg [dreg:$0x1d];
	[sflag:s25] =	ssyncadd.s32 $0xFFFFFC00  }
0x166: {  	[spmem:s10] =	stream.linear.scatter [tilespmem:s13], [sflag:$0x4], $0x400, $0x38;
	v63 =	vld [tilespmem:$0x0]  }
0x167: {  	_ =	swait.ge [sflag:s25], $0x400  }
0x168: {  	[sflag:s25] =	ssyncset.done $0x0  }
0x169: {  	s11 =	rddreg [dreg:$0x1e];
	[sflag:s25] =	ssyncadd.s32 $0xFFFFFC00  }
0x16a: {  	[spmem:s11] =	stream.linear.scatter [tilespmem:s13], [sflag:$0x4], $0x400, $0x38;
	v63 =	vld [tilespmem:$0x0]  }
0x16b: {  	_ =	swait.ge [sflag:s25], $0x400  }
0x16c: {  	[sflag:s25] =	ssyncset.done $0x0  }
0x16d: {  	s20 =	rddreg [dreg:$0x1f];
	[sflag:s25] =	ssyncadd.s32 $0xFFFFFC00  }
0x16e: {  	[spmem:s20] =	stream.linear.scatter [tilespmem:s13], [sflag:$0x4], $0x400, $0x38;
	v63 =	vld [tilespmem:$0x0]  }
0x16f: {  	_ =	swait.ge [sflag:s25], $0x400  }
0x170: {  	s21 =	sld [smem:$0x7BA]  }
0x171: {  	[sflag:s25] =	ssyncset.done $0x0  }
0x172: {  	[sflag:s25] =	ssyncadd.s32 $0xFFFFFC00  }
0x173: {  	[spmem:s21] =	stream.linear.scatter [tilespmem:s13], [sflag:$0x4], $0x400, $0x38;
	v63 =	vld [tilespmem:$0x0]  }
0x174: {  	_ =	swait.ge [sflag:s25], $0x400  }
0x175: {  	s26 =	sld [smem:$0x7BB]  }
0x176: {  	[sflag:s25] =	ssyncset.done $0x0  }
0x177: {  	[sflag:s25] =	ssyncadd.s32 $0xFFFFFC00  }
0x178: {  	[spmem:s26] =	stream.linear.scatter [tilespmem:s13], [sflag:$0x4], $0x400, $0x38;
	v63 =	vld [tilespmem:$0x0]  }
0x179: {  	_ =	swait.ge [sflag:s25], $0x400  }
0x17a: {  	s29 =	sld [smem:$0x7BC]  }
0x17b: {  	[sflag:s25] =	ssyncset.done $0x0  }
0x17c: {  	[sflag:s25] =	ssyncadd.s32 $0xFFFFFC00  }
0x17d: {  	[spmem:s29] =	stream.linear.scatter [tilespmem:s13], [sflag:$0x4], $0x400, $0x38;
	v63 =	vld [tilespmem:$0x0]  }
0x17e: {  	_ =	swait.ge [sflag:s25], $0x400  }
0x17f: {  	s30 =	sld [smem:$0x7BD]  }
0x180: {  	[sflag:s25] =	ssyncset.done $0x0  }
0x181: {  	[sflag:s25] =	ssyncadd.s32 $0xFFFFFC00  }
0x182: {  	[spmem:s30] =	stream.linear.scatter [tilespmem:s13], [sflag:$0x4], $0x400, $0x38;
	v63 =	vld [tilespmem:$0x0]  }
0x183: {  	_ =	swait.ge [sflag:s25], $0x400  }
0x184: {  	s10 =	sld [smem:$0x7BE]  }
0x185: {  	[sflag:s25] =	ssyncset.done $0x0  }
0x186: {  	[sflag:s25] =	ssyncadd.s32 $0xFFFFFC00  }
0x187: {  	[spmem:s10] =	stream.linear.scatter [tilespmem:s13], [sflag:$0x4], $0x400, $0x38;
	v63 =	vld [tilespmem:$0x0]  }
0x188: {  	_ =	swait.ge [sflag:s25], $0x400  }
0x189: {  	s11 =	sld [smem:$0x7BF]  }
0x18a: {  	[sflag:s25] =	ssyncset.done $0x0  }
0x18b: {  	[sflag:s25] =	ssyncadd.s32 $0xFFFFFC00  }
0x18c: {  	[spmem:s11] =	stream.linear.scatter [tilespmem:s13], [sflag:$0x4], $0x400, $0x38;
	v63 =	vld [tilespmem:$0x0]  }
0x18d: {  	_ =	swait.ge [sflag:s25], $0x400  }
0x18e: {  	s20 =	sld [smem:$0x7C0]  }
0x18f: {  	[sflag:s25] =	ssyncset.done $0x0  }
0x190: {  	[sflag:s25] =	ssyncadd.s32 $0xFFFFFC00  }
0x191: {  	[spmem:s20] =	stream.linear.scatter [tilespmem:s13], [sflag:$0x4], $0x400, $0x38;
	v63 =	vld [tilespmem:$0x0]  }
0x192: {  	_ =	swait.ge [sflag:s25], $0x400  }
0x193: {  	s21 =	sld [smem:$0x7C1]  }
0x194: {  	[sflag:s25] =	ssyncset.done $0x0  }
0x195: {  	[sflag:s25] =	ssyncadd.s32 $0xFFFFFC00  }
0x196: {  	[spmem:s21] =	stream.linear.scatter [tilespmem:s13], [sflag:$0x4], $0x400, $0x38;
	v63 =	vld [tilespmem:$0x0]  }
0x197: {  	_ =	swait.ge [sflag:s25], $0x400  }
0x198: {  	s26 =	sld [smem:$0x7C2]  }
0x199: {  	[sflag:s25] =	ssyncset.done $0x0  }
0x19a: {  	[sflag:s25] =	ssyncadd.s32 $0xFFFFFC00  }
0x19b: {  	[spmem:s26] =	stream.linear.scatter [tilespmem:s13], [sflag:$0x4], $0x400, $0x38;
	v63 =	vld [tilespmem:$0x0]  }
0x19c: {  	_ =	swait.ge [sflag:s25], $0x400  }
0x19d: {  	s29 =	sld [smem:$0x7EB]  }
0x19e: {  	[sflag:s25] =	ssyncset.done $0x0  }
0x19f: {  	[sflag:s25] =	ssyncadd.s32 $0xFFFFFC00  }
0x1a0: {  	[spmem:s29] =	stream.linear.scatter [tilespmem:s13], [sflag:$0x4], $0x400, $0x38;
	v63 =	vld [tilespmem:$0x0]  }
0x1a1: {  	_ =	swait.ge [sflag:s25], $0x400  }
0x1a2: {  	s30 =	sld [smem:$0x7C3]  }
0x1a3: {  	[sflag:s25] =	ssyncset.done $0x0  }
0x1a4: {  	[sflag:s25] =	ssyncadd.s32 $0xFFFFFC00  }
0x1a5: {  	[spmem:s30] =	stream.linear.scatter [tilespmem:s13], [sflag:$0x4], $0x400, $0x38;
	v63 =	vld [tilespmem:$0x0]  }
0x1a6: {  	_ =	swait.ge [sflag:s25], $0x400  }
0x1a7: {  	s10 =	sld [smem:$0x7C4]  }
0x1a8: {  	[sflag:s25] =	ssyncset.done $0x0  }
0x1a9: {  	[sflag:s25] =	ssyncadd.s32 $0xFFFFFC00  }
0x1aa: {  	[spmem:s10] =	stream.linear.scatter [tilespmem:s13], [sflag:$0x4], $0x400, $0x38;
	v63 =	vld [tilespmem:$0x0]  }
0x1ab: {  	_ =	swait.ge [sflag:s25], $0x400  }
0x1ac: {  	s11 =	sld [smem:$0x7C5]  }
0x1ad: {  	[sflag:s25] =	ssyncset.done $0x0  }
0x1ae: {  	[sflag:s25] =	ssyncadd.s32 $0xFFFFFC00  }
0x1af: {  	[spmem:s11] =	stream.linear.scatter [tilespmem:s13], [sflag:$0x4], $0x400, $0x38;
	v63 =	vld [tilespmem:$0x0]  }
0x1b0: {  	_ =	swait.ge [sflag:s25], $0x400  }
0x1b1: {  	s20 =	sld [smem:$0x7F1]  }
0x1b2: {  	[sflag:s25] =	ssyncset.done $0x0  }
0x1b3: {  	[sflag:s25] =	ssyncadd.s32 $0xFFFFFC00  }
0x1b4: {  	[spmem:s20] =	stream.linear.scatter [tilespmem:s13], [sflag:$0x4], $0x400, $0x38;
	v63 =	vld [tilespmem:$0x0]  }
0x1b5: {  	_ =	swait.ge [sflag:s25], $0x400  }
0x1b6: {  	s21 =	sld [smem:$0x7C6]  }
0x1b7: {  	[sflag:s25] =	ssyncset.done $0x0  }
0x1b8: {  	[sflag:s25] =	ssyncadd.s32 $0xFFFFFC00  }
0x1b9: {  	[spmem:s21] =	stream.linear.scatter [tilespmem:s13], [sflag:$0x4], $0x400, $0x38;
	v63 =	vld [tilespmem:$0x0]  }
0x1ba: {  	_ =	swait.ge [sflag:s25], $0x400  }
0x1bb: {  	s26 =	sld [smem:$0x7C7]  }
0x1bc: {  	[sflag:s25] =	ssyncset.done $0x0  }
0x1bd: {  	[sflag:s25] =	ssyncadd.s32 $0xFFFFFC00  }
0x1be: {  	[spmem:s26] =	stream.linear.scatter [tilespmem:s13], [sflag:$0x4], $0x400, $0x38;
	v63 =	vld [tilespmem:$0x0]  }
0x1bf: {  	_ =	swait.ge [sflag:s25], $0x400  }
0x1c0: {  	s29 =	sld [smem:$0x7F4]  }
0x1c1: {  	[sflag:s25] =	ssyncset.done $0x0  }
0x1c2: {  	[sflag:s25] =	ssyncadd.s32 $0xFFFFFC00  }
0x1c3: {  	[spmem:s29] =	stream.linear.scatter [tilespmem:s13], [sflag:$0x4], $0x400, $0x38;
	v63 =	vld [tilespmem:$0x0]  }
0x1c4: {  	_ =	swait.ge [sflag:s25], $0x400  }
0x1c5: {  	s30 =	sld [smem:$0x7C8]  }
0x1c6: {  	[sflag:s25] =	ssyncset.done $0x0  }
0x1c7: {  	[sflag:s25] =	ssyncadd.s32 $0xFFFFFC00  }
0x1c8: {  	[spmem:s30] =	stream.linear.scatter [tilespmem:s13], [sflag:$0x4], $0x400, $0x38;
	v63 =	vld [tilespmem:$0x0]  }
0x1c9: {  	_ =	swait.ge [sflag:s25], $0x400  }
0x1ca: {  	s10 =	sld [smem:$0x7C9]  }
0x1cb: {  	[sflag:s25] =	ssyncset.done $0x0  }
0x1cc: {  	[sflag:s25] =	ssyncadd.s32 $0xFFFFFC00  }
0x1cd: {  	[spmem:s10] =	stream.linear.scatter [tilespmem:s13], [sflag:$0x4], $0x400, $0x38;
	v63 =	vld [tilespmem:$0x0]  }
0x1ce: {  	_ =	swait.ge [sflag:s25], $0x400  }
0x1cf: {  	s11 =	sld [smem:$0x7CA]  }
0x1d0: {  	[sflag:s25] =	ssyncset.done $0x0  }
0x1d1: {  	[sflag:s25] =	ssyncadd.s32 $0xFFFFFC00  }
0x1d2: {  	[spmem:s11] =	stream.linear.scatter [tilespmem:s13], [sflag:$0x4], $0x400, $0x38;
	v63 =	vld [tilespmem:$0x0]  }
0x1d3: {  	_ =	swait.ge [sflag:s25], $0x400  }
0x1d4: {  	s20 =	sld [smem:$0x7FA]  }
0x1d5: {  	[sflag:s25] =	ssyncset.done $0x0  }
0x1d6: {  	[sflag:s25] =	ssyncadd.s32 $0xFFFFFC00  }
0x1d7: {  	[spmem:s20] =	stream.linear.scatter [tilespmem:s13], [sflag:$0x4], $0x400, $0x38;
	v63 =	vld [tilespmem:$0x0]  }
0x1d8: {  	_ =	swait.ge [sflag:s25], $0x400  }
0x1d9: {  	s21 =	sld [smem:$0x7CB]  }
0x1da: {  	[sflag:s25] =	ssyncset.done $0x0  }
0x1db: {  	[sflag:s25] =	ssyncadd.s32 $0xFFFFFC00  }
0x1dc: {  	[spmem:s21] =	stream.linear.scatter [tilespmem:s13], [sflag:$0x4], $0x400, $0x38;
	v63 =	vld [tilespmem:$0x0]  }
0x1dd: {  	_ =	swait.ge [sflag:s25], $0x400  }
0x1de: {  	s26 =	sld [smem:$0x7CC]  }
0x1df: {  	[sflag:s25] =	ssyncset.done $0x0  }
0x1e0: {  	[sflag:s25] =	ssyncadd.s32 $0xFFFFFC00  }
0x1e1: {  	[spmem:s26] =	stream.linear.scatter [tilespmem:s13], [sflag:$0x4], $0x400, $0x38;
	v63 =	vld [tilespmem:$0x0]  }
0x1e2: {  	_ =	swait.ge [sflag:s25], $0x400  }
0x1e3: {  	s29 =	sld [smem:$0x7CD]  }
0x1e4: {  	[sflag:s25] =	ssyncset.done $0x0  }
0x1e5: {  	[sflag:s25] =	ssyncadd.s32 $0xFFFFFC00  }
0x1e6: {  	[spmem:s29] =	stream.linear.scatter [tilespmem:s13], [sflag:$0x4], $0x400, $0x38;
	v63 =	vld [tilespmem:$0x0]  }
0x1e7: {  	_ =	swait.ge [sflag:s25], $0x400  }
0x1e8: {  	s30 =	sld [smem:$0x7CE]  }
0x1e9: {  	[sflag:s25] =	ssyncset.done $0x0  }
0x1ea: {  	[sflag:s25] =	ssyncadd.s32 $0xFFFFFC00  }
0x1eb: {  	[spmem:s30] =	stream.linear.scatter [tilespmem:s13], [sflag:$0x4], $0x400, $0x38;
	v63 =	vld [tilespmem:$0x0]  }
0x1ec: {  	_ =	swait.ge [sflag:s25], $0x400  }
0x1ed: {  	s10 =	sld [smem:$0x7CF]  }
0x1ee: {  	[sflag:s25] =	ssyncset.done $0x0  }
0x1ef: {  	[sflag:s25] =	ssyncadd.s32 $0xFFFFFC00  }
0x1f0: {  	[spmem:s10] =	stream.linear.scatter [tilespmem:s13], [sflag:$0x4], $0x400, $0x38;
	v63 =	vld [tilespmem:$0x0]  }
0x1f1: {  	_ =	swait.ge [sflag:s25], $0x400  }
0x1f2: {  	s11 =	sld [smem:$0x7D0]  }
0x1f3: {  	[sflag:s25] =	ssyncset.done $0x0  }
0x1f4: {  	[sflag:s25] =	ssyncadd.s32 $0xFFFFFC00  }
0x1f5: {  	[spmem:s11] =	stream.linear.scatter [tilespmem:s13], [sflag:$0x4], $0x400, $0x38;
	v63 =	vld [tilespmem:$0x0]  }
0x1f6: {  	_ =	swait.ge [sflag:s25], $0x400  }
0x1f7: {  	s20 =	sld [smem:$0x7D1]  }
0x1f8: {  	[sflag:s25] =	ssyncset.done $0x0  }
0x1f9: {  	[sflag:s25] =	ssyncadd.s32 $0xFFFFFC00  }
0x1fa: {  	[spmem:s20] =	stream.linear.scatter [tilespmem:s13], [sflag:$0x4], $0x400, $0x38;
	v63 =	vld [tilespmem:$0x0]  }
0x1fb: {  	_ =	swait.ge [sflag:s25], $0x400  }
0x1fc: {  	s21 =	sld [smem:$0x7D2]  }
0x1fd: {  	[sflag:s25] =	ssyncset.done $0x0  }
0x1fe: {  	[sflag:s25] =	ssyncadd.s32 $0xFFFFFC00  }
0x1ff: {  	[spmem:s21] =	stream.linear.scatter [tilespmem:s13], [sflag:$0x4], $0x400, $0x38;
	v63 =	vld [tilespmem:$0x0]  }
0x200: {  	_ =	swait.ge [sflag:s25], $0x400  }
0x201: {  	s26 =	sld [smem:$0x7D3]  }
0x202: {  	[sflag:s25] =	ssyncset.done $0x0  }
0x203: {  	[sflag:s25] =	ssyncadd.s32 $0xFFFFFC00  }
0x204: {  	[spmem:s26] =	stream.linear.scatter [tilespmem:s13], [sflag:$0x4], $0x400, $0x38;
	v63 =	vld [tilespmem:$0x0]  }
0x205: {  	_ =	swait.ge [sflag:s25], $0x400  }
0x206: {  	s29 =	sld [smem:$0x7D4]  }
0x207: {  	[sflag:s25] =	ssyncset.done $0x0  }
0x208: {  	[sflag:s25] =	ssyncadd.s32 $0xFFFFFC00  }
0x209: {  	[spmem:s29] =	stream.linear.scatter [tilespmem:s13], [sflag:$0x4], $0x400, $0x38;
	v63 =	vld [tilespmem:$0x0]  }
0x20a: {  	_ =	swait.ge [sflag:s25], $0x400  }
0x20b: {  	s30 =	sld [smem:$0x7D5]  }
0x20c: {  	[sflag:s25] =	ssyncset.done $0x0  }
0x20d: {  	[sflag:s25] =	ssyncadd.s32 $0xFFFFFC00  }
0x20e: {  	[spmem:s30] =	stream.linear.scatter [tilespmem:s13], [sflag:$0x4], $0x400, $0x38;
	v63 =	vld [tilespmem:$0x0]  }
0x20f: {  	_ =	swait.ge [sflag:s25], $0x400  }
0x210: {  	s10 =	sld [smem:$0x7D6]  }
0x211: {  	[sflag:s25] =	ssyncset.done $0x0  }
0x212: {  	[sflag:s25] =	ssyncadd.s32 $0xFFFFFC00  }
0x213: {  	[spmem:s10] =	stream.linear.scatter [tilespmem:s13], [sflag:$0x4], $0x400, $0x38;
	v63 =	vld [tilespmem:$0x0]  }
0x214: {  	_ =	swait.ge [sflag:s25], $0x400  }
0x215: {  	s11 =	sld [smem:$0x7D7]  }
0x216: {  	[sflag:s25] =	ssyncset.done $0x0  }
0x217: {  	[sflag:s25] =	ssyncadd.s32 $0xFFFFFC00  }
0x218: {  	[spmem:s11] =	stream.linear.scatter [tilespmem:s13], [sflag:$0x4], $0x400, $0x38;
	v63 =	vld [tilespmem:$0x0]  }
0x219: {  	_ =	swait.ge [sflag:s25], $0x400  }
0x21a: {  	s20 =	sld [smem:$0x7D8]  }
0x21b: {  	[sflag:s25] =	ssyncset.done $0x0  }
0x21c: {  	[sflag:s25] =	ssyncadd.s32 $0xFFFFFC00  }
0x21d: {  	[spmem:s20] =	stream.linear.scatter [tilespmem:s13], [sflag:$0x4], $0x400, $0x38;
	v63 =	vld [tilespmem:$0x0]  }
0x21e: {  	_ =	swait.ge [sflag:s25], $0x400  }
0x21f: {  	s21 =	sld [smem:$0x7D9]  }
0x220: {  	[sflag:s25] =	ssyncset.done $0x0  }
0x221: {  	[sflag:s25] =	ssyncadd.s32 $0xFFFFFC00  }
0x222: {  	[spmem:s21] =	stream.linear.scatter [tilespmem:s13], [sflag:$0x4], $0x400, $0x38;
	v63 =	vld [tilespmem:$0x0]  }
0x223: {  	_ =	swait.ge [sflag:s25], $0x400  }
0x224: {  	s26 =	sld [smem:$0x7DA]  }
0x225: {  	[sflag:s25] =	ssyncset.done $0x0  }
0x226: {  	[sflag:s25] =	ssyncadd.s32 $0xFFFFFC00  }
0x227: {  	[spmem:s26] =	stream.linear.scatter [tilespmem:s13], [sflag:$0x4], $0x400, $0x38;
	v63 =	vld [tilespmem:$0x0]  }
0x228: {  	_ =	swait.ge [sflag:s25], $0x400  }
0x229: {  	s29 =	sld [smem:$0x7DB]  }
0x22a: {  	[sflag:s25] =	ssyncset.done $0x0  }
0x22b: {  	[sflag:s25] =	ssyncadd.s32 $0xFFFFFC00  }
0x22c: {  	[spmem:s29] =	stream.linear.scatter [tilespmem:s13], [sflag:$0x4], $0x400, $0x38;
	v63 =	vld [tilespmem:$0x0]  }
0x22d: {  	_ =	swait.ge [sflag:s25], $0x400  }
0x22e: {  	s30 =	sld [smem:$0x7DC]  }
0x22f: {  	[sflag:s25] =	ssyncset.done $0x0  }
0x230: {  	[sflag:s25] =	ssyncadd.s32 $0xFFFFFC00  }
0x231: {  	[spmem:s30] =	stream.linear.scatter [tilespmem:s13], [sflag:$0x4], $0x400, $0x38;
	v63 =	vld [tilespmem:$0x0]  }
0x232: {  	_ =	swait.ge [sflag:s25], $0x400  }
0x233: {  	s10 =	sld [smem:$0x7DD]  }
0x234: {  	[sflag:s25] =	ssyncset.done $0x0  }
0x235: {  	[sflag:s25] =	ssyncadd.s32 $0xFFFFFC00  }
0x236: {  	[spmem:s10] =	stream.linear.scatter [tilespmem:s13], [sflag:$0x4], $0x400, $0x38;
	v63 =	vld [tilespmem:$0x0]  }
0x237: {  	_ =	swait.ge [sflag:s25], $0x400  }
0x238: {  	s11 =	sld [smem:$0x7DE]  }
0x239: {  	[sflag:s25] =	ssyncset.done $0x0  }
0x23a: {  	[sflag:s25] =	ssyncadd.s32 $0xFFFFFC00  }
0x23b: {  	[spmem:s11] =	stream.linear.scatter [tilespmem:s13], [sflag:$0x4], $0x400, $0x38;
	v63 =	vld [tilespmem:$0x0]  }
0x23c: {  	_ =	swait.ge [sflag:s25], $0x400  }
0x23d: {  	s20 =	sld [smem:$0x7DF]  }
0x23e: {  	[sflag:s25] =	ssyncset.done $0x0  }
0x23f: {  	[sflag:s25] =	ssyncadd.s32 $0xFFFFFC00  }
0x240: {  	[spmem:s20] =	stream.linear.scatter [tilespmem:s13], [sflag:$0x4], $0x400, $0x38;
	v63 =	vld [tilespmem:$0x0]  }
0x241: {  	_ =	swait.ge [sflag:s25], $0x400  }
0x242: {  	s21 =	sld [smem:$0x7E0]  }
0x243: {  	[sflag:s25] =	ssyncset.done $0x0  }
0x244: {  	[sflag:s25] =	ssyncadd.s32 $0xFFFFFC00  }
0x245: {  	[spmem:s21] =	stream.linear.scatter [tilespmem:s13], [sflag:$0x4], $0x400, $0x38;
	v63 =	vld [tilespmem:$0x0]  }
0x246: {  	_ =	swait.ge [sflag:s25], $0x400  }
0x247: {  	s26 =	sld [smem:$0x7E1]  }
0x248: {  	[sflag:s25] =	ssyncset.done $0x0  }
0x249: {  	[sflag:s25] =	ssyncadd.s32 $0xFFFFFC00  }
0x24a: {  	[spmem:s26] =	stream.linear.scatter [tilespmem:s13], [sflag:$0x4], $0x400, $0x38;
	v63 =	vld [tilespmem:$0x0]  }
0x24b: {  	_ =	swait.ge [sflag:s25], $0x400  }
0x24c: {  	s29 =	sld [smem:$0x7E2]  }
0x24d: {  	[sflag:s25] =	ssyncset.done $0x0  }
0x24e: {  	[sflag:s25] =	ssyncadd.s32 $0xFFFFFC00  }
0x24f: {  	[spmem:s29] =	stream.linear.scatter [tilespmem:s13], [sflag:$0x4], $0x400, $0x38;
	v63 =	vld [tilespmem:$0x0]  }
0x250: {  	_ =	swait.ge [sflag:s25], $0x400  }
0x251: {  	s30 =	sld [smem:$0x7E3]  }
0x252: {  	[sflag:s25] =	ssyncset.done $0x0  }
0x253: {  	[sflag:s25] =	ssyncadd.s32 $0xFFFFFC00  }
0x254: {  	[spmem:s30] =	stream.linear.scatter [tilespmem:s13], [sflag:$0x4], $0x400, $0x38;
	v63 =	vld [tilespmem:$0x0]  }
0x255: {  	_ =	swait.ge [sflag:s25], $0x400  }
0x256: {  	s10 =	sld [smem:$0x7E4]  }
0x257: {  	[sflag:s25] =	ssyncset.done $0x0  }
0x258: {  	[sflag:s25] =	ssyncadd.s32 $0xFFFFFC00  }
0x259: {  	[spmem:s10] =	stream.linear.scatter [tilespmem:s13], [sflag:$0x4], $0x400, $0x38;
	v63 =	vld [tilespmem:$0x0]  }
0x25a: {  	_ =	swait.ge [sflag:s25], $0x400  }
0x25b: {  	s11 =	sld [smem:$0x7E5]  }
0x25c: {  	[sflag:s25] =	ssyncset.done $0x0  }
0x25d: {  	[sflag:s25] =	ssyncadd.s32 $0xFFFFFC00  }
0x25e: {  	[spmem:s11] =	stream.linear.scatter [tilespmem:s13], [sflag:$0x4], $0x400, $0x38;
	v63 =	vld [tilespmem:$0x0]  }
0x25f: {  	_ =	swait.ge [sflag:s25], $0x400  }
0x260: {  	s20 =	sld [smem:$0x7E6]  }
0x261: {  	[sflag:s25] =	ssyncset.done $0x0  }
0x262: {  	[sflag:s25] =	ssyncadd.s32 $0xFFFFFC00  }
0x263: {  	[spmem:s20] =	stream.linear.scatter [tilespmem:s13], [sflag:$0x4], $0x400, $0x38;
	v63 =	vld [tilespmem:$0x0]  }
0x264: {  	_ =	swait.ge [sflag:s25], $0x400  }
0x265: {  	s21 =	sld [smem:$0x7E7]  }
0x266: {  	[sflag:s25] =	ssyncset.done $0x0  }
0x267: {  	[sflag:s25] =	ssyncadd.s32 $0xFFFFFC00  }
0x268: {  	[spmem:s21] =	stream.linear.scatter [tilespmem:s13], [sflag:$0x4], $0x400, $0x38;
	v63 =	vld [tilespmem:$0x0]  }
0x269: {  	_ =	swait.ge [sflag:s25], $0x400  }
0x26a: {  	s26 =	sld [smem:$0x7E8]  }
0x26b: {  	[sflag:s25] =	ssyncset.done $0x0  }
0x26c: {  	[sflag:s25] =	ssyncadd.s32 $0xFFFFFC00  }
0x26d: {  	[spmem:s26] =	stream.linear.scatter [tilespmem:s13], [sflag:$0x4], $0x400, $0x38;
	v63 =	vld [tilespmem:$0x0]  }
0x26e: {  	_ =	swait.ge [sflag:s25], $0x400  }
0x26f: {  	s29 =	sld [smem:$0x7E9]  }
0x270: {  	[sflag:s25] =	ssyncset.done $0x0  }
0x271: {  	[sflag:s25] =	ssyncadd.s32 $0xFFFFFC00  }
0x272: {  	[spmem:s29] =	stream.linear.scatter [tilespmem:s13], [sflag:$0x4], $0x400, $0x38;
	v63 =	vld [tilespmem:$0x0]  }
0x273: {  	_ =	swait.ge [sflag:s25], $0x400  }
0x274: {  	s30 =	sld [smem:$0x7EA]  }
0x275: {  	[sflag:s25] =	ssyncset.done $0x0  }
0x276: {  	[sflag:s25] =	ssyncadd.s32 $0xFFFFFC00  }
0x277: {  	[spmem:s30] =	stream.linear.scatter [tilespmem:s13], [sflag:$0x4], $0x400, $0x38;
	v63 =	vld [tilespmem:$0x0]  }
0x278: {  	_ =	swait.ge [sflag:s25], $0x400  }
0x279: {  	[sflag:s25] =	ssyncset.done $0x0  }
0x27a: {  	[sflag:s25] =	ssyncadd.s32 $0xFFFFFC00  }
.LBB2_7:
0x27b: {  	_ =	swait.ge [sflag:s17], $0x1000  }
0x27c: {  	[sflag:s17] =	ssyncset.done $0x0  }
0x27d: {  	[sflag:s17] =	ssyncadd.s32 $0xFFFFF000  }
0x27e: {  	_ =	swait.ge [sflag:s17], $0x1000  }
0x27f: {  	[sflag:s17] =	ssyncset.done $0x0  }
0x280: {  	[sflag:s17] =	ssyncadd.s32 $0xFFFFF000  }
0x281: {  	[tilespmem:s19], [sflag:$0x1] =	stream.indirect.gather [hbm4b:s4+s18], $0x80, s31, s18, $0xb8;
	v63 =	vld [tilespmem:$0x0]  }
0x282: {  	s3 =	simm.s32 $0x13C80;
	s10 =	simm.s32 $0x19C00  }
0x283: {  	[tilespmem:s10], [sflag:$0x1] =	stream.indirect.gather [hbm4b:s4+s18], $0x80, s3, s18, $0xb8;
	v63 =	vld [tilespmem:$0x0]  }
0x284: {  	s21 =	simm.s32 $0x13D00;
	s26 =	simm.s32 $0x1BC00  }
0x285: {  	[tilespmem:s26], [sflag:$0x1] =	stream.indirect.gather [hbm4b:s4+s18], $0x80, s21, s18, $0xb8;
	v63 =	vld [tilespmem:$0x0]  }
0x286: {  	[bflag:$0x0] =	sbarrier.arrive $0xFFFF  }
0x287: {  	_ =	swait.ge [sflag:s2], $0x2000  }
.Ltmp7:
0x288: {  	[sflag:s2] =	ssyncset.done $0x0;
	(pc) =	sbr.rel .LBB2_8-.Ltmp7, $4  }
0x289: {  	s29 =	simm.s32 $0x13D80;
	s30 =	simm.s32 $0x1DC00;
	[sflag:s2] =	ssyncadd.s32 $0xFFFFE000  }
0x28a: {  	[spmem:s5] =	stream.indirect.scatter.add.f32 [tilespmem:s19], [sflag:$0x2], $0x80, s14, s18, $0xb8;
	v63 =	vld [tilespmem:$0x0]  }
0x28b: {  	s20 =	simm.s32 $0x800;
	s3 =	simm.s32 $0x20000;
	s21 =	simm.s32 $0x4  }
0x28c: {  	[tilespmem:s30], [sflag:$0x1] =	stream.indirect.gather [hbm4b:s4+s18], $0x80, s29, s18, $0xb8;
	v63 =	vld [tilespmem:$0x0]  }
.LBB2_9:
0x28d: {  	s10 =	sshrl.u32 s26, $0x5  }
0x28e: {  	s10 =	sshll.u32 s10, $0xC  }
0x28f: {  	s10 =	sadd.s32 $0x1000, s10  }
0x290: {  	s11 =	sadd.s32 s22, s10  }
0x291: {  	s10 =	sand.u32 $0x1000, s10;
	s11 =	sshrl.u32 s11, $0x3  }
0x292: {  	s30 =	sadd.s32 $0x13C00, s10;
	s29 =	sadd.s32 s0, s11  }
0x293: {  	[tilespmem:s30], [sflag:$0x3] =	stream.linear.gather [hbm4b:s29+s6], $0x1000, $0x38;
	v63 =	vld [tilespmem:$0x0]  }
0x294: {  	s10 =	sadd.s32 $0x15C00, s10;
	s11 =	sadd.s32 s1, s11  }
0x295: {  	[tilespmem:s10], [sflag:$0x3] =	stream.linear.gather [hbm4b:s11+s6], $0x1000, $0x38;
	v63 =	vld [tilespmem:$0x0]  }
.LBB2_11:
0x296: {  	s10 =	sand.u32 $0x1F, s21  }
0x297: {  	p3 =	sne.s32 s10, $0x0  }
0x298: {  	s11 =	simm.s32 @!p3 $0x3  }
0x299: {  	_ =	swait.ge @!p3 [sflag:s11], $0x1000  }
0x29a: {  	[sflag:s11] =	ssyncset.done @!p3 $0x0  }
0x29b: {  	s26 =	sand.u32 $0x4000, s20;
	s29 =	sand.u32 $0x18000, s3;
	[sflag:s11] =	ssyncadd.s32 @!p3 $0xFFFFF000  }
0x29c: {  	s26 =	sshrl.u32 s26, $0x2;
	s10 =	sshll.u32 s10, $0x7;
	_ =	swait.ge @!p3 [sflag:s11], $0x1000  }
0x29d: {  	s29 =	sshrl.u32 s29, $0x2;
	s10 =	sor.u32 s10, s26;
	[sflag:s11] =	ssyncset.done @!p3 $0x0  }
0x29e: {  	s30 =	sadd.s32 $0x17C00, s29;
	s10 =	sadd.s32 $0x13C00, s10;
	[sflag:s11] =	ssyncadd.s32 @!p3 $0xFFFFF000  }
0x29f: {  	[tilespmem:s30], [sflag:$0x1] =	stream.indirect.gather [hbm4b:s4+s18], $0x80, s10, s18, $0xb8;
	v63 =	vld [tilespmem:$0x0]  }
.LBB2_12:
0x2a0: {  	s21 =	sadd.s32 $0x1, s21  }
0x2a1: {  	p3 =	sne.s32 s21, $0xA3  }
.Ltmp8:
0x2a2: {  	_ = 	snop;
	(pc) =	sbr.rel @!p3 .LBB2_13-.Ltmp8, $2  }
0x2a3: {  	_ =	sdelay $0x2  }
0x2a4: {  	s3 =	sadd.s32 $0x8000, s3;
	s20 =	sadd.s32 $0x200, s20  }
.LBB2_8:
0x2a5: {  	s26 =	sadd.s32 $0xFFFFFFFD, s21;
	s29 =	sadd.s32 $0xFFFE8000, s3;
	_ =	swait.ge [sflag:s2], $0x2000  }
0x2a6: {  	s29 =	sand.u32 $0x18000, s29;
	s30 =	sand.u32 $0x1F, s26;
	s10 =	sshll.u32 s26, $0x7  }
0x2a7: {  	[sflag:s2] =	ssyncset.done $0x0;
	p3 =	sgt.u32 s26, $0x83;
	s10 =	sand.u32 $0x1000, s10  }
0x2a8: {  	s11 =	sshll.u32 s30, $0x7;
	s29 =	sshrl.u32 s29, $0x2;
	p4 =	sne.s32 @!p3 s30, $0x4  }
0x2a9: {  	[sflag:s2] =	ssyncadd.s32 $0xFFFFE000;
	s10 =	sor.u32 s11, s10;
	p3 =	por p3, p4  }
.Ltmp9:
0x2aa: {  	s29 =	sadd.s32 $0x17C00, s29;
	s10 =	sadd.s32 $0x15C00, s10;
	(pc) =	sbr.rel @!p3 .LBB2_9-.Ltmp9, $4  }
0x2ab: {  	[spmem:s5] =	stream.indirect.scatter.add.f32 [tilespmem:s29], [sflag:$0x2], $0x80, s10, s18, $0xb8;
	v63 =	vld [tilespmem:$0x0]  }
0x2ac: {  	_ =	swait.ge [sflag:s12], $0x2000  }
0x2ad: {  	[sflag:s12] =	ssyncset.done $0x0  }
0x2ae: {  	[sflag:s12] =	ssyncadd.s32 $0xFFFFE000  }
0x2af: {  	p3 =	sgt.u32 s26, $0x9C  }
.Ltmp10:
0x2b0: {  	_ = 	snop;
	(pc) =	sbr.rel @p3 .LBB2_12-.Ltmp10, $4  }
.Ltmp11:
0x2b1: {  	_ = 	snop;
	(pc) =	sbr.rel @!p3 .LBB2_11-.Ltmp11, $4  }
0x2b2: {  	_ = 	snop  }
0x2b3: {  	_ = 	snop  }
0x2b4: {  	_ = 	snop  }
0x2b5: {  	_ = 	snop  }
.LBB2_14:
0x2b6: {  	_ =	sfence.sel $0x180000  }
0x2b7: {  	[bflag:$0x0] =	sbarrier.arrive $0xFFFF  }
0x2b8: {  	_ =	strace $0x90000047  }
0x2b9: {  	s0 =	stileid.u32;
	[bflag:$0x2] =	sbarrier.arrive $0xFFFF  }
0x2ba: {  	p0 =	sne.s32 s0, $0x0;
	s0 =	rddreg [dreg:$0x4]  }
0x2bb: {  	s0 =	sadd.s32 @!p0 $0x100000, s0  }
0x2bc: {  	[sflag:s0] =	ssyncadd.tile.s32 @!p0 $0x1;
	_ =	shalt  }
.Lfunc_end2:
_tile_overlayer_lowered:
.L_overlay_start_2:
0x2bd: {  	(tag) =	ssettag $0x2  }
0x2be: {  	s0 =	rddreg [dreg:$0x0];
	s2 =	stileid.u32  }
0x2bf: {  	s1 =	rddreg [dreg:$0x1];
	p0 =	sne.s32 s2, $0x0  }
0x2c0: {  	s3 =	rddreg [dreg:$0x2];
	[bflag:$0x3] =	sbarrier.arrive $0xFFFF;
	s2 =	simm.s32 @!p0 $0x1C04  }
0x2c1: {  	[timem:s3], [sflag:s2] =	dma.local @!p0 [hbm:s0], s1  }
0x2c2: {  	s0 =	simm.s32 @!p0 $0x4  }
0x2c3: {  	_ =	swait.ge @!p0 [sflag:s0], s1  }
0x2c4: {  	s1 =	ssub.s32 @!p0 $0x0, s1;
	[sflag:s0] =	ssyncset.done @!p0 $0x0  }
0x2c5: {  	[sflag:s0] =	ssyncadd.s32 @!p0 s1  }
0x2c6: {  	[bflag:$0x3] =	sbarrier.arrive $0xFFFF  }
0x2c7: {  	_ =	shalt  }

</sc_bundles>
